<compile_context>
chip_gen: v7x
topology: tpu7x:2x2x1
jax: 0.10.2.dev20260603
libtpu: 0.0.44.dev20260713+nightly
codegen_flags: <defaults>
</compile_context>

<pallas_src>
import functools
import jax
import jax.numpy as jnp
from jax import lax
from jax.experimental import pallas as pl
from jax.experimental.pallas import tpu as pltpu
from jax.experimental.pallas import tpu_sc as plsc

B, Q, T, C = 32, 900, 256, 91
CP = 128
QP = 904
N = QP * CP
CHUNKS = tuple([(r, 128) for r in range(0, 896, 128)] + [(896, 8)])
K = 300
L = 16
NC, NS = 2, 16

HB = 2048
FB = 256
CS = 20
FS = 12
CAP = 2048
MP = 320
KOUT = 384
BXP = 3712


def _prob_kernel(logit_ref, pmt_ref, out_ref):
    s = jax.nn.sigmoid(logit_ref[0])
    out_ref[pl.ds(0, Q), :] = jnp.dot(s, pmt_ref[...],
                                      preferred_element_type=jnp.float32)
    out_ref[pl.ds(Q, QP - Q), :] = jnp.zeros((QP - Q, CP), jnp.float32)


def _tc_prob(logits, pmt):
    return pl.pallas_call(
        _prob_kernel,
        grid=(B,),
        in_specs=[
            pl.BlockSpec((1, Q, T), lambda b: (b, 0, 0)),
            pl.BlockSpec((T, CP), lambda b: (0, 0)),
        ],
        out_specs=pl.BlockSpec((QP, CP), lambda b: (b, 0)),
        out_shape=jax.ShapeDtypeStruct((B * QP, CP), jnp.float32),
    )(logits, pmt)


def _sc_body(prob_hbm, bxf_hbm, scale_hbm,
             scores_hbm, labels_hbm, boxes_hbm,
             dbuf0, dbuf1, hist, histf, candk, candi, cand2k, cand2i,
             score_st, label_st, box_st, bx, scv, msc,
             sem0, sem1, semb):
    wid = lax.axis_index("c") * NS + lax.axis_index("s")
    iota = lax.iota(jnp.int32, L)
    ones = jnp.ones((L,), jnp.int32)
    zeros_i = jnp.zeros((L,), jnp.int32)

    box_cp = pltpu.make_async_copy(bxf_hbm.at[pl.ds(wid * BXP, BXP)], bx, semb)
    box_cp.start()
    pltpu.sync_copy(scale_hbm.at[pl.ds(wid * 128, 128)], scv)

    @plsc.parallel_loop(0, HB, unroll=8)
    def _(i):
        hist[pl.ds(i * L, L)] = zeros_i

    def _start(k, buf, sem):
        rb, nr = CHUNKS[k]
        pltpu.make_async_copy(
            prob_hbm.at[pl.ds(wid * QP + rb, nr)], buf.at[pl.ds(0, nr)],
            sem).start()

    def _wait(k, buf, sem):
        rb, nr = CHUNKS[k]
        pltpu.make_async_copy(
            prob_hbm.at[pl.ds(wid * QP + rb, nr)], buf.at[pl.ds(0, nr)],
            sem).wait()

    def _hist_chunk(buf, nv):
        @plsc.parallel_loop(0, nv, unroll=4)
        def _(v):
            x = buf[v >> 3, pl.ds((v & 7) * L, L)]
            key = plsc.bitcast(x, jnp.int32)
            bins = lax.shift_right_logical(key, CS)
            plsc.addupdate_scatter(hist, [bins * L + iota], ones)

    _start(0, dbuf0, sem0)
    for k in range(len(CHUNKS)):
        buf, sem = (dbuf0, sem0) if k % 2 == 0 else (dbuf1, sem1)
        if k + 1 < len(CHUNKS):
            nbuf, nsem = (dbuf1, sem1) if k % 2 == 0 else (dbuf0, sem0)
            _start(k + 1, nbuf, nsem)
        _wait(k, buf, sem)
        _hist_chunk(buf, CHUNKS[k][1] * (CP // L))

    def _row_sum(h, b_):
        return jnp.sum(h[pl.ds(b_ * L, L)])

    def _c_cond(c):
        b_, n = c
        return (n + _row_sum(hist, b_) < K) & (b_ > 0)

    def _c_body(c):
        b_, n = c
        return b_ - 1, n + _row_sum(hist, b_)

    Tb, n_hi = lax.while_loop(_c_cond, _c_body, (HB - 1, jnp.int32(0)))
    thrv = jnp.full((L,), lax.bitcast_convert_type(Tb << CS, jnp.float32))

    def _collect_chunk(k, buf, off_v):
        rb, nr = CHUNKS[k]
        def inner(v, off):
            x = buf[v >> 3, pl.ds((v & 7) * L, L)]
            keep = x >= thrv
            cs = plsc.cumsum(jnp.where(keep, 1, 0))
            pos = jnp.minimum(off + cs - 1, CAP - 1)
            gv = (rb * CP + v * L) + iota
            plsc.store_scatter(candk, [pos], x, mask=keep)
            plsc.store_scatter(candi, [pos], gv, mask=keep)
            return off + plsc.all_reduce_population_count(keep)
        return plsc.parallel_loop(0, nr * (CP // L), unroll=4,
                                  carry=off_v)(inner)

    _start(0, dbuf0, sem0)
    off_v = zeros_i
    for k in range(len(CHUNKS)):
        buf, sem = (dbuf0, sem0) if k % 2 == 0 else (dbuf1, sem1)
        if k + 1 < len(CHUNKS):
            nbuf, nsem = (dbuf1, sem1) if k % 2 == 0 else (dbuf0, sem0)
            _start(k + 1, nbuf, nsem)
        _wait(k, buf, sem)
        off_v = _collect_chunk(k, buf, off_v)

    msc[pl.ds(0, L)] = off_v
    m1 = jnp.minimum(msc[pl.ds(0, L)][0], CAP)
    trips = (m1 + (L - 1)) // L

    @plsc.parallel_loop(0, FB, unroll=8)
    def _(i):
        histf[pl.ds(i * L, L)] = zeros_i

    upv = jnp.full((L,), lax.bitcast_convert_type((Tb + 1) << CS, jnp.float32))

    def _fh(v, _):
        x = candk[pl.ds(v * L, L)]
        lanev = (v * L + iota) < m1
        mk = (x < upv) & lanev
        fb = lax.shift_right_logical(plsc.bitcast(x, jnp.int32), FS) & (FB - 1)
        plsc.addupdate_scatter(histf, [fb * L + iota], ones, mask=mk)
        return 0
    lax.fori_loop(0, trips, _fh, 0)

    k2 = K - n_hi

    def _f_cond(c):
        b_, n = c
        return (n + _row_sum(histf, b_) < k2) & (b_ > 0)

    def _f_body(c):
        b_, n = c
        return b_ - 1, n + _row_sum(histf, b_)

    T2, n2 = lax.while_loop(_f_cond, _f_body, (FB - 1, jnp.int32(0)))
    thr2 = (Tb << CS) | (T2 << FS)
    thr2v = jnp.full((L,), lax.bitcast_convert_type(thr2, jnp.float32))
    up2v = jnp.full((L,), lax.bitcast_convert_type(thr2 + (1 << FS),
                                                   jnp.float32))

    def _sub_hist(lo_v, hi_v, shift, mask_bits):
        @plsc.parallel_loop(0, FB, unroll=8)
        def _(i):
            histf[pl.ds(i * L, L)] = zeros_i

        def _h(v, _):
            x = candk[pl.ds(v * L, L)]
            lanev = (v * L + iota) < m1
            mk = (x >= lo_v) & (x < hi_v) & lanev
            fb = lax.shift_right_logical(plsc.bitcast(x, jnp.int32),
                                         shift) & mask_bits
            plsc.addupdate_scatter(histf, [fb * L + iota], ones, mask=mk)
            return 0
        lax.fori_loop(0, trips, _h, 0)

    def _scan(nbins, kneed):
        def _cond(c):
            b_, n = c
            return (n + _row_sum(histf, b_) < kneed) & (b_ > 0)

        def _body(c):
            b_, n = c
            return b_ - 1, n + _row_sum(histf, b_)
        return lax.while_loop(_cond, _body, (nbins - 1, jnp.int32(0)))

    k3 = k2 - n2
    _sub_hist(thr2v, up2v, 4, 255)
    T3, n3 = _scan(FB, k3)
    thr3 = thr2 | (T3 << 4)
    thr3v = jnp.full((L,), lax.bitcast_convert_type(thr3, jnp.float32))
    up3v = jnp.full((L,), lax.bitcast_convert_type(thr3 + 16, jnp.float32))

    k4 = k3 - n3
    _sub_hist(thr3v, up3v, 0, 15)
    T4, n4 = _scan(16, k4)
    thr4 = thr3 | T4
    thr4v = jnp.full((L,), lax.bitcast_convert_type(thr4, jnp.float32))
    r_eq = k4 - n4

    ninf = jnp.full((L,), -jnp.inf, jnp.float32)
    for a in range(MP // L):
        cand2k[pl.ds(a * L, L)] = ninf
        cand2i[pl.ds(a * L, L)] = zeros_i

    def _cp(v, carry):
        off, off_eq = carry
        x = candk[pl.ds(v * L, L)]
        gi = candi[pl.ds(v * L, L)]
        lanev = (v * L + iota) < m1
        keep_gt = (x > thr4v) & lanev
        keep_eq = (x == thr4v) & lanev
        cs_eq = plsc.cumsum(jnp.where(keep_eq, 1, 0))
        take_eq = keep_eq & ((off_eq + cs_eq) <= r_eq)
        keep = keep_gt | take_eq
        cs = plsc.cumsum(jnp.where(keep, 1, 0))
        pos = jnp.minimum(off + cs - 1, MP - 1)
        plsc.store_scatter(cand2k, [pos], x, mask=keep)
        plsc.store_scatter(cand2i, [pos], gi, mask=keep)
        return (off + plsc.all_reduce_population_count(keep),
                off_eq + plsc.all_reduce_population_count(keep_eq))
    lax.fori_loop(0, trips, _cp, (zeros_i, zeros_i))

    AC = MP // L
    ranks = []
    for half in range(2):
        ka = [cand2k[pl.ds(a * L, L)] for a in range(half * AC // 2,
                                                     (half + 1) * AC // 2)]

        def _rank(j, cnts, ka=ka, half=half):
            kj = jnp.full((L,), cand2k[pl.ds(j, L)][0])
            jv = jnp.full((L,), j)
            out = []
            for ai, a in enumerate(range(half * AC // 2, (half + 1) * AC // 2)):
                gt = kj > ka[ai]
                eq = (kj == ka[ai]) & ((jv - a * L) < iota)
                out.append(cnts[ai] + jnp.where(gt | eq, 1, 0))
            return tuple(out)

        cnts = plsc.parallel_loop(0, MP, unroll=1,
                                  carry=tuple(zeros_i for _ in range(AC // 2)))(_rank)
        ranks.extend(cnts)

    box_cp.wait()
    sv = scv[pl.ds(0, L)]
    wimg = jnp.full((L,), sv[0])
    himg = jnp.full((L,), sv[1])
    for a in range(AC):
        r = ranks[a]
        ka = cand2k[pl.ds(a * L, L)]
        gi = cand2i[pl.ds(a * L, L)]
        cls = gi & (CP - 1)
        q4 = lax.shift_right_logical(gi, 7) * 4
        plsc.store_scatter(score_st, [r], ka)
        plsc.store_scatter(label_st, [r], cls)
        cx = plsc.load_gather(bx, [q4])
        cy = plsc.load_gather(bx, [q4 + 1])
        w = plsc.load_gather(bx, [q4 + 2])
        h = plsc.load_gather(bx, [q4 + 3])
        r4 = r * 4
        plsc.store_scatter(box_st, [r4], (cx - 0.5 * w) * wimg)
        plsc.store_scatter(box_st, [r4 + 1], (cy - 0.5 * h) * himg)
        plsc.store_scatter(box_st, [r4 + 2], (cx + 0.5 * w) * wimg)
        plsc.store_scatter(box_st, [r4 + 3], (cy + 0.5 * h) * himg)

    pltpu.sync_copy(score_st, scores_hbm.at[pl.ds(wid * KOUT, KOUT)])
    pltpu.sync_copy(label_st, labels_hbm.at[pl.ds(wid * KOUT, KOUT)])
    pltpu.sync_copy(box_st, boxes_hbm.at[pl.ds(wid * MP * 4, MP * 4)])


@functools.lru_cache(maxsize=None)
def _sc_topk_call():
    return pl.kernel(
        _sc_body,
        out_type=[
        jax.ShapeDtypeStruct((B * KOUT,), jnp.float32),
        jax.ShapeDtypeStruct((B * KOUT,), jnp.int32),
        jax.ShapeDtypeStruct((B * MP * 4,), jnp.float32),
    ],
    mesh=plsc.VectorSubcoreMesh(core_axis_name="c", subcore_axis_name="s",
                                num_cores=NC, num_subcores=NS),
    compiler_params=pltpu.CompilerParams(needs_layout_passes=False,
                                         use_tc_tiling_on_sc=True),
    scratch_types=[
        pltpu.VMEM((128, CP), jnp.float32),
        pltpu.VMEM((128, CP), jnp.float32),
        pltpu.VMEM((HB * L,), jnp.int32),
        pltpu.VMEM((FB * L,), jnp.int32),
        pltpu.VMEM((CAP,), jnp.float32),
        pltpu.VMEM((CAP,), jnp.int32),
        pltpu.VMEM((MP + L,), jnp.float32),
        pltpu.VMEM((MP,), jnp.int32),
        pltpu.VMEM((KOUT,), jnp.float32),
        pltpu.VMEM((KOUT,), jnp.int32),
        pltpu.VMEM((MP * 4,), jnp.float32),
        pltpu.VMEM((BXP,), jnp.float32),
        pltpu.VMEM((128,), jnp.float32),
        pltpu.VMEM((L,), jnp.int32),
        pltpu.SemaphoreType.DMA,
        pltpu.SemaphoreType.DMA,
        pltpu.SemaphoreType.DMA,
    ],
)


def kernel(pred_logits, pred_boxes, target_sizes, positive_map, num_select):
    del num_select
    pmt = jnp.pad(positive_map, ((0, CP - C), (0, 0))).T
    prob2d = _tc_prob(pred_logits, pmt)

    bxf = jnp.pad(pred_boxes.reshape(B, Q * 4),
                  ((0, 0), (0, BXP - Q * 4))).reshape(B * BXP)
    ts = target_sizes.astype(jnp.float32)
    scale128 = jnp.pad(jnp.tile(jnp.stack([ts[:, 1], ts[:, 0]], axis=1),
                                (1, 8)), ((0, 0), (0, 112))).reshape(B * 128)

    scores_p, labels_p, boxes_p = _sc_topk_call()(prob2d, bxf, scale128)
    return (scores_p.reshape(B, KOUT)[:, :K],
            labels_p.reshape(B, KOUT)[:, :K],
            boxes_p.reshape(B, MP, 4)[:, :K, :])

# --- scband reference (transcript-rebuilt; emitter-appended) ---
"""Pipeline reference for scband-post-process-coco-grounding-87076166959330 (READ-ONLY COPY).

The authoritative reference and input builder live on the scoring server;
editing this copy changes nothing except your own understanding.
"""

import jax, jax.numpy as jnp
import numpy as np


def box_cxcywh_to_xyxy(x):
    cx, cy, w, h = jnp.split(x, 4, axis=-1)
    return jnp.concatenate([cx - 0.5 * w, cy - 0.5 * h, cx + 0.5 * w, cy + 0.5 * h], axis=-1)


def setup_inputs(seed: int = 0) -> dict:
    key = jax.random.key(seed)
    k1, k2, k3, k4 = jax.random.split(key, 4)
    B, Q, T, C = 32, 900, 256, 91
    pred_logits = jax.random.normal(k1, (B, Q, T), dtype=jnp.float32)
    pred_boxes = jax.random.uniform(k2, (B, Q, 4), dtype=jnp.float32)
    target_sizes = jax.random.randint(k3, (B, 2), 1, 1333).astype(jnp.int32)
    # positive_map is the buffer built in __init__ from the coco categories +
    # tokenizer: sparse 0/1 map [91, 256], rows normalized to sum to 1.
    pm = (jax.random.uniform(k4, (C, T)) < 0.02).astype(jnp.float32)
    row_sum = pm.sum(axis=-1, keepdims=True)
    positive_map = jnp.where(row_sum > 0, pm / jnp.clip(row_sum, 1e-6), pm)
    return {
        "pred_logits": pred_logits,
        "pred_boxes": pred_boxes,
        "target_sizes": target_sizes,
        "positive_map": positive_map,
        "num_select": jnp.asarray(300, dtype=jnp.int32),
    }


def reference(pred_logits, pred_boxes, target_sizes, positive_map, num_select=300):
    # prob over text tokens
    prob_to_token = jax.nn.sigmoid(pred_logits)            # [B, Q, 256]
    prob = prob_to_token @ positive_map.T                  # [B, Q, 91]
    B, Q, C = prob.shape
    flat = prob.reshape(B, Q * C)
    num_select_static = 300
    topk_values, topk_indexes = jax.lax.top_k(flat, num_select_static)  # [B, 300]
    num_select = jnp.asarray(num_select)
    topk_indexes = topk_indexes + (num_select - num_select).astype(topk_indexes.dtype)
    scores = topk_values
    topk_boxes = topk_indexes // C                          # query index
    labels = topk_indexes % C                               # class index
    boxes = box_cxcywh_to_xyxy(pred_boxes)                  # [B, Q, 4]
    gather_idx = jnp.repeat(topk_boxes[:, :, None], 4, axis=-1)
    boxes = jnp.take_along_axis(boxes, gather_idx, axis=1)  # [B, 300, 4]
    img_h = target_sizes[:, 0]
    img_w = target_sizes[:, 1]
    scale_fct = jnp.stack([img_w, img_h, img_w, img_h], axis=1).astype(boxes.dtype)
    boxes = boxes * scale_fct[:, None, :]
    return scores, labels, boxes

if __name__ == "__main__":
    import jax
    _d = setup_inputs()
    print(jax.jit(kernel)(*tuple(_d.values())))

</pallas_src>

<mosaic_0001>
#map = affine_map<(d0, d1) -> (0, 0)>
#map1 = affine_map<(d0, d1) -> (0)>
module attributes {stable_mosaic.version = 14 : i64} {
  func.func @_sc_body(%arg0: i32, %arg1: i32, %arg2: memref<28928x128xf32, #tpu.memory_space<hbm>>, %arg3: memref<118784xf32, #tpu.memory_space<hbm>>, %arg4: memref<4096xf32, #tpu.memory_space<hbm>>, %arg5: memref<12288xf32, #tpu.memory_space<hbm>>, %arg6: memref<12288xi32, #tpu.memory_space<hbm>>, %arg7: memref<40960xf32, #tpu.memory_space<hbm>>, %arg8: memref<128x128xf32, #tpu.memory_space<vmem>>, %arg9: memref<128x128xf32, #tpu.memory_space<vmem>>, %arg10: memref<32768xi32, #tpu.memory_space<vmem>>, %arg11: memref<4096xi32, #tpu.memory_space<vmem>>, %arg12: memref<2048xf32, #tpu.memory_space<vmem>>, %arg13: memref<2048xi32, #tpu.memory_space<vmem>>, %arg14: memref<336xf32, #tpu.memory_space<vmem>>, %arg15: memref<320xi32, #tpu.memory_space<vmem>>, %arg16: memref<384xf32, #tpu.memory_space<vmem>>, %arg17: memref<384xi32, #tpu.memory_space<vmem>>, %arg18: memref<1280xf32, #tpu.memory_space<vmem>>, %arg19: memref<3712xf32, #tpu.memory_space<vmem>>, %arg20: memref<128xf32, #tpu.memory_space<vmem>>, %arg21: memref<16xi32, #tpu.memory_space<vmem>>, %arg22: memref<!tpu.dma_semaphore, #tpu.memory_space<semaphore_mem>>, %arg23: memref<!tpu.dma_semaphore, #tpu.memory_space<semaphore_mem>>, %arg24: memref<!tpu.dma_semaphore, #tpu.memory_space<semaphore_mem>>) attributes {dimension_semantics = [#tpu.dimension_semantics<core_parallel>, #tpu.dimension_semantics<subcore_parallel>], iteration_bounds = array<i64: 2, 16>, scalar_prefetch = 0 : i64, scratch_operands = 17 : i64, tpu.core_type = #tpu.core_type<sc_vector_subcore>, window_params = [{transform_indices = #map}, {transform_indices = #map1}, {transform_indices = #map1}, {transform_indices = #map1}, {transform_indices = #map1}, {transform_indices = #map1}]} {
    %mul3A = arith.constant 16 : i32
    %mul3A_0 = arith.muli %arg0, %mul3A : i32
    %add3A = arith.addi %mul3A_0, %arg1 : i32
    %iota3A = tpu.iota {dimensions = array<i32: 0>} : vector<16xi32>
    %broadcast_in_dim3A = arith.constant 1 : i32
    %broadcast_in_dim3A_1 = vector.broadcast %broadcast_in_dim3A : i32 to vector<16xi32>
    %broadcast_in_dim3A_2 = arith.constant 0 : i32
    %broadcast_in_dim3A_3 = vector.broadcast %broadcast_in_dim3A_2 : i32 to vector<16xi32>
    %mul3A_4 = arith.constant 3712 : i32
    %mul3A_5 = arith.muli %add3A, %mul3A_4 : i32
    %dma_start3A = tpu.memref_slice %arg3[%mul3A_5] : memref<118784xf32, #tpu.memory_space<hbm>> -> memref<3712xf32, #tpu.memory_space<hbm>>
    %dma_start3A_6 = tpu.memref_slice %arg3[%mul3A_5] : memref<118784xf32, #tpu.memory_space<hbm>> -> memref<3712xf32, #tpu.memory_space<hbm>>
    tpu.enqueue_dma source(%dma_start3A_6 : memref<3712xf32, #tpu.memory_space<hbm>>) target(%arg19 : memref<3712xf32, #tpu.memory_space<vmem>>) target_semaphore(%arg24 : memref<!tpu.dma_semaphore, #tpu.memory_space<semaphore_mem>>)
    %mul3A_7 = arith.constant 128 : i32
    %mul3A_8 = arith.muli %add3A, %mul3A_7 : i32
    "tpu.region"() ({
      %run_scoped3A = tpu.sem_alloc : memref<!tpu.dma_semaphore, #tpu.memory_space<semaphore_mem>>
      %dma_start3A_1943 = tpu.memref_slice %arg4[%mul3A_8] : memref<4096xf32, #tpu.memory_space<hbm>> -> memref<128xf32, #tpu.memory_space<hbm>>
      %dma_start3A_1944 = tpu.memref_slice %arg4[%mul3A_8] : memref<4096xf32, #tpu.memory_space<hbm>> -> memref<128xf32, #tpu.memory_space<hbm>>
      tpu.enqueue_dma source(%dma_start3A_1944 : memref<128xf32, #tpu.memory_space<hbm>>) target(%arg20 : memref<128xf32, #tpu.memory_space<vmem>>) target_semaphore(%run_scoped3A : memref<!tpu.dma_semaphore, #tpu.memory_space<semaphore_mem>>)
      %dma_wait3A_1945 = tpu.memref_slice %arg4[%mul3A_8] : memref<4096xf32, #tpu.memory_space<hbm>> -> memref<128xf32, #tpu.memory_space<hbm>>
      %dma_wait3A_1946 = tpu.memref_slice %arg4[%mul3A_8] : memref<4096xf32, #tpu.memory_space<hbm>> -> memref<128xf32, #tpu.memory_space<hbm>>
      tpu.wait_dma2 semaphore(%run_scoped3A : memref<!tpu.dma_semaphore, #tpu.memory_space<semaphore_mem>>) src(%dma_wait3A_1946 : memref<128xf32, #tpu.memory_space<hbm>>) dst(%arg20 : memref<128xf32, #tpu.memory_space<vmem>>)
      tpu.yield
    }) : () -> ()
    %parallel_loop3A = arith.constant 0 : i32
    %parallel_loop3A_9 = arith.constant 2048 : i32
    %parallel_loop3A_10 = arith.constant 1 : i32
    scf.for %parallel_loop3A_1943 = %parallel_loop3A to %parallel_loop3A_9 step %parallel_loop3A_10  : i32 {
      %parallel_loop3A_1944 = arith.constant 16 : i32
      %parallel_loop3A_1945 = arith.muli %parallel_loop3A_1943, %parallel_loop3A_1944 : i32
      %parallel_loop3A_1946 = arith.index_cast %parallel_loop3A_1945 : i32 to index
      %parallel_loop3A_1947 = tpu.vector_load %arg10[%parallel_loop3A_1946] {strides = array<i32>} : memref<32768xi32, #tpu.memory_space<vmem>>, vector<16xi32>,
      tpu.vector_store %arg10[%parallel_loop3A_1946], %broadcast_in_dim3A_3 {strides = array<i32>} : memref<32768xi32, #tpu.memory_space<vmem>>, vector<16xi32>,
    } {sc.loop_unroll_factor = 8 : i64, sc.parallel_access}
    %mul3A_11 = arith.constant 904 : i32
    %mul3A_12 = arith.muli %add3A, %mul3A_11 : i32
    %add3A_13 = arith.constant 0 : i32
    %add3A_14 = arith.addi %mul3A_12, %add3A_13 : i32
    %dma_start3A_15 = arith.constant 0 : i32
    %dma_start3A_16 = arith.constant 0 : i32
    %dma_start3A_17 = tpu.memref_slice %arg8[%dma_start3A_15, %dma_start3A_16] : memref<128x128xf32, #tpu.memory_space<vmem>> -> memref<128x128xf32, #tpu.memory_space<vmem>>
    %dma_start3A_18 = arith.constant 0 : i32
    %dma_start3A_19 = tpu.memref_slice %arg2[%add3A_14, %dma_start3A_18] : memref<28928x128xf32, #tpu.memory_space<hbm>> -> memref<128x128xf32, #tpu.memory_space<hbm>>
    %dma_start3A_20 = arith.constant 0 : i32
    %dma_start3A_21 = arith.constant 0 : i32
    %dma_start3A_22 = tpu.memref_slice %arg8[%dma_start3A_20, %dma_start3A_21] : memref<128x128xf32, #tpu.memory_space<vmem>> -> memref<128x128xf32, #tpu.memory_space<vmem>>
    %dma_start3A_23 = arith.constant 0 : i32
    %dma_start3A_24 = tpu.memref_slice %arg2[%add3A_14, %dma_start3A_23] : memref<28928x128xf32, #tpu.memory_space<hbm>> -> memref<128x128xf32, #tpu.memory_space<hbm>>
    tpu.enqueue_dma source(%dma_start3A_24 : memref<128x128xf32, #tpu.memory_space<hbm>>) target(%dma_start3A_22 : memref<128x128xf32, #tpu.memory_space<vmem>>) target_semaphore(%arg22 : memref<!tpu.dma_semaphore, #tpu.memory_space<semaphore_mem>>)
    %mul3A_25 = arith.constant 904 : i32
    %mul3A_26 = arith.muli %add3A, %mul3A_25 : i32
    %add3A_27 = arith.constant 128 : i32
    %add3A_28 = arith.addi %mul3A_26, %add3A_27 : i32
    %dma_start3A_29 = arith.constant 0 : i32
    %dma_start3A_30 = arith.constant 0 : i32
    %dma_start3A_31 = tpu.memref_slice %arg9[%dma_start3A_29, %dma_start3A_30] : memref<128x128xf32, #tpu.memory_space<vmem>> -> memref<128x128xf32, #tpu.memory_space<vmem>>
    %dma_start3A_32 = arith.constant 0 : i32
    %dma_start3A_33 = tpu.memref_slice %arg2[%add3A_28, %dma_start3A_32] : memref<28928x128xf32, #tpu.memory_space<hbm>> -> memref<128x128xf32, #tpu.memory_space<hbm>>
    %dma_start3A_34 = arith.constant 0 : i32
    %dma_start3A_35 = arith.constant 0 : i32
    %dma_start3A_36 = tpu.memref_slice %arg9[%dma_start3A_34, %dma_start3A_35] : memref<128x128xf32, #tpu.memory_space<vmem>> -> memref<128x128xf32, #tpu.memory_space<vmem>>
    %dma_start3A_37 = arith.constant 0 : i32
    %dma_start3A_38 = tpu.memref_slice %arg2[%add3A_28, %dma_start3A_37] : memref<28928x128xf32, #tpu.memory_space<hbm>> -> memref<128x128xf32, #tpu.memory_space<hbm>>
    tpu.enqueue_dma source(%dma_start3A_38 : memref<128x128xf32, #tpu.memory_space<hbm>>) target(%dma_start3A_36 : memref<128x128xf32, #tpu.memory_space<vmem>>) target_semaphore(%arg23 : memref<!tpu.dma_semaphore, #tpu.memory_space<semaphore_mem>>)
    %mul3A_39 = arith.constant 904 : i32
    %mul3A_40 = arith.muli %add3A, %mul3A_39 : i32
    %add3A_41 = arith.constant 0 : i32
    %add3A_42 = arith.addi %mul3A_40, %add3A_41 : i32
    %dma_wait3A = arith.constant 0 : i32
    %dma_wait3A_43 = arith.constant 0 : i32
    %dma_wait3A_44 = tpu.memref_slice %arg8[%dma_wait3A, %dma_wait3A_43] : memref<128x128xf32, #tpu.memory_space<vmem>> -> memref<128x128xf32, #tpu.memory_space<vmem>>
    %dma_wait3A_45 = arith.constant 0 : i32
    %dma_wait3A_46 = tpu.memref_slice %arg2[%add3A_42, %dma_wait3A_45] : memref<28928x128xf32, #tpu.memory_space<hbm>> -> memref<128x128xf32, #tpu.memory_space<hbm>>
    %dma_wait3A_47 = arith.constant 0 : i32
    %dma_wait3A_48 = arith.constant 0 : i32
    %dma_wait3A_49 = tpu.memref_slice %arg8[%dma_wait3A_47, %dma_wait3A_48] : memref<128x128xf32, #tpu.memory_space<vmem>> -> memref<128x128xf32, #tpu.memory_space<vmem>>
    %dma_wait3A_50 = arith.constant 0 : i32
    %dma_wait3A_51 = tpu.memref_slice %arg2[%add3A_42, %dma_wait3A_50] : memref<28928x128xf32, #tpu.memory_space<hbm>> -> memref<128x128xf32, #tpu.memory_space<hbm>>
    tpu.wait_dma2 semaphore(%arg22 : memref<!tpu.dma_semaphore, #tpu.memory_space<semaphore_mem>>) src(%dma_wait3A_51 : memref<128x128xf32, #tpu.memory_space<hbm>>) dst(%dma_wait3A_49 : memref<128x128xf32, #tpu.memory_space<vmem>>)
    %parallel_loop3A_52 = arith.constant 0 : i32
    %parallel_loop3A_53 = arith.constant 1024 : i32
    %parallel_loop3A_54 = arith.constant 1 : i32
    scf.for %parallel_loop3A_1943 = %parallel_loop3A_52 to %parallel_loop3A_53 step %parallel_loop3A_54  : i32 {
      %parallel_loop3A_1944 = arith.constant 3 : i32
      %parallel_loop3A_1945 = arith.shrsi %parallel_loop3A_1943, %parallel_loop3A_1944 : i32
      %parallel_loop3A_1946 = arith.constant 7 : i32
      %parallel_loop3A_1947 = arith.andi %parallel_loop3A_1943, %parallel_loop3A_1946 : i32
      %parallel_loop3A_1948 = arith.constant 16 : i32
      %parallel_loop3A_1949 = arith.muli %parallel_loop3A_1947, %parallel_loop3A_1948 : i32
      %parallel_loop3A_1950 = arith.index_cast %parallel_loop3A_1945 : i32 to index
      %parallel_loop3A_1951 = arith.index_cast %parallel_loop3A_1949 : i32 to index
      %parallel_loop3A_1952 = tpu.vector_load %arg8[%parallel_loop3A_1950, %parallel_loop3A_1951] {strides = array<i32>} : memref<128x128xf32, #tpu.memory_space<vmem>>, vector<16xf32>,
      %parallel_loop3A_1953 = vector.bitcast %parallel_loop3A_1952 : vector<16xf32> to vector<16xi32>
      %parallel_loop3A_1954 = arith.constant 20 : i32
      %parallel_loop3A_1955 = vector.broadcast %parallel_loop3A_1954 : i32 to vector<16xi32>
      %parallel_loop3A_1956 = arith.shrui %parallel_loop3A_1953, %parallel_loop3A_1955 : vector<16xi32>
      %parallel_loop3A_1957 = arith.constant 16 : i32
      %parallel_loop3A_1958 = vector.broadcast %parallel_loop3A_1957 : i32 to vector<16xi32>
      %parallel_loop3A_1959 = arith.muli %parallel_loop3A_1956, %parallel_loop3A_1958 : vector<16xi32>
      %parallel_loop3A_1960 = arith.addi %parallel_loop3A_1959, %iota3A : vector<16xi32>
      tpu.vector_store_idx %arg10[%parallel_loop3A_1960], %broadcast_in_dim3A_1 {add = true} : memref<32768xi32, #tpu.memory_space<vmem>>[vector<16xi32>], vector<16xi32>,
    } {sc.loop_unroll_factor = 4 : i64, sc.parallel_access}
    %mul3A_55 = arith.constant 904 : i32
    %mul3A_56 = arith.muli %add3A, %mul3A_55 : i32
    %add3A_57 = arith.constant 256 : i32
    %add3A_58 = arith.addi %mul3A_56, %add3A_57 : i32
    %dma_start3A_59 = arith.constant 0 : i32
    %dma_start3A_60 = arith.constant 0 : i32
    %dma_start3A_61 = tpu.memref_slice %arg8[%dma_start3A_59, %dma_start3A_60] : memref<128x128xf32, #tpu.memory_space<vmem>> -> memref<128x128xf32, #tpu.memory_space<vmem>>
    %dma_start3A_62 = arith.constant 0 : i32
    %dma_start3A_63 = tpu.memref_slice %arg2[%add3A_58, %dma_start3A_62] : memref<28928x128xf32, #tpu.memory_space<hbm>> -> memref<128x128xf32, #tpu.memory_space<hbm>>
    %dma_start3A_64 = arith.constant 0 : i32
    %dma_start3A_65 = arith.constant 0 : i32
    %dma_start3A_66 = tpu.memref_slice %arg8[%dma_start3A_64, %dma_start3A_65] : memref<128x128xf32, #tpu.memory_space<vmem>> -> memref<128x128xf32, #tpu.memory_space<vmem>>
    %dma_start3A_67 = arith.constant 0 : i32
    %dma_start3A_68 = tpu.memref_slice %arg2[%add3A_58, %dma_start3A_67] : memref<28928x128xf32, #tpu.memory_space<hbm>> -> memref<128x128xf32, #tpu.memory_space<hbm>>
    tpu.enqueue_dma source(%dma_start3A_68 : memref<128x128xf32, #tpu.memory_space<hbm>>) target(%dma_start3A_66 : memref<128x128xf32, #tpu.memory_space<vmem>>) target_semaphore(%arg22 : memref<!tpu.dma_semaphore, #tpu.memory_space<semaphore_mem>>)
    %mul3A_69 = arith.constant 904 : i32
    %mul3A_70 = arith.muli %add3A, %mul3A_69 : i32
    %add3A_71 = arith.constant 128 : i32
    %add3A_72 = arith.addi %mul3A_70, %add3A_71 : i32
    %dma_wait3A_73 = arith.constant 0 : i32
    %dma_wait3A_74 = arith.constant 0 : i32
    %dma_wait3A_75 = tpu.memref_slice %arg9[%dma_wait3A_73, %dma_wait3A_74] : memref<128x128xf32, #tpu.memory_space<vmem>> -> memref<128x128xf32, #tpu.memory_space<vmem>>
    %dma_wait3A_76 = arith.constant 0 : i32
    %dma_wait3A_77 = tpu.memref_slice %arg2[%add3A_72, %dma_wait3A_76] : memref<28928x128xf32, #tpu.memory_space<hbm>> -> memref<128x128xf32, #tpu.memory_space<hbm>>
    %dma_wait3A_78 = arith.constant 0 : i32
    %dma_wait3A_79 = arith.constant 0 : i32
    %dma_wait3A_80 = tpu.memref_slice %arg9[%dma_wait3A_78, %dma_wait3A_79] : memref<128x128xf32, #tpu.memory_space<vmem>> -> memref<128x128xf32, #tpu.memory_space<vmem>>
    %dma_wait3A_81 = arith.constant 0 : i32
    %dma_wait3A_82 = tpu.memref_slice %arg2[%add3A_72, %dma_wait3A_81] : memref<28928x128xf32, #tpu.memory_space<hbm>> -> memref<128x128xf32, #tpu.memory_space<hbm>>
    tpu.wait_dma2 semaphore(%arg23 : memref<!tpu.dma_semaphore, #tpu.memory_space<semaphore_mem>>) src(%dma_wait3A_82 : memref<128x128xf32, #tpu.memory_space<hbm>>) dst(%dma_wait3A_80 : memref<128x128xf32, #tpu.memory_space<vmem>>)
    %parallel_loop3A_83 = arith.constant 0 : i32
    %parallel_loop3A_84 = arith.constant 1024 : i32
    %parallel_loop3A_85 = arith.constant 1 : i32
    scf.for %parallel_loop3A_1943 = %parallel_loop3A_83 to %parallel_loop3A_84 step %parallel_loop3A_85  : i32 {
      %parallel_loop3A_1944 = arith.constant 3 : i32
      %parallel_loop3A_1945 = arith.shrsi %parallel_loop3A_1943, %parallel_loop3A_1944 : i32
      %parallel_loop3A_1946 = arith.constant 7 : i32
      %parallel_loop3A_1947 = arith.andi %parallel_loop3A_1943, %parallel_loop3A_1946 : i32
      %parallel_loop3A_1948 = arith.constant 16 : i32
      %parallel_loop3A_1949 = arith.muli %parallel_loop3A_1947, %parallel_loop3A_1948 : i32
      %parallel_loop3A_1950 = arith.index_cast %parallel_loop3A_1945 : i32 to index
      %parallel_loop3A_1951 = arith.index_cast %parallel_loop3A_1949 : i32 to index
      %parallel_loop3A_1952 = tpu.vector_load %arg9[%parallel_loop3A_1950, %parallel_loop3A_1951] {strides = array<i32>} : memref<128x128xf32, #tpu.memory_space<vmem>>, vector<16xf32>,
      %parallel_loop3A_1953 = vector.bitcast %parallel_loop3A_1952 : vector<16xf32> to vector<16xi32>
      %parallel_loop3A_1954 = arith.constant 20 : i32
      %parallel_loop3A_1955 = vector.broadcast %parallel_loop3A_1954 : i32 to vector<16xi32>
      %parallel_loop3A_1956 = arith.shrui %parallel_loop3A_1953, %parallel_loop3A_1955 : vector<16xi32>
      %parallel_loop3A_1957 = arith.constant 16 : i32
      %parallel_loop3A_1958 = vector.broadcast %parallel_loop3A_1957 : i32 to vector<16xi32>
      %parallel_loop3A_1959 = arith.muli %parallel_loop3A_1956, %parallel_loop3A_1958 : vector<16xi32>
      %parallel_loop3A_1960 = arith.addi %parallel_loop3A_1959, %iota3A : vector<16xi32>
      tpu.vector_store_idx %arg10[%parallel_loop3A_1960], %broadcast_in_dim3A_1 {add = true} : memref<32768xi32, #tpu.memory_space<vmem>>[vector<16xi32>], vector<16xi32>,
    } {sc.loop_unroll_factor = 4 : i64, sc.parallel_access}
    %mul3A_86 = arith.constant 904 : i32
    %mul3A_87 = arith.muli %add3A, %mul3A_86 : i32
    %add3A_88 = arith.constant 384 : i32
    %add3A_89 = arith.addi %mul3A_87, %add3A_88 : i32
    %dma_start3A_90 = arith.constant 0 : i32
    %dma_start3A_91 = arith.constant 0 : i32
    %dma_start3A_92 = tpu.memref_slice %arg9[%dma_start3A_90, %dma_start3A_91] : memref<128x128xf32, #tpu.memory_space<vmem>> -> memref<128x128xf32, #tpu.memory_space<vmem>>
    %dma_start3A_93 = arith.constant 0 : i32
    %dma_start3A_94 = tpu.memref_slice %arg2[%add3A_89, %dma_start3A_93] : memref<28928x128xf32, #tpu.memory_space<hbm>> -> memref<128x128xf32, #tpu.memory_space<hbm>>
    %dma_start3A_95 = arith.constant 0 : i32
    %dma_start3A_96 = arith.constant 0 : i32
    %dma_start3A_97 = tpu.memref_slice %arg9[%dma_start3A_95, %dma_start3A_96] : memref<128x128xf32, #tpu.memory_space<vmem>> -> memref<128x128xf32, #tpu.memory_space<vmem>>
    %dma_start3A_98 = arith.constant 0 : i32
    %dma_start3A_99 = tpu.memref_slice %arg2[%add3A_89, %dma_start3A_98] : memref<28928x128xf32, #tpu.memory_space<hbm>> -> memref<128x128xf32, #tpu.memory_space<hbm>>
    tpu.enqueue_dma source(%dma_start3A_99 : memref<128x128xf32, #tpu.memory_space<hbm>>) target(%dma_start3A_97 : memref<128x128xf32, #tpu.memory_space<vmem>>) target_semaphore(%arg23 : memref<!tpu.dma_semaphore, #tpu.memory_space<semaphore_mem>>)
    %mul3A_100 = arith.constant 904 : i32
    %mul3A_101 = arith.muli %add3A, %mul3A_100 : i32
    %add3A_102 = arith.constant 256 : i32
    %add3A_103 = arith.addi %mul3A_101, %add3A_102 : i32
    %dma_wait3A_104 = arith.constant 0 : i32
    %dma_wait3A_105 = arith.constant 0 : i32
    %dma_wait3A_106 = tpu.memref_slice %arg8[%dma_wait3A_104, %dma_wait3A_105] : memref<128x128xf32, #tpu.memory_space<vmem>> -> memref<128x128xf32, #tpu.memory_space<vmem>>
    %dma_wait3A_107 = arith.constant 0 : i32
    %dma_wait3A_108 = tpu.memref_slice %arg2[%add3A_103, %dma_wait3A_107] : memref<28928x128xf32, #tpu.memory_space<hbm>> -> memref<128x128xf32, #tpu.memory_space<hbm>>
    %dma_wait3A_109 = arith.constant 0 : i32
    %dma_wait3A_110 = arith.constant 0 : i32
    %dma_wait3A_111 = tpu.memref_slice %arg8[%dma_wait3A_109, %dma_wait3A_110] : memref<128x128xf32, #tpu.memory_space<vmem>> -> memref<128x128xf32, #tpu.memory_space<vmem>>
    %dma_wait3A_112 = arith.constant 0 : i32
    %dma_wait3A_113 = tpu.memref_slice %arg2[%add3A_103, %dma_wait3A_112] : memref<28928x128xf32, #tpu.memory_space<hbm>> -> memref<128x128xf32, #tpu.memory_space<hbm>>
    tpu.wait_dma2 semaphore(%arg22 : memref<!tpu.dma_semaphore, #tpu.memory_space<semaphore_mem>>) src(%dma_wait3A_113 : memref<128x128xf32, #tpu.memory_space<hbm>>) dst(%dma_wait3A_111 : memref<128x128xf32, #tpu.memory_space<vmem>>)
    %parallel_loop3A_114 = arith.constant 0 : i32
    %parallel_loop3A_115 = arith.constant 1024 : i32
    %parallel_loop3A_116 = arith.constant 1 : i32
    scf.for %parallel_loop3A_1943 = %parallel_loop3A_114 to %parallel_loop3A_115 step %parallel_loop3A_116  : i32 {
      %parallel_loop3A_1944 = arith.constant 3 : i32
      %parallel_loop3A_1945 = arith.shrsi %parallel_loop3A_1943, %parallel_loop3A_1944 : i32
      %parallel_loop3A_1946 = arith.constant 7 : i32
      %parallel_loop3A_1947 = arith.andi %parallel_loop3A_1943, %parallel_loop3A_1946 : i32
      %parallel_loop3A_1948 = arith.constant 16 : i32
      %parallel_loop3A_1949 = arith.muli %parallel_loop3A_1947, %parallel_loop3A_1948 : i32
      %parallel_loop3A_1950 = arith.index_cast %parallel_loop3A_1945 : i32 to index
      %parallel_loop3A_1951 = arith.index_cast %parallel_loop3A_1949 : i32 to index
      %parallel_loop3A_1952 = tpu.vector_load %arg8[%parallel_loop3A_1950, %parallel_loop3A_1951] {strides = array<i32>} : memref<128x128xf32, #tpu.memory_space<vmem>>, vector<16xf32>,
      %parallel_loop3A_1953 = vector.bitcast %parallel_loop3A_1952 : vector<16xf32> to vector<16xi32>
      %parallel_loop3A_1954 = arith.constant 20 : i32
      %parallel_loop3A_1955 = vector.broadcast %parallel_loop3A_1954 : i32 to vector<16xi32>
      %parallel_loop3A_1956 = arith.shrui %parallel_loop3A_1953, %parallel_loop3A_1955 : vector<16xi32>
      %parallel_loop3A_1957 = arith.constant 16 : i32
      %parallel_loop3A_1958 = vector.broadcast %parallel_loop3A_1957 : i32 to vector<16xi32>
      %parallel_loop3A_1959 = arith.muli %parallel_loop3A_1956, %parallel_loop3A_1958 : vector<16xi32>
      %parallel_loop3A_1960 = arith.addi %parallel_loop3A_1959, %iota3A : vector<16xi32>
      tpu.vector_store_idx %arg10[%parallel_loop3A_1960], %broadcast_in_dim3A_1 {add = true} : memref<32768xi32, #tpu.memory_space<vmem>>[vector<16xi32>], vector<16xi32>,
    } {sc.loop_unroll_factor = 4 : i64, sc.parallel_access}
    %mul3A_117 = arith.constant 904 : i32
    %mul3A_118 = arith.muli %add3A, %mul3A_117 : i32
    %add3A_119 = arith.constant 512 : i32
    %add3A_120 = arith.addi %mul3A_118, %add3A_119 : i32
    %dma_start3A_121 = arith.constant 0 : i32
    %dma_start3A_122 = arith.constant 0 : i32
    %dma_start3A_123 = tpu.memref_slice %arg8[%dma_start3A_121, %dma_start3A_122] : memref<128x128xf32, #tpu.memory_space<vmem>> -> memref<128x128xf32, #tpu.memory_space<vmem>>
    %dma_start3A_124 = arith.constant 0 : i32
    %dma_start3A_125 = tpu.memref_slice %arg2[%add3A_120, %dma_start3A_124] : memref<28928x128xf32, #tpu.memory_space<hbm>> -> memref<128x128xf32, #tpu.memory_space<hbm>>
    %dma_start3A_126 = arith.constant 0 : i32
    %dma_start3A_127 = arith.constant 0 : i32
    %dma_start3A_128 = tpu.memref_slice %arg8[%dma_start3A_126, %dma_start3A_127] : memref<128x128xf32, #tpu.memory_space<vmem>> -> memref<128x128xf32, #tpu.memory_space<vmem>>
    %dma_start3A_129 = arith.constant 0 : i32
    %dma_start3A_130 = tpu.memref_slice %arg2[%add3A_120, %dma_start3A_129] : memref<28928x128xf32, #tpu.memory_space<hbm>> -> memref<128x128xf32, #tpu.memory_space<hbm>>
    tpu.enqueue_dma source(%dma_start3A_130 : memref<128x128xf32, #tpu.memory_space<hbm>>) target(%dma_start3A_128 : memref<128x128xf32, #tpu.memory_space<vmem>>) target_semaphore(%arg22 : memref<!tpu.dma_semaphore, #tpu.memory_space<semaphore_mem>>)
    %mul3A_131 = arith.constant 904 : i32
    %mul3A_132 = arith.muli %add3A, %mul3A_131 : i32
    %add3A_133 = arith.constant 384 : i32
    %add3A_134 = arith.addi %mul3A_132, %add3A_133 : i32
    %dma_wait3A_135 = arith.constant 0 : i32
    %dma_wait3A_136 = arith.constant 0 : i32
    %dma_wait3A_137 = tpu.memref_slice %arg9[%dma_wait3A_135, %dma_wait3A_136] : memref<128x128xf32, #tpu.memory_space<vmem>> -> memref<128x128xf32, #tpu.memory_space<vmem>>
    %dma_wait3A_138 = arith.constant 0 : i32
    %dma_wait3A_139 = tpu.memref_slice %arg2[%add3A_134, %dma_wait3A_138] : memref<28928x128xf32, #tpu.memory_space<hbm>> -> memref<128x128xf32, #tpu.memory_space<hbm>>
    %dma_wait3A_140 = arith.constant 0 : i32
    %dma_wait3A_141 = arith.constant 0 : i32
    %dma_wait3A_142 = tpu.memref_slice %arg9[%dma_wait3A_140, %dma_wait3A_141] : memref<128x128xf32, #tpu.memory_space<vmem>> -> memref<128x128xf32, #tpu.memory_space<vmem>>
    %dma_wait3A_143 = arith.constant 0 : i32
    %dma_wait3A_144 = tpu.memref_slice %arg2[%add3A_134, %dma_wait3A_143] : memref<28928x128xf32, #tpu.memory_space<hbm>> -> memref<128x128xf32, #tpu.memory_space<hbm>>
    tpu.wait_dma2 semaphore(%arg23 : memref<!tpu.dma_semaphore, #tpu.memory_space<semaphore_mem>>) src(%dma_wait3A_144 : memref<128x128xf32, #tpu.memory_space<hbm>>) dst(%dma_wait3A_142 : memref<128x128xf32, #tpu.memory_space<vmem>>)
    %parallel_loop3A_145 = arith.constant 0 : i32
    %parallel_loop3A_146 = arith.constant 1024 : i32
    %parallel_loop3A_147 = arith.constant 1 : i32
    scf.for %parallel_loop3A_1943 = %parallel_loop3A_145 to %parallel_loop3A_146 step %parallel_loop3A_147  : i32 {
      %parallel_loop3A_1944 = arith.constant 3 : i32
      %parallel_loop3A_1945 = arith.shrsi %parallel_loop3A_1943, %parallel_loop3A_1944 : i32
      %parallel_loop3A_1946 = arith.constant 7 : i32
      %parallel_loop3A_1947 = arith.andi %parallel_loop3A_1943, %parallel_loop3A_1946 : i32
      %parallel_loop3A_1948 = arith.constant 16 : i32
      %parallel_loop3A_1949 = arith.muli %parallel_loop3A_1947, %parallel_loop3A_1948 : i32
      %parallel_loop3A_1950 = arith.index_cast %parallel_loop3A_1945 : i32 to index
      %parallel_loop3A_1951 = arith.index_cast %parallel_loop3A_1949 : i32 to index
      %parallel_loop3A_1952 = tpu.vector_load %arg9[%parallel_loop3A_1950, %parallel_loop3A_1951] {strides = array<i32>} : memref<128x128xf32, #tpu.memory_space<vmem>>, vector<16xf32>,
      %parallel_loop3A_1953 = vector.bitcast %parallel_loop3A_1952 : vector<16xf32> to vector<16xi32>
      %parallel_loop3A_1954 = arith.constant 20 : i32
      %parallel_loop3A_1955 = vector.broadcast %parallel_loop3A_1954 : i32 to vector<16xi32>
      %parallel_loop3A_1956 = arith.shrui %parallel_loop3A_1953, %parallel_loop3A_1955 : vector<16xi32>
      %parallel_loop3A_1957 = arith.constant 16 : i32
      %parallel_loop3A_1958 = vector.broadcast %parallel_loop3A_1957 : i32 to vector<16xi32>
      %parallel_loop3A_1959 = arith.muli %parallel_loop3A_1956, %parallel_loop3A_1958 : vector<16xi32>
      %parallel_loop3A_1960 = arith.addi %parallel_loop3A_1959, %iota3A : vector<16xi32>
      tpu.vector_store_idx %arg10[%parallel_loop3A_1960], %broadcast_in_dim3A_1 {add = true} : memref<32768xi32, #tpu.memory_space<vmem>>[vector<16xi32>], vector<16xi32>,
    } {sc.loop_unroll_factor = 4 : i64, sc.parallel_access}
    %mul3A_148 = arith.constant 904 : i32
    %mul3A_149 = arith.muli %add3A, %mul3A_148 : i32
    %add3A_150 = arith.constant 640 : i32
    %add3A_151 = arith.addi %mul3A_149, %add3A_150 : i32
    %dma_start3A_152 = arith.constant 0 : i32
    %dma_start3A_153 = arith.constant 0 : i32
    %dma_start3A_154 = tpu.memref_slice %arg9[%dma_start3A_152, %dma_start3A_153] : memref<128x128xf32, #tpu.memory_space<vmem>> -> memref<128x128xf32, #tpu.memory_space<vmem>>
    %dma_start3A_155 = arith.constant 0 : i32
    %dma_start3A_156 = tpu.memref_slice %arg2[%add3A_151, %dma_start3A_155] : memref<28928x128xf32, #tpu.memory_space<hbm>> -> memref<128x128xf32, #tpu.memory_space<hbm>>
    %dma_start3A_157 = arith.constant 0 : i32
    %dma_start3A_158 = arith.constant 0 : i32
    %dma_start3A_159 = tpu.memref_slice %arg9[%dma_start3A_157, %dma_start3A_158] : memref<128x128xf32, #tpu.memory_space<vmem>> -> memref<128x128xf32, #tpu.memory_space<vmem>>
    %dma_start3A_160 = arith.constant 0 : i32
    %dma_start3A_161 = tpu.memref_slice %arg2[%add3A_151, %dma_start3A_160] : memref<28928x128xf32, #tpu.memory_space<hbm>> -> memref<128x128xf32, #tpu.memory_space<hbm>>
    tpu.enqueue_dma source(%dma_start3A_161 : memref<128x128xf32, #tpu.memory_space<hbm>>) target(%dma_start3A_159 : memref<128x128xf32, #tpu.memory_space<vmem>>) target_semaphore(%arg23 : memref<!tpu.dma_semaphore, #tpu.memory_space<semaphore_mem>>)
    %mul3A_162 = arith.constant 904 : i32
    %mul3A_163 = arith.muli %add3A, %mul3A_162 : i32
    %add3A_164 = arith.constant 512 : i32
    %add3A_165 = arith.addi %mul3A_163, %add3A_164 : i32
    %dma_wait3A_166 = arith.constant 0 : i32
    %dma_wait3A_167 = arith.constant 0 : i32
    %dma_wait3A_168 = tpu.memref_slice %arg8[%dma_wait3A_166, %dma_wait3A_167] : memref<128x128xf32, #tpu.memory_space<vmem>> -> memref<128x128xf32, #tpu.memory_space<vmem>>
    %dma_wait3A_169 = arith.constant 0 : i32
    %dma_wait3A_170 = tpu.memref_slice %arg2[%add3A_165, %dma_wait3A_169] : memref<28928x128xf32, #tpu.memory_space<hbm>> -> memref<128x128xf32, #tpu.memory_space<hbm>>
    %dma_wait3A_171 = arith.constant 0 : i32
    %dma_wait3A_172 = arith.constant 0 : i32
    %dma_wait3A_173 = tpu.memref_slice %arg8[%dma_wait3A_171, %dma_wait3A_172] : memref<128x128xf32, #tpu.memory_space<vmem>> -> memref<128x128xf32, #tpu.memory_space<vmem>>
    %dma_wait3A_174 = arith.constant 0 : i32
    %dma_wait3A_175 = tpu.memref_slice %arg2[%add3A_165, %dma_wait3A_174] : memref<28928x128xf32, #tpu.memory_space<hbm>> -> memref<128x128xf32, #tpu.memory_space<hbm>>
    tpu.wait_dma2 semaphore(%arg22 : memref<!tpu.dma_semaphore, #tpu.memory_space<semaphore_mem>>) src(%dma_wait3A_175 : memref<128x128xf32, #tpu.memory_space<hbm>>) dst(%dma_wait3A_173 : memref<128x128xf32, #tpu.memory_space<vmem>>)
    %parallel_loop3A_176 = arith.constant 0 : i32
    %parallel_loop3A_177 = arith.constant 1024 : i32
    %parallel_loop3A_178 = arith.constant 1 : i32
    scf.for %parallel_loop3A_1943 = %parallel_loop3A_176 to %parallel_loop3A_177 step %parallel_loop3A_178  : i32 {
      %parallel_loop3A_1944 = arith.constant 3 : i32
      %parallel_loop3A_1945 = arith.shrsi %parallel_loop3A_1943, %parallel_loop3A_1944 : i32
      %parallel_loop3A_1946 = arith.constant 7 : i32
      %parallel_loop3A_1947 = arith.andi %parallel_loop3A_1943, %parallel_loop3A_1946 : i32
      %parallel_loop3A_1948 = arith.constant 16 : i32
      %parallel_loop3A_1949 = arith.muli %parallel_loop3A_1947, %parallel_loop3A_1948 : i32
      %parallel_loop3A_1950 = arith.index_cast %parallel_loop3A_1945 : i32 to index
      %parallel_loop3A_1951 = arith.index_cast %parallel_loop3A_1949 : i32 to index
      %parallel_loop3A_1952 = tpu.vector_load %arg8[%parallel_loop3A_1950, %parallel_loop3A_1951] {strides = array<i32>} : memref<128x128xf32, #tpu.memory_space<vmem>>, vector<16xf32>,
      %parallel_loop3A_1953 = vector.bitcast %parallel_loop3A_1952 : vector<16xf32> to vector<16xi32>
      %parallel_loop3A_1954 = arith.constant 20 : i32
      %parallel_loop3A_1955 = vector.broadcast %parallel_loop3A_1954 : i32 to vector<16xi32>
      %parallel_loop3A_1956 = arith.shrui %parallel_loop3A_1953, %parallel_loop3A_1955 : vector<16xi32>
      %parallel_loop3A_1957 = arith.constant 16 : i32
      %parallel_loop3A_1958 = vector.broadcast %parallel_loop3A_1957 : i32 to vector<16xi32>
      %parallel_loop3A_1959 = arith.muli %parallel_loop3A_1956, %parallel_loop3A_1958 : vector<16xi32>
      %parallel_loop3A_1960 = arith.addi %parallel_loop3A_1959, %iota3A : vector<16xi32>
      tpu.vector_store_idx %arg10[%parallel_loop3A_1960], %broadcast_in_dim3A_1 {add = true} : memref<32768xi32, #tpu.memory_space<vmem>>[vector<16xi32>], vector<16xi32>,
    } {sc.loop_unroll_factor = 4 : i64, sc.parallel_access}
    %mul3A_179 = arith.constant 904 : i32
    %mul3A_180 = arith.muli %add3A, %mul3A_179 : i32
    %add3A_181 = arith.constant 768 : i32
    %add3A_182 = arith.addi %mul3A_180, %add3A_181 : i32
    %dma_start3A_183 = arith.constant 0 : i32
    %dma_start3A_184 = arith.constant 0 : i32
    %dma_start3A_185 = tpu.memref_slice %arg8[%dma_start3A_183, %dma_start3A_184] : memref<128x128xf32, #tpu.memory_space<vmem>> -> memref<128x128xf32, #tpu.memory_space<vmem>>
    %dma_start3A_186 = arith.constant 0 : i32
    %dma_start3A_187 = tpu.memref_slice %arg2[%add3A_182, %dma_start3A_186] : memref<28928x128xf32, #tpu.memory_space<hbm>> -> memref<128x128xf32, #tpu.memory_space<hbm>>
    %dma_start3A_188 = arith.constant 0 : i32
    %dma_start3A_189 = arith.constant 0 : i32
    %dma_start3A_190 = tpu.memref_slice %arg8[%dma_start3A_188, %dma_start3A_189] : memref<128x128xf32, #tpu.memory_space<vmem>> -> memref<128x128xf32, #tpu.memory_space<vmem>>
    %dma_start3A_191 = arith.constant 0 : i32
    %dma_start3A_192 = tpu.memref_slice %arg2[%add3A_182, %dma_start3A_191] : memref<28928x128xf32, #tpu.memory_space<hbm>> -> memref<128x128xf32, #tpu.memory_space<hbm>>
    tpu.enqueue_dma source(%dma_start3A_192 : memref<128x128xf32, #tpu.memory_space<hbm>>) target(%dma_start3A_190 : memref<128x128xf32, #tpu.memory_space<vmem>>) target_semaphore(%arg22 : memref<!tpu.dma_semaphore, #tpu.memory_space<semaphore_mem>>)
    %mul3A_193 = arith.constant 904 : i32
    %mul3A_194 = arith.muli %add3A, %mul3A_193 : i32
    %add3A_195 = arith.constant 640 : i32
    %add3A_196 = arith.addi %mul3A_194, %add3A_195 : i32
    %dma_wait3A_197 = arith.constant 0 : i32
    %dma_wait3A_198 = arith.constant 0 : i32
    %dma_wait3A_199 = tpu.memref_slice %arg9[%dma_wait3A_197, %dma_wait3A_198] : memref<128x128xf32, #tpu.memory_space<vmem>> -> memref<128x128xf32, #tpu.memory_space<vmem>>
    %dma_wait3A_200 = arith.constant 0 : i32
    %dma_wait3A_201 = tpu.memref_slice %arg2[%add3A_196, %dma_wait3A_200] : memref<28928x128xf32, #tpu.memory_space<hbm>> -> memref<128x128xf32, #tpu.memory_space<hbm>>
    %dma_wait3A_202 = arith.constant 0 : i32
    %dma_wait3A_203 = arith.constant 0 : i32
    %dma_wait3A_204 = tpu.memref_slice %arg9[%dma_wait3A_202, %dma_wait3A_203] : memref<128x128xf32, #tpu.memory_space<vmem>> -> memref<128x128xf32, #tpu.memory_space<vmem>>
    %dma_wait3A_205 = arith.constant 0 : i32
    %dma_wait3A_206 = tpu.memref_slice %arg2[%add3A_196, %dma_wait3A_205] : memref<28928x128xf32, #tpu.memory_space<hbm>> -> memref<128x128xf32, #tpu.memory_space<hbm>>
    tpu.wait_dma2 semaphore(%arg23 : memref<!tpu.dma_semaphore, #tpu.memory_space<semaphore_mem>>) src(%dma_wait3A_206 : memref<128x128xf32, #tpu.memory_space<hbm>>) dst(%dma_wait3A_204 : memref<128x128xf32, #tpu.memory_space<vmem>>)
    %parallel_loop3A_207 = arith.constant 0 : i32
    %parallel_loop3A_208 = arith.constant 1024 : i32
    %parallel_loop3A_209 = arith.constant 1 : i32
    scf.for %parallel_loop3A_1943 = %parallel_loop3A_207 to %parallel_loop3A_208 step %parallel_loop3A_209  : i32 {
      %parallel_loop3A_1944 = arith.constant 3 : i32
      %parallel_loop3A_1945 = arith.shrsi %parallel_loop3A_1943, %parallel_loop3A_1944 : i32
      %parallel_loop3A_1946 = arith.constant 7 : i32
      %parallel_loop3A_1947 = arith.andi %parallel_loop3A_1943, %parallel_loop3A_1946 : i32
      %parallel_loop3A_1948 = arith.constant 16 : i32
      %parallel_loop3A_1949 = arith.muli %parallel_loop3A_1947, %parallel_loop3A_1948 : i32
      %parallel_loop3A_1950 = arith.index_cast %parallel_loop3A_1945 : i32 to index
      %parallel_loop3A_1951 = arith.index_cast %parallel_loop3A_1949 : i32 to index
      %parallel_loop3A_1952 = tpu.vector_load %arg9[%parallel_loop3A_1950, %parallel_loop3A_1951] {strides = array<i32>} : memref<128x128xf32, #tpu.memory_space<vmem>>, vector<16xf32>,
      %parallel_loop3A_1953 = vector.bitcast %parallel_loop3A_1952 : vector<16xf32> to vector<16xi32>
      %parallel_loop3A_1954 = arith.constant 20 : i32
      %parallel_loop3A_1955 = vector.broadcast %parallel_loop3A_1954 : i32 to vector<16xi32>
      %parallel_loop3A_1956 = arith.shrui %parallel_loop3A_1953, %parallel_loop3A_1955 : vector<16xi32>
      %parallel_loop3A_1957 = arith.constant 16 : i32
      %parallel_loop3A_1958 = vector.broadcast %parallel_loop3A_1957 : i32 to vector<16xi32>
      %parallel_loop3A_1959 = arith.muli %parallel_loop3A_1956, %parallel_loop3A_1958 : vector<16xi32>
      %parallel_loop3A_1960 = arith.addi %parallel_loop3A_1959, %iota3A : vector<16xi32>
      tpu.vector_store_idx %arg10[%parallel_loop3A_1960], %broadcast_in_dim3A_1 {add = true} : memref<32768xi32, #tpu.memory_space<vmem>>[vector<16xi32>], vector<16xi32>,
    } {sc.loop_unroll_factor = 4 : i64, sc.parallel_access}
    %mul3A_210 = arith.constant 904 : i32
    %mul3A_211 = arith.muli %add3A, %mul3A_210 : i32
    %add3A_212 = arith.constant 896 : i32
    %add3A_213 = arith.addi %mul3A_211, %add3A_212 : i32
    %dma_start3A_214 = arith.constant 0 : i32
    %dma_start3A_215 = arith.constant 0 : i32
    %dma_start3A_216 = tpu.memref_slice %arg9[%dma_start3A_214, %dma_start3A_215] : memref<128x128xf32, #tpu.memory_space<vmem>> -> memref<8x128xf32, #tpu.memory_space<vmem>>
    %dma_start3A_217 = arith.constant 0 : i32
    %dma_start3A_218 = tpu.memref_slice %arg2[%add3A_213, %dma_start3A_217] : memref<28928x128xf32, #tpu.memory_space<hbm>> -> memref<8x128xf32, #tpu.memory_space<hbm>>
    %dma_start3A_219 = arith.constant 0 : i32
    %dma_start3A_220 = arith.constant 0 : i32
    %dma_start3A_221 = tpu.memref_slice %arg9[%dma_start3A_219, %dma_start3A_220] : memref<128x128xf32, #tpu.memory_space<vmem>> -> memref<8x128xf32, #tpu.memory_space<vmem>>
    %dma_start3A_222 = arith.constant 0 : i32
    %dma_start3A_223 = tpu.memref_slice %arg2[%add3A_213, %dma_start3A_222] : memref<28928x128xf32, #tpu.memory_space<hbm>> -> memref<8x128xf32, #tpu.memory_space<hbm>>
    tpu.enqueue_dma source(%dma_start3A_223 : memref<8x128xf32, #tpu.memory_space<hbm>>) target(%dma_start3A_221 : memref<8x128xf32, #tpu.memory_space<vmem>>) target_semaphore(%arg23 : memref<!tpu.dma_semaphore, #tpu.memory_space<semaphore_mem>>)
    %mul3A_224 = arith.constant 904 : i32
    %mul3A_225 = arith.muli %add3A, %mul3A_224 : i32
    %add3A_226 = arith.constant 768 : i32
    %add3A_227 = arith.addi %mul3A_225, %add3A_226 : i32
    %dma_wait3A_228 = arith.constant 0 : i32
    %dma_wait3A_229 = arith.constant 0 : i32
    %dma_wait3A_230 = tpu.memref_slice %arg8[%dma_wait3A_228, %dma_wait3A_229] : memref<128x128xf32, #tpu.memory_space<vmem>> -> memref<128x128xf32, #tpu.memory_space<vmem>>
    %dma_wait3A_231 = arith.constant 0 : i32
    %dma_wait3A_232 = tpu.memref_slice %arg2[%add3A_227, %dma_wait3A_231] : memref<28928x128xf32, #tpu.memory_space<hbm>> -> memref<128x128xf32, #tpu.memory_space<hbm>>
    %dma_wait3A_233 = arith.constant 0 : i32
    %dma_wait3A_234 = arith.constant 0 : i32
    %dma_wait3A_235 = tpu.memref_slice %arg8[%dma_wait3A_233, %dma_wait3A_234] : memref<128x128xf32, #tpu.memory_space<vmem>> -> memref<128x128xf32, #tpu.memory_space<vmem>>
    %dma_wait3A_236 = arith.constant 0 : i32
    %dma_wait3A_237 = tpu.memref_slice %arg2[%add3A_227, %dma_wait3A_236] : memref<28928x128xf32, #tpu.memory_space<hbm>> -> memref<128x128xf32, #tpu.memory_space<hbm>>
    tpu.wait_dma2 semaphore(%arg22 : memref<!tpu.dma_semaphore, #tpu.memory_space<semaphore_mem>>) src(%dma_wait3A_237 : memref<128x128xf32, #tpu.memory_space<hbm>>) dst(%dma_wait3A_235 : memref<128x128xf32, #tpu.memory_space<vmem>>)
    %parallel_loop3A_238 = arith.constant 0 : i32
    %parallel_loop3A_239 = arith.constant 1024 : i32
    %parallel_loop3A_240 = arith.constant 1 : i32
    scf.for %parallel_loop3A_1943 = %parallel_loop3A_238 to %parallel_loop3A_239 step %parallel_loop3A_240  : i32 {
      %parallel_loop3A_1944 = arith.constant 3 : i32
      %parallel_loop3A_1945 = arith.shrsi %parallel_loop3A_1943, %parallel_loop3A_1944 : i32
      %parallel_loop3A_1946 = arith.constant 7 : i32
      %parallel_loop3A_1947 = arith.andi %parallel_loop3A_1943, %parallel_loop3A_1946 : i32
      %parallel_loop3A_1948 = arith.constant 16 : i32
      %parallel_loop3A_1949 = arith.muli %parallel_loop3A_1947, %parallel_loop3A_1948 : i32
      %parallel_loop3A_1950 = arith.index_cast %parallel_loop3A_1945 : i32 to index
      %parallel_loop3A_1951 = arith.index_cast %parallel_loop3A_1949 : i32 to index
      %parallel_loop3A_1952 = tpu.vector_load %arg8[%parallel_loop3A_1950, %parallel_loop3A_1951] {strides = array<i32>} : memref<128x128xf32, #tpu.memory_space<vmem>>, vector<16xf32>,
      %parallel_loop3A_1953 = vector.bitcast %parallel_loop3A_1952 : vector<16xf32> to vector<16xi32>
      %parallel_loop3A_1954 = arith.constant 20 : i32
      %parallel_loop3A_1955 = vector.broadcast %parallel_loop3A_1954 : i32 to vector<16xi32>
      %parallel_loop3A_1956 = arith.shrui %parallel_loop3A_1953, %parallel_loop3A_1955 : vector<16xi32>
      %parallel_loop3A_1957 = arith.constant 16 : i32
      %parallel_loop3A_1958 = vector.broadcast %parallel_loop3A_1957 : i32 to vector<16xi32>
      %parallel_loop3A_1959 = arith.muli %parallel_loop3A_1956, %parallel_loop3A_1958 : vector<16xi32>
      %parallel_loop3A_1960 = arith.addi %parallel_loop3A_1959, %iota3A : vector<16xi32>
      tpu.vector_store_idx %arg10[%parallel_loop3A_1960], %broadcast_in_dim3A_1 {add = true} : memref<32768xi32, #tpu.memory_space<vmem>>[vector<16xi32>], vector<16xi32>,
    } {sc.loop_unroll_factor = 4 : i64, sc.parallel_access}
    %mul3A_241 = arith.constant 904 : i32
    %mul3A_242 = arith.muli %add3A, %mul3A_241 : i32
    %add3A_243 = arith.constant 896 : i32
    %add3A_244 = arith.addi %mul3A_242, %add3A_243 : i32
    %dma_wait3A_245 = arith.constant 0 : i32
    %dma_wait3A_246 = arith.constant 0 : i32
    %dma_wait3A_247 = tpu.memref_slice %arg9[%dma_wait3A_245, %dma_wait3A_246] : memref<128x128xf32, #tpu.memory_space<vmem>> -> memref<8x128xf32, #tpu.memory_space<vmem>>
    %dma_wait3A_248 = arith.constant 0 : i32
    %dma_wait3A_249 = tpu.memref_slice %arg2[%add3A_244, %dma_wait3A_248] : memref<28928x128xf32, #tpu.memory_space<hbm>> -> memref<8x128xf32, #tpu.memory_space<hbm>>
    %dma_wait3A_250 = arith.constant 0 : i32
    %dma_wait3A_251 = arith.constant 0 : i32
    %dma_wait3A_252 = tpu.memref_slice %arg9[%dma_wait3A_250, %dma_wait3A_251] : memref<128x128xf32, #tpu.memory_space<vmem>> -> memref<8x128xf32, #tpu.memory_space<vmem>>
    %dma_wait3A_253 = arith.constant 0 : i32
    %dma_wait3A_254 = tpu.memref_slice %arg2[%add3A_244, %dma_wait3A_253] : memref<28928x128xf32, #tpu.memory_space<hbm>> -> memref<8x128xf32, #tpu.memory_space<hbm>>
    tpu.wait_dma2 semaphore(%arg23 : memref<!tpu.dma_semaphore, #tpu.memory_space<semaphore_mem>>) src(%dma_wait3A_254 : memref<8x128xf32, #tpu.memory_space<hbm>>) dst(%dma_wait3A_252 : memref<8x128xf32, #tpu.memory_space<vmem>>)
    %parallel_loop3A_255 = arith.constant 0 : i32
    %parallel_loop3A_256 = arith.constant 64 : i32
    %parallel_loop3A_257 = arith.constant 1 : i32
    scf.for %parallel_loop3A_1943 = %parallel_loop3A_255 to %parallel_loop3A_256 step %parallel_loop3A_257  : i32 {
      %parallel_loop3A_1944 = arith.constant 3 : i32
      %parallel_loop3A_1945 = arith.shrsi %parallel_loop3A_1943, %parallel_loop3A_1944 : i32
      %parallel_loop3A_1946 = arith.constant 7 : i32
      %parallel_loop3A_1947 = arith.andi %parallel_loop3A_1943, %parallel_loop3A_1946 : i32
      %parallel_loop3A_1948 = arith.constant 16 : i32
      %parallel_loop3A_1949 = arith.muli %parallel_loop3A_1947, %parallel_loop3A_1948 : i32
      %parallel_loop3A_1950 = arith.index_cast %parallel_loop3A_1945 : i32 to index
      %parallel_loop3A_1951 = arith.index_cast %parallel_loop3A_1949 : i32 to index
      %parallel_loop3A_1952 = tpu.vector_load %arg9[%parallel_loop3A_1950, %parallel_loop3A_1951] {strides = array<i32>} : memref<128x128xf32, #tpu.memory_space<vmem>>, vector<16xf32>,
      %parallel_loop3A_1953 = vector.bitcast %parallel_loop3A_1952 : vector<16xf32> to vector<16xi32>
      %parallel_loop3A_1954 = arith.constant 20 : i32
      %parallel_loop3A_1955 = vector.broadcast %parallel_loop3A_1954 : i32 to vector<16xi32>
      %parallel_loop3A_1956 = arith.shrui %parallel_loop3A_1953, %parallel_loop3A_1955 : vector<16xi32>
      %parallel_loop3A_1957 = arith.constant 16 : i32
      %parallel_loop3A_1958 = vector.broadcast %parallel_loop3A_1957 : i32 to vector<16xi32>
      %parallel_loop3A_1959 = arith.muli %parallel_loop3A_1956, %parallel_loop3A_1958 : vector<16xi32>
      %parallel_loop3A_1960 = arith.addi %parallel_loop3A_1959, %iota3A : vector<16xi32>
      tpu.vector_store_idx %arg10[%parallel_loop3A_1960], %broadcast_in_dim3A_1 {add = true} : memref<32768xi32, #tpu.memory_space<vmem>>[vector<16xi32>], vector<16xi32>,
    } {sc.loop_unroll_factor = 4 : i64, sc.parallel_access}
    %while3A = arith.constant 2047 : i32
    %while3A_258 = arith.constant 0 : i32
    %while3A_259:2 = scf.while (%while3A_1943 = %while3A, %while3A_1944 = %while3A_258) : (i32, i32) -> (i32, i32) {
      %mul3A_1945 = arith.constant 16 : i32
      %mul3A_1946 = arith.muli %while3A_1943, %mul3A_1945 : i32
      %get3A_1947 = arith.index_cast %mul3A_1946 : i32 to index
      %get3A_1948 = tpu.vector_load %arg10[%get3A_1947] {strides = array<i32>} : memref<32768xi32, #tpu.memory_space<vmem>>, vector<16xi32>,
      %reduce_sum3A = arith.constant true
      %reduce_sum3A_1949 = vector.broadcast %reduce_sum3A : i1 to vector<16xi1>
      %reduce_sum3A_1950 = tpu.scan <sum>, %get3A_1948 masked %reduce_sum3A_1949 : vector<16xi32>, vector<16xi1> -> vector<16xi32>
      %reduce_sum3A_1951 = vector.extract %reduce_sum3A_1950[15] : i32 from vector<16xi32>
      %add3A_1952 = arith.addi %while3A_1944, %reduce_sum3A_1951 : i32
      %lt3A = arith.constant 300 : i32
      %lt3A_1953 = arith.cmpi slt, %add3A_1952, %lt3A : i32
      %gt3A = arith.constant 0 : i32
      %gt3A_1954 = arith.cmpi sgt, %while3A_1943, %gt3A : i32
      %and3A_1955 = arith.andi %lt3A_1953, %gt3A_1954 : i1
      scf.condition(%and3A_1955) %while3A_1943, %while3A_1944 : i32, i32
    } do {
    ^bb0(%while3A_1943: i32, %while3A_1944: i32):
      %sub3A_1945 = arith.constant 1 : i32
      %sub3A_1946 = arith.subi %while3A_1943, %sub3A_1945 : i32
      %mul3A_1947 = arith.constant 16 : i32
      %mul3A_1948 = arith.muli %while3A_1943, %mul3A_1947 : i32
      %get3A_1949 = arith.index_cast %mul3A_1948 : i32 to index
      %get3A_1950 = tpu.vector_load %arg10[%get3A_1949] {strides = array<i32>} : memref<32768xi32, #tpu.memory_space<vmem>>, vector<16xi32>,
      %reduce_sum3A = arith.constant true
      %reduce_sum3A_1951 = vector.broadcast %reduce_sum3A : i1 to vector<16xi1>
      %reduce_sum3A_1952 = tpu.scan <sum>, %get3A_1950 masked %reduce_sum3A_1951 : vector<16xi32>, vector<16xi1> -> vector<16xi32>
      %reduce_sum3A_1953 = vector.extract %reduce_sum3A_1952[15] : i32 from vector<16xi32>
      %add3A_1954 = arith.addi %while3A_1944, %reduce_sum3A_1953 : i32
      scf.yield %sub3A_1946, %add3A_1954 : i32, i32
    }
    %shift_left3A = arith.constant 20 : i32
    %shift_left3A_260 = arith.shli %while3A_259#0, %shift_left3A : i32
    %bitcast_convert_type3A = arith.bitcast %shift_left3A_260 : i32 to f32
    %broadcast_in_dim3A_261 = vector.broadcast %bitcast_convert_type3A : f32 to vector<16xf32>
    %mul3A_262 = arith.constant 904 : i32
    %mul3A_263 = arith.muli %add3A, %mul3A_262 : i32
    %add3A_264 = arith.constant 0 : i32
    %add3A_265 = arith.addi %mul3A_263, %add3A_264 : i32
    %dma_start3A_266 = arith.constant 0 : i32
    %dma_start3A_267 = arith.constant 0 : i32
    %dma_start3A_268 = tpu.memref_slice %arg8[%dma_start3A_266, %dma_start3A_267] : memref<128x128xf32, #tpu.memory_space<vmem>> -> memref<128x128xf32, #tpu.memory_space<vmem>>
    %dma_start3A_269 = arith.constant 0 : i32
    %dma_start3A_270 = tpu.memref_slice %arg2[%add3A_265, %dma_start3A_269] : memref<28928x128xf32, #tpu.memory_space<hbm>> -> memref<128x128xf32, #tpu.memory_space<hbm>>
    %dma_start3A_271 = arith.constant 0 : i32
    %dma_start3A_272 = arith.constant 0 : i32
    %dma_start3A_273 = tpu.memref_slice %arg8[%dma_start3A_271, %dma_start3A_272] : memref<128x128xf32, #tpu.memory_space<vmem>> -> memref<128x128xf32, #tpu.memory_space<vmem>>
    %dma_start3A_274 = arith.constant 0 : i32
    %dma_start3A_275 = tpu.memref_slice %arg2[%add3A_265, %dma_start3A_274] : memref<28928x128xf32, #tpu.memory_space<hbm>> -> memref<128x128xf32, #tpu.memory_space<hbm>>
    tpu.enqueue_dma source(%dma_start3A_275 : memref<128x128xf32, #tpu.memory_space<hbm>>) target(%dma_start3A_273 : memref<128x128xf32, #tpu.memory_space<vmem>>) target_semaphore(%arg22 : memref<!tpu.dma_semaphore, #tpu.memory_space<semaphore_mem>>)
    %mul3A_276 = arith.constant 904 : i32
    %mul3A_277 = arith.muli %add3A, %mul3A_276 : i32
    %add3A_278 = arith.constant 128 : i32
    %add3A_279 = arith.addi %mul3A_277, %add3A_278 : i32
    %dma_start3A_280 = arith.constant 0 : i32
    %dma_start3A_281 = arith.constant 0 : i32
    %dma_start3A_282 = tpu.memref_slice %arg9[%dma_start3A_280, %dma_start3A_281] : memref<128x128xf32, #tpu.memory_space<vmem>> -> memref<128x128xf32, #tpu.memory_space<vmem>>
    %dma_start3A_283 = arith.constant 0 : i32
    %dma_start3A_284 = tpu.memref_slice %arg2[%add3A_279, %dma_start3A_283] : memref<28928x128xf32, #tpu.memory_space<hbm>> -> memref<128x128xf32, #tpu.memory_space<hbm>>
    %dma_start3A_285 = arith.constant 0 : i32
    %dma_start3A_286 = arith.constant 0 : i32
    %dma_start3A_287 = tpu.memref_slice %arg9[%dma_start3A_285, %dma_start3A_286] : memref<128x128xf32, #tpu.memory_space<vmem>> -> memref<128x128xf32, #tpu.memory_space<vmem>>
    %dma_start3A_288 = arith.constant 0 : i32
    %dma_start3A_289 = tpu.memref_slice %arg2[%add3A_279, %dma_start3A_288] : memref<28928x128xf32, #tpu.memory_space<hbm>> -> memref<128x128xf32, #tpu.memory_space<hbm>>
    tpu.enqueue_dma source(%dma_start3A_289 : memref<128x128xf32, #tpu.memory_space<hbm>>) target(%dma_start3A_287 : memref<128x128xf32, #tpu.memory_space<vmem>>) target_semaphore(%arg23 : memref<!tpu.dma_semaphore, #tpu.memory_space<semaphore_mem>>)
    %mul3A_290 = arith.constant 904 : i32
    %mul3A_291 = arith.muli %add3A, %mul3A_290 : i32
    %add3A_292 = arith.constant 0 : i32
    %add3A_293 = arith.addi %mul3A_291, %add3A_292 : i32
    %dma_wait3A_294 = arith.constant 0 : i32
    %dma_wait3A_295 = arith.constant 0 : i32
    %dma_wait3A_296 = tpu.memref_slice %arg8[%dma_wait3A_294, %dma_wait3A_295] : memref<128x128xf32, #tpu.memory_space<vmem>> -> memref<128x128xf32, #tpu.memory_space<vmem>>
    %dma_wait3A_297 = arith.constant 0 : i32
    %dma_wait3A_298 = tpu.memref_slice %arg2[%add3A_293, %dma_wait3A_297] : memref<28928x128xf32, #tpu.memory_space<hbm>> -> memref<128x128xf32, #tpu.memory_space<hbm>>
    %dma_wait3A_299 = arith.constant 0 : i32
    %dma_wait3A_300 = arith.constant 0 : i32
    %dma_wait3A_301 = tpu.memref_slice %arg8[%dma_wait3A_299, %dma_wait3A_300] : memref<128x128xf32, #tpu.memory_space<vmem>> -> memref<128x128xf32, #tpu.memory_space<vmem>>
    %dma_wait3A_302 = arith.constant 0 : i32
    %dma_wait3A_303 = tpu.memref_slice %arg2[%add3A_293, %dma_wait3A_302] : memref<28928x128xf32, #tpu.memory_space<hbm>> -> memref<128x128xf32, #tpu.memory_space<hbm>>
    tpu.wait_dma2 semaphore(%arg22 : memref<!tpu.dma_semaphore, #tpu.memory_space<semaphore_mem>>) src(%dma_wait3A_303 : memref<128x128xf32, #tpu.memory_space<hbm>>) dst(%dma_wait3A_301 : memref<128x128xf32, #tpu.memory_space<vmem>>)
    %parallel_loop3A_304 = arith.constant 0 : i32
    %parallel_loop3A_305 = arith.constant 1024 : i32
    %parallel_loop3A_306 = arith.constant 1 : i32
    %parallel_loop3A_307 = scf.for %parallel_loop3A_1943 = %parallel_loop3A_304 to %parallel_loop3A_305 step %parallel_loop3A_306 iter_args(%parallel_loop3A_1944 = %broadcast_in_dim3A_3) -> (vector<16xi32>)  : i32 {
      %parallel_loop3A_1945 = arith.constant 3 : i32
      %parallel_loop3A_1946 = arith.shrsi %parallel_loop3A_1943, %parallel_loop3A_1945 : i32
      %parallel_loop3A_1947 = arith.constant 7 : i32
      %parallel_loop3A_1948 = arith.andi %parallel_loop3A_1943, %parallel_loop3A_1947 : i32
      %parallel_loop3A_1949 = arith.constant 16 : i32
      %parallel_loop3A_1950 = arith.muli %parallel_loop3A_1948, %parallel_loop3A_1949 : i32
      %parallel_loop3A_1951 = arith.index_cast %parallel_loop3A_1946 : i32 to index
      %parallel_loop3A_1952 = arith.index_cast %parallel_loop3A_1950 : i32 to index
      %parallel_loop3A_1953 = tpu.vector_load %arg8[%parallel_loop3A_1951, %parallel_loop3A_1952] {strides = array<i32>} : memref<128x128xf32, #tpu.memory_space<vmem>>, vector<16xf32>,
      %parallel_loop3A_1954 = arith.cmpf oge, %parallel_loop3A_1953, %broadcast_in_dim3A_261 : vector<16xf32>
      %parallel_loop3A_1955 = arith.constant 1 : i32
      %parallel_loop3A_1956 = arith.constant 0 : i32
      %parallel_loop3A_1957 = vector.broadcast %parallel_loop3A_1955 : i32 to vector<16xi32>
      %parallel_loop3A_1958 = vector.broadcast %parallel_loop3A_1956 : i32 to vector<16xi32>
      %parallel_loop3A_1959 = arith.select %parallel_loop3A_1954, %parallel_loop3A_1957, %parallel_loop3A_1958 : vector<16xi1>, vector<16xi32>
      %parallel_loop3A_1960 = arith.constant true
      %parallel_loop3A_1961 = vector.broadcast %parallel_loop3A_1960 : i1 to vector<16xi1>
      %parallel_loop3A_1962 = tpu.scan <sum>, %parallel_loop3A_1959 masked %parallel_loop3A_1961 : vector<16xi32>, vector<16xi1> -> vector<16xi32>
      %parallel_loop3A_1963 = arith.addi %parallel_loop3A_1944, %parallel_loop3A_1962 : vector<16xi32>
      %parallel_loop3A_1964 = arith.constant 1 : i32
      %parallel_loop3A_1965 = vector.broadcast %parallel_loop3A_1964 : i32 to vector<16xi32>
      %parallel_loop3A_1966 = arith.subi %parallel_loop3A_1963, %parallel_loop3A_1965 : vector<16xi32>
      %parallel_loop3A_1967 = arith.constant 2047 : i32
      %parallel_loop3A_1968 = vector.broadcast %parallel_loop3A_1967 : i32 to vector<16xi32>
      %parallel_loop3A_1969 = arith.minsi %parallel_loop3A_1966, %parallel_loop3A_1968 : vector<16xi32>
      %parallel_loop3A_1970 = arith.constant 16 : i32
      %parallel_loop3A_1971 = arith.muli %parallel_loop3A_1943, %parallel_loop3A_1970 : i32
      %parallel_loop3A_1972 = arith.constant 0 : i32
      %parallel_loop3A_1973 = arith.addi %parallel_loop3A_1972, %parallel_loop3A_1971 : i32
      %parallel_loop3A_1974 = vector.broadcast %parallel_loop3A_1973 : i32 to vector<16xi32>
      %parallel_loop3A_1975 = arith.addi %parallel_loop3A_1974, %iota3A : vector<16xi32>
      tpu.vector_store_idx %arg12[%parallel_loop3A_1969], %parallel_loop3A_1953 masked %parallel_loop3A_1954 : memref<2048xf32, #tpu.memory_space<vmem>>[vector<16xi32>], vector<16xf32>, vector<16xi1>
      tpu.vector_store_idx %arg13[%parallel_loop3A_1969], %parallel_loop3A_1975 masked %parallel_loop3A_1954 : memref<2048xi32, #tpu.memory_space<vmem>>[vector<16xi32>], vector<16xi32>, vector<16xi1>
      %parallel_loop3A_1976 = tpu.all_reduce %parallel_loop3A_1954 {dim = 0 : i64, kind = #tpu.reduction_kind<sum>} : vector<16xi1> -> vector<16xi32>
      %parallel_loop3A_1977 = arith.addi %parallel_loop3A_1944, %parallel_loop3A_1976 : vector<16xi32>
      scf.yield %parallel_loop3A_1977 : vector<16xi32>
    } {sc.loop_unroll_factor = 4 : i64, sc.parallel_access}
    %mul3A_308 = arith.constant 904 : i32
    %mul3A_309 = arith.muli %add3A, %mul3A_308 : i32
    %add3A_310 = arith.constant 256 : i32
    %add3A_311 = arith.addi %mul3A_309, %add3A_310 : i32
    %dma_start3A_312 = arith.constant 0 : i32
    %dma_start3A_313 = arith.constant 0 : i32
    %dma_start3A_314 = tpu.memref_slice %arg8[%dma_start3A_312, %dma_start3A_313] : memref<128x128xf32, #tpu.memory_space<vmem>> -> memref<128x128xf32, #tpu.memory_space<vmem>>
    %dma_start3A_315 = arith.constant 0 : i32
    %dma_start3A_316 = tpu.memref_slice %arg2[%add3A_311, %dma_start3A_315] : memref<28928x128xf32, #tpu.memory_space<hbm>> -> memref<128x128xf32, #tpu.memory_space<hbm>>
    %dma_start3A_317 = arith.constant 0 : i32
    %dma_start3A_318 = arith.constant 0 : i32
    %dma_start3A_319 = tpu.memref_slice %arg8[%dma_start3A_317, %dma_start3A_318] : memref<128x128xf32, #tpu.memory_space<vmem>> -> memref<128x128xf32, #tpu.memory_space<vmem>>
    %dma_start3A_320 = arith.constant 0 : i32
    %dma_start3A_321 = tpu.memref_slice %arg2[%add3A_311, %dma_start3A_320] : memref<28928x128xf32, #tpu.memory_space<hbm>> -> memref<128x128xf32, #tpu.memory_space<hbm>>
    tpu.enqueue_dma source(%dma_start3A_321 : memref<128x128xf32, #tpu.memory_space<hbm>>) target(%dma_start3A_319 : memref<128x128xf32, #tpu.memory_space<vmem>>) target_semaphore(%arg22 : memref<!tpu.dma_semaphore, #tpu.memory_space<semaphore_mem>>)
    %mul3A_322 = arith.constant 904 : i32
    %mul3A_323 = arith.muli %add3A, %mul3A_322 : i32
    %add3A_324 = arith.constant 128 : i32
    %add3A_325 = arith.addi %mul3A_323, %add3A_324 : i32
    %dma_wait3A_326 = arith.constant 0 : i32
    %dma_wait3A_327 = arith.constant 0 : i32
    %dma_wait3A_328 = tpu.memref_slice %arg9[%dma_wait3A_326, %dma_wait3A_327] : memref<128x128xf32, #tpu.memory_space<vmem>> -> memref<128x128xf32, #tpu.memory_space<vmem>>
    %dma_wait3A_329 = arith.constant 0 : i32
    %dma_wait3A_330 = tpu.memref_slice %arg2[%add3A_325, %dma_wait3A_329] : memref<28928x128xf32, #tpu.memory_space<hbm>> -> memref<128x128xf32, #tpu.memory_space<hbm>>
    %dma_wait3A_331 = arith.constant 0 : i32
    %dma_wait3A_332 = arith.constant 0 : i32
    %dma_wait3A_333 = tpu.memref_slice %arg9[%dma_wait3A_331, %dma_wait3A_332] : memref<128x128xf32, #tpu.memory_space<vmem>> -> memref<128x128xf32, #tpu.memory_space<vmem>>
    %dma_wait3A_334 = arith.constant 0 : i32
    %dma_wait3A_335 = tpu.memref_slice %arg2[%add3A_325, %dma_wait3A_334] : memref<28928x128xf32, #tpu.memory_space<hbm>> -> memref<128x128xf32, #tpu.memory_space<hbm>>
    tpu.wait_dma2 semaphore(%arg23 : memref<!tpu.dma_semaphore, #tpu.memory_space<semaphore_mem>>) src(%dma_wait3A_335 : memref<128x128xf32, #tpu.memory_space<hbm>>) dst(%dma_wait3A_333 : memref<128x128xf32, #tpu.memory_space<vmem>>)
    %parallel_loop3A_336 = arith.constant 0 : i32
    %parallel_loop3A_337 = arith.constant 1024 : i32
    %parallel_loop3A_338 = arith.constant 1 : i32
    %parallel_loop3A_339 = scf.for %parallel_loop3A_1943 = %parallel_loop3A_336 to %parallel_loop3A_337 step %parallel_loop3A_338 iter_args(%parallel_loop3A_1944 = %parallel_loop3A_307) -> (vector<16xi32>)  : i32 {
      %parallel_loop3A_1945 = arith.constant 3 : i32
      %parallel_loop3A_1946 = arith.shrsi %parallel_loop3A_1943, %parallel_loop3A_1945 : i32
      %parallel_loop3A_1947 = arith.constant 7 : i32
      %parallel_loop3A_1948 = arith.andi %parallel_loop3A_1943, %parallel_loop3A_1947 : i32
      %parallel_loop3A_1949 = arith.constant 16 : i32
      %parallel_loop3A_1950 = arith.muli %parallel_loop3A_1948, %parallel_loop3A_1949 : i32
      %parallel_loop3A_1951 = arith.index_cast %parallel_loop3A_1946 : i32 to index
      %parallel_loop3A_1952 = arith.index_cast %parallel_loop3A_1950 : i32 to index
      %parallel_loop3A_1953 = tpu.vector_load %arg9[%parallel_loop3A_1951, %parallel_loop3A_1952] {strides = array<i32>} : memref<128x128xf32, #tpu.memory_space<vmem>>, vector<16xf32>,
      %parallel_loop3A_1954 = arith.cmpf oge, %parallel_loop3A_1953, %broadcast_in_dim3A_261 : vector<16xf32>
      %parallel_loop3A_1955 = arith.constant 1 : i32
      %parallel_loop3A_1956 = arith.constant 0 : i32
      %parallel_loop3A_1957 = vector.broadcast %parallel_loop3A_1955 : i32 to vector<16xi32>
      %parallel_loop3A_1958 = vector.broadcast %parallel_loop3A_1956 : i32 to vector<16xi32>
      %parallel_loop3A_1959 = arith.select %parallel_loop3A_1954, %parallel_loop3A_1957, %parallel_loop3A_1958 : vector<16xi1>, vector<16xi32>
      %parallel_loop3A_1960 = arith.constant true
      %parallel_loop3A_1961 = vector.broadcast %parallel_loop3A_1960 : i1 to vector<16xi1>
      %parallel_loop3A_1962 = tpu.scan <sum>, %parallel_loop3A_1959 masked %parallel_loop3A_1961 : vector<16xi32>, vector<16xi1> -> vector<16xi32>
      %parallel_loop3A_1963 = arith.addi %parallel_loop3A_1944, %parallel_loop3A_1962 : vector<16xi32>
      %parallel_loop3A_1964 = arith.constant 1 : i32
      %parallel_loop3A_1965 = vector.broadcast %parallel_loop3A_1964 : i32 to vector<16xi32>
      %parallel_loop3A_1966 = arith.subi %parallel_loop3A_1963, %parallel_loop3A_1965 : vector<16xi32>
      %parallel_loop3A_1967 = arith.constant 2047 : i32
      %parallel_loop3A_1968 = vector.broadcast %parallel_loop3A_1967 : i32 to vector<16xi32>
      %parallel_loop3A_1969 = arith.minsi %parallel_loop3A_1966, %parallel_loop3A_1968 : vector<16xi32>
      %parallel_loop3A_1970 = arith.constant 16 : i32
      %parallel_loop3A_1971 = arith.muli %parallel_loop3A_1943, %parallel_loop3A_1970 : i32
      %parallel_loop3A_1972 = arith.constant 16384 : i32
      %parallel_loop3A_1973 = arith.addi %parallel_loop3A_1972, %parallel_loop3A_1971 : i32
      %parallel_loop3A_1974 = vector.broadcast %parallel_loop3A_1973 : i32 to vector<16xi32>
      %parallel_loop3A_1975 = arith.addi %parallel_loop3A_1974, %iota3A : vector<16xi32>
      tpu.vector_store_idx %arg12[%parallel_loop3A_1969], %parallel_loop3A_1953 masked %parallel_loop3A_1954 : memref<2048xf32, #tpu.memory_space<vmem>>[vector<16xi32>], vector<16xf32>, vector<16xi1>
      tpu.vector_store_idx %arg13[%parallel_loop3A_1969], %parallel_loop3A_1975 masked %parallel_loop3A_1954 : memref<2048xi32, #tpu.memory_space<vmem>>[vector<16xi32>], vector<16xi32>, vector<16xi1>
      %parallel_loop3A_1976 = tpu.all_reduce %parallel_loop3A_1954 {dim = 0 : i64, kind = #tpu.reduction_kind<sum>} : vector<16xi1> -> vector<16xi32>
      %parallel_loop3A_1977 = arith.addi %parallel_loop3A_1944, %parallel_loop3A_1976 : vector<16xi32>
      scf.yield %parallel_loop3A_1977 : vector<16xi32>
    } {sc.loop_unroll_factor = 4 : i64, sc.parallel_access}
    %mul3A_340 = arith.constant 904 : i32
    %mul3A_341 = arith.muli %add3A, %mul3A_340 : i32
    %add3A_342 = arith.constant 384 : i32
    %add3A_343 = arith.addi %mul3A_341, %add3A_342 : i32
    %dma_start3A_344 = arith.constant 0 : i32
    %dma_start3A_345 = arith.constant 0 : i32
    %dma_start3A_346 = tpu.memref_slice %arg9[%dma_start3A_344, %dma_start3A_345] : memref<128x128xf32, #tpu.memory_space<vmem>> -> memref<128x128xf32, #tpu.memory_space<vmem>>
    %dma_start3A_347 = arith.constant 0 : i32
    %dma_start3A_348 = tpu.memref_slice %arg2[%add3A_343, %dma_start3A_347] : memref<28928x128xf32, #tpu.memory_space<hbm>> -> memref<128x128xf32, #tpu.memory_space<hbm>>
    %dma_start3A_349 = arith.constant 0 : i32
    %dma_start3A_350 = arith.constant 0 : i32
    %dma_start3A_351 = tpu.memref_slice %arg9[%dma_start3A_349, %dma_start3A_350] : memref<128x128xf32, #tpu.memory_space<vmem>> -> memref<128x128xf32, #tpu.memory_space<vmem>>
    %dma_start3A_352 = arith.constant 0 : i32
    %dma_start3A_353 = tpu.memref_slice %arg2[%add3A_343, %dma_start3A_352] : memref<28928x128xf32, #tpu.memory_space<hbm>> -> memref<128x128xf32, #tpu.memory_space<hbm>>
    tpu.enqueue_dma source(%dma_start3A_353 : memref<128x128xf32, #tpu.memory_space<hbm>>) target(%dma_start3A_351 : memref<128x128xf32, #tpu.memory_space<vmem>>) target_semaphore(%arg23 : memref<!tpu.dma_semaphore, #tpu.memory_space<semaphore_mem>>)
    %mul3A_354 = arith.constant 904 : i32
    %mul3A_355 = arith.muli %add3A, %mul3A_354 : i32
    %add3A_356 = arith.constant 256 : i32
    %add3A_357 = arith.addi %mul3A_355, %add3A_356 : i32
    %dma_wait3A_358 = arith.constant 0 : i32
    %dma_wait3A_359 = arith.constant 0 : i32
    %dma_wait3A_360 = tpu.memref_slice %arg8[%dma_wait3A_358, %dma_wait3A_359] : memref<128x128xf32, #tpu.memory_space<vmem>> -> memref<128x128xf32, #tpu.memory_space<vmem>>
    %dma_wait3A_361 = arith.constant 0 : i32
    %dma_wait3A_362 = tpu.memref_slice %arg2[%add3A_357, %dma_wait3A_361] : memref<28928x128xf32, #tpu.memory_space<hbm>> -> memref<128x128xf32, #tpu.memory_space<hbm>>
    %dma_wait3A_363 = arith.constant 0 : i32
    %dma_wait3A_364 = arith.constant 0 : i32
    %dma_wait3A_365 = tpu.memref_slice %arg8[%dma_wait3A_363, %dma_wait3A_364] : memref<128x128xf32, #tpu.memory_space<vmem>> -> memref<128x128xf32, #tpu.memory_space<vmem>>
    %dma_wait3A_366 = arith.constant 0 : i32
    %dma_wait3A_367 = tpu.memref_slice %arg2[%add3A_357, %dma_wait3A_366] : memref<28928x128xf32, #tpu.memory_space<hbm>> -> memref<128x128xf32, #tpu.memory_space<hbm>>
    tpu.wait_dma2 semaphore(%arg22 : memref<!tpu.dma_semaphore, #tpu.memory_space<semaphore_mem>>) src(%dma_wait3A_367 : memref<128x128xf32, #tpu.memory_space<hbm>>) dst(%dma_wait3A_365 : memref<128x128xf32, #tpu.memory_space<vmem>>)
    %parallel_loop3A_368 = arith.constant 0 : i32
    %parallel_loop3A_369 = arith.constant 1024 : i32
    %parallel_loop3A_370 = arith.constant 1 : i32
    %parallel_loop3A_371 = scf.for %parallel_loop3A_1943 = %parallel_loop3A_368 to %parallel_loop3A_369 step %parallel_loop3A_370 iter_args(%parallel_loop3A_1944 = %parallel_loop3A_339) -> (vector<16xi32>)  : i32 {
      %parallel_loop3A_1945 = arith.constant 3 : i32
      %parallel_loop3A_1946 = arith.shrsi %parallel_loop3A_1943, %parallel_loop3A_1945 : i32
      %parallel_loop3A_1947 = arith.constant 7 : i32
      %parallel_loop3A_1948 = arith.andi %parallel_loop3A_1943, %parallel_loop3A_1947 : i32
      %parallel_loop3A_1949 = arith.constant 16 : i32
      %parallel_loop3A_1950 = arith.muli %parallel_loop3A_1948, %parallel_loop3A_1949 : i32
      %parallel_loop3A_1951 = arith.index_cast %parallel_loop3A_1946 : i32 to index
      %parallel_loop3A_1952 = arith.index_cast %parallel_loop3A_1950 : i32 to index
      %parallel_loop3A_1953 = tpu.vector_load %arg8[%parallel_loop3A_1951, %parallel_loop3A_1952] {strides = array<i32>} : memref<128x128xf32, #tpu.memory_space<vmem>>, vector<16xf32>,
      %parallel_loop3A_1954 = arith.cmpf oge, %parallel_loop3A_1953, %broadcast_in_dim3A_261 : vector<16xf32>
      %parallel_loop3A_1955 = arith.constant 1 : i32
      %parallel_loop3A_1956 = arith.constant 0 : i32
      %parallel_loop3A_1957 = vector.broadcast %parallel_loop3A_1955 : i32 to vector<16xi32>
      %parallel_loop3A_1958 = vector.broadcast %parallel_loop3A_1956 : i32 to vector<16xi32>
      %parallel_loop3A_1959 = arith.select %parallel_loop3A_1954, %parallel_loop3A_1957, %parallel_loop3A_1958 : vector<16xi1>, vector<16xi32>
      %parallel_loop3A_1960 = arith.constant true
      %parallel_loop3A_1961 = vector.broadcast %parallel_loop3A_1960 : i1 to vector<16xi1>
      %parallel_loop3A_1962 = tpu.scan <sum>, %parallel_loop3A_1959 masked %parallel_loop3A_1961 : vector<16xi32>, vector<16xi1> -> vector<16xi32>
      %parallel_loop3A_1963 = arith.addi %parallel_loop3A_1944, %parallel_loop3A_1962 : vector<16xi32>
      %parallel_loop3A_1964 = arith.constant 1 : i32
      %parallel_loop3A_1965 = vector.broadcast %parallel_loop3A_1964 : i32 to vector<16xi32>
      %parallel_loop3A_1966 = arith.subi %parallel_loop3A_1963, %parallel_loop3A_1965 : vector<16xi32>
      %parallel_loop3A_1967 = arith.constant 2047 : i32
      %parallel_loop3A_1968 = vector.broadcast %parallel_loop3A_1967 : i32 to vector<16xi32>
      %parallel_loop3A_1969 = arith.minsi %parallel_loop3A_1966, %parallel_loop3A_1968 : vector<16xi32>
      %parallel_loop3A_1970 = arith.constant 16 : i32
      %parallel_loop3A_1971 = arith.muli %parallel_loop3A_1943, %parallel_loop3A_1970 : i32
      %parallel_loop3A_1972 = arith.constant 32768 : i32
      %parallel_loop3A_1973 = arith.addi %parallel_loop3A_1972, %parallel_loop3A_1971 : i32
      %parallel_loop3A_1974 = vector.broadcast %parallel_loop3A_1973 : i32 to vector<16xi32>
      %parallel_loop3A_1975 = arith.addi %parallel_loop3A_1974, %iota3A : vector<16xi32>
      tpu.vector_store_idx %arg12[%parallel_loop3A_1969], %parallel_loop3A_1953 masked %parallel_loop3A_1954 : memref<2048xf32, #tpu.memory_space<vmem>>[vector<16xi32>], vector<16xf32>, vector<16xi1>
      tpu.vector_store_idx %arg13[%parallel_loop3A_1969], %parallel_loop3A_1975 masked %parallel_loop3A_1954 : memref<2048xi32, #tpu.memory_space<vmem>>[vector<16xi32>], vector<16xi32>, vector<16xi1>
      %parallel_loop3A_1976 = tpu.all_reduce %parallel_loop3A_1954 {dim = 0 : i64, kind = #tpu.reduction_kind<sum>} : vector<16xi1> -> vector<16xi32>
      %parallel_loop3A_1977 = arith.addi %parallel_loop3A_1944, %parallel_loop3A_1976 : vector<16xi32>
      scf.yield %parallel_loop3A_1977 : vector<16xi32>
    } {sc.loop_unroll_factor = 4 : i64, sc.parallel_access}
    %mul3A_372 = arith.constant 904 : i32
    %mul3A_373 = arith.muli %add3A, %mul3A_372 : i32
    %add3A_374 = arith.constant 512 : i32
    %add3A_375 = arith.addi %mul3A_373, %add3A_374 : i32
    %dma_start3A_376 = arith.constant 0 : i32
    %dma_start3A_377 = arith.constant 0 : i32
    %dma_start3A_378 = tpu.memref_slice %arg8[%dma_start3A_376, %dma_start3A_377] : memref<128x128xf32, #tpu.memory_space<vmem>> -> memref<128x128xf32, #tpu.memory_space<vmem>>
    %dma_start3A_379 = arith.constant 0 : i32
    %dma_start3A_380 = tpu.memref_slice %arg2[%add3A_375, %dma_start3A_379] : memref<28928x128xf32, #tpu.memory_space<hbm>> -> memref<128x128xf32, #tpu.memory_space<hbm>>
    %dma_start3A_381 = arith.constant 0 : i32
    %dma_start3A_382 = arith.constant 0 : i32
    %dma_start3A_383 = tpu.memref_slice %arg8[%dma_start3A_381, %dma_start3A_382] : memref<128x128xf32, #tpu.memory_space<vmem>> -> memref<128x128xf32, #tpu.memory_space<vmem>>
    %dma_start3A_384 = arith.constant 0 : i32
    %dma_start3A_385 = tpu.memref_slice %arg2[%add3A_375, %dma_start3A_384] : memref<28928x128xf32, #tpu.memory_space<hbm>> -> memref<128x128xf32, #tpu.memory_space<hbm>>
    tpu.enqueue_dma source(%dma_start3A_385 : memref<128x128xf32, #tpu.memory_space<hbm>>) target(%dma_start3A_383 : memref<128x128xf32, #tpu.memory_space<vmem>>) target_semaphore(%arg22 : memref<!tpu.dma_semaphore, #tpu.memory_space<semaphore_mem>>)
    %mul3A_386 = arith.constant 904 : i32
    %mul3A_387 = arith.muli %add3A, %mul3A_386 : i32
    %add3A_388 = arith.constant 384 : i32
    %add3A_389 = arith.addi %mul3A_387, %add3A_388 : i32
    %dma_wait3A_390 = arith.constant 0 : i32
    %dma_wait3A_391 = arith.constant 0 : i32
    %dma_wait3A_392 = tpu.memref_slice %arg9[%dma_wait3A_390, %dma_wait3A_391] : memref<128x128xf32, #tpu.memory_space<vmem>> -> memref<128x128xf32, #tpu.memory_space<vmem>>
    %dma_wait3A_393 = arith.constant 0 : i32
    %dma_wait3A_394 = tpu.memref_slice %arg2[%add3A_389, %dma_wait3A_393] : memref<28928x128xf32, #tpu.memory_space<hbm>> -> memref<128x128xf32, #tpu.memory_space<hbm>>
    %dma_wait3A_395 = arith.constant 0 : i32
    %dma_wait3A_396 = arith.constant 0 : i32
    %dma_wait3A_397 = tpu.memref_slice %arg9[%dma_wait3A_395, %dma_wait3A_396] : memref<128x128xf32, #tpu.memory_space<vmem>> -> memref<128x128xf32, #tpu.memory_space<vmem>>
    %dma_wait3A_398 = arith.constant 0 : i32
    %dma_wait3A_399 = tpu.memref_slice %arg2[%add3A_389, %dma_wait3A_398] : memref<28928x128xf32, #tpu.memory_space<hbm>> -> memref<128x128xf32, #tpu.memory_space<hbm>>
    tpu.wait_dma2 semaphore(%arg23 : memref<!tpu.dma_semaphore, #tpu.memory_space<semaphore_mem>>) src(%dma_wait3A_399 : memref<128x128xf32, #tpu.memory_space<hbm>>) dst(%dma_wait3A_397 : memref<128x128xf32, #tpu.memory_space<vmem>>)
    %parallel_loop3A_400 = arith.constant 0 : i32
    %parallel_loop3A_401 = arith.constant 1024 : i32
    %parallel_loop3A_402 = arith.constant 1 : i32
    %parallel_loop3A_403 = scf.for %parallel_loop3A_1943 = %parallel_loop3A_400 to %parallel_loop3A_401 step %parallel_loop3A_402 iter_args(%parallel_loop3A_1944 = %parallel_loop3A_371) -> (vector<16xi32>)  : i32 {
      %parallel_loop3A_1945 = arith.constant 3 : i32
      %parallel_loop3A_1946 = arith.shrsi %parallel_loop3A_1943, %parallel_loop3A_1945 : i32
      %parallel_loop3A_1947 = arith.constant 7 : i32
      %parallel_loop3A_1948 = arith.andi %parallel_loop3A_1943, %parallel_loop3A_1947 : i32
      %parallel_loop3A_1949 = arith.constant 16 : i32
      %parallel_loop3A_1950 = arith.muli %parallel_loop3A_1948, %parallel_loop3A_1949 : i32
      %parallel_loop3A_1951 = arith.index_cast %parallel_loop3A_1946 : i32 to index
      %parallel_loop3A_1952 = arith.index_cast %parallel_loop3A_1950 : i32 to index
      %parallel_loop3A_1953 = tpu.vector_load %arg9[%parallel_loop3A_1951, %parallel_loop3A_1952] {strides = array<i32>} : memref<128x128xf32, #tpu.memory_space<vmem>>, vector<16xf32>,
      %parallel_loop3A_1954 = arith.cmpf oge, %parallel_loop3A_1953, %broadcast_in_dim3A_261 : vector<16xf32>
      %parallel_loop3A_1955 = arith.constant 1 : i32
      %parallel_loop3A_1956 = arith.constant 0 : i32
      %parallel_loop3A_1957 = vector.broadcast %parallel_loop3A_1955 : i32 to vector<16xi32>
      %parallel_loop3A_1958 = vector.broadcast %parallel_loop3A_1956 : i32 to vector<16xi32>
      %parallel_loop3A_1959 = arith.select %parallel_loop3A_1954, %parallel_loop3A_1957, %parallel_loop3A_1958 : vector<16xi1>, vector<16xi32>
      %parallel_loop3A_1960 = arith.constant true
      %parallel_loop3A_1961 = vector.broadcast %parallel_loop3A_1960 : i1 to vector<16xi1>
      %parallel_loop3A_1962 = tpu.scan <sum>, %parallel_loop3A_1959 masked %parallel_loop3A_1961 : vector<16xi32>, vector<16xi1> -> vector<16xi32>
      %parallel_loop3A_1963 = arith.addi %parallel_loop3A_1944, %parallel_loop3A_1962 : vector<16xi32>
      %parallel_loop3A_1964 = arith.constant 1 : i32
      %parallel_loop3A_1965 = vector.broadcast %parallel_loop3A_1964 : i32 to vector<16xi32>
      %parallel_loop3A_1966 = arith.subi %parallel_loop3A_1963, %parallel_loop3A_1965 : vector<16xi32>
      %parallel_loop3A_1967 = arith.constant 2047 : i32
      %parallel_loop3A_1968 = vector.broadcast %parallel_loop3A_1967 : i32 to vector<16xi32>
      %parallel_loop3A_1969 = arith.minsi %parallel_loop3A_1966, %parallel_loop3A_1968 : vector<16xi32>
      %parallel_loop3A_1970 = arith.constant 16 : i32
      %parallel_loop3A_1971 = arith.muli %parallel_loop3A_1943, %parallel_loop3A_1970 : i32
      %parallel_loop3A_1972 = arith.constant 49152 : i32
      %parallel_loop3A_1973 = arith.addi %parallel_loop3A_1972, %parallel_loop3A_1971 : i32
      %parallel_loop3A_1974 = vector.broadcast %parallel_loop3A_1973 : i32 to vector<16xi32>
      %parallel_loop3A_1975 = arith.addi %parallel_loop3A_1974, %iota3A : vector<16xi32>
      tpu.vector_store_idx %arg12[%parallel_loop3A_1969], %parallel_loop3A_1953 masked %parallel_loop3A_1954 : memref<2048xf32, #tpu.memory_space<vmem>>[vector<16xi32>], vector<16xf32>, vector<16xi1>
      tpu.vector_store_idx %arg13[%parallel_loop3A_1969], %parallel_loop3A_1975 masked %parallel_loop3A_1954 : memref<2048xi32, #tpu.memory_space<vmem>>[vector<16xi32>], vector<16xi32>, vector<16xi1>
      %parallel_loop3A_1976 = tpu.all_reduce %parallel_loop3A_1954 {dim = 0 : i64, kind = #tpu.reduction_kind<sum>} : vector<16xi1> -> vector<16xi32>
      %parallel_loop3A_1977 = arith.addi %parallel_loop3A_1944, %parallel_loop3A_1976 : vector<16xi32>
      scf.yield %parallel_loop3A_1977 : vector<16xi32>
    } {sc.loop_unroll_factor = 4 : i64, sc.parallel_access}
    %mul3A_404 = arith.constant 904 : i32
    %mul3A_405 = arith.muli %add3A, %mul3A_404 : i32
    %add3A_406 = arith.constant 640 : i32
    %add3A_407 = arith.addi %mul3A_405, %add3A_406 : i32
    %dma_start3A_408 = arith.constant 0 : i32
    %dma_start3A_409 = arith.constant 0 : i32
    %dma_start3A_410 = tpu.memref_slice %arg9[%dma_start3A_408, %dma_start3A_409] : memref<128x128xf32, #tpu.memory_space<vmem>> -> memref<128x128xf32, #tpu.memory_space<vmem>>
    %dma_start3A_411 = arith.constant 0 : i32
    %dma_start3A_412 = tpu.memref_slice %arg2[%add3A_407, %dma_start3A_411] : memref<28928x128xf32, #tpu.memory_space<hbm>> -> memref<128x128xf32, #tpu.memory_space<hbm>>
    %dma_start3A_413 = arith.constant 0 : i32
    %dma_start3A_414 = arith.constant 0 : i32
    %dma_start3A_415 = tpu.memref_slice %arg9[%dma_start3A_413, %dma_start3A_414] : memref<128x128xf32, #tpu.memory_space<vmem>> -> memref<128x128xf32, #tpu.memory_space<vmem>>
    %dma_start3A_416 = arith.constant 0 : i32
    %dma_start3A_417 = tpu.memref_slice %arg2[%add3A_407, %dma_start3A_416] : memref<28928x128xf32, #tpu.memory_space<hbm>> -> memref<128x128xf32, #tpu.memory_space<hbm>>
    tpu.enqueue_dma source(%dma_start3A_417 : memref<128x128xf32, #tpu.memory_space<hbm>>) target(%dma_start3A_415 : memref<128x128xf32, #tpu.memory_space<vmem>>) target_semaphore(%arg23 : memref<!tpu.dma_semaphore, #tpu.memory_space<semaphore_mem>>)
    %mul3A_418 = arith.constant 904 : i32
    %mul3A_419 = arith.muli %add3A, %mul3A_418 : i32
    %add3A_420 = arith.constant 512 : i32
    %add3A_421 = arith.addi %mul3A_419, %add3A_420 : i32
    %dma_wait3A_422 = arith.constant 0 : i32
    %dma_wait3A_423 = arith.constant 0 : i32
    %dma_wait3A_424 = tpu.memref_slice %arg8[%dma_wait3A_422, %dma_wait3A_423] : memref<128x128xf32, #tpu.memory_space<vmem>> -> memref<128x128xf32, #tpu.memory_space<vmem>>
    %dma_wait3A_425 = arith.constant 0 : i32
    %dma_wait3A_426 = tpu.memref_slice %arg2[%add3A_421, %dma_wait3A_425] : memref<28928x128xf32, #tpu.memory_space<hbm>> -> memref<128x128xf32, #tpu.memory_space<hbm>>
    %dma_wait3A_427 = arith.constant 0 : i32
    %dma_wait3A_428 = arith.constant 0 : i32
    %dma_wait3A_429 = tpu.memref_slice %arg8[%dma_wait3A_427, %dma_wait3A_428] : memref<128x128xf32, #tpu.memory_space<vmem>> -> memref<128x128xf32, #tpu.memory_space<vmem>>
    %dma_wait3A_430 = arith.constant 0 : i32
    %dma_wait3A_431 = tpu.memref_slice %arg2[%add3A_421, %dma_wait3A_430] : memref<28928x128xf32, #tpu.memory_space<hbm>> -> memref<128x128xf32, #tpu.memory_space<hbm>>
    tpu.wait_dma2 semaphore(%arg22 : memref<!tpu.dma_semaphore, #tpu.memory_space<semaphore_mem>>) src(%dma_wait3A_431 : memref<128x128xf32, #tpu.memory_space<hbm>>) dst(%dma_wait3A_429 : memref<128x128xf32, #tpu.memory_space<vmem>>)
    %parallel_loop3A_432 = arith.constant 0 : i32
    %parallel_loop3A_433 = arith.constant 1024 : i32
    %parallel_loop3A_434 = arith.constant 1 : i32
    %parallel_loop3A_435 = scf.for %parallel_loop3A_1943 = %parallel_loop3A_432 to %parallel_loop3A_433 step %parallel_loop3A_434 iter_args(%parallel_loop3A_1944 = %parallel_loop3A_403) -> (vector<16xi32>)  : i32 {
      %parallel_loop3A_1945 = arith.constant 3 : i32
      %parallel_loop3A_1946 = arith.shrsi %parallel_loop3A_1943, %parallel_loop3A_1945 : i32
      %parallel_loop3A_1947 = arith.constant 7 : i32
      %parallel_loop3A_1948 = arith.andi %parallel_loop3A_1943, %parallel_loop3A_1947 : i32
      %parallel_loop3A_1949 = arith.constant 16 : i32
      %parallel_loop3A_1950 = arith.muli %parallel_loop3A_1948, %parallel_loop3A_1949 : i32
      %parallel_loop3A_1951 = arith.index_cast %parallel_loop3A_1946 : i32 to index
      %parallel_loop3A_1952 = arith.index_cast %parallel_loop3A_1950 : i32 to index
      %parallel_loop3A_1953 = tpu.vector_load %arg8[%parallel_loop3A_1951, %parallel_loop3A_1952] {strides = array<i32>} : memref<128x128xf32, #tpu.memory_space<vmem>>, vector<16xf32>,
      %parallel_loop3A_1954 = arith.cmpf oge, %parallel_loop3A_1953, %broadcast_in_dim3A_261 : vector<16xf32>
      %parallel_loop3A_1955 = arith.constant 1 : i32
      %parallel_loop3A_1956 = arith.constant 0 : i32
      %parallel_loop3A_1957 = vector.broadcast %parallel_loop3A_1955 : i32 to vector<16xi32>
      %parallel_loop3A_1958 = vector.broadcast %parallel_loop3A_1956 : i32 to vector<16xi32>
      %parallel_loop3A_1959 = arith.select %parallel_loop3A_1954, %parallel_loop3A_1957, %parallel_loop3A_1958 : vector<16xi1>, vector<16xi32>
      %parallel_loop3A_1960 = arith.constant true
      %parallel_loop3A_1961 = vector.broadcast %parallel_loop3A_1960 : i1 to vector<16xi1>
      %parallel_loop3A_1962 = tpu.scan <sum>, %parallel_loop3A_1959 masked %parallel_loop3A_1961 : vector<16xi32>, vector<16xi1> -> vector<16xi32>
      %parallel_loop3A_1963 = arith.addi %parallel_loop3A_1944, %parallel_loop3A_1962 : vector<16xi32>
      %parallel_loop3A_1964 = arith.constant 1 : i32
      %parallel_loop3A_1965 = vector.broadcast %parallel_loop3A_1964 : i32 to vector<16xi32>
      %parallel_loop3A_1966 = arith.subi %parallel_loop3A_1963, %parallel_loop3A_1965 : vector<16xi32>
      %parallel_loop3A_1967 = arith.constant 2047 : i32
      %parallel_loop3A_1968 = vector.broadcast %parallel_loop3A_1967 : i32 to vector<16xi32>
      %parallel_loop3A_1969 = arith.minsi %parallel_loop3A_1966, %parallel_loop3A_1968 : vector<16xi32>
      %parallel_loop3A_1970 = arith.constant 16 : i32
      %parallel_loop3A_1971 = arith.muli %parallel_loop3A_1943, %parallel_loop3A_1970 : i32
      %parallel_loop3A_1972 = arith.constant 65536 : i32
      %parallel_loop3A_1973 = arith.addi %parallel_loop3A_1972, %parallel_loop3A_1971 : i32
      %parallel_loop3A_1974 = vector.broadcast %parallel_loop3A_1973 : i32 to vector<16xi32>
      %parallel_loop3A_1975 = arith.addi %parallel_loop3A_1974, %iota3A : vector<16xi32>
      tpu.vector_store_idx %arg12[%parallel_loop3A_1969], %parallel_loop3A_1953 masked %parallel_loop3A_1954 : memref<2048xf32, #tpu.memory_space<vmem>>[vector<16xi32>], vector<16xf32>, vector<16xi1>
      tpu.vector_store_idx %arg13[%parallel_loop3A_1969], %parallel_loop3A_1975 masked %parallel_loop3A_1954 : memref<2048xi32, #tpu.memory_space<vmem>>[vector<16xi32>], vector<16xi32>, vector<16xi1>
      %parallel_loop3A_1976 = tpu.all_reduce %parallel_loop3A_1954 {dim = 0 : i64, kind = #tpu.reduction_kind<sum>} : vector<16xi1> -> vector<16xi32>
      %parallel_loop3A_1977 = arith.addi %parallel_loop3A_1944, %parallel_loop3A_1976 : vector<16xi32>
      scf.yield %parallel_loop3A_1977 : vector<16xi32>
    } {sc.loop_unroll_factor = 4 : i64, sc.parallel_access}
    %mul3A_436 = arith.constant 904 : i32
    %mul3A_437 = arith.muli %add3A, %mul3A_436 : i32
    %add3A_438 = arith.constant 768 : i32
    %add3A_439 = arith.addi %mul3A_437, %add3A_438 : i32
    %dma_start3A_440 = arith.constant 0 : i32
    %dma_start3A_441 = arith.constant 0 : i32
    %dma_start3A_442 = tpu.memref_slice %arg8[%dma_start3A_440, %dma_start3A_441] : memref<128x128xf32, #tpu.memory_space<vmem>> -> memref<128x128xf32, #tpu.memory_space<vmem>>
    %dma_start3A_443 = arith.constant 0 : i32
    %dma_start3A_444 = tpu.memref_slice %arg2[%add3A_439, %dma_start3A_443] : memref<28928x128xf32, #tpu.memory_space<hbm>> -> memref<128x128xf32, #tpu.memory_space<hbm>>
    %dma_start3A_445 = arith.constant 0 : i32
    %dma_start3A_446 = arith.constant 0 : i32
    %dma_start3A_447 = tpu.memref_slice %arg8[%dma_start3A_445, %dma_start3A_446] : memref<128x128xf32, #tpu.memory_space<vmem>> -> memref<128x128xf32, #tpu.memory_space<vmem>>
    %dma_start3A_448 = arith.constant 0 : i32
    %dma_start3A_449 = tpu.memref_slice %arg2[%add3A_439, %dma_start3A_448] : memref<28928x128xf32, #tpu.memory_space<hbm>> -> memref<128x128xf32, #tpu.memory_space<hbm>>
    tpu.enqueue_dma source(%dma_start3A_449 : memref<128x128xf32, #tpu.memory_space<hbm>>) target(%dma_start3A_447 : memref<128x128xf32, #tpu.memory_space<vmem>>) target_semaphore(%arg22 : memref<!tpu.dma_semaphore, #tpu.memory_space<semaphore_mem>>)
    %mul3A_450 = arith.constant 904 : i32
    %mul3A_451 = arith.muli %add3A, %mul3A_450 : i32
    %add3A_452 = arith.constant 640 : i32
    %add3A_453 = arith.addi %mul3A_451, %add3A_452 : i32
    %dma_wait3A_454 = arith.constant 0 : i32
    %dma_wait3A_455 = arith.constant 0 : i32
    %dma_wait3A_456 = tpu.memref_slice %arg9[%dma_wait3A_454, %dma_wait3A_455] : memref<128x128xf32, #tpu.memory_space<vmem>> -> memref<128x128xf32, #tpu.memory_space<vmem>>
    %dma_wait3A_457 = arith.constant 0 : i32
    %dma_wait3A_458 = tpu.memref_slice %arg2[%add3A_453, %dma_wait3A_457] : memref<28928x128xf32, #tpu.memory_space<hbm>> -> memref<128x128xf32, #tpu.memory_space<hbm>>
    %dma_wait3A_459 = arith.constant 0 : i32
    %dma_wait3A_460 = arith.constant 0 : i32
    %dma_wait3A_461 = tpu.memref_slice %arg9[%dma_wait3A_459, %dma_wait3A_460] : memref<128x128xf32, #tpu.memory_space<vmem>> -> memref<128x128xf32, #tpu.memory_space<vmem>>
    %dma_wait3A_462 = arith.constant 0 : i32
    %dma_wait3A_463 = tpu.memref_slice %arg2[%add3A_453, %dma_wait3A_462] : memref<28928x128xf32, #tpu.memory_space<hbm>> -> memref<128x128xf32, #tpu.memory_space<hbm>>
    tpu.wait_dma2 semaphore(%arg23 : memref<!tpu.dma_semaphore, #tpu.memory_space<semaphore_mem>>) src(%dma_wait3A_463 : memref<128x128xf32, #tpu.memory_space<hbm>>) dst(%dma_wait3A_461 : memref<128x128xf32, #tpu.memory_space<vmem>>)
    %parallel_loop3A_464 = arith.constant 0 : i32
    %parallel_loop3A_465 = arith.constant 1024 : i32
    %parallel_loop3A_466 = arith.constant 1 : i32
    %parallel_loop3A_467 = scf.for %parallel_loop3A_1943 = %parallel_loop3A_464 to %parallel_loop3A_465 step %parallel_loop3A_466 iter_args(%parallel_loop3A_1944 = %parallel_loop3A_435) -> (vector<16xi32>)  : i32 {
      %parallel_loop3A_1945 = arith.constant 3 : i32
      %parallel_loop3A_1946 = arith.shrsi %parallel_loop3A_1943, %parallel_loop3A_1945 : i32
      %parallel_loop3A_1947 = arith.constant 7 : i32
      %parallel_loop3A_1948 = arith.andi %parallel_loop3A_1943, %parallel_loop3A_1947 : i32
      %parallel_loop3A_1949 = arith.constant 16 : i32
      %parallel_loop3A_1950 = arith.muli %parallel_loop3A_1948, %parallel_loop3A_1949 : i32
      %parallel_loop3A_1951 = arith.index_cast %parallel_loop3A_1946 : i32 to index
      %parallel_loop3A_1952 = arith.index_cast %parallel_loop3A_1950 : i32 to index
      %parallel_loop3A_1953 = tpu.vector_load %arg9[%parallel_loop3A_1951, %parallel_loop3A_1952] {strides = array<i32>} : memref<128x128xf32, #tpu.memory_space<vmem>>, vector<16xf32>,
      %parallel_loop3A_1954 = arith.cmpf oge, %parallel_loop3A_1953, %broadcast_in_dim3A_261 : vector<16xf32>
      %parallel_loop3A_1955 = arith.constant 1 : i32
      %parallel_loop3A_1956 = arith.constant 0 : i32
      %parallel_loop3A_1957 = vector.broadcast %parallel_loop3A_1955 : i32 to vector<16xi32>
      %parallel_loop3A_1958 = vector.broadcast %parallel_loop3A_1956 : i32 to vector<16xi32>
      %parallel_loop3A_1959 = arith.select %parallel_loop3A_1954, %parallel_loop3A_1957, %parallel_loop3A_1958 : vector<16xi1>, vector<16xi32>
      %parallel_loop3A_1960 = arith.constant true
      %parallel_loop3A_1961 = vector.broadcast %parallel_loop3A_1960 : i1 to vector<16xi1>
      %parallel_loop3A_1962 = tpu.scan <sum>, %parallel_loop3A_1959 masked %parallel_loop3A_1961 : vector<16xi32>, vector<16xi1> -> vector<16xi32>
      %parallel_loop3A_1963 = arith.addi %parallel_loop3A_1944, %parallel_loop3A_1962 : vector<16xi32>
      %parallel_loop3A_1964 = arith.constant 1 : i32
      %parallel_loop3A_1965 = vector.broadcast %parallel_loop3A_1964 : i32 to vector<16xi32>
      %parallel_loop3A_1966 = arith.subi %parallel_loop3A_1963, %parallel_loop3A_1965 : vector<16xi32>
      %parallel_loop3A_1967 = arith.constant 2047 : i32
      %parallel_loop3A_1968 = vector.broadcast %parallel_loop3A_1967 : i32 to vector<16xi32>
      %parallel_loop3A_1969 = arith.minsi %parallel_loop3A_1966, %parallel_loop3A_1968 : vector<16xi32>
      %parallel_loop3A_1970 = arith.constant 16 : i32
      %parallel_loop3A_1971 = arith.muli %parallel_loop3A_1943, %parallel_loop3A_1970 : i32
      %parallel_loop3A_1972 = arith.constant 81920 : i32
      %parallel_loop3A_1973 = arith.addi %parallel_loop3A_1972, %parallel_loop3A_1971 : i32
      %parallel_loop3A_1974 = vector.broadcast %parallel_loop3A_1973 : i32 to vector<16xi32>
      %parallel_loop3A_1975 = arith.addi %parallel_loop3A_1974, %iota3A : vector<16xi32>
      tpu.vector_store_idx %arg12[%parallel_loop3A_1969], %parallel_loop3A_1953 masked %parallel_loop3A_1954 : memref<2048xf32, #tpu.memory_space<vmem>>[vector<16xi32>], vector<16xf32>, vector<16xi1>
      tpu.vector_store_idx %arg13[%parallel_loop3A_1969], %parallel_loop3A_1975 masked %parallel_loop3A_1954 : memref<2048xi32, #tpu.memory_space<vmem>>[vector<16xi32>], vector<16xi32>, vector<16xi1>
      %parallel_loop3A_1976 = tpu.all_reduce %parallel_loop3A_1954 {dim = 0 : i64, kind = #tpu.reduction_kind<sum>} : vector<16xi1> -> vector<16xi32>
      %parallel_loop3A_1977 = arith.addi %parallel_loop3A_1944, %parallel_loop3A_1976 : vector<16xi32>
      scf.yield %parallel_loop3A_1977 : vector<16xi32>
    } {sc.loop_unroll_factor = 4 : i64, sc.parallel_access}
    %mul3A_468 = arith.constant 904 : i32
    %mul3A_469 = arith.muli %add3A, %mul3A_468 : i32
    %add3A_470 = arith.constant 896 : i32
    %add3A_471 = arith.addi %mul3A_469, %add3A_470 : i32
    %dma_start3A_472 = arith.constant 0 : i32
    %dma_start3A_473 = arith.constant 0 : i32
    %dma_start3A_474 = tpu.memref_slice %arg9[%dma_start3A_472, %dma_start3A_473] : memref<128x128xf32, #tpu.memory_space<vmem>> -> memref<8x128xf32, #tpu.memory_space<vmem>>
    %dma_start3A_475 = arith.constant 0 : i32
    %dma_start3A_476 = tpu.memref_slice %arg2[%add3A_471, %dma_start3A_475] : memref<28928x128xf32, #tpu.memory_space<hbm>> -> memref<8x128xf32, #tpu.memory_space<hbm>>
    %dma_start3A_477 = arith.constant 0 : i32
    %dma_start3A_478 = arith.constant 0 : i32
    %dma_start3A_479 = tpu.memref_slice %arg9[%dma_start3A_477, %dma_start3A_478] : memref<128x128xf32, #tpu.memory_space<vmem>> -> memref<8x128xf32, #tpu.memory_space<vmem>>
    %dma_start3A_480 = arith.constant 0 : i32
    %dma_start3A_481 = tpu.memref_slice %arg2[%add3A_471, %dma_start3A_480] : memref<28928x128xf32, #tpu.memory_space<hbm>> -> memref<8x128xf32, #tpu.memory_space<hbm>>
    tpu.enqueue_dma source(%dma_start3A_481 : memref<8x128xf32, #tpu.memory_space<hbm>>) target(%dma_start3A_479 : memref<8x128xf32, #tpu.memory_space<vmem>>) target_semaphore(%arg23 : memref<!tpu.dma_semaphore, #tpu.memory_space<semaphore_mem>>)
    %mul3A_482 = arith.constant 904 : i32
    %mul3A_483 = arith.muli %add3A, %mul3A_482 : i32
    %add3A_484 = arith.constant 768 : i32
    %add3A_485 = arith.addi %mul3A_483, %add3A_484 : i32
    %dma_wait3A_486 = arith.constant 0 : i32
    %dma_wait3A_487 = arith.constant 0 : i32
    %dma_wait3A_488 = tpu.memref_slice %arg8[%dma_wait3A_486, %dma_wait3A_487] : memref<128x128xf32, #tpu.memory_space<vmem>> -> memref<128x128xf32, #tpu.memory_space<vmem>>
    %dma_wait3A_489 = arith.constant 0 : i32
    %dma_wait3A_490 = tpu.memref_slice %arg2[%add3A_485, %dma_wait3A_489] : memref<28928x128xf32, #tpu.memory_space<hbm>> -> memref<128x128xf32, #tpu.memory_space<hbm>>
    %dma_wait3A_491 = arith.constant 0 : i32
    %dma_wait3A_492 = arith.constant 0 : i32
    %dma_wait3A_493 = tpu.memref_slice %arg8[%dma_wait3A_491, %dma_wait3A_492] : memref<128x128xf32, #tpu.memory_space<vmem>> -> memref<128x128xf32, #tpu.memory_space<vmem>>
    %dma_wait3A_494 = arith.constant 0 : i32
    %dma_wait3A_495 = tpu.memref_slice %arg2[%add3A_485, %dma_wait3A_494] : memref<28928x128xf32, #tpu.memory_space<hbm>> -> memref<128x128xf32, #tpu.memory_space<hbm>>
    tpu.wait_dma2 semaphore(%arg22 : memref<!tpu.dma_semaphore, #tpu.memory_space<semaphore_mem>>) src(%dma_wait3A_495 : memref<128x128xf32, #tpu.memory_space<hbm>>) dst(%dma_wait3A_493 : memref<128x128xf32, #tpu.memory_space<vmem>>)
    %parallel_loop3A_496 = arith.constant 0 : i32
    %parallel_loop3A_497 = arith.constant 1024 : i32
    %parallel_loop3A_498 = arith.constant 1 : i32
    %parallel_loop3A_499 = scf.for %parallel_loop3A_1943 = %parallel_loop3A_496 to %parallel_loop3A_497 step %parallel_loop3A_498 iter_args(%parallel_loop3A_1944 = %parallel_loop3A_467) -> (vector<16xi32>)  : i32 {
      %parallel_loop3A_1945 = arith.constant 3 : i32
      %parallel_loop3A_1946 = arith.shrsi %parallel_loop3A_1943, %parallel_loop3A_1945 : i32
      %parallel_loop3A_1947 = arith.constant 7 : i32
      %parallel_loop3A_1948 = arith.andi %parallel_loop3A_1943, %parallel_loop3A_1947 : i32
      %parallel_loop3A_1949 = arith.constant 16 : i32
      %parallel_loop3A_1950 = arith.muli %parallel_loop3A_1948, %parallel_loop3A_1949 : i32
      %parallel_loop3A_1951 = arith.index_cast %parallel_loop3A_1946 : i32 to index
      %parallel_loop3A_1952 = arith.index_cast %parallel_loop3A_1950 : i32 to index
      %parallel_loop3A_1953 = tpu.vector_load %arg8[%parallel_loop3A_1951, %parallel_loop3A_1952] {strides = array<i32>} : memref<128x128xf32, #tpu.memory_space<vmem>>, vector<16xf32>,
      %parallel_loop3A_1954 = arith.cmpf oge, %parallel_loop3A_1953, %broadcast_in_dim3A_261 : vector<16xf32>
      %parallel_loop3A_1955 = arith.constant 1 : i32
      %parallel_loop3A_1956 = arith.constant 0 : i32
      %parallel_loop3A_1957 = vector.broadcast %parallel_loop3A_1955 : i32 to vector<16xi32>
      %parallel_loop3A_1958 = vector.broadcast %parallel_loop3A_1956 : i32 to vector<16xi32>
      %parallel_loop3A_1959 = arith.select %parallel_loop3A_1954, %parallel_loop3A_1957, %parallel_loop3A_1958 : vector<16xi1>, vector<16xi32>
      %parallel_loop3A_1960 = arith.constant true
      %parallel_loop3A_1961 = vector.broadcast %parallel_loop3A_1960 : i1 to vector<16xi1>
      %parallel_loop3A_1962 = tpu.scan <sum>, %parallel_loop3A_1959 masked %parallel_loop3A_1961 : vector<16xi32>, vector<16xi1> -> vector<16xi32>
      %parallel_loop3A_1963 = arith.addi %parallel_loop3A_1944, %parallel_loop3A_1962 : vector<16xi32>
      %parallel_loop3A_1964 = arith.constant 1 : i32
      %parallel_loop3A_1965 = vector.broadcast %parallel_loop3A_1964 : i32 to vector<16xi32>
      %parallel_loop3A_1966 = arith.subi %parallel_loop3A_1963, %parallel_loop3A_1965 : vector<16xi32>
      %parallel_loop3A_1967 = arith.constant 2047 : i32
      %parallel_loop3A_1968 = vector.broadcast %parallel_loop3A_1967 : i32 to vector<16xi32>
      %parallel_loop3A_1969 = arith.minsi %parallel_loop3A_1966, %parallel_loop3A_1968 : vector<16xi32>
      %parallel_loop3A_1970 = arith.constant 16 : i32
      %parallel_loop3A_1971 = arith.muli %parallel_loop3A_1943, %parallel_loop3A_1970 : i32
      %parallel_loop3A_1972 = arith.constant 98304 : i32
      %parallel_loop3A_1973 = arith.addi %parallel_loop3A_1972, %parallel_loop3A_1971 : i32
      %parallel_loop3A_1974 = vector.broadcast %parallel_loop3A_1973 : i32 to vector<16xi32>
      %parallel_loop3A_1975 = arith.addi %parallel_loop3A_1974, %iota3A : vector<16xi32>
      tpu.vector_store_idx %arg12[%parallel_loop3A_1969], %parallel_loop3A_1953 masked %parallel_loop3A_1954 : memref<2048xf32, #tpu.memory_space<vmem>>[vector<16xi32>], vector<16xf32>, vector<16xi1>
      tpu.vector_store_idx %arg13[%parallel_loop3A_1969], %parallel_loop3A_1975 masked %parallel_loop3A_1954 : memref<2048xi32, #tpu.memory_space<vmem>>[vector<16xi32>], vector<16xi32>, vector<16xi1>
      %parallel_loop3A_1976 = tpu.all_reduce %parallel_loop3A_1954 {dim = 0 : i64, kind = #tpu.reduction_kind<sum>} : vector<16xi1> -> vector<16xi32>
      %parallel_loop3A_1977 = arith.addi %parallel_loop3A_1944, %parallel_loop3A_1976 : vector<16xi32>
      scf.yield %parallel_loop3A_1977 : vector<16xi32>
    } {sc.loop_unroll_factor = 4 : i64, sc.parallel_access}
    %mul3A_500 = arith.constant 904 : i32
    %mul3A_501 = arith.muli %add3A, %mul3A_500 : i32
    %add3A_502 = arith.constant 896 : i32
    %add3A_503 = arith.addi %mul3A_501, %add3A_502 : i32
    %dma_wait3A_504 = arith.constant 0 : i32
    %dma_wait3A_505 = arith.constant 0 : i32
    %dma_wait3A_506 = tpu.memref_slice %arg9[%dma_wait3A_504, %dma_wait3A_505] : memref<128x128xf32, #tpu.memory_space<vmem>> -> memref<8x128xf32, #tpu.memory_space<vmem>>
    %dma_wait3A_507 = arith.constant 0 : i32
    %dma_wait3A_508 = tpu.memref_slice %arg2[%add3A_503, %dma_wait3A_507] : memref<28928x128xf32, #tpu.memory_space<hbm>> -> memref<8x128xf32, #tpu.memory_space<hbm>>
    %dma_wait3A_509 = arith.constant 0 : i32
    %dma_wait3A_510 = arith.constant 0 : i32
    %dma_wait3A_511 = tpu.memref_slice %arg9[%dma_wait3A_509, %dma_wait3A_510] : memref<128x128xf32, #tpu.memory_space<vmem>> -> memref<8x128xf32, #tpu.memory_space<vmem>>
    %dma_wait3A_512 = arith.constant 0 : i32
    %dma_wait3A_513 = tpu.memref_slice %arg2[%add3A_503, %dma_wait3A_512] : memref<28928x128xf32, #tpu.memory_space<hbm>> -> memref<8x128xf32, #tpu.memory_space<hbm>>
    tpu.wait_dma2 semaphore(%arg23 : memref<!tpu.dma_semaphore, #tpu.memory_space<semaphore_mem>>) src(%dma_wait3A_513 : memref<8x128xf32, #tpu.memory_space<hbm>>) dst(%dma_wait3A_511 : memref<8x128xf32, #tpu.memory_space<vmem>>)
    %parallel_loop3A_514 = arith.constant 0 : i32
    %parallel_loop3A_515 = arith.constant 64 : i32
    %parallel_loop3A_516 = arith.constant 1 : i32
    %parallel_loop3A_517 = scf.for %parallel_loop3A_1943 = %parallel_loop3A_514 to %parallel_loop3A_515 step %parallel_loop3A_516 iter_args(%parallel_loop3A_1944 = %parallel_loop3A_499) -> (vector<16xi32>)  : i32 {
      %parallel_loop3A_1945 = arith.constant 3 : i32
      %parallel_loop3A_1946 = arith.shrsi %parallel_loop3A_1943, %parallel_loop3A_1945 : i32
      %parallel_loop3A_1947 = arith.constant 7 : i32
      %parallel_loop3A_1948 = arith.andi %parallel_loop3A_1943, %parallel_loop3A_1947 : i32
      %parallel_loop3A_1949 = arith.constant 16 : i32
      %parallel_loop3A_1950 = arith.muli %parallel_loop3A_1948, %parallel_loop3A_1949 : i32
      %parallel_loop3A_1951 = arith.index_cast %parallel_loop3A_1946 : i32 to index
      %parallel_loop3A_1952 = arith.index_cast %parallel_loop3A_1950 : i32 to index
      %parallel_loop3A_1953 = tpu.vector_load %arg9[%parallel_loop3A_1951, %parallel_loop3A_1952] {strides = array<i32>} : memref<128x128xf32, #tpu.memory_space<vmem>>, vector<16xf32>,
      %parallel_loop3A_1954 = arith.cmpf oge, %parallel_loop3A_1953, %broadcast_in_dim3A_261 : vector<16xf32>
      %parallel_loop3A_1955 = arith.constant 1 : i32
      %parallel_loop3A_1956 = arith.constant 0 : i32
      %parallel_loop3A_1957 = vector.broadcast %parallel_loop3A_1955 : i32 to vector<16xi32>
      %parallel_loop3A_1958 = vector.broadcast %parallel_loop3A_1956 : i32 to vector<16xi32>
      %parallel_loop3A_1959 = arith.select %parallel_loop3A_1954, %parallel_loop3A_1957, %parallel_loop3A_1958 : vector<16xi1>, vector<16xi32>
      %parallel_loop3A_1960 = arith.constant true
      %parallel_loop3A_1961 = vector.broadcast %parallel_loop3A_1960 : i1 to vector<16xi1>
      %parallel_loop3A_1962 = tpu.scan <sum>, %parallel_loop3A_1959 masked %parallel_loop3A_1961 : vector<16xi32>, vector<16xi1> -> vector<16xi32>
      %parallel_loop3A_1963 = arith.addi %parallel_loop3A_1944, %parallel_loop3A_1962 : vector<16xi32>
      %parallel_loop3A_1964 = arith.constant 1 : i32
      %parallel_loop3A_1965 = vector.broadcast %parallel_loop3A_1964 : i32 to vector<16xi32>
      %parallel_loop3A_1966 = arith.subi %parallel_loop3A_1963, %parallel_loop3A_1965 : vector<16xi32>
      %parallel_loop3A_1967 = arith.constant 2047 : i32
      %parallel_loop3A_1968 = vector.broadcast %parallel_loop3A_1967 : i32 to vector<16xi32>
      %parallel_loop3A_1969 = arith.minsi %parallel_loop3A_1966, %parallel_loop3A_1968 : vector<16xi32>
      %parallel_loop3A_1970 = arith.constant 16 : i32
      %parallel_loop3A_1971 = arith.muli %parallel_loop3A_1943, %parallel_loop3A_1970 : i32
      %parallel_loop3A_1972 = arith.constant 114688 : i32
      %parallel_loop3A_1973 = arith.addi %parallel_loop3A_1972, %parallel_loop3A_1971 : i32
      %parallel_loop3A_1974 = vector.broadcast %parallel_loop3A_1973 : i32 to vector<16xi32>
      %parallel_loop3A_1975 = arith.addi %parallel_loop3A_1974, %iota3A : vector<16xi32>
      tpu.vector_store_idx %arg12[%parallel_loop3A_1969], %parallel_loop3A_1953 masked %parallel_loop3A_1954 : memref<2048xf32, #tpu.memory_space<vmem>>[vector<16xi32>], vector<16xf32>, vector<16xi1>
      tpu.vector_store_idx %arg13[%parallel_loop3A_1969], %parallel_loop3A_1975 masked %parallel_loop3A_1954 : memref<2048xi32, #tpu.memory_space<vmem>>[vector<16xi32>], vector<16xi32>, vector<16xi1>
      %parallel_loop3A_1976 = tpu.all_reduce %parallel_loop3A_1954 {dim = 0 : i64, kind = #tpu.reduction_kind<sum>} : vector<16xi1> -> vector<16xi32>
      %parallel_loop3A_1977 = arith.addi %parallel_loop3A_1944, %parallel_loop3A_1976 : vector<16xi32>
      scf.yield %parallel_loop3A_1977 : vector<16xi32>
    } {sc.loop_unroll_factor = 4 : i64, sc.parallel_access}
    %swap3A = arith.constant 0 : index
    %swap3A_518 = tpu.vector_load %arg21[%swap3A] {strides = array<i32>} : memref<16xi32, #tpu.memory_space<vmem>>, vector<16xi32>,
    tpu.vector_store %arg21[%swap3A], %parallel_loop3A_517 {strides = array<i32>} : memref<16xi32, #tpu.memory_space<vmem>>, vector<16xi32>,
    %get3A = arith.constant 0 : index
    %get3A_519 = tpu.vector_load %arg21[%get3A] {strides = array<i32>} : memref<16xi32, #tpu.memory_space<vmem>>, vector<16xi32>,
    %slice3A = vector.extract_strided_slice %get3A_519 {offsets = [0], sizes = [1], strides = [1]} : vector<16xi32> to vector<1xi32>
    %squeeze3A = vector.extract %slice3A[0] : i32 from vector<1xi32>
    %min3A = arith.constant 2048 : i32
    %min3A_520 = arith.minsi %squeeze3A, %min3A : i32
    %add3A_521 = arith.constant 15 : i32
    %add3A_522 = arith.addi %min3A_520, %add3A_521 : i32
    %jit3A = arith.constant 16 : i32
    %div3A = arith.divsi %add3A_522, %jit3A : i32
    %sign3A = arith.constant 0 : i32
    %sign3A_523 = arith.cmpi sgt, %add3A_522, %sign3A : i32
    %sign3A_524 = arith.extui %sign3A_523 : i1 to i32
    %sign3A_525 = arith.constant 0 : i32
    %sign3A_526 = arith.cmpi slt, %add3A_522, %sign3A_525 : i32
    %sign3A_527 = arith.extui %sign3A_526 : i1 to i32
    %sign3A_528 = arith.subi %sign3A_524, %sign3A_527 : i32
    %sign3A_529 = arith.constant 0 : i32
    %sign3A_530 = arith.cmpi sgt, %jit3A, %sign3A_529 : i32
    %sign3A_531 = arith.extui %sign3A_530 : i1 to i32
    %sign3A_532 = arith.constant 0 : i32
    %sign3A_533 = arith.cmpi slt, %jit3A, %sign3A_532 : i32
    %sign3A_534 = arith.extui %sign3A_533 : i1 to i32
    %sign3A_535 = arith.subi %sign3A_531, %sign3A_534 : i32
    %ne3A = arith.cmpi ne, %sign3A_528, %sign3A_535 : i32
    %rem3A = arith.remsi %add3A_522, %jit3A : i32
    %ne3A_536 = arith.constant 0 : i32
    %ne3A_537 = arith.cmpi ne, %rem3A, %ne3A_536 : i32
    %and3A = arith.andi %ne3A, %ne3A_537 : i1
    %sub3A = arith.constant 1 : i32
    %sub3A_538 = arith.subi %div3A, %sub3A : i32
    %select_n3A = arith.select %and3A, %sub3A_538, %div3A : i32
    %parallel_loop3A_539 = arith.constant 0 : i32
    %parallel_loop3A_540 = arith.constant 256 : i32
    %parallel_loop3A_541 = arith.constant 1 : i32
    scf.for %parallel_loop3A_1943 = %parallel_loop3A_539 to %parallel_loop3A_540 step %parallel_loop3A_541  : i32 {
      %parallel_loop3A_1944 = arith.constant 16 : i32
      %parallel_loop3A_1945 = arith.muli %parallel_loop3A_1943, %parallel_loop3A_1944 : i32
      %parallel_loop3A_1946 = arith.index_cast %parallel_loop3A_1945 : i32 to index
      %parallel_loop3A_1947 = tpu.vector_load %arg11[%parallel_loop3A_1946] {strides = array<i32>} : memref<4096xi32, #tpu.memory_space<vmem>>, vector<16xi32>,
      tpu.vector_store %arg11[%parallel_loop3A_1946], %broadcast_in_dim3A_3 {strides = array<i32>} : memref<4096xi32, #tpu.memory_space<vmem>>, vector<16xi32>,
    } {sc.loop_unroll_factor = 8 : i64, sc.parallel_access}
    %add3A_542 = arith.constant 1 : i32
    %add3A_543 = arith.addi %while3A_259#0, %add3A_542 : i32
    %shift_left3A_544 = arith.constant 20 : i32
    %shift_left3A_545 = arith.shli %add3A_543, %shift_left3A_544 : i32
    %bitcast_convert_type3A_546 = arith.bitcast %shift_left3A_545 : i32 to f32
    %broadcast_in_dim3A_547 = vector.broadcast %bitcast_convert_type3A_546 : f32 to vector<16xf32>
    %while3A_548 = arith.constant 0 : i32
    %while3A_549 = arith.constant 0 : i32
    %while3A_550 = arith.subi %select_n3A, %while3A_548 : i32
    %while3A_551 = arith.addi %while3A_548, %while3A_550 : i32
    %while3A_552 = arith.constant 1 : i32
    %while3A_553 = arith.divsi %while3A_550, %while3A_552 : i32
    %while3A_554 = arith.muli %while3A_553, %while3A_552 : i32
    %while3A_555 = arith.addi %while3A_548, %while3A_554 : i32
    %while3A_556 = arith.constant 1 : i32
    %while3A_557 = scf.for %while3A_1943 = %while3A_548 to %while3A_555 step %while3A_556 iter_args(%while3A_1944 = %while3A_549) -> (i32)  : i32 {
      %mul3A_1945 = arith.constant 16 : i32
      %mul3A_1946 = arith.muli %while3A_1943, %mul3A_1945 : i32
      %get3A_1947 = arith.index_cast %mul3A_1946 : i32 to index
      %get3A_1948 = tpu.vector_load %arg12[%get3A_1947] {strides = array<i32>} : memref<2048xf32, #tpu.memory_space<vmem>>, vector<16xf32>,
      %mul3A_1949 = arith.constant 16 : i32
      %mul3A_1950 = arith.muli %while3A_1943, %mul3A_1949 : i32
      %add3A_1951 = vector.broadcast %mul3A_1950 : i32 to vector<16xi32>
      %add3A_1952 = arith.addi %add3A_1951, %iota3A : vector<16xi32>
      %lt3A = vector.broadcast %min3A_520 : i32 to vector<16xi32>
      %lt3A_1953 = arith.cmpi slt, %add3A_1952, %lt3A : vector<16xi32>
      %lt3A_1954 = arith.cmpf olt, %get3A_1948, %broadcast_in_dim3A_547 : vector<16xf32>
      %and3A_1955 = arith.andi %lt3A_1954, %lt3A_1953 : vector<16xi1>
      %bitcast3A = vector.bitcast %get3A_1948 : vector<16xf32> to vector<16xi32>
      %shift_right_logical3A_1956 = arith.constant 12 : i32
      %shift_right_logical3A_1957 = vector.broadcast %shift_right_logical3A_1956 : i32 to vector<16xi32>
      %shift_right_logical3A_1958 = arith.shrui %bitcast3A, %shift_right_logical3A_1957 : vector<16xi32>
      %and3A_1959 = arith.constant 255 : i32
      %and3A_1960 = vector.broadcast %and3A_1959 : i32 to vector<16xi32>
      %and3A_1961 = arith.andi %shift_right_logical3A_1958, %and3A_1960 : vector<16xi32>
      %mul3A_1962 = arith.constant 16 : i32
      %mul3A_1963 = vector.broadcast %mul3A_1962 : i32 to vector<16xi32>
      %mul3A_1964 = arith.muli %and3A_1961, %mul3A_1963 : vector<16xi32>
      %add3A_1965 = arith.addi %mul3A_1964, %iota3A : vector<16xi32>
      tpu.vector_store_idx %arg11[%add3A_1965], %broadcast_in_dim3A_1 masked %and3A_1955 {add = true} : memref<4096xi32, #tpu.memory_space<vmem>>[vector<16xi32>], vector<16xi32>, vector<16xi1>
      %while3A_1966 = arith.constant 0 : i32
      scf.yield %while3A_1966 : i32
    }
    %while3A_558 = arith.constant 1 : i32
    %while3A_559 = scf.for %while3A_1943 = %while3A_555 to %while3A_551 step %while3A_558 iter_args(%while3A_1944 = %while3A_557) -> (i32)  : i32 {
      %mul3A_1945 = arith.constant 16 : i32
      %mul3A_1946 = arith.muli %while3A_1943, %mul3A_1945 : i32
      %get3A_1947 = arith.index_cast %mul3A_1946 : i32 to index
      %get3A_1948 = tpu.vector_load %arg12[%get3A_1947] {strides = array<i32>} : memref<2048xf32, #tpu.memory_space<vmem>>, vector<16xf32>,
      %mul3A_1949 = arith.constant 16 : i32
      %mul3A_1950 = arith.muli %while3A_1943, %mul3A_1949 : i32
      %add3A_1951 = vector.broadcast %mul3A_1950 : i32 to vector<16xi32>
      %add3A_1952 = arith.addi %add3A_1951, %iota3A : vector<16xi32>
      %lt3A = vector.broadcast %min3A_520 : i32 to vector<16xi32>
      %lt3A_1953 = arith.cmpi slt, %add3A_1952, %lt3A : vector<16xi32>
      %lt3A_1954 = arith.cmpf olt, %get3A_1948, %broadcast_in_dim3A_547 : vector<16xf32>
      %and3A_1955 = arith.andi %lt3A_1954, %lt3A_1953 : vector<16xi1>
      %bitcast3A = vector.bitcast %get3A_1948 : vector<16xf32> to vector<16xi32>
      %shift_right_logical3A_1956 = arith.constant 12 : i32
      %shift_right_logical3A_1957 = vector.broadcast %shift_right_logical3A_1956 : i32 to vector<16xi32>
      %shift_right_logical3A_1958 = arith.shrui %bitcast3A, %shift_right_logical3A_1957 : vector<16xi32>
      %and3A_1959 = arith.constant 255 : i32
      %and3A_1960 = vector.broadcast %and3A_1959 : i32 to vector<16xi32>
      %and3A_1961 = arith.andi %shift_right_logical3A_1958, %and3A_1960 : vector<16xi32>
      %mul3A_1962 = arith.constant 16 : i32
      %mul3A_1963 = vector.broadcast %mul3A_1962 : i32 to vector<16xi32>
      %mul3A_1964 = arith.muli %and3A_1961, %mul3A_1963 : vector<16xi32>
      %add3A_1965 = arith.addi %mul3A_1964, %iota3A : vector<16xi32>
      tpu.vector_store_idx %arg11[%add3A_1965], %broadcast_in_dim3A_1 masked %and3A_1955 {add = true} : memref<4096xi32, #tpu.memory_space<vmem>>[vector<16xi32>], vector<16xi32>, vector<16xi1>
      %while3A_1966 = arith.constant 0 : i32
      scf.yield %while3A_1966 : i32
    }
    %sub3A_560 = arith.constant 300 : i32
    %sub3A_561 = arith.subi %sub3A_560, %while3A_259#1 : i32
    %while3A_562 = arith.constant 255 : i32
    %while3A_563 = arith.constant 0 : i32
    %while3A_564:2 = scf.while (%while3A_1943 = %while3A_562, %while3A_1944 = %while3A_563) : (i32, i32) -> (i32, i32) {
      %mul3A_1945 = arith.constant 16 : i32
      %mul3A_1946 = arith.muli %while3A_1943, %mul3A_1945 : i32
      %get3A_1947 = arith.index_cast %mul3A_1946 : i32 to index
      %get3A_1948 = tpu.vector_load %arg11[%get3A_1947] {strides = array<i32>} : memref<4096xi32, #tpu.memory_space<vmem>>, vector<16xi32>,
      %reduce_sum3A = arith.constant true
      %reduce_sum3A_1949 = vector.broadcast %reduce_sum3A : i1 to vector<16xi1>
      %reduce_sum3A_1950 = tpu.scan <sum>, %get3A_1948 masked %reduce_sum3A_1949 : vector<16xi32>, vector<16xi1> -> vector<16xi32>
      %reduce_sum3A_1951 = vector.extract %reduce_sum3A_1950[15] : i32 from vector<16xi32>
      %add3A_1952 = arith.addi %while3A_1944, %reduce_sum3A_1951 : i32
      %lt3A = arith.cmpi slt, %add3A_1952, %sub3A_561 : i32
      %gt3A = arith.constant 0 : i32
      %gt3A_1953 = arith.cmpi sgt, %while3A_1943, %gt3A : i32
      %and3A_1954 = arith.andi %lt3A, %gt3A_1953 : i1
      scf.condition(%and3A_1954) %while3A_1943, %while3A_1944 : i32, i32
    } do {
    ^bb0(%while3A_1943: i32, %while3A_1944: i32):
      %sub3A_1945 = arith.constant 1 : i32
      %sub3A_1946 = arith.subi %while3A_1943, %sub3A_1945 : i32
      %mul3A_1947 = arith.constant 16 : i32
      %mul3A_1948 = arith.muli %while3A_1943, %mul3A_1947 : i32
      %get3A_1949 = arith.index_cast %mul3A_1948 : i32 to index
      %get3A_1950 = tpu.vector_load %arg11[%get3A_1949] {strides = array<i32>} : memref<4096xi32, #tpu.memory_space<vmem>>, vector<16xi32>,
      %reduce_sum3A = arith.constant true
      %reduce_sum3A_1951 = vector.broadcast %reduce_sum3A : i1 to vector<16xi1>
      %reduce_sum3A_1952 = tpu.scan <sum>, %get3A_1950 masked %reduce_sum3A_1951 : vector<16xi32>, vector<16xi1> -> vector<16xi32>
      %reduce_sum3A_1953 = vector.extract %reduce_sum3A_1952[15] : i32 from vector<16xi32>
      %add3A_1954 = arith.addi %while3A_1944, %reduce_sum3A_1953 : i32
      scf.yield %sub3A_1946, %add3A_1954 : i32, i32
    }
    %shift_left3A_565 = arith.constant 20 : i32
    %shift_left3A_566 = arith.shli %while3A_259#0, %shift_left3A_565 : i32
    %shift_left3A_567 = arith.constant 12 : i32
    %shift_left3A_568 = arith.shli %while3A_564#0, %shift_left3A_567 : i32
    %or3A = arith.ori %shift_left3A_566, %shift_left3A_568 : i32
    %bitcast_convert_type3A_569 = arith.bitcast %or3A : i32 to f32
    %broadcast_in_dim3A_570 = vector.broadcast %bitcast_convert_type3A_569 : f32 to vector<16xf32>
    %add3A_571 = arith.constant 4096 : i32
    %add3A_572 = arith.addi %or3A, %add3A_571 : i32
    %bitcast_convert_type3A_573 = arith.bitcast %add3A_572 : i32 to f32
    %broadcast_in_dim3A_574 = vector.broadcast %bitcast_convert_type3A_573 : f32 to vector<16xf32>
    %sub3A_575 = arith.subi %sub3A_561, %while3A_564#1 : i32
    %parallel_loop3A_576 = arith.constant 0 : i32
    %parallel_loop3A_577 = arith.constant 256 : i32
    %parallel_loop3A_578 = arith.constant 1 : i32
    scf.for %parallel_loop3A_1943 = %parallel_loop3A_576 to %parallel_loop3A_577 step %parallel_loop3A_578  : i32 {
      %parallel_loop3A_1944 = arith.constant 16 : i32
      %parallel_loop3A_1945 = arith.muli %parallel_loop3A_1943, %parallel_loop3A_1944 : i32
      %parallel_loop3A_1946 = arith.index_cast %parallel_loop3A_1945 : i32 to index
      %parallel_loop3A_1947 = tpu.vector_load %arg11[%parallel_loop3A_1946] {strides = array<i32>} : memref<4096xi32, #tpu.memory_space<vmem>>, vector<16xi32>,
      tpu.vector_store %arg11[%parallel_loop3A_1946], %broadcast_in_dim3A_3 {strides = array<i32>} : memref<4096xi32, #tpu.memory_space<vmem>>, vector<16xi32>,
    } {sc.loop_unroll_factor = 8 : i64, sc.parallel_access}
    %while3A_579 = arith.constant 0 : i32
    %while3A_580 = arith.constant 0 : i32
    %while3A_581 = arith.subi %select_n3A, %while3A_579 : i32
    %while3A_582 = arith.addi %while3A_579, %while3A_581 : i32
    %while3A_583 = arith.constant 1 : i32
    %while3A_584 = arith.divsi %while3A_581, %while3A_583 : i32
    %while3A_585 = arith.muli %while3A_584, %while3A_583 : i32
    %while3A_586 = arith.addi %while3A_579, %while3A_585 : i32
    %while3A_587 = arith.constant 1 : i32
    %while3A_588 = scf.for %while3A_1943 = %while3A_579 to %while3A_586 step %while3A_587 iter_args(%while3A_1944 = %while3A_580) -> (i32)  : i32 {
      %mul3A_1945 = arith.constant 16 : i32
      %mul3A_1946 = arith.muli %while3A_1943, %mul3A_1945 : i32
      %get3A_1947 = arith.index_cast %mul3A_1946 : i32 to index
      %get3A_1948 = tpu.vector_load %arg12[%get3A_1947] {strides = array<i32>} : memref<2048xf32, #tpu.memory_space<vmem>>, vector<16xf32>,
      %mul3A_1949 = arith.constant 16 : i32
      %mul3A_1950 = arith.muli %while3A_1943, %mul3A_1949 : i32
      %add3A_1951 = vector.broadcast %mul3A_1950 : i32 to vector<16xi32>
      %add3A_1952 = arith.addi %add3A_1951, %iota3A : vector<16xi32>
      %lt3A = vector.broadcast %min3A_520 : i32 to vector<16xi32>
      %lt3A_1953 = arith.cmpi slt, %add3A_1952, %lt3A : vector<16xi32>
      %ge3A = arith.cmpf oge, %get3A_1948, %broadcast_in_dim3A_570 : vector<16xf32>
      %lt3A_1954 = arith.cmpf olt, %get3A_1948, %broadcast_in_dim3A_574 : vector<16xf32>
      %and3A_1955 = arith.andi %ge3A, %lt3A_1954 : vector<16xi1>
      %and3A_1956 = arith.andi %and3A_1955, %lt3A_1953 : vector<16xi1>
      %bitcast3A = vector.bitcast %get3A_1948 : vector<16xf32> to vector<16xi32>
      %shift_right_logical3A_1957 = arith.constant 4 : i32
      %shift_right_logical3A_1958 = vector.broadcast %shift_right_logical3A_1957 : i32 to vector<16xi32>
      %shift_right_logical3A_1959 = arith.shrui %bitcast3A, %shift_right_logical3A_1958 : vector<16xi32>
      %and3A_1960 = arith.constant 255 : i32
      %and3A_1961 = vector.broadcast %and3A_1960 : i32 to vector<16xi32>
      %and3A_1962 = arith.andi %shift_right_logical3A_1959, %and3A_1961 : vector<16xi32>
      %mul3A_1963 = arith.constant 16 : i32
      %mul3A_1964 = vector.broadcast %mul3A_1963 : i32 to vector<16xi32>
      %mul3A_1965 = arith.muli %and3A_1962, %mul3A_1964 : vector<16xi32>
      %add3A_1966 = arith.addi %mul3A_1965, %iota3A : vector<16xi32>
      tpu.vector_store_idx %arg11[%add3A_1966], %broadcast_in_dim3A_1 masked %and3A_1956 {add = true} : memref<4096xi32, #tpu.memory_space<vmem>>[vector<16xi32>], vector<16xi32>, vector<16xi1>
      %while3A_1967 = arith.constant 0 : i32
      scf.yield %while3A_1967 : i32
    }
    %while3A_589 = arith.constant 1 : i32
    %while3A_590 = scf.for %while3A_1943 = %while3A_586 to %while3A_582 step %while3A_589 iter_args(%while3A_1944 = %while3A_588) -> (i32)  : i32 {
      %mul3A_1945 = arith.constant 16 : i32
      %mul3A_1946 = arith.muli %while3A_1943, %mul3A_1945 : i32
      %get3A_1947 = arith.index_cast %mul3A_1946 : i32 to index
      %get3A_1948 = tpu.vector_load %arg12[%get3A_1947] {strides = array<i32>} : memref<2048xf32, #tpu.memory_space<vmem>>, vector<16xf32>,
      %mul3A_1949 = arith.constant 16 : i32
      %mul3A_1950 = arith.muli %while3A_1943, %mul3A_1949 : i32
      %add3A_1951 = vector.broadcast %mul3A_1950 : i32 to vector<16xi32>
      %add3A_1952 = arith.addi %add3A_1951, %iota3A : vector<16xi32>
      %lt3A = vector.broadcast %min3A_520 : i32 to vector<16xi32>
      %lt3A_1953 = arith.cmpi slt, %add3A_1952, %lt3A : vector<16xi32>
      %ge3A = arith.cmpf oge, %get3A_1948, %broadcast_in_dim3A_570 : vector<16xf32>
      %lt3A_1954 = arith.cmpf olt, %get3A_1948, %broadcast_in_dim3A_574 : vector<16xf32>
      %and3A_1955 = arith.andi %ge3A, %lt3A_1954 : vector<16xi1>
      %and3A_1956 = arith.andi %and3A_1955, %lt3A_1953 : vector<16xi1>
      %bitcast3A = vector.bitcast %get3A_1948 : vector<16xf32> to vector<16xi32>
      %shift_right_logical3A_1957 = arith.constant 4 : i32
      %shift_right_logical3A_1958 = vector.broadcast %shift_right_logical3A_1957 : i32 to vector<16xi32>
      %shift_right_logical3A_1959 = arith.shrui %bitcast3A, %shift_right_logical3A_1958 : vector<16xi32>
      %and3A_1960 = arith.constant 255 : i32
      %and3A_1961 = vector.broadcast %and3A_1960 : i32 to vector<16xi32>
      %and3A_1962 = arith.andi %shift_right_logical3A_1959, %and3A_1961 : vector<16xi32>
      %mul3A_1963 = arith.constant 16 : i32
      %mul3A_1964 = vector.broadcast %mul3A_1963 : i32 to vector<16xi32>
      %mul3A_1965 = arith.muli %and3A_1962, %mul3A_1964 : vector<16xi32>
      %add3A_1966 = arith.addi %mul3A_1965, %iota3A : vector<16xi32>
      tpu.vector_store_idx %arg11[%add3A_1966], %broadcast_in_dim3A_1 masked %and3A_1956 {add = true} : memref<4096xi32, #tpu.memory_space<vmem>>[vector<16xi32>], vector<16xi32>, vector<16xi1>
      %while3A_1967 = arith.constant 0 : i32
      scf.yield %while3A_1967 : i32
    }
    %while3A_591 = arith.constant 255 : i32
    %while3A_592 = arith.constant 0 : i32
    %while3A_593:2 = scf.while (%while3A_1943 = %while3A_591, %while3A_1944 = %while3A_592) : (i32, i32) -> (i32, i32) {
      %mul3A_1945 = arith.constant 16 : i32
      %mul3A_1946 = arith.muli %while3A_1943, %mul3A_1945 : i32
      %get3A_1947 = arith.index_cast %mul3A_1946 : i32 to index
      %get3A_1948 = tpu.vector_load %arg11[%get3A_1947] {strides = array<i32>} : memref<4096xi32, #tpu.memory_space<vmem>>, vector<16xi32>,
      %reduce_sum3A = arith.constant true
      %reduce_sum3A_1949 = vector.broadcast %reduce_sum3A : i1 to vector<16xi1>
      %reduce_sum3A_1950 = tpu.scan <sum>, %get3A_1948 masked %reduce_sum3A_1949 : vector<16xi32>, vector<16xi1> -> vector<16xi32>
      %reduce_sum3A_1951 = vector.extract %reduce_sum3A_1950[15] : i32 from vector<16xi32>
      %add3A_1952 = arith.addi %while3A_1944, %reduce_sum3A_1951 : i32
      %lt3A = arith.cmpi slt, %add3A_1952, %sub3A_575 : i32
      %gt3A = arith.constant 0 : i32
      %gt3A_1953 = arith.cmpi sgt, %while3A_1943, %gt3A : i32
      %and3A_1954 = arith.andi %lt3A, %gt3A_1953 : i1
      scf.condition(%and3A_1954) %while3A_1943, %while3A_1944 : i32, i32
    } do {
    ^bb0(%while3A_1943: i32, %while3A_1944: i32):
      %sub3A_1945 = arith.constant 1 : i32
      %sub3A_1946 = arith.subi %while3A_1943, %sub3A_1945 : i32
      %mul3A_1947 = arith.constant 16 : i32
      %mul3A_1948 = arith.muli %while3A_1943, %mul3A_1947 : i32
      %get3A_1949 = arith.index_cast %mul3A_1948 : i32 to index
      %get3A_1950 = tpu.vector_load %arg11[%get3A_1949] {strides = array<i32>} : memref<4096xi32, #tpu.memory_space<vmem>>, vector<16xi32>,
      %reduce_sum3A = arith.constant true
      %reduce_sum3A_1951 = vector.broadcast %reduce_sum3A : i1 to vector<16xi1>
      %reduce_sum3A_1952 = tpu.scan <sum>, %get3A_1950 masked %reduce_sum3A_1951 : vector<16xi32>, vector<16xi1> -> vector<16xi32>
      %reduce_sum3A_1953 = vector.extract %reduce_sum3A_1952[15] : i32 from vector<16xi32>
      %add3A_1954 = arith.addi %while3A_1944, %reduce_sum3A_1953 : i32
      scf.yield %sub3A_1946, %add3A_1954 : i32, i32
    }
    %shift_left3A_594 = arith.constant 4 : i32
    %shift_left3A_595 = arith.shli %while3A_593#0, %shift_left3A_594 : i32
    %or3A_596 = arith.ori %or3A, %shift_left3A_595 : i32
    %bitcast_convert_type3A_597 = arith.bitcast %or3A_596 : i32 to f32
    %broadcast_in_dim3A_598 = vector.broadcast %bitcast_convert_type3A_597 : f32 to vector<16xf32>
    %add3A_599 = arith.constant 16 : i32
    %add3A_600 = arith.addi %or3A_596, %add3A_599 : i32
    %bitcast_convert_type3A_601 = arith.bitcast %add3A_600 : i32 to f32
    %broadcast_in_dim3A_602 = vector.broadcast %bitcast_convert_type3A_601 : f32 to vector<16xf32>
    %sub3A_603 = arith.subi %sub3A_575, %while3A_593#1 : i32
    %parallel_loop3A_604 = arith.constant 0 : i32
    %parallel_loop3A_605 = arith.constant 256 : i32
    %parallel_loop3A_606 = arith.constant 1 : i32
    scf.for %parallel_loop3A_1943 = %parallel_loop3A_604 to %parallel_loop3A_605 step %parallel_loop3A_606  : i32 {
      %parallel_loop3A_1944 = arith.constant 16 : i32
      %parallel_loop3A_1945 = arith.muli %parallel_loop3A_1943, %parallel_loop3A_1944 : i32
      %parallel_loop3A_1946 = arith.index_cast %parallel_loop3A_1945 : i32 to index
      %parallel_loop3A_1947 = tpu.vector_load %arg11[%parallel_loop3A_1946] {strides = array<i32>} : memref<4096xi32, #tpu.memory_space<vmem>>, vector<16xi32>,
      tpu.vector_store %arg11[%parallel_loop3A_1946], %broadcast_in_dim3A_3 {strides = array<i32>} : memref<4096xi32, #tpu.memory_space<vmem>>, vector<16xi32>,
    } {sc.loop_unroll_factor = 8 : i64, sc.parallel_access}
    %while3A_607 = arith.constant 0 : i32
    %while3A_608 = arith.constant 0 : i32
    %while3A_609 = arith.subi %select_n3A, %while3A_607 : i32
    %while3A_610 = arith.addi %while3A_607, %while3A_609 : i32
    %while3A_611 = arith.constant 1 : i32
    %while3A_612 = arith.divsi %while3A_609, %while3A_611 : i32
    %while3A_613 = arith.muli %while3A_612, %while3A_611 : i32
    %while3A_614 = arith.addi %while3A_607, %while3A_613 : i32
    %while3A_615 = arith.constant 1 : i32
    %while3A_616 = scf.for %while3A_1943 = %while3A_607 to %while3A_614 step %while3A_615 iter_args(%while3A_1944 = %while3A_608) -> (i32)  : i32 {
      %mul3A_1945 = arith.constant 16 : i32
      %mul3A_1946 = arith.muli %while3A_1943, %mul3A_1945 : i32
      %get3A_1947 = arith.index_cast %mul3A_1946 : i32 to index
      %get3A_1948 = tpu.vector_load %arg12[%get3A_1947] {strides = array<i32>} : memref<2048xf32, #tpu.memory_space<vmem>>, vector<16xf32>,
      %mul3A_1949 = arith.constant 16 : i32
      %mul3A_1950 = arith.muli %while3A_1943, %mul3A_1949 : i32
      %add3A_1951 = vector.broadcast %mul3A_1950 : i32 to vector<16xi32>
      %add3A_1952 = arith.addi %add3A_1951, %iota3A : vector<16xi32>
      %lt3A = vector.broadcast %min3A_520 : i32 to vector<16xi32>
      %lt3A_1953 = arith.cmpi slt, %add3A_1952, %lt3A : vector<16xi32>
      %ge3A = arith.cmpf oge, %get3A_1948, %broadcast_in_dim3A_598 : vector<16xf32>
      %lt3A_1954 = arith.cmpf olt, %get3A_1948, %broadcast_in_dim3A_602 : vector<16xf32>
      %and3A_1955 = arith.andi %ge3A, %lt3A_1954 : vector<16xi1>
      %and3A_1956 = arith.andi %and3A_1955, %lt3A_1953 : vector<16xi1>
      %bitcast3A = vector.bitcast %get3A_1948 : vector<16xf32> to vector<16xi32>
      %shift_right_logical3A_1957 = arith.constant 0 : i32
      %shift_right_logical3A_1958 = vector.broadcast %shift_right_logical3A_1957 : i32 to vector<16xi32>
      %shift_right_logical3A_1959 = arith.shrui %bitcast3A, %shift_right_logical3A_1958 : vector<16xi32>
      %and3A_1960 = arith.constant 15 : i32
      %and3A_1961 = vector.broadcast %and3A_1960 : i32 to vector<16xi32>
      %and3A_1962 = arith.andi %shift_right_logical3A_1959, %and3A_1961 : vector<16xi32>
      %mul3A_1963 = arith.constant 16 : i32
      %mul3A_1964 = vector.broadcast %mul3A_1963 : i32 to vector<16xi32>
      %mul3A_1965 = arith.muli %and3A_1962, %mul3A_1964 : vector<16xi32>
      %add3A_1966 = arith.addi %mul3A_1965, %iota3A : vector<16xi32>
      tpu.vector_store_idx %arg11[%add3A_1966], %broadcast_in_dim3A_1 masked %and3A_1956 {add = true} : memref<4096xi32, #tpu.memory_space<vmem>>[vector<16xi32>], vector<16xi32>, vector<16xi1>
      %while3A_1967 = arith.constant 0 : i32
      scf.yield %while3A_1967 : i32
    }
    %while3A_617 = arith.constant 1 : i32
    %while3A_618 = scf.for %while3A_1943 = %while3A_614 to %while3A_610 step %while3A_617 iter_args(%while3A_1944 = %while3A_616) -> (i32)  : i32 {
      %mul3A_1945 = arith.constant 16 : i32
      %mul3A_1946 = arith.muli %while3A_1943, %mul3A_1945 : i32
      %get3A_1947 = arith.index_cast %mul3A_1946 : i32 to index
      %get3A_1948 = tpu.vector_load %arg12[%get3A_1947] {strides = array<i32>} : memref<2048xf32, #tpu.memory_space<vmem>>, vector<16xf32>,
      %mul3A_1949 = arith.constant 16 : i32
      %mul3A_1950 = arith.muli %while3A_1943, %mul3A_1949 : i32
      %add3A_1951 = vector.broadcast %mul3A_1950 : i32 to vector<16xi32>
      %add3A_1952 = arith.addi %add3A_1951, %iota3A : vector<16xi32>
      %lt3A = vector.broadcast %min3A_520 : i32 to vector<16xi32>
      %lt3A_1953 = arith.cmpi slt, %add3A_1952, %lt3A : vector<16xi32>
      %ge3A = arith.cmpf oge, %get3A_1948, %broadcast_in_dim3A_598 : vector<16xf32>
      %lt3A_1954 = arith.cmpf olt, %get3A_1948, %broadcast_in_dim3A_602 : vector<16xf32>
      %and3A_1955 = arith.andi %ge3A, %lt3A_1954 : vector<16xi1>
      %and3A_1956 = arith.andi %and3A_1955, %lt3A_1953 : vector<16xi1>
      %bitcast3A = vector.bitcast %get3A_1948 : vector<16xf32> to vector<16xi32>
      %shift_right_logical3A_1957 = arith.constant 0 : i32
      %shift_right_logical3A_1958 = vector.broadcast %shift_right_logical3A_1957 : i32 to vector<16xi32>
      %shift_right_logical3A_1959 = arith.shrui %bitcast3A, %shift_right_logical3A_1958 : vector<16xi32>
      %and3A_1960 = arith.constant 15 : i32
      %and3A_1961 = vector.broadcast %and3A_1960 : i32 to vector<16xi32>
      %and3A_1962 = arith.andi %shift_right_logical3A_1959, %and3A_1961 : vector<16xi32>
      %mul3A_1963 = arith.constant 16 : i32
      %mul3A_1964 = vector.broadcast %mul3A_1963 : i32 to vector<16xi32>
      %mul3A_1965 = arith.muli %and3A_1962, %mul3A_1964 : vector<16xi32>
      %add3A_1966 = arith.addi %mul3A_1965, %iota3A : vector<16xi32>
      tpu.vector_store_idx %arg11[%add3A_1966], %broadcast_in_dim3A_1 masked %and3A_1956 {add = true} : memref<4096xi32, #tpu.memory_space<vmem>>[vector<16xi32>], vector<16xi32>, vector<16xi1>
      %while3A_1967 = arith.constant 0 : i32
      scf.yield %while3A_1967 : i32
    }
    %while3A_619 = arith.constant 15 : i32
    %while3A_620 = arith.constant 0 : i32
    %while3A_621:2 = scf.while (%while3A_1943 = %while3A_619, %while3A_1944 = %while3A_620) : (i32, i32) -> (i32, i32) {
      %mul3A_1945 = arith.constant 16 : i32
      %mul3A_1946 = arith.muli %while3A_1943, %mul3A_1945 : i32
      %get3A_1947 = arith.index_cast %mul3A_1946 : i32 to index
      %get3A_1948 = tpu.vector_load %arg11[%get3A_1947] {strides = array<i32>} : memref<4096xi32, #tpu.memory_space<vmem>>, vector<16xi32>,
      %reduce_sum3A = arith.constant true
      %reduce_sum3A_1949 = vector.broadcast %reduce_sum3A : i1 to vector<16xi1>
      %reduce_sum3A_1950 = tpu.scan <sum>, %get3A_1948 masked %reduce_sum3A_1949 : vector<16xi32>, vector<16xi1> -> vector<16xi32>
      %reduce_sum3A_1951 = vector.extract %reduce_sum3A_1950[15] : i32 from vector<16xi32>
      %add3A_1952 = arith.addi %while3A_1944, %reduce_sum3A_1951 : i32
      %lt3A = arith.cmpi slt, %add3A_1952, %sub3A_603 : i32
      %gt3A = arith.constant 0 : i32
      %gt3A_1953 = arith.cmpi sgt, %while3A_1943, %gt3A : i32
      %and3A_1954 = arith.andi %lt3A, %gt3A_1953 : i1
      scf.condition(%and3A_1954) %while3A_1943, %while3A_1944 : i32, i32
    } do {
    ^bb0(%while3A_1943: i32, %while3A_1944: i32):
      %sub3A_1945 = arith.constant 1 : i32
      %sub3A_1946 = arith.subi %while3A_1943, %sub3A_1945 : i32
      %mul3A_1947 = arith.constant 16 : i32
      %mul3A_1948 = arith.muli %while3A_1943, %mul3A_1947 : i32
      %get3A_1949 = arith.index_cast %mul3A_1948 : i32 to index
      %get3A_1950 = tpu.vector_load %arg11[%get3A_1949] {strides = array<i32>} : memref<4096xi32, #tpu.memory_space<vmem>>, vector<16xi32>,
      %reduce_sum3A = arith.constant true
      %reduce_sum3A_1951 = vector.broadcast %reduce_sum3A : i1 to vector<16xi1>
      %reduce_sum3A_1952 = tpu.scan <sum>, %get3A_1950 masked %reduce_sum3A_1951 : vector<16xi32>, vector<16xi1> -> vector<16xi32>
      %reduce_sum3A_1953 = vector.extract %reduce_sum3A_1952[15] : i32 from vector<16xi32>
      %add3A_1954 = arith.addi %while3A_1944, %reduce_sum3A_1953 : i32
      scf.yield %sub3A_1946, %add3A_1954 : i32, i32
    }
    %or3A_622 = arith.ori %or3A_596, %while3A_621#0 : i32
    %bitcast_convert_type3A_623 = arith.bitcast %or3A_622 : i32 to f32
    %broadcast_in_dim3A_624 = vector.broadcast %bitcast_convert_type3A_623 : f32 to vector<16xf32>
    %sub3A_625 = arith.subi %sub3A_603, %while3A_621#1 : i32
    %broadcast_in_dim3A_626 = arith.constant 0xFF800000 : f32
    %broadcast_in_dim3A_627 = vector.broadcast %broadcast_in_dim3A_626 : f32 to vector<16xf32>
    %swap3A_628 = arith.constant 0 : index
    %swap3A_629 = tpu.vector_load %arg14[%swap3A_628] {strides = array<i32>} : memref<336xf32, #tpu.memory_space<vmem>>, vector<16xf32>,
    tpu.vector_store %arg14[%swap3A_628], %broadcast_in_dim3A_627 {strides = array<i32>} : memref<336xf32, #tpu.memory_space<vmem>>, vector<16xf32>,
    %swap3A_630 = arith.constant 0 : index
    %swap3A_631 = tpu.vector_load %arg15[%swap3A_630] {strides = array<i32>} : memref<320xi32, #tpu.memory_space<vmem>>, vector<16xi32>,
    tpu.vector_store %arg15[%swap3A_630], %broadcast_in_dim3A_3 {strides = array<i32>} : memref<320xi32, #tpu.memory_space<vmem>>, vector<16xi32>,
    %swap3A_632 = arith.constant 16 : index
    %swap3A_633 = tpu.vector_load %arg14[%swap3A_632] {strides = array<i32>} : memref<336xf32, #tpu.memory_space<vmem>>, vector<16xf32>,
    tpu.vector_store %arg14[%swap3A_632], %broadcast_in_dim3A_627 {strides = array<i32>} : memref<336xf32, #tpu.memory_space<vmem>>, vector<16xf32>,
    %swap3A_634 = arith.constant 16 : index
    %swap3A_635 = tpu.vector_load %arg15[%swap3A_634] {strides = array<i32>} : memref<320xi32, #tpu.memory_space<vmem>>, vector<16xi32>,
    tpu.vector_store %arg15[%swap3A_634], %broadcast_in_dim3A_3 {strides = array<i32>} : memref<320xi32, #tpu.memory_space<vmem>>, vector<16xi32>,
    %swap3A_636 = arith.constant 32 : index
    %swap3A_637 = tpu.vector_load %arg14[%swap3A_636] {strides = array<i32>} : memref<336xf32, #tpu.memory_space<vmem>>, vector<16xf32>,
    tpu.vector_store %arg14[%swap3A_636], %broadcast_in_dim3A_627 {strides = array<i32>} : memref<336xf32, #tpu.memory_space<vmem>>, vector<16xf32>,
    %swap3A_638 = arith.constant 32 : index
    %swap3A_639 = tpu.vector_load %arg15[%swap3A_638] {strides = array<i32>} : memref<320xi32, #tpu.memory_space<vmem>>, vector<16xi32>,
    tpu.vector_store %arg15[%swap3A_638], %broadcast_in_dim3A_3 {strides = array<i32>} : memref<320xi32, #tpu.memory_space<vmem>>, vector<16xi32>,
    %swap3A_640 = arith.constant 48 : index
    %swap3A_641 = tpu.vector_load %arg14[%swap3A_640] {strides = array<i32>} : memref<336xf32, #tpu.memory_space<vmem>>, vector<16xf32>,
    tpu.vector_store %arg14[%swap3A_640], %broadcast_in_dim3A_627 {strides = array<i32>} : memref<336xf32, #tpu.memory_space<vmem>>, vector<16xf32>,
    %swap3A_642 = arith.constant 48 : index
    %swap3A_643 = tpu.vector_load %arg15[%swap3A_642] {strides = array<i32>} : memref<320xi32, #tpu.memory_space<vmem>>, vector<16xi32>,
    tpu.vector_store %arg15[%swap3A_642], %broadcast_in_dim3A_3 {strides = array<i32>} : memref<320xi32, #tpu.memory_space<vmem>>, vector<16xi32>,
    %swap3A_644 = arith.constant 64 : index
    %swap3A_645 = tpu.vector_load %arg14[%swap3A_644] {strides = array<i32>} : memref<336xf32, #tpu.memory_space<vmem>>, vector<16xf32>,
    tpu.vector_store %arg14[%swap3A_644], %broadcast_in_dim3A_627 {strides = array<i32>} : memref<336xf32, #tpu.memory_space<vmem>>, vector<16xf32>,
    %swap3A_646 = arith.constant 64 : index
    %swap3A_647 = tpu.vector_load %arg15[%swap3A_646] {strides = array<i32>} : memref<320xi32, #tpu.memory_space<vmem>>, vector<16xi32>,
    tpu.vector_store %arg15[%swap3A_646], %broadcast_in_dim3A_3 {strides = array<i32>} : memref<320xi32, #tpu.memory_space<vmem>>, vector<16xi32>,
    %swap3A_648 = arith.constant 80 : index
    %swap3A_649 = tpu.vector_load %arg14[%swap3A_648] {strides = array<i32>} : memref<336xf32, #tpu.memory_space<vmem>>, vector<16xf32>,
    tpu.vector_store %arg14[%swap3A_648], %broadcast_in_dim3A_627 {strides = array<i32>} : memref<336xf32, #tpu.memory_space<vmem>>, vector<16xf32>,
    %swap3A_650 = arith.constant 80 : index
    %swap3A_651 = tpu.vector_load %arg15[%swap3A_650] {strides = array<i32>} : memref<320xi32, #tpu.memory_space<vmem>>, vector<16xi32>,
    tpu.vector_store %arg15[%swap3A_650], %broadcast_in_dim3A_3 {strides = array<i32>} : memref<320xi32, #tpu.memory_space<vmem>>, vector<16xi32>,
    %swap3A_652 = arith.constant 96 : index
    %swap3A_653 = tpu.vector_load %arg14[%swap3A_652] {strides = array<i32>} : memref<336xf32, #tpu.memory_space<vmem>>, vector<16xf32>,
    tpu.vector_store %arg14[%swap3A_652], %broadcast_in_dim3A_627 {strides = array<i32>} : memref<336xf32, #tpu.memory_space<vmem>>, vector<16xf32>,
    %swap3A_654 = arith.constant 96 : index
    %swap3A_655 = tpu.vector_load %arg15[%swap3A_654] {strides = array<i32>} : memref<320xi32, #tpu.memory_space<vmem>>, vector<16xi32>,
    tpu.vector_store %arg15[%swap3A_654], %broadcast_in_dim3A_3 {strides = array<i32>} : memref<320xi32, #tpu.memory_space<vmem>>, vector<16xi32>,
    %swap3A_656 = arith.constant 112 : index
    %swap3A_657 = tpu.vector_load %arg14[%swap3A_656] {strides = array<i32>} : memref<336xf32, #tpu.memory_space<vmem>>, vector<16xf32>,
    tpu.vector_store %arg14[%swap3A_656], %broadcast_in_dim3A_627 {strides = array<i32>} : memref<336xf32, #tpu.memory_space<vmem>>, vector<16xf32>,
    %swap3A_658 = arith.constant 112 : index
    %swap3A_659 = tpu.vector_load %arg15[%swap3A_658] {strides = array<i32>} : memref<320xi32, #tpu.memory_space<vmem>>, vector<16xi32>,
    tpu.vector_store %arg15[%swap3A_658], %broadcast_in_dim3A_3 {strides = array<i32>} : memref<320xi32, #tpu.memory_space<vmem>>, vector<16xi32>,
    %swap3A_660 = arith.constant 128 : index
    %swap3A_661 = tpu.vector_load %arg14[%swap3A_660] {strides = array<i32>} : memref<336xf32, #tpu.memory_space<vmem>>, vector<16xf32>,
    tpu.vector_store %arg14[%swap3A_660], %broadcast_in_dim3A_627 {strides = array<i32>} : memref<336xf32, #tpu.memory_space<vmem>>, vector<16xf32>,
    %swap3A_662 = arith.constant 128 : index
    %swap3A_663 = tpu.vector_load %arg15[%swap3A_662] {strides = array<i32>} : memref<320xi32, #tpu.memory_space<vmem>>, vector<16xi32>,
    tpu.vector_store %arg15[%swap3A_662], %broadcast_in_dim3A_3 {strides = array<i32>} : memref<320xi32, #tpu.memory_space<vmem>>, vector<16xi32>,
    %swap3A_664 = arith.constant 144 : index
    %swap3A_665 = tpu.vector_load %arg14[%swap3A_664] {strides = array<i32>} : memref<336xf32, #tpu.memory_space<vmem>>, vector<16xf32>,
    tpu.vector_store %arg14[%swap3A_664], %broadcast_in_dim3A_627 {strides = array<i32>} : memref<336xf32, #tpu.memory_space<vmem>>, vector<16xf32>,
    %swap3A_666 = arith.constant 144 : index
    %swap3A_667 = tpu.vector_load %arg15[%swap3A_666] {strides = array<i32>} : memref<320xi32, #tpu.memory_space<vmem>>, vector<16xi32>,
    tpu.vector_store %arg15[%swap3A_666], %broadcast_in_dim3A_3 {strides = array<i32>} : memref<320xi32, #tpu.memory_space<vmem>>, vector<16xi32>,
    %swap3A_668 = arith.constant 160 : index
    %swap3A_669 = tpu.vector_load %arg14[%swap3A_668] {strides = array<i32>} : memref<336xf32, #tpu.memory_space<vmem>>, vector<16xf32>,
    tpu.vector_store %arg14[%swap3A_668], %broadcast_in_dim3A_627 {strides = array<i32>} : memref<336xf32, #tpu.memory_space<vmem>>, vector<16xf32>,
    %swap3A_670 = arith.constant 160 : index
    %swap3A_671 = tpu.vector_load %arg15[%swap3A_670] {strides = array<i32>} : memref<320xi32, #tpu.memory_space<vmem>>, vector<16xi32>,
    tpu.vector_store %arg15[%swap3A_670], %broadcast_in_dim3A_3 {strides = array<i32>} : memref<320xi32, #tpu.memory_space<vmem>>, vector<16xi32>,
    %swap3A_672 = arith.constant 176 : index
    %swap3A_673 = tpu.vector_load %arg14[%swap3A_672] {strides = array<i32>} : memref<336xf32, #tpu.memory_space<vmem>>, vector<16xf32>,
    tpu.vector_store %arg14[%swap3A_672], %broadcast_in_dim3A_627 {strides = array<i32>} : memref<336xf32, #tpu.memory_space<vmem>>, vector<16xf32>,
    %swap3A_674 = arith.constant 176 : index
    %swap3A_675 = tpu.vector_load %arg15[%swap3A_674] {strides = array<i32>} : memref<320xi32, #tpu.memory_space<vmem>>, vector<16xi32>,
    tpu.vector_store %arg15[%swap3A_674], %broadcast_in_dim3A_3 {strides = array<i32>} : memref<320xi32, #tpu.memory_space<vmem>>, vector<16xi32>,
    %swap3A_676 = arith.constant 192 : index
    %swap3A_677 = tpu.vector_load %arg14[%swap3A_676] {strides = array<i32>} : memref<336xf32, #tpu.memory_space<vmem>>, vector<16xf32>,
    tpu.vector_store %arg14[%swap3A_676], %broadcast_in_dim3A_627 {strides = array<i32>} : memref<336xf32, #tpu.memory_space<vmem>>, vector<16xf32>,
    %swap3A_678 = arith.constant 192 : index
    %swap3A_679 = tpu.vector_load %arg15[%swap3A_678] {strides = array<i32>} : memref<320xi32, #tpu.memory_space<vmem>>, vector<16xi32>,
    tpu.vector_store %arg15[%swap3A_678], %broadcast_in_dim3A_3 {strides = array<i32>} : memref<320xi32, #tpu.memory_space<vmem>>, vector<16xi32>,
    %swap3A_680 = arith.constant 208 : index
    %swap3A_681 = tpu.vector_load %arg14[%swap3A_680] {strides = array<i32>} : memref<336xf32, #tpu.memory_space<vmem>>, vector<16xf32>,
    tpu.vector_store %arg14[%swap3A_680], %broadcast_in_dim3A_627 {strides = array<i32>} : memref<336xf32, #tpu.memory_space<vmem>>, vector<16xf32>,
    %swap3A_682 = arith.constant 208 : index
    %swap3A_683 = tpu.vector_load %arg15[%swap3A_682] {strides = array<i32>} : memref<320xi32, #tpu.memory_space<vmem>>, vector<16xi32>,
    tpu.vector_store %arg15[%swap3A_682], %broadcast_in_dim3A_3 {strides = array<i32>} : memref<320xi32, #tpu.memory_space<vmem>>, vector<16xi32>,
    %swap3A_684 = arith.constant 224 : index
    %swap3A_685 = tpu.vector_load %arg14[%swap3A_684] {strides = array<i32>} : memref<336xf32, #tpu.memory_space<vmem>>, vector<16xf32>,
    tpu.vector_store %arg14[%swap3A_684], %broadcast_in_dim3A_627 {strides = array<i32>} : memref<336xf32, #tpu.memory_space<vmem>>, vector<16xf32>,
    %swap3A_686 = arith.constant 224 : index
    %swap3A_687 = tpu.vector_load %arg15[%swap3A_686] {strides = array<i32>} : memref<320xi32, #tpu.memory_space<vmem>>, vector<16xi32>,
    tpu.vector_store %arg15[%swap3A_686], %broadcast_in_dim3A_3 {strides = array<i32>} : memref<320xi32, #tpu.memory_space<vmem>>, vector<16xi32>,
    %swap3A_688 = arith.constant 240 : index
    %swap3A_689 = tpu.vector_load %arg14[%swap3A_688] {strides = array<i32>} : memref<336xf32, #tpu.memory_space<vmem>>, vector<16xf32>,
    tpu.vector_store %arg14[%swap3A_688], %broadcast_in_dim3A_627 {strides = array<i32>} : memref<336xf32, #tpu.memory_space<vmem>>, vector<16xf32>,
    %swap3A_690 = arith.constant 240 : index
    %swap3A_691 = tpu.vector_load %arg15[%swap3A_690] {strides = array<i32>} : memref<320xi32, #tpu.memory_space<vmem>>, vector<16xi32>,
    tpu.vector_store %arg15[%swap3A_690], %broadcast_in_dim3A_3 {strides = array<i32>} : memref<320xi32, #tpu.memory_space<vmem>>, vector<16xi32>,
    %swap3A_692 = arith.constant 256 : index
    %swap3A_693 = tpu.vector_load %arg14[%swap3A_692] {strides = array<i32>} : memref<336xf32, #tpu.memory_space<vmem>>, vector<16xf32>,
    tpu.vector_store %arg14[%swap3A_692], %broadcast_in_dim3A_627 {strides = array<i32>} : memref<336xf32, #tpu.memory_space<vmem>>, vector<16xf32>,
    %swap3A_694 = arith.constant 256 : index
    %swap3A_695 = tpu.vector_load %arg15[%swap3A_694] {strides = array<i32>} : memref<320xi32, #tpu.memory_space<vmem>>, vector<16xi32>,
    tpu.vector_store %arg15[%swap3A_694], %broadcast_in_dim3A_3 {strides = array<i32>} : memref<320xi32, #tpu.memory_space<vmem>>, vector<16xi32>,
    %swap3A_696 = arith.constant 272 : index
    %swap3A_697 = tpu.vector_load %arg14[%swap3A_696] {strides = array<i32>} : memref<336xf32, #tpu.memory_space<vmem>>, vector<16xf32>,
    tpu.vector_store %arg14[%swap3A_696], %broadcast_in_dim3A_627 {strides = array<i32>} : memref<336xf32, #tpu.memory_space<vmem>>, vector<16xf32>,
    %swap3A_698 = arith.constant 272 : index
    %swap3A_699 = tpu.vector_load %arg15[%swap3A_698] {strides = array<i32>} : memref<320xi32, #tpu.memory_space<vmem>>, vector<16xi32>,
    tpu.vector_store %arg15[%swap3A_698], %broadcast_in_dim3A_3 {strides = array<i32>} : memref<320xi32, #tpu.memory_space<vmem>>, vector<16xi32>,
    %swap3A_700 = arith.constant 288 : index
    %swap3A_701 = tpu.vector_load %arg14[%swap3A_700] {strides = array<i32>} : memref<336xf32, #tpu.memory_space<vmem>>, vector<16xf32>,
    tpu.vector_store %arg14[%swap3A_700], %broadcast_in_dim3A_627 {strides = array<i32>} : memref<336xf32, #tpu.memory_space<vmem>>, vector<16xf32>,
    %swap3A_702 = arith.constant 288 : index
    %swap3A_703 = tpu.vector_load %arg15[%swap3A_702] {strides = array<i32>} : memref<320xi32, #tpu.memory_space<vmem>>, vector<16xi32>,
    tpu.vector_store %arg15[%swap3A_702], %broadcast_in_dim3A_3 {strides = array<i32>} : memref<320xi32, #tpu.memory_space<vmem>>, vector<16xi32>,
    %swap3A_704 = arith.constant 304 : index
    %swap3A_705 = tpu.vector_load %arg14[%swap3A_704] {strides = array<i32>} : memref<336xf32, #tpu.memory_space<vmem>>, vector<16xf32>,
    tpu.vector_store %arg14[%swap3A_704], %broadcast_in_dim3A_627 {strides = array<i32>} : memref<336xf32, #tpu.memory_space<vmem>>, vector<16xf32>,
    %swap3A_706 = arith.constant 304 : index
    %swap3A_707 = tpu.vector_load %arg15[%swap3A_706] {strides = array<i32>} : memref<320xi32, #tpu.memory_space<vmem>>, vector<16xi32>,
    tpu.vector_store %arg15[%swap3A_706], %broadcast_in_dim3A_3 {strides = array<i32>} : memref<320xi32, #tpu.memory_space<vmem>>, vector<16xi32>,
    %while3A_708 = arith.constant 0 : i32
    %while3A_709 = arith.subi %select_n3A, %while3A_708 : i32
    %while3A_710 = arith.addi %while3A_708, %while3A_709 : i32
    %while3A_711 = arith.constant 1 : i32
    %while3A_712 = arith.divsi %while3A_709, %while3A_711 : i32
    %while3A_713 = arith.muli %while3A_712, %while3A_711 : i32
    %while3A_714 = arith.addi %while3A_708, %while3A_713 : i32
    %while3A_715 = arith.constant 1 : i32
    %while3A_716:2 = scf.for %while3A_1943 = %while3A_708 to %while3A_714 step %while3A_715 iter_args(%while3A_1944 = %broadcast_in_dim3A_3, %while3A_1945 = %broadcast_in_dim3A_3) -> (vector<16xi32>, vector<16xi32>)  : i32 {
      %mul3A_1946 = arith.constant 16 : i32
      %mul3A_1947 = arith.muli %while3A_1943, %mul3A_1946 : i32
      %get3A_1948 = arith.index_cast %mul3A_1947 : i32 to index
      %get3A_1949 = tpu.vector_load %arg12[%get3A_1948] {strides = array<i32>} : memref<2048xf32, #tpu.memory_space<vmem>>, vector<16xf32>,
      %mul3A_1950 = arith.constant 16 : i32
      %mul3A_1951 = arith.muli %while3A_1943, %mul3A_1950 : i32
      %get3A_1952 = arith.index_cast %mul3A_1951 : i32 to index
      %get3A_1953 = tpu.vector_load %arg13[%get3A_1952] {strides = array<i32>} : memref<2048xi32, #tpu.memory_space<vmem>>, vector<16xi32>,
      %mul3A_1954 = arith.constant 16 : i32
      %mul3A_1955 = arith.muli %while3A_1943, %mul3A_1954 : i32
      %add3A_1956 = vector.broadcast %mul3A_1955 : i32 to vector<16xi32>
      %add3A_1957 = arith.addi %add3A_1956, %iota3A : vector<16xi32>
      %lt3A = vector.broadcast %min3A_520 : i32 to vector<16xi32>
      %lt3A_1958 = arith.cmpi slt, %add3A_1957, %lt3A : vector<16xi32>
      %gt3A = arith.cmpf ogt, %get3A_1949, %broadcast_in_dim3A_624 : vector<16xf32>
      %and3A_1959 = arith.andi %gt3A, %lt3A_1958 : vector<16xi1>
      %eq3A = arith.cmpf oeq, %get3A_1949, %broadcast_in_dim3A_624 : vector<16xf32>
      %and3A_1960 = arith.andi %eq3A, %lt3A_1958 : vector<16xi1>
      %jit3A_1961 = arith.constant 1 : i32
      %jit3A_1962 = arith.constant 0 : i32
      %broadcast_in_dim3A_1963 = vector.broadcast %jit3A_1961 : i32 to vector<16xi32>
      %broadcast_in_dim3A_1964 = vector.broadcast %jit3A_1962 : i32 to vector<16xi32>
      %select_n3A_1965 = arith.select %and3A_1960, %broadcast_in_dim3A_1963, %broadcast_in_dim3A_1964 : vector<16xi1>, vector<16xi32>
      %broadcast_in_dim3A_1966 = arith.constant true
      %broadcast_in_dim3A_1967 = vector.broadcast %broadcast_in_dim3A_1966 : i1 to vector<16xi1>
      %masked_cumsum3A = tpu.scan <sum>, %select_n3A_1965 masked %broadcast_in_dim3A_1967 : vector<16xi32>, vector<16xi1> -> vector<16xi32>
      %add3A_1968 = arith.addi %while3A_1945, %masked_cumsum3A : vector<16xi32>
      %le3A = vector.broadcast %sub3A_625 : i32 to vector<16xi32>
      %le3A_1969 = arith.cmpi sle, %add3A_1968, %le3A : vector<16xi32>
      %and3A_1970 = arith.andi %and3A_1960, %le3A_1969 : vector<16xi1>
      %or3A_1971 = arith.ori %and3A_1959, %and3A_1970 : vector<16xi1>
      %jit3A_1972 = arith.constant 1 : i32
      %jit3A_1973 = arith.constant 0 : i32
      %broadcast_in_dim3A_1974 = vector.broadcast %jit3A_1972 : i32 to vector<16xi32>
      %broadcast_in_dim3A_1975 = vector.broadcast %jit3A_1973 : i32 to vector<16xi32>
      %select_n3A_1976 = arith.select %or3A_1971, %broadcast_in_dim3A_1974, %broadcast_in_dim3A_1975 : vector<16xi1>, vector<16xi32>
      %broadcast_in_dim3A_1977 = arith.constant true
      %broadcast_in_dim3A_1978 = vector.broadcast %broadcast_in_dim3A_1977 : i1 to vector<16xi1>
      %masked_cumsum3A_1979 = tpu.scan <sum>, %select_n3A_1976 masked %broadcast_in_dim3A_1978 : vector<16xi32>, vector<16xi1> -> vector<16xi32>
      %add3A_1980 = arith.addi %while3A_1944, %masked_cumsum3A_1979 : vector<16xi32>
      %sub3A_1981 = arith.constant 1 : i32
      %sub3A_1982 = vector.broadcast %sub3A_1981 : i32 to vector<16xi32>
      %sub3A_1983 = arith.subi %add3A_1980, %sub3A_1982 : vector<16xi32>
      %min3A_1984 = arith.constant 319 : i32
      %min3A_1985 = vector.broadcast %min3A_1984 : i32 to vector<16xi32>
      %min3A_1986 = arith.minsi %sub3A_1983, %min3A_1985 : vector<16xi32>
      tpu.vector_store_idx %arg14[%min3A_1986], %get3A_1949 masked %or3A_1971 : memref<336xf32, #tpu.memory_space<vmem>>[vector<16xi32>], vector<16xf32>, vector<16xi1>
      tpu.vector_store_idx %arg15[%min3A_1986], %get3A_1953 masked %or3A_1971 : memref<320xi32, #tpu.memory_space<vmem>>[vector<16xi32>], vector<16xi32>, vector<16xi1>
      %all_reduce_population_count3A = tpu.all_reduce %or3A_1971 {dim = 0 : i64, kind = #tpu.reduction_kind<sum>} : vector<16xi1> -> vector<16xi32>
      %add3A_1987 = arith.addi %while3A_1944, %all_reduce_population_count3A : vector<16xi32>
      %all_reduce_population_count3A_1988 = tpu.all_reduce %and3A_1960 {dim = 0 : i64, kind = #tpu.reduction_kind<sum>} : vector<16xi1> -> vector<16xi32>
      %add3A_1989 = arith.addi %while3A_1945, %all_reduce_population_count3A_1988 : vector<16xi32>
      scf.yield %add3A_1987, %add3A_1989 : vector<16xi32>, vector<16xi32>
    }
    %while3A_717 = arith.constant 1 : i32
    %while3A_718:2 = scf.for %while3A_1943 = %while3A_714 to %while3A_710 step %while3A_717 iter_args(%while3A_1944 = %while3A_716#0, %while3A_1945 = %while3A_716#1) -> (vector<16xi32>, vector<16xi32>)  : i32 {
      %mul3A_1946 = arith.constant 16 : i32
      %mul3A_1947 = arith.muli %while3A_1943, %mul3A_1946 : i32
      %get3A_1948 = arith.index_cast %mul3A_1947 : i32 to index
      %get3A_1949 = tpu.vector_load %arg12[%get3A_1948] {strides = array<i32>} : memref<2048xf32, #tpu.memory_space<vmem>>, vector<16xf32>,
      %mul3A_1950 = arith.constant 16 : i32
      %mul3A_1951 = arith.muli %while3A_1943, %mul3A_1950 : i32
      %get3A_1952 = arith.index_cast %mul3A_1951 : i32 to index
      %get3A_1953 = tpu.vector_load %arg13[%get3A_1952] {strides = array<i32>} : memref<2048xi32, #tpu.memory_space<vmem>>, vector<16xi32>,
      %mul3A_1954 = arith.constant 16 : i32
      %mul3A_1955 = arith.muli %while3A_1943, %mul3A_1954 : i32
      %add3A_1956 = vector.broadcast %mul3A_1955 : i32 to vector<16xi32>
      %add3A_1957 = arith.addi %add3A_1956, %iota3A : vector<16xi32>
      %lt3A = vector.broadcast %min3A_520 : i32 to vector<16xi32>
      %lt3A_1958 = arith.cmpi slt, %add3A_1957, %lt3A : vector<16xi32>
      %gt3A = arith.cmpf ogt, %get3A_1949, %broadcast_in_dim3A_624 : vector<16xf32>
      %and3A_1959 = arith.andi %gt3A, %lt3A_1958 : vector<16xi1>
      %eq3A = arith.cmpf oeq, %get3A_1949, %broadcast_in_dim3A_624 : vector<16xf32>
      %and3A_1960 = arith.andi %eq3A, %lt3A_1958 : vector<16xi1>
      %jit3A_1961 = arith.constant 1 : i32
      %jit3A_1962 = arith.constant 0 : i32
      %broadcast_in_dim3A_1963 = vector.broadcast %jit3A_1961 : i32 to vector<16xi32>
      %broadcast_in_dim3A_1964 = vector.broadcast %jit3A_1962 : i32 to vector<16xi32>
      %select_n3A_1965 = arith.select %and3A_1960, %broadcast_in_dim3A_1963, %broadcast_in_dim3A_1964 : vector<16xi1>, vector<16xi32>
      %broadcast_in_dim3A_1966 = arith.constant true
      %broadcast_in_dim3A_1967 = vector.broadcast %broadcast_in_dim3A_1966 : i1 to vector<16xi1>
      %masked_cumsum3A = tpu.scan <sum>, %select_n3A_1965 masked %broadcast_in_dim3A_1967 : vector<16xi32>, vector<16xi1> -> vector<16xi32>
      %add3A_1968 = arith.addi %while3A_1945, %masked_cumsum3A : vector<16xi32>
      %le3A = vector.broadcast %sub3A_625 : i32 to vector<16xi32>
      %le3A_1969 = arith.cmpi sle, %add3A_1968, %le3A : vector<16xi32>
      %and3A_1970 = arith.andi %and3A_1960, %le3A_1969 : vector<16xi1>
      %or3A_1971 = arith.ori %and3A_1959, %and3A_1970 : vector<16xi1>
      %jit3A_1972 = arith.constant 1 : i32
      %jit3A_1973 = arith.constant 0 : i32
      %broadcast_in_dim3A_1974 = vector.broadcast %jit3A_1972 : i32 to vector<16xi32>
      %broadcast_in_dim3A_1975 = vector.broadcast %jit3A_1973 : i32 to vector<16xi32>
      %select_n3A_1976 = arith.select %or3A_1971, %broadcast_in_dim3A_1974, %broadcast_in_dim3A_1975 : vector<16xi1>, vector<16xi32>
      %broadcast_in_dim3A_1977 = arith.constant true
      %broadcast_in_dim3A_1978 = vector.broadcast %broadcast_in_dim3A_1977 : i1 to vector<16xi1>
      %masked_cumsum3A_1979 = tpu.scan <sum>, %select_n3A_1976 masked %broadcast_in_dim3A_1978 : vector<16xi32>, vector<16xi1> -> vector<16xi32>
      %add3A_1980 = arith.addi %while3A_1944, %masked_cumsum3A_1979 : vector<16xi32>
      %sub3A_1981 = arith.constant 1 : i32
      %sub3A_1982 = vector.broadcast %sub3A_1981 : i32 to vector<16xi32>
      %sub3A_1983 = arith.subi %add3A_1980, %sub3A_1982 : vector<16xi32>
      %min3A_1984 = arith.constant 319 : i32
      %min3A_1985 = vector.broadcast %min3A_1984 : i32 to vector<16xi32>
      %min3A_1986 = arith.minsi %sub3A_1983, %min3A_1985 : vector<16xi32>
      tpu.vector_store_idx %arg14[%min3A_1986], %get3A_1949 masked %or3A_1971 : memref<336xf32, #tpu.memory_space<vmem>>[vector<16xi32>], vector<16xf32>, vector<16xi1>
      tpu.vector_store_idx %arg15[%min3A_1986], %get3A_1953 masked %or3A_1971 : memref<320xi32, #tpu.memory_space<vmem>>[vector<16xi32>], vector<16xi32>, vector<16xi1>
      %all_reduce_population_count3A = tpu.all_reduce %or3A_1971 {dim = 0 : i64, kind = #tpu.reduction_kind<sum>} : vector<16xi1> -> vector<16xi32>
      %add3A_1987 = arith.addi %while3A_1944, %all_reduce_population_count3A : vector<16xi32>
      %all_reduce_population_count3A_1988 = tpu.all_reduce %and3A_1960 {dim = 0 : i64, kind = #tpu.reduction_kind<sum>} : vector<16xi1> -> vector<16xi32>
      %add3A_1989 = arith.addi %while3A_1945, %all_reduce_population_count3A_1988 : vector<16xi32>
      scf.yield %add3A_1987, %add3A_1989 : vector<16xi32>, vector<16xi32>
    }
    %get3A_719 = arith.constant 0 : index
    %get3A_720 = tpu.vector_load %arg14[%get3A_719] {strides = array<i32>} : memref<336xf32, #tpu.memory_space<vmem>>, vector<16xf32>,
    %get3A_721 = arith.constant 16 : index
    %get3A_722 = tpu.vector_load %arg14[%get3A_721] {strides = array<i32>} : memref<336xf32, #tpu.memory_space<vmem>>, vector<16xf32>,
    %get3A_723 = arith.constant 32 : index
    %get3A_724 = tpu.vector_load %arg14[%get3A_723] {strides = array<i32>} : memref<336xf32, #tpu.memory_space<vmem>>, vector<16xf32>,
    %get3A_725 = arith.constant 48 : index
    %get3A_726 = tpu.vector_load %arg14[%get3A_725] {strides = array<i32>} : memref<336xf32, #tpu.memory_space<vmem>>, vector<16xf32>,
    %get3A_727 = arith.constant 64 : index
    %get3A_728 = tpu.vector_load %arg14[%get3A_727] {strides = array<i32>} : memref<336xf32, #tpu.memory_space<vmem>>, vector<16xf32>,
    %get3A_729 = arith.constant 80 : index
    %get3A_730 = tpu.vector_load %arg14[%get3A_729] {strides = array<i32>} : memref<336xf32, #tpu.memory_space<vmem>>, vector<16xf32>,
    %get3A_731 = arith.constant 96 : index
    %get3A_732 = tpu.vector_load %arg14[%get3A_731] {strides = array<i32>} : memref<336xf32, #tpu.memory_space<vmem>>, vector<16xf32>,
    %get3A_733 = arith.constant 112 : index
    %get3A_734 = tpu.vector_load %arg14[%get3A_733] {strides = array<i32>} : memref<336xf32, #tpu.memory_space<vmem>>, vector<16xf32>,
    %get3A_735 = arith.constant 128 : index
    %get3A_736 = tpu.vector_load %arg14[%get3A_735] {strides = array<i32>} : memref<336xf32, #tpu.memory_space<vmem>>, vector<16xf32>,
    %get3A_737 = arith.constant 144 : index
    %get3A_738 = tpu.vector_load %arg14[%get3A_737] {strides = array<i32>} : memref<336xf32, #tpu.memory_space<vmem>>, vector<16xf32>,
    %parallel_loop3A_739 = arith.constant 0 : i32
    %parallel_loop3A_740 = arith.constant 320 : i32
    %parallel_loop3A_741 = arith.constant 1 : i32
    %parallel_loop3A_742:10 = scf.for %parallel_loop3A_1943 = %parallel_loop3A_739 to %parallel_loop3A_740 step %parallel_loop3A_741 iter_args(%parallel_loop3A_1944 = %broadcast_in_dim3A_3, %parallel_loop3A_1945 = %broadcast_in_dim3A_3, %parallel_loop3A_1946 = %broadcast_in_dim3A_3, %parallel_loop3A_1947 = %broadcast_in_dim3A_3, %parallel_loop3A_1948 = %broadcast_in_dim3A_3, %parallel_loop3A_1949 = %broadcast_in_dim3A_3, %parallel_loop3A_1950 = %broadcast_in_dim3A_3, %parallel_loop3A_1951 = %broadcast_in_dim3A_3, %parallel_loop3A_1952 = %broadcast_in_dim3A_3, %parallel_loop3A_1953 = %broadcast_in_dim3A_3) -> (vector<16xi32>, vector<16xi32>, vector<16xi32>, vector<16xi32>, vector<16xi32>, vector<16xi32>, vector<16xi32>, vector<16xi32>, vector<16xi32>, vector<16xi32>)  : i32 {
      %parallel_loop3A_1954 = arith.index_cast %parallel_loop3A_1943 : i32 to index
      %parallel_loop3A_1955 = tpu.vector_load %arg14[%parallel_loop3A_1954] {strides = array<i32>} : memref<336xf32, #tpu.memory_space<vmem>>, vector<16xf32>,
      %parallel_loop3A_1956 = vector.extract_strided_slice %parallel_loop3A_1955 {offsets = [0], sizes = [1], strides = [1]} : vector<16xf32> to vector<1xf32>
      %parallel_loop3A_1957 = vector.extract %parallel_loop3A_1956[0] : f32 from vector<1xf32>
      %parallel_loop3A_1958 = vector.broadcast %parallel_loop3A_1957 : f32 to vector<16xf32>
      %parallel_loop3A_1959 = vector.broadcast %parallel_loop3A_1943 : i32 to vector<16xi32>
      %parallel_loop3A_1960 = arith.cmpf ogt, %parallel_loop3A_1958, %get3A_720 : vector<16xf32>
      %parallel_loop3A_1961 = arith.cmpf oeq, %parallel_loop3A_1958, %get3A_720 : vector<16xf32>
      %parallel_loop3A_1962 = arith.constant 0 : i32
      %parallel_loop3A_1963 = vector.broadcast %parallel_loop3A_1962 : i32 to vector<16xi32>
      %parallel_loop3A_1964 = arith.subi %parallel_loop3A_1959, %parallel_loop3A_1963 : vector<16xi32>
      %parallel_loop3A_1965 = arith.cmpi slt, %parallel_loop3A_1964, %iota3A : vector<16xi32>
      %parallel_loop3A_1966 = arith.andi %parallel_loop3A_1961, %parallel_loop3A_1965 : vector<16xi1>
      %parallel_loop3A_1967 = arith.ori %parallel_loop3A_1960, %parallel_loop3A_1966 : vector<16xi1>
      %parallel_loop3A_1968 = arith.constant 1 : i32
      %parallel_loop3A_1969 = arith.constant 0 : i32
      %parallel_loop3A_1970 = vector.broadcast %parallel_loop3A_1968 : i32 to vector<16xi32>
      %parallel_loop3A_1971 = vector.broadcast %parallel_loop3A_1969 : i32 to vector<16xi32>
      %parallel_loop3A_1972 = arith.select %parallel_loop3A_1967, %parallel_loop3A_1970, %parallel_loop3A_1971 : vector<16xi1>, vector<16xi32>
      %parallel_loop3A_1973 = arith.addi %parallel_loop3A_1944, %parallel_loop3A_1972 : vector<16xi32>
      %parallel_loop3A_1974 = arith.cmpf ogt, %parallel_loop3A_1958, %get3A_722 : vector<16xf32>
      %parallel_loop3A_1975 = arith.cmpf oeq, %parallel_loop3A_1958, %get3A_722 : vector<16xf32>
      %parallel_loop3A_1976 = arith.constant 16 : i32
      %parallel_loop3A_1977 = vector.broadcast %parallel_loop3A_1976 : i32 to vector<16xi32>
      %parallel_loop3A_1978 = arith.subi %parallel_loop3A_1959, %parallel_loop3A_1977 : vector<16xi32>
      %parallel_loop3A_1979 = arith.cmpi slt, %parallel_loop3A_1978, %iota3A : vector<16xi32>
      %parallel_loop3A_1980 = arith.andi %parallel_loop3A_1975, %parallel_loop3A_1979 : vector<16xi1>
      %parallel_loop3A_1981 = arith.ori %parallel_loop3A_1974, %parallel_loop3A_1980 : vector<16xi1>
      %parallel_loop3A_1982 = arith.constant 1 : i32
      %parallel_loop3A_1983 = arith.constant 0 : i32
      %parallel_loop3A_1984 = vector.broadcast %parallel_loop3A_1982 : i32 to vector<16xi32>
      %parallel_loop3A_1985 = vector.broadcast %parallel_loop3A_1983 : i32 to vector<16xi32>
      %parallel_loop3A_1986 = arith.select %parallel_loop3A_1981, %parallel_loop3A_1984, %parallel_loop3A_1985 : vector<16xi1>, vector<16xi32>
      %parallel_loop3A_1987 = arith.addi %parallel_loop3A_1945, %parallel_loop3A_1986 : vector<16xi32>
      %parallel_loop3A_1988 = arith.cmpf ogt, %parallel_loop3A_1958, %get3A_724 : vector<16xf32>
      %parallel_loop3A_1989 = arith.cmpf oeq, %parallel_loop3A_1958, %get3A_724 : vector<16xf32>
      %parallel_loop3A_1990 = arith.constant 32 : i32
      %parallel_loop3A_1991 = vector.broadcast %parallel_loop3A_1990 : i32 to vector<16xi32>
      %parallel_loop3A_1992 = arith.subi %parallel_loop3A_1959, %parallel_loop3A_1991 : vector<16xi32>
      %parallel_loop3A_1993 = arith.cmpi slt, %parallel_loop3A_1992, %iota3A : vector<16xi32>
      %parallel_loop3A_1994 = arith.andi %parallel_loop3A_1989, %parallel_loop3A_1993 : vector<16xi1>
      %parallel_loop3A_1995 = arith.ori %parallel_loop3A_1988, %parallel_loop3A_1994 : vector<16xi1>
      %parallel_loop3A_1996 = arith.constant 1 : i32
      %parallel_loop3A_1997 = arith.constant 0 : i32
      %parallel_loop3A_1998 = vector.broadcast %parallel_loop3A_1996 : i32 to vector<16xi32>
      %parallel_loop3A_1999 = vector.broadcast %parallel_loop3A_1997 : i32 to vector<16xi32>
      %parallel_loop3A_2000 = arith.select %parallel_loop3A_1995, %parallel_loop3A_1998, %parallel_loop3A_1999 : vector<16xi1>, vector<16xi32>
      %parallel_loop3A_2001 = arith.addi %parallel_loop3A_1946, %parallel_loop3A_2000 : vector<16xi32>
      %parallel_loop3A_2002 = arith.cmpf ogt, %parallel_loop3A_1958, %get3A_726 : vector<16xf32>
      %parallel_loop3A_2003 = arith.cmpf oeq, %parallel_loop3A_1958, %get3A_726 : vector<16xf32>
      %parallel_loop3A_2004 = arith.constant 48 : i32
      %parallel_loop3A_2005 = vector.broadcast %parallel_loop3A_2004 : i32 to vector<16xi32>
      %parallel_loop3A_2006 = arith.subi %parallel_loop3A_1959, %parallel_loop3A_2005 : vector<16xi32>
      %parallel_loop3A_2007 = arith.cmpi slt, %parallel_loop3A_2006, %iota3A : vector<16xi32>
      %parallel_loop3A_2008 = arith.andi %parallel_loop3A_2003, %parallel_loop3A_2007 : vector<16xi1>
      %parallel_loop3A_2009 = arith.ori %parallel_loop3A_2002, %parallel_loop3A_2008 : vector<16xi1>
      %parallel_loop3A_2010 = arith.constant 1 : i32
      %parallel_loop3A_2011 = arith.constant 0 : i32
      %parallel_loop3A_2012 = vector.broadcast %parallel_loop3A_2010 : i32 to vector<16xi32>
      %parallel_loop3A_2013 = vector.broadcast %parallel_loop3A_2011 : i32 to vector<16xi32>
      %parallel_loop3A_2014 = arith.select %parallel_loop3A_2009, %parallel_loop3A_2012, %parallel_loop3A_2013 : vector<16xi1>, vector<16xi32>
      %parallel_loop3A_2015 = arith.addi %parallel_loop3A_1947, %parallel_loop3A_2014 : vector<16xi32>
      %parallel_loop3A_2016 = arith.cmpf ogt, %parallel_loop3A_1958, %get3A_728 : vector<16xf32>
      %parallel_loop3A_2017 = arith.cmpf oeq, %parallel_loop3A_1958, %get3A_728 : vector<16xf32>
      %parallel_loop3A_2018 = arith.constant 64 : i32
      %parallel_loop3A_2019 = vector.broadcast %parallel_loop3A_2018 : i32 to vector<16xi32>
      %parallel_loop3A_2020 = arith.subi %parallel_loop3A_1959, %parallel_loop3A_2019 : vector<16xi32>
      %parallel_loop3A_2021 = arith.cmpi slt, %parallel_loop3A_2020, %iota3A : vector<16xi32>
      %parallel_loop3A_2022 = arith.andi %parallel_loop3A_2017, %parallel_loop3A_2021 : vector<16xi1>
      %parallel_loop3A_2023 = arith.ori %parallel_loop3A_2016, %parallel_loop3A_2022 : vector<16xi1>
      %parallel_loop3A_2024 = arith.constant 1 : i32
      %parallel_loop3A_2025 = arith.constant 0 : i32
      %parallel_loop3A_2026 = vector.broadcast %parallel_loop3A_2024 : i32 to vector<16xi32>
      %parallel_loop3A_2027 = vector.broadcast %parallel_loop3A_2025 : i32 to vector<16xi32>
      %parallel_loop3A_2028 = arith.select %parallel_loop3A_2023, %parallel_loop3A_2026, %parallel_loop3A_2027 : vector<16xi1>, vector<16xi32>
      %parallel_loop3A_2029 = arith.addi %parallel_loop3A_1948, %parallel_loop3A_2028 : vector<16xi32>
      %parallel_loop3A_2030 = arith.cmpf ogt, %parallel_loop3A_1958, %get3A_730 : vector<16xf32>
      %parallel_loop3A_2031 = arith.cmpf oeq, %parallel_loop3A_1958, %get3A_730 : vector<16xf32>
      %parallel_loop3A_2032 = arith.constant 80 : i32
      %parallel_loop3A_2033 = vector.broadcast %parallel_loop3A_2032 : i32 to vector<16xi32>
      %parallel_loop3A_2034 = arith.subi %parallel_loop3A_1959, %parallel_loop3A_2033 : vector<16xi32>
      %parallel_loop3A_2035 = arith.cmpi slt, %parallel_loop3A_2034, %iota3A : vector<16xi32>
      %parallel_loop3A_2036 = arith.andi %parallel_loop3A_2031, %parallel_loop3A_2035 : vector<16xi1>
      %parallel_loop3A_2037 = arith.ori %parallel_loop3A_2030, %parallel_loop3A_2036 : vector<16xi1>
      %parallel_loop3A_2038 = arith.constant 1 : i32
      %parallel_loop3A_2039 = arith.constant 0 : i32
      %parallel_loop3A_2040 = vector.broadcast %parallel_loop3A_2038 : i32 to vector<16xi32>
      %parallel_loop3A_2041 = vector.broadcast %parallel_loop3A_2039 : i32 to vector<16xi32>
      %parallel_loop3A_2042 = arith.select %parallel_loop3A_2037, %parallel_loop3A_2040, %parallel_loop3A_2041 : vector<16xi1>, vector<16xi32>
      %parallel_loop3A_2043 = arith.addi %parallel_loop3A_1949, %parallel_loop3A_2042 : vector<16xi32>
      %parallel_loop3A_2044 = arith.cmpf ogt, %parallel_loop3A_1958, %get3A_732 : vector<16xf32>
      %parallel_loop3A_2045 = arith.cmpf oeq, %parallel_loop3A_1958, %get3A_732 : vector<16xf32>
      %parallel_loop3A_2046 = arith.constant 96 : i32
      %parallel_loop3A_2047 = vector.broadcast %parallel_loop3A_2046 : i32 to vector<16xi32>
      %parallel_loop3A_2048 = arith.subi %parallel_loop3A_1959, %parallel_loop3A_2047 : vector<16xi32>
      %parallel_loop3A_2049 = arith.cmpi slt, %parallel_loop3A_2048, %iota3A : vector<16xi32>
      %parallel_loop3A_2050 = arith.andi %parallel_loop3A_2045, %parallel_loop3A_2049 : vector<16xi1>
      %parallel_loop3A_2051 = arith.ori %parallel_loop3A_2044, %parallel_loop3A_2050 : vector<16xi1>
      %parallel_loop3A_2052 = arith.constant 1 : i32
      %parallel_loop3A_2053 = arith.constant 0 : i32
      %parallel_loop3A_2054 = vector.broadcast %parallel_loop3A_2052 : i32 to vector<16xi32>
      %parallel_loop3A_2055 = vector.broadcast %parallel_loop3A_2053 : i32 to vector<16xi32>
      %parallel_loop3A_2056 = arith.select %parallel_loop3A_2051, %parallel_loop3A_2054, %parallel_loop3A_2055 : vector<16xi1>, vector<16xi32>
      %parallel_loop3A_2057 = arith.addi %parallel_loop3A_1950, %parallel_loop3A_2056 : vector<16xi32>
      %parallel_loop3A_2058 = arith.cmpf ogt, %parallel_loop3A_1958, %get3A_734 : vector<16xf32>
      %parallel_loop3A_2059 = arith.cmpf oeq, %parallel_loop3A_1958, %get3A_734 : vector<16xf32>
      %parallel_loop3A_2060 = arith.constant 112 : i32
      %parallel_loop3A_2061 = vector.broadcast %parallel_loop3A_2060 : i32 to vector<16xi32>
      %parallel_loop3A_2062 = arith.subi %parallel_loop3A_1959, %parallel_loop3A_2061 : vector<16xi32>
      %parallel_loop3A_2063 = arith.cmpi slt, %parallel_loop3A_2062, %iota3A : vector<16xi32>
      %parallel_loop3A_2064 = arith.andi %parallel_loop3A_2059, %parallel_loop3A_2063 : vector<16xi1>
      %parallel_loop3A_2065 = arith.ori %parallel_loop3A_2058, %parallel_loop3A_2064 : vector<16xi1>
      %parallel_loop3A_2066 = arith.constant 1 : i32
      %parallel_loop3A_2067 = arith.constant 0 : i32
      %parallel_loop3A_2068 = vector.broadcast %parallel_loop3A_2066 : i32 to vector<16xi32>
      %parallel_loop3A_2069 = vector.broadcast %parallel_loop3A_2067 : i32 to vector<16xi32>
      %parallel_loop3A_2070 = arith.select %parallel_loop3A_2065, %parallel_loop3A_2068, %parallel_loop3A_2069 : vector<16xi1>, vector<16xi32>
      %parallel_loop3A_2071 = arith.addi %parallel_loop3A_1951, %parallel_loop3A_2070 : vector<16xi32>
      %parallel_loop3A_2072 = arith.cmpf ogt, %parallel_loop3A_1958, %get3A_736 : vector<16xf32>
      %parallel_loop3A_2073 = arith.cmpf oeq, %parallel_loop3A_1958, %get3A_736 : vector<16xf32>
      %parallel_loop3A_2074 = arith.constant 128 : i32
      %parallel_loop3A_2075 = vector.broadcast %parallel_loop3A_2074 : i32 to vector<16xi32>
      %parallel_loop3A_2076 = arith.subi %parallel_loop3A_1959, %parallel_loop3A_2075 : vector<16xi32>
      %parallel_loop3A_2077 = arith.cmpi slt, %parallel_loop3A_2076, %iota3A : vector<16xi32>
      %parallel_loop3A_2078 = arith.andi %parallel_loop3A_2073, %parallel_loop3A_2077 : vector<16xi1>
      %parallel_loop3A_2079 = arith.ori %parallel_loop3A_2072, %parallel_loop3A_2078 : vector<16xi1>
      %parallel_loop3A_2080 = arith.constant 1 : i32
      %parallel_loop3A_2081 = arith.constant 0 : i32
      %parallel_loop3A_2082 = vector.broadcast %parallel_loop3A_2080 : i32 to vector<16xi32>
      %parallel_loop3A_2083 = vector.broadcast %parallel_loop3A_2081 : i32 to vector<16xi32>
      %parallel_loop3A_2084 = arith.select %parallel_loop3A_2079, %parallel_loop3A_2082, %parallel_loop3A_2083 : vector<16xi1>, vector<16xi32>
      %parallel_loop3A_2085 = arith.addi %parallel_loop3A_1952, %parallel_loop3A_2084 : vector<16xi32>
      %parallel_loop3A_2086 = arith.cmpf ogt, %parallel_loop3A_1958, %get3A_738 : vector<16xf32>
      %parallel_loop3A_2087 = arith.cmpf oeq, %parallel_loop3A_1958, %get3A_738 : vector<16xf32>
      %parallel_loop3A_2088 = arith.constant 144 : i32
      %parallel_loop3A_2089 = vector.broadcast %parallel_loop3A_2088 : i32 to vector<16xi32>
      %parallel_loop3A_2090 = arith.subi %parallel_loop3A_1959, %parallel_loop3A_2089 : vector<16xi32>
      %parallel_loop3A_2091 = arith.cmpi slt, %parallel_loop3A_2090, %iota3A : vector<16xi32>
      %parallel_loop3A_2092 = arith.andi %parallel_loop3A_2087, %parallel_loop3A_2091 : vector<16xi1>
      %parallel_loop3A_2093 = arith.ori %parallel_loop3A_2086, %parallel_loop3A_2092 : vector<16xi1>
      %parallel_loop3A_2094 = arith.constant 1 : i32
      %parallel_loop3A_2095 = arith.constant 0 : i32
      %parallel_loop3A_2096 = vector.broadcast %parallel_loop3A_2094 : i32 to vector<16xi32>
      %parallel_loop3A_2097 = vector.broadcast %parallel_loop3A_2095 : i32 to vector<16xi32>
      %parallel_loop3A_2098 = arith.select %parallel_loop3A_2093, %parallel_loop3A_2096, %parallel_loop3A_2097 : vector<16xi1>, vector<16xi32>
      %parallel_loop3A_2099 = arith.addi %parallel_loop3A_1953, %parallel_loop3A_2098 : vector<16xi32>
      scf.yield %parallel_loop3A_1973, %parallel_loop3A_1987, %parallel_loop3A_2001, %parallel_loop3A_2015, %parallel_loop3A_2029, %parallel_loop3A_2043, %parallel_loop3A_2057, %parallel_loop3A_2071, %parallel_loop3A_2085, %parallel_loop3A_2099 : vector<16xi32>, vector<16xi32>, vector<16xi32>, vector<16xi32>, vector<16xi32>, vector<16xi32>, vector<16xi32>, vector<16xi32>, vector<16xi32>, vector<16xi32>
    } {sc.loop_unroll_factor = 1 : i64, sc.parallel_access}
    %get3A_743 = arith.constant 160 : index
    %get3A_744 = tpu.vector_load %arg14[%get3A_743] {strides = array<i32>} : memref<336xf32, #tpu.memory_space<vmem>>, vector<16xf32>,
    %get3A_745 = arith.constant 176 : index
    %get3A_746 = tpu.vector_load %arg14[%get3A_745] {strides = array<i32>} : memref<336xf32, #tpu.memory_space<vmem>>, vector<16xf32>,
    %get3A_747 = arith.constant 192 : index
    %get3A_748 = tpu.vector_load %arg14[%get3A_747] {strides = array<i32>} : memref<336xf32, #tpu.memory_space<vmem>>, vector<16xf32>,
    %get3A_749 = arith.constant 208 : index
    %get3A_750 = tpu.vector_load %arg14[%get3A_749] {strides = array<i32>} : memref<336xf32, #tpu.memory_space<vmem>>, vector<16xf32>,
    %get3A_751 = arith.constant 224 : index
    %get3A_752 = tpu.vector_load %arg14[%get3A_751] {strides = array<i32>} : memref<336xf32, #tpu.memory_space<vmem>>, vector<16xf32>,
    %get3A_753 = arith.constant 240 : index
    %get3A_754 = tpu.vector_load %arg14[%get3A_753] {strides = array<i32>} : memref<336xf32, #tpu.memory_space<vmem>>, vector<16xf32>,
    %get3A_755 = arith.constant 256 : index
    %get3A_756 = tpu.vector_load %arg14[%get3A_755] {strides = array<i32>} : memref<336xf32, #tpu.memory_space<vmem>>, vector<16xf32>,
    %get3A_757 = arith.constant 272 : index
    %get3A_758 = tpu.vector_load %arg14[%get3A_757] {strides = array<i32>} : memref<336xf32, #tpu.memory_space<vmem>>, vector<16xf32>,
    %get3A_759 = arith.constant 288 : index
    %get3A_760 = tpu.vector_load %arg14[%get3A_759] {strides = array<i32>} : memref<336xf32, #tpu.memory_space<vmem>>, vector<16xf32>,
    %get3A_761 = arith.constant 304 : index
    %get3A_762 = tpu.vector_load %arg14[%get3A_761] {strides = array<i32>} : memref<336xf32, #tpu.memory_space<vmem>>, vector<16xf32>,
    %parallel_loop3A_763 = arith.constant 0 : i32
    %parallel_loop3A_764 = arith.constant 320 : i32
    %parallel_loop3A_765 = arith.constant 1 : i32
    %parallel_loop3A_766:10 = scf.for %parallel_loop3A_1943 = %parallel_loop3A_763 to %parallel_loop3A_764 step %parallel_loop3A_765 iter_args(%parallel_loop3A_1944 = %broadcast_in_dim3A_3, %parallel_loop3A_1945 = %broadcast_in_dim3A_3, %parallel_loop3A_1946 = %broadcast_in_dim3A_3, %parallel_loop3A_1947 = %broadcast_in_dim3A_3, %parallel_loop3A_1948 = %broadcast_in_dim3A_3, %parallel_loop3A_1949 = %broadcast_in_dim3A_3, %parallel_loop3A_1950 = %broadcast_in_dim3A_3, %parallel_loop3A_1951 = %broadcast_in_dim3A_3, %parallel_loop3A_1952 = %broadcast_in_dim3A_3, %parallel_loop3A_1953 = %broadcast_in_dim3A_3) -> (vector<16xi32>, vector<16xi32>, vector<16xi32>, vector<16xi32>, vector<16xi32>, vector<16xi32>, vector<16xi32>, vector<16xi32>, vector<16xi32>, vector<16xi32>)  : i32 {
      %parallel_loop3A_1954 = arith.index_cast %parallel_loop3A_1943 : i32 to index
      %parallel_loop3A_1955 = tpu.vector_load %arg14[%parallel_loop3A_1954] {strides = array<i32>} : memref<336xf32, #tpu.memory_space<vmem>>, vector<16xf32>,
      %parallel_loop3A_1956 = vector.extract_strided_slice %parallel_loop3A_1955 {offsets = [0], sizes = [1], strides = [1]} : vector<16xf32> to vector<1xf32>
      %parallel_loop3A_1957 = vector.extract %parallel_loop3A_1956[0] : f32 from vector<1xf32>
      %parallel_loop3A_1958 = vector.broadcast %parallel_loop3A_1957 : f32 to vector<16xf32>
      %parallel_loop3A_1959 = vector.broadcast %parallel_loop3A_1943 : i32 to vector<16xi32>
      %parallel_loop3A_1960 = arith.cmpf ogt, %parallel_loop3A_1958, %get3A_744 : vector<16xf32>
      %parallel_loop3A_1961 = arith.cmpf oeq, %parallel_loop3A_1958, %get3A_744 : vector<16xf32>
      %parallel_loop3A_1962 = arith.constant 160 : i32
      %parallel_loop3A_1963 = vector.broadcast %parallel_loop3A_1962 : i32 to vector<16xi32>
      %parallel_loop3A_1964 = arith.subi %parallel_loop3A_1959, %parallel_loop3A_1963 : vector<16xi32>
      %parallel_loop3A_1965 = arith.cmpi slt, %parallel_loop3A_1964, %iota3A : vector<16xi32>
      %parallel_loop3A_1966 = arith.andi %parallel_loop3A_1961, %parallel_loop3A_1965 : vector<16xi1>
      %parallel_loop3A_1967 = arith.ori %parallel_loop3A_1960, %parallel_loop3A_1966 : vector<16xi1>
      %parallel_loop3A_1968 = arith.constant 1 : i32
      %parallel_loop3A_1969 = arith.constant 0 : i32
      %parallel_loop3A_1970 = vector.broadcast %parallel_loop3A_1968 : i32 to vector<16xi32>
      %parallel_loop3A_1971 = vector.broadcast %parallel_loop3A_1969 : i32 to vector<16xi32>
      %parallel_loop3A_1972 = arith.select %parallel_loop3A_1967, %parallel_loop3A_1970, %parallel_loop3A_1971 : vector<16xi1>, vector<16xi32>
      %parallel_loop3A_1973 = arith.addi %parallel_loop3A_1944, %parallel_loop3A_1972 : vector<16xi32>
      %parallel_loop3A_1974 = arith.cmpf ogt, %parallel_loop3A_1958, %get3A_746 : vector<16xf32>
      %parallel_loop3A_1975 = arith.cmpf oeq, %parallel_loop3A_1958, %get3A_746 : vector<16xf32>
      %parallel_loop3A_1976 = arith.constant 176 : i32
      %parallel_loop3A_1977 = vector.broadcast %parallel_loop3A_1976 : i32 to vector<16xi32>
      %parallel_loop3A_1978 = arith.subi %parallel_loop3A_1959, %parallel_loop3A_1977 : vector<16xi32>
      %parallel_loop3A_1979 = arith.cmpi slt, %parallel_loop3A_1978, %iota3A : vector<16xi32>
      %parallel_loop3A_1980 = arith.andi %parallel_loop3A_1975, %parallel_loop3A_1979 : vector<16xi1>
      %parallel_loop3A_1981 = arith.ori %parallel_loop3A_1974, %parallel_loop3A_1980 : vector<16xi1>
      %parallel_loop3A_1982 = arith.constant 1 : i32
      %parallel_loop3A_1983 = arith.constant 0 : i32
      %parallel_loop3A_1984 = vector.broadcast %parallel_loop3A_1982 : i32 to vector<16xi32>
      %parallel_loop3A_1985 = vector.broadcast %parallel_loop3A_1983 : i32 to vector<16xi32>
      %parallel_loop3A_1986 = arith.select %parallel_loop3A_1981, %parallel_loop3A_1984, %parallel_loop3A_1985 : vector<16xi1>, vector<16xi32>
      %parallel_loop3A_1987 = arith.addi %parallel_loop3A_1945, %parallel_loop3A_1986 : vector<16xi32>
      %parallel_loop3A_1988 = arith.cmpf ogt, %parallel_loop3A_1958, %get3A_748 : vector<16xf32>
      %parallel_loop3A_1989 = arith.cmpf oeq, %parallel_loop3A_1958, %get3A_748 : vector<16xf32>
      %parallel_loop3A_1990 = arith.constant 192 : i32
      %parallel_loop3A_1991 = vector.broadcast %parallel_loop3A_1990 : i32 to vector<16xi32>
      %parallel_loop3A_1992 = arith.subi %parallel_loop3A_1959, %parallel_loop3A_1991 : vector<16xi32>
      %parallel_loop3A_1993 = arith.cmpi slt, %parallel_loop3A_1992, %iota3A : vector<16xi32>
      %parallel_loop3A_1994 = arith.andi %parallel_loop3A_1989, %parallel_loop3A_1993 : vector<16xi1>
      %parallel_loop3A_1995 = arith.ori %parallel_loop3A_1988, %parallel_loop3A_1994 : vector<16xi1>
      %parallel_loop3A_1996 = arith.constant 1 : i32
      %parallel_loop3A_1997 = arith.constant 0 : i32
      %parallel_loop3A_1998 = vector.broadcast %parallel_loop3A_1996 : i32 to vector<16xi32>
      %parallel_loop3A_1999 = vector.broadcast %parallel_loop3A_1997 : i32 to vector<16xi32>
      %parallel_loop3A_2000 = arith.select %parallel_loop3A_1995, %parallel_loop3A_1998, %parallel_loop3A_1999 : vector<16xi1>, vector<16xi32>
      %parallel_loop3A_2001 = arith.addi %parallel_loop3A_1946, %parallel_loop3A_2000 : vector<16xi32>
      %parallel_loop3A_2002 = arith.cmpf ogt, %parallel_loop3A_1958, %get3A_750 : vector<16xf32>
      %parallel_loop3A_2003 = arith.cmpf oeq, %parallel_loop3A_1958, %get3A_750 : vector<16xf32>
      %parallel_loop3A_2004 = arith.constant 208 : i32
      %parallel_loop3A_2005 = vector.broadcast %parallel_loop3A_2004 : i32 to vector<16xi32>
      %parallel_loop3A_2006 = arith.subi %parallel_loop3A_1959, %parallel_loop3A_2005 : vector<16xi32>
      %parallel_loop3A_2007 = arith.cmpi slt, %parallel_loop3A_2006, %iota3A : vector<16xi32>
      %parallel_loop3A_2008 = arith.andi %parallel_loop3A_2003, %parallel_loop3A_2007 : vector<16xi1>
      %parallel_loop3A_2009 = arith.ori %parallel_loop3A_2002, %parallel_loop3A_2008 : vector<16xi1>
      %parallel_loop3A_2010 = arith.constant 1 : i32
      %parallel_loop3A_2011 = arith.constant 0 : i32
      %parallel_loop3A_2012 = vector.broadcast %parallel_loop3A_2010 : i32 to vector<16xi32>
      %parallel_loop3A_2013 = vector.broadcast %parallel_loop3A_2011 : i32 to vector<16xi32>
      %parallel_loop3A_2014 = arith.select %parallel_loop3A_2009, %parallel_loop3A_2012, %parallel_loop3A_2013 : vector<16xi1>, vector<16xi32>
      %parallel_loop3A_2015 = arith.addi %parallel_loop3A_1947, %parallel_loop3A_2014 : vector<16xi32>
      %parallel_loop3A_2016 = arith.cmpf ogt, %parallel_loop3A_1958, %get3A_752 : vector<16xf32>
      %parallel_loop3A_2017 = arith.cmpf oeq, %parallel_loop3A_1958, %get3A_752 : vector<16xf32>
      %parallel_loop3A_2018 = arith.constant 224 : i32
      %parallel_loop3A_2019 = vector.broadcast %parallel_loop3A_2018 : i32 to vector<16xi32>
      %parallel_loop3A_2020 = arith.subi %parallel_loop3A_1959, %parallel_loop3A_2019 : vector<16xi32>
      %parallel_loop3A_2021 = arith.cmpi slt, %parallel_loop3A_2020, %iota3A : vector<16xi32>
      %parallel_loop3A_2022 = arith.andi %parallel_loop3A_2017, %parallel_loop3A_2021 : vector<16xi1>
      %parallel_loop3A_2023 = arith.ori %parallel_loop3A_2016, %parallel_loop3A_2022 : vector<16xi1>
      %parallel_loop3A_2024 = arith.constant 1 : i32
      %parallel_loop3A_2025 = arith.constant 0 : i32
      %parallel_loop3A_2026 = vector.broadcast %parallel_loop3A_2024 : i32 to vector<16xi32>
      %parallel_loop3A_2027 = vector.broadcast %parallel_loop3A_2025 : i32 to vector<16xi32>
      %parallel_loop3A_2028 = arith.select %parallel_loop3A_2023, %parallel_loop3A_2026, %parallel_loop3A_2027 : vector<16xi1>, vector<16xi32>
      %parallel_loop3A_2029 = arith.addi %parallel_loop3A_1948, %parallel_loop3A_2028 : vector<16xi32>
      %parallel_loop3A_2030 = arith.cmpf ogt, %parallel_loop3A_1958, %get3A_754 : vector<16xf32>
      %parallel_loop3A_2031 = arith.cmpf oeq, %parallel_loop3A_1958, %get3A_754 : vector<16xf32>
      %parallel_loop3A_2032 = arith.constant 240 : i32
      %parallel_loop3A_2033 = vector.broadcast %parallel_loop3A_2032 : i32 to vector<16xi32>
      %parallel_loop3A_2034 = arith.subi %parallel_loop3A_1959, %parallel_loop3A_2033 : vector<16xi32>
      %parallel_loop3A_2035 = arith.cmpi slt, %parallel_loop3A_2034, %iota3A : vector<16xi32>
      %parallel_loop3A_2036 = arith.andi %parallel_loop3A_2031, %parallel_loop3A_2035 : vector<16xi1>
      %parallel_loop3A_2037 = arith.ori %parallel_loop3A_2030, %parallel_loop3A_2036 : vector<16xi1>
      %parallel_loop3A_2038 = arith.constant 1 : i32
      %parallel_loop3A_2039 = arith.constant 0 : i32
      %parallel_loop3A_2040 = vector.broadcast %parallel_loop3A_2038 : i32 to vector<16xi32>
      %parallel_loop3A_2041 = vector.broadcast %parallel_loop3A_2039 : i32 to vector<16xi32>
      %parallel_loop3A_2042 = arith.select %parallel_loop3A_2037, %parallel_loop3A_2040, %parallel_loop3A_2041 : vector<16xi1>, vector<16xi32>
      %parallel_loop3A_2043 = arith.addi %parallel_loop3A_1949, %parallel_loop3A_2042 : vector<16xi32>
      %parallel_loop3A_2044 = arith.cmpf ogt, %parallel_loop3A_1958, %get3A_756 : vector<16xf32>
      %parallel_loop3A_2045 = arith.cmpf oeq, %parallel_loop3A_1958, %get3A_756 : vector<16xf32>
      %parallel_loop3A_2046 = arith.constant 256 : i32
      %parallel_loop3A_2047 = vector.broadcast %parallel_loop3A_2046 : i32 to vector<16xi32>
      %parallel_loop3A_2048 = arith.subi %parallel_loop3A_1959, %parallel_loop3A_2047 : vector<16xi32>
      %parallel_loop3A_2049 = arith.cmpi slt, %parallel_loop3A_2048, %iota3A : vector<16xi32>
      %parallel_loop3A_2050 = arith.andi %parallel_loop3A_2045, %parallel_loop3A_2049 : vector<16xi1>
      %parallel_loop3A_2051 = arith.ori %parallel_loop3A_2044, %parallel_loop3A_2050 : vector<16xi1>
      %parallel_loop3A_2052 = arith.constant 1 : i32
      %parallel_loop3A_2053 = arith.constant 0 : i32
      %parallel_loop3A_2054 = vector.broadcast %parallel_loop3A_2052 : i32 to vector<16xi32>
      %parallel_loop3A_2055 = vector.broadcast %parallel_loop3A_2053 : i32 to vector<16xi32>
      %parallel_loop3A_2056 = arith.select %parallel_loop3A_2051, %parallel_loop3A_2054, %parallel_loop3A_2055 : vector<16xi1>, vector<16xi32>
      %parallel_loop3A_2057 = arith.addi %parallel_loop3A_1950, %parallel_loop3A_2056 : vector<16xi32>
      %parallel_loop3A_2058 = arith.cmpf ogt, %parallel_loop3A_1958, %get3A_758 : vector<16xf32>
      %parallel_loop3A_2059 = arith.cmpf oeq, %parallel_loop3A_1958, %get3A_758 : vector<16xf32>
      %parallel_loop3A_2060 = arith.constant 272 : i32
      %parallel_loop3A_2061 = vector.broadcast %parallel_loop3A_2060 : i32 to vector<16xi32>
      %parallel_loop3A_2062 = arith.subi %parallel_loop3A_1959, %parallel_loop3A_2061 : vector<16xi32>
      %parallel_loop3A_2063 = arith.cmpi slt, %parallel_loop3A_2062, %iota3A : vector<16xi32>
      %parallel_loop3A_2064 = arith.andi %parallel_loop3A_2059, %parallel_loop3A_2063 : vector<16xi1>
      %parallel_loop3A_2065 = arith.ori %parallel_loop3A_2058, %parallel_loop3A_2064 : vector<16xi1>
      %parallel_loop3A_2066 = arith.constant 1 : i32
      %parallel_loop3A_2067 = arith.constant 0 : i32
      %parallel_loop3A_2068 = vector.broadcast %parallel_loop3A_2066 : i32 to vector<16xi32>
      %parallel_loop3A_2069 = vector.broadcast %parallel_loop3A_2067 : i32 to vector<16xi32>
      %parallel_loop3A_2070 = arith.select %parallel_loop3A_2065, %parallel_loop3A_2068, %parallel_loop3A_2069 : vector<16xi1>, vector<16xi32>
      %parallel_loop3A_2071 = arith.addi %parallel_loop3A_1951, %parallel_loop3A_2070 : vector<16xi32>
      %parallel_loop3A_2072 = arith.cmpf ogt, %parallel_loop3A_1958, %get3A_760 : vector<16xf32>
      %parallel_loop3A_2073 = arith.cmpf oeq, %parallel_loop3A_1958, %get3A_760 : vector<16xf32>
      %parallel_loop3A_2074 = arith.constant 288 : i32
      %parallel_loop3A_2075 = vector.broadcast %parallel_loop3A_2074 : i32 to vector<16xi32>
      %parallel_loop3A_2076 = arith.subi %parallel_loop3A_1959, %parallel_loop3A_2075 : vector<16xi32>
      %parallel_loop3A_2077 = arith.cmpi slt, %parallel_loop3A_2076, %iota3A : vector<16xi32>
      %parallel_loop3A_2078 = arith.andi %parallel_loop3A_2073, %parallel_loop3A_2077 : vector<16xi1>
      %parallel_loop3A_2079 = arith.ori %parallel_loop3A_2072, %parallel_loop3A_2078 : vector<16xi1>
      %parallel_loop3A_2080 = arith.constant 1 : i32
      %parallel_loop3A_2081 = arith.constant 0 : i32
      %parallel_loop3A_2082 = vector.broadcast %parallel_loop3A_2080 : i32 to vector<16xi32>
      %parallel_loop3A_2083 = vector.broadcast %parallel_loop3A_2081 : i32 to vector<16xi32>
      %parallel_loop3A_2084 = arith.select %parallel_loop3A_2079, %parallel_loop3A_2082, %parallel_loop3A_2083 : vector<16xi1>, vector<16xi32>
      %parallel_loop3A_2085 = arith.addi %parallel_loop3A_1952, %parallel_loop3A_2084 : vector<16xi32>
      %parallel_loop3A_2086 = arith.cmpf ogt, %parallel_loop3A_1958, %get3A_762 : vector<16xf32>
      %parallel_loop3A_2087 = arith.cmpf oeq, %parallel_loop3A_1958, %get3A_762 : vector<16xf32>
      %parallel_loop3A_2088 = arith.constant 304 : i32
      %parallel_loop3A_2089 = vector.broadcast %parallel_loop3A_2088 : i32 to vector<16xi32>
      %parallel_loop3A_2090 = arith.subi %parallel_loop3A_1959, %parallel_loop3A_2089 : vector<16xi32>
      %parallel_loop3A_2091 = arith.cmpi slt, %parallel_loop3A_2090, %iota3A : vector<16xi32>
      %parallel_loop3A_2092 = arith.andi %parallel_loop3A_2087, %parallel_loop3A_2091 : vector<16xi1>
      %parallel_loop3A_2093 = arith.ori %parallel_loop3A_2086, %parallel_loop3A_2092 : vector<16xi1>
      %parallel_loop3A_2094 = arith.constant 1 : i32
      %parallel_loop3A_2095 = arith.constant 0 : i32
      %parallel_loop3A_2096 = vector.broadcast %parallel_loop3A_2094 : i32 to vector<16xi32>
      %parallel_loop3A_2097 = vector.broadcast %parallel_loop3A_2095 : i32 to vector<16xi32>
      %parallel_loop3A_2098 = arith.select %parallel_loop3A_2093, %parallel_loop3A_2096, %parallel_loop3A_2097 : vector<16xi1>, vector<16xi32>
      %parallel_loop3A_2099 = arith.addi %parallel_loop3A_1953, %parallel_loop3A_2098 : vector<16xi32>
      scf.yield %parallel_loop3A_1973, %parallel_loop3A_1987, %parallel_loop3A_2001, %parallel_loop3A_2015, %parallel_loop3A_2029, %parallel_loop3A_2043, %parallel_loop3A_2057, %parallel_loop3A_2071, %parallel_loop3A_2085, %parallel_loop3A_2099 : vector<16xi32>, vector<16xi32>, vector<16xi32>, vector<16xi32>, vector<16xi32>, vector<16xi32>, vector<16xi32>, vector<16xi32>, vector<16xi32>, vector<16xi32>
    } {sc.loop_unroll_factor = 1 : i64, sc.parallel_access}
    %dma_wait3A_767 = tpu.memref_slice %arg3[%mul3A_5] : memref<118784xf32, #tpu.memory_space<hbm>> -> memref<3712xf32, #tpu.memory_space<hbm>>
    %dma_wait3A_768 = tpu.memref_slice %arg3[%mul3A_5] : memref<118784xf32, #tpu.memory_space<hbm>> -> memref<3712xf32, #tpu.memory_space<hbm>>
    tpu.wait_dma2 semaphore(%arg24 : memref<!tpu.dma_semaphore, #tpu.memory_space<semaphore_mem>>) src(%dma_wait3A_768 : memref<3712xf32, #tpu.memory_space<hbm>>) dst(%arg19 : memref<3712xf32, #tpu.memory_space<vmem>>)
    %get3A_769 = arith.constant 0 : index
    %get3A_770 = tpu.vector_load %arg20[%get3A_769] {strides = array<i32>} : memref<128xf32, #tpu.memory_space<vmem>>, vector<16xf32>,
    %slice3A_771 = vector.extract_strided_slice %get3A_770 {offsets = [0], sizes = [1], strides = [1]} : vector<16xf32> to vector<1xf32>
    %squeeze3A_772 = vector.extract %slice3A_771[0] : f32 from vector<1xf32>
    %broadcast_in_dim3A_773 = vector.broadcast %squeeze3A_772 : f32 to vector<16xf32>
    %slice3A_774 = vector.extract_strided_slice %get3A_770 {offsets = [1], sizes = [1], strides = [1]} : vector<16xf32> to vector<1xf32>
    %squeeze3A_775 = vector.extract %slice3A_774[0] : f32 from vector<1xf32>
    %broadcast_in_dim3A_776 = vector.broadcast %squeeze3A_775 : f32 to vector<16xf32>
    %get3A_777 = arith.constant 0 : index
    %get3A_778 = tpu.vector_load %arg14[%get3A_777] {strides = array<i32>} : memref<336xf32, #tpu.memory_space<vmem>>, vector<16xf32>,
    %get3A_779 = arith.constant 0 : index
    %get3A_780 = tpu.vector_load %arg15[%get3A_779] {strides = array<i32>} : memref<320xi32, #tpu.memory_space<vmem>>, vector<16xi32>,
    %and3A_781 = arith.constant 127 : i32
    %and3A_782 = vector.broadcast %and3A_781 : i32 to vector<16xi32>
    %and3A_783 = arith.andi %get3A_780, %and3A_782 : vector<16xi32>
    %shift_right_logical3A = arith.constant 7 : i32
    %shift_right_logical3A_784 = vector.broadcast %shift_right_logical3A : i32 to vector<16xi32>
    %shift_right_logical3A_785 = arith.shrui %get3A_780, %shift_right_logical3A_784 : vector<16xi32>
    %mul3A_786 = arith.constant 4 : i32
    %mul3A_787 = vector.broadcast %mul3A_786 : i32 to vector<16xi32>
    %mul3A_788 = arith.muli %shift_right_logical3A_785, %mul3A_787 : vector<16xi32>
    tpu.vector_store_idx %arg16[%parallel_loop3A_742#0], %get3A_778 : memref<384xf32, #tpu.memory_space<vmem>>[vector<16xi32>], vector<16xf32>,
    tpu.vector_store_idx %arg17[%parallel_loop3A_742#0], %and3A_783 : memref<384xi32, #tpu.memory_space<vmem>>[vector<16xi32>], vector<16xi32>,
    %gather3A = tpu.vector_load_idx %arg19[%mul3A_788] : memref<3712xf32, #tpu.memory_space<vmem>>[vector<16xi32>], vector<16xf32>,
    %add3A_789 = arith.constant 1 : i32
    %add3A_790 = vector.broadcast %add3A_789 : i32 to vector<16xi32>
    %add3A_791 = arith.addi %mul3A_788, %add3A_790 : vector<16xi32>
    %gather3A_792 = tpu.vector_load_idx %arg19[%add3A_791] : memref<3712xf32, #tpu.memory_space<vmem>>[vector<16xi32>], vector<16xf32>,
    %add3A_793 = arith.constant 2 : i32
    %add3A_794 = vector.broadcast %add3A_793 : i32 to vector<16xi32>
    %add3A_795 = arith.addi %mul3A_788, %add3A_794 : vector<16xi32>
    %gather3A_796 = tpu.vector_load_idx %arg19[%add3A_795] : memref<3712xf32, #tpu.memory_space<vmem>>[vector<16xi32>], vector<16xf32>,
    %add3A_797 = arith.constant 3 : i32
    %add3A_798 = vector.broadcast %add3A_797 : i32 to vector<16xi32>
    %add3A_799 = arith.addi %mul3A_788, %add3A_798 : vector<16xi32>
    %gather3A_800 = tpu.vector_load_idx %arg19[%add3A_799] : memref<3712xf32, #tpu.memory_space<vmem>>[vector<16xi32>], vector<16xf32>,
    %mul3A_801 = arith.constant 4 : i32
    %mul3A_802 = vector.broadcast %mul3A_801 : i32 to vector<16xi32>
    %mul3A_803 = arith.muli %parallel_loop3A_742#0, %mul3A_802 : vector<16xi32>
    %mul3A_804 = arith.constant 5.000000e-01 : f32
    %mul3A_805 = vector.broadcast %mul3A_804 : f32 to vector<16xf32>
    %mul3A_806 = arith.mulf %mul3A_805, %gather3A_796 : vector<16xf32>
    %sub3A_807 = arith.subf %gather3A, %mul3A_806 : vector<16xf32>
    %mul3A_808 = arith.mulf %sub3A_807, %broadcast_in_dim3A_773 : vector<16xf32>
    tpu.vector_store_idx %arg18[%mul3A_803], %mul3A_808 : memref<1280xf32, #tpu.memory_space<vmem>>[vector<16xi32>], vector<16xf32>,
    %add3A_809 = arith.constant 1 : i32
    %add3A_810 = vector.broadcast %add3A_809 : i32 to vector<16xi32>
    %add3A_811 = arith.addi %mul3A_803, %add3A_810 : vector<16xi32>
    %mul3A_812 = arith.constant 5.000000e-01 : f32
    %mul3A_813 = vector.broadcast %mul3A_812 : f32 to vector<16xf32>
    %mul3A_814 = arith.mulf %mul3A_813, %gather3A_800 : vector<16xf32>
    %sub3A_815 = arith.subf %gather3A_792, %mul3A_814 : vector<16xf32>
    %mul3A_816 = arith.mulf %sub3A_815, %broadcast_in_dim3A_776 : vector<16xf32>
    tpu.vector_store_idx %arg18[%add3A_811], %mul3A_816 : memref<1280xf32, #tpu.memory_space<vmem>>[vector<16xi32>], vector<16xf32>,
    %add3A_817 = arith.constant 2 : i32
    %add3A_818 = vector.broadcast %add3A_817 : i32 to vector<16xi32>
    %add3A_819 = arith.addi %mul3A_803, %add3A_818 : vector<16xi32>
    %mul3A_820 = arith.constant 5.000000e-01 : f32
    %mul3A_821 = vector.broadcast %mul3A_820 : f32 to vector<16xf32>
    %mul3A_822 = arith.mulf %mul3A_821, %gather3A_796 : vector<16xf32>
    %add3A_823 = arith.addf %gather3A, %mul3A_822 : vector<16xf32>
    %mul3A_824 = arith.mulf %add3A_823, %broadcast_in_dim3A_773 : vector<16xf32>
    tpu.vector_store_idx %arg18[%add3A_819], %mul3A_824 : memref<1280xf32, #tpu.memory_space<vmem>>[vector<16xi32>], vector<16xf32>,
    %add3A_825 = arith.constant 3 : i32
    %add3A_826 = vector.broadcast %add3A_825 : i32 to vector<16xi32>
    %add3A_827 = arith.addi %mul3A_803, %add3A_826 : vector<16xi32>
    %mul3A_828 = arith.constant 5.000000e-01 : f32
    %mul3A_829 = vector.broadcast %mul3A_828 : f32 to vector<16xf32>
    %mul3A_830 = arith.mulf %mul3A_829, %gather3A_800 : vector<16xf32>
    %add3A_831 = arith.addf %gather3A_792, %mul3A_830 : vector<16xf32>
    %mul3A_832 = arith.mulf %add3A_831, %broadcast_in_dim3A_776 : vector<16xf32>
    tpu.vector_store_idx %arg18[%add3A_827], %mul3A_832 : memref<1280xf32, #tpu.memory_space<vmem>>[vector<16xi32>], vector<16xf32>,
    %get3A_833 = arith.constant 16 : index
    %get3A_834 = tpu.vector_load %arg14[%get3A_833] {strides = array<i32>} : memref<336xf32, #tpu.memory_space<vmem>>, vector<16xf32>,
    %get3A_835 = arith.constant 16 : index
    %get3A_836 = tpu.vector_load %arg15[%get3A_835] {strides = array<i32>} : memref<320xi32, #tpu.memory_space<vmem>>, vector<16xi32>,
    %and3A_837 = arith.constant 127 : i32
    %and3A_838 = vector.broadcast %and3A_837 : i32 to vector<16xi32>
    %and3A_839 = arith.andi %get3A_836, %and3A_838 : vector<16xi32>
    %shift_right_logical3A_840 = arith.constant 7 : i32
    %shift_right_logical3A_841 = vector.broadcast %shift_right_logical3A_840 : i32 to vector<16xi32>
    %shift_right_logical3A_842 = arith.shrui %get3A_836, %shift_right_logical3A_841 : vector<16xi32>
    %mul3A_843 = arith.constant 4 : i32
    %mul3A_844 = vector.broadcast %mul3A_843 : i32 to vector<16xi32>
    %mul3A_845 = arith.muli %shift_right_logical3A_842, %mul3A_844 : vector<16xi32>
    tpu.vector_store_idx %arg16[%parallel_loop3A_742#1], %get3A_834 : memref<384xf32, #tpu.memory_space<vmem>>[vector<16xi32>], vector<16xf32>,
    tpu.vector_store_idx %arg17[%parallel_loop3A_742#1], %and3A_839 : memref<384xi32, #tpu.memory_space<vmem>>[vector<16xi32>], vector<16xi32>,
    %gather3A_846 = tpu.vector_load_idx %arg19[%mul3A_845] : memref<3712xf32, #tpu.memory_space<vmem>>[vector<16xi32>], vector<16xf32>,
    %add3A_847 = arith.constant 1 : i32
    %add3A_848 = vector.broadcast %add3A_847 : i32 to vector<16xi32>
    %add3A_849 = arith.addi %mul3A_845, %add3A_848 : vector<16xi32>
    %gather3A_850 = tpu.vector_load_idx %arg19[%add3A_849] : memref<3712xf32, #tpu.memory_space<vmem>>[vector<16xi32>], vector<16xf32>,
    %add3A_851 = arith.constant 2 : i32
    %add3A_852 = vector.broadcast %add3A_851 : i32 to vector<16xi32>
    %add3A_853 = arith.addi %mul3A_845, %add3A_852 : vector<16xi32>
    %gather3A_854 = tpu.vector_load_idx %arg19[%add3A_853] : memref<3712xf32, #tpu.memory_space<vmem>>[vector<16xi32>], vector<16xf32>,
    %add3A_855 = arith.constant 3 : i32
    %add3A_856 = vector.broadcast %add3A_855 : i32 to vector<16xi32>
    %add3A_857 = arith.addi %mul3A_845, %add3A_856 : vector<16xi32>
    %gather3A_858 = tpu.vector_load_idx %arg19[%add3A_857] : memref<3712xf32, #tpu.memory_space<vmem>>[vector<16xi32>], vector<16xf32>,
    %mul3A_859 = arith.constant 4 : i32
    %mul3A_860 = vector.broadcast %mul3A_859 : i32 to vector<16xi32>
    %mul3A_861 = arith.muli %parallel_loop3A_742#1, %mul3A_860 : vector<16xi32>
    %mul3A_862 = arith.constant 5.000000e-01 : f32
    %mul3A_863 = vector.broadcast %mul3A_862 : f32 to vector<16xf32>
    %mul3A_864 = arith.mulf %mul3A_863, %gather3A_854 : vector<16xf32>
    %sub3A_865 = arith.subf %gather3A_846, %mul3A_864 : vector<16xf32>
    %mul3A_866 = arith.mulf %sub3A_865, %broadcast_in_dim3A_773 : vector<16xf32>
    tpu.vector_store_idx %arg18[%mul3A_861], %mul3A_866 : memref<1280xf32, #tpu.memory_space<vmem>>[vector<16xi32>], vector<16xf32>,
    %add3A_867 = arith.constant 1 : i32
    %add3A_868 = vector.broadcast %add3A_867 : i32 to vector<16xi32>
    %add3A_869 = arith.addi %mul3A_861, %add3A_868 : vector<16xi32>
    %mul3A_870 = arith.constant 5.000000e-01 : f32
    %mul3A_871 = vector.broadcast %mul3A_870 : f32 to vector<16xf32>
    %mul3A_872 = arith.mulf %mul3A_871, %gather3A_858 : vector<16xf32>
    %sub3A_873 = arith.subf %gather3A_850, %mul3A_872 : vector<16xf32>
    %mul3A_874 = arith.mulf %sub3A_873, %broadcast_in_dim3A_776 : vector<16xf32>
    tpu.vector_store_idx %arg18[%add3A_869], %mul3A_874 : memref<1280xf32, #tpu.memory_space<vmem>>[vector<16xi32>], vector<16xf32>,
    %add3A_875 = arith.constant 2 : i32
    %add3A_876 = vector.broadcast %add3A_875 : i32 to vector<16xi32>
    %add3A_877 = arith.addi %mul3A_861, %add3A_876 : vector<16xi32>
    %mul3A_878 = arith.constant 5.000000e-01 : f32
    %mul3A_879 = vector.broadcast %mul3A_878 : f32 to vector<16xf32>
    %mul3A_880 = arith.mulf %mul3A_879, %gather3A_854 : vector<16xf32>
    %add3A_881 = arith.addf %gather3A_846, %mul3A_880 : vector<16xf32>
    %mul3A_882 = arith.mulf %add3A_881, %broadcast_in_dim3A_773 : vector<16xf32>
    tpu.vector_store_idx %arg18[%add3A_877], %mul3A_882 : memref<1280xf32, #tpu.memory_space<vmem>>[vector<16xi32>], vector<16xf32>,
    %add3A_883 = arith.constant 3 : i32
    %add3A_884 = vector.broadcast %add3A_883 : i32 to vector<16xi32>
    %add3A_885 = arith.addi %mul3A_861, %add3A_884 : vector<16xi32>
    %mul3A_886 = arith.constant 5.000000e-01 : f32
    %mul3A_887 = vector.broadcast %mul3A_886 : f32 to vector<16xf32>
    %mul3A_888 = arith.mulf %mul3A_887, %gather3A_858 : vector<16xf32>
    %add3A_889 = arith.addf %gather3A_850, %mul3A_888 : vector<16xf32>
    %mul3A_890 = arith.mulf %add3A_889, %broadcast_in_dim3A_776 : vector<16xf32>
    tpu.vector_store_idx %arg18[%add3A_885], %mul3A_890 : memref<1280xf32, #tpu.memory_space<vmem>>[vector<16xi32>], vector<16xf32>,
    %get3A_891 = arith.constant 32 : index
    %get3A_892 = tpu.vector_load %arg14[%get3A_891] {strides = array<i32>} : memref<336xf32, #tpu.memory_space<vmem>>, vector<16xf32>,
    %get3A_893 = arith.constant 32 : index
    %get3A_894 = tpu.vector_load %arg15[%get3A_893] {strides = array<i32>} : memref<320xi32, #tpu.memory_space<vmem>>, vector<16xi32>,
    %and3A_895 = arith.constant 127 : i32
    %and3A_896 = vector.broadcast %and3A_895 : i32 to vector<16xi32>
    %and3A_897 = arith.andi %get3A_894, %and3A_896 : vector<16xi32>
    %shift_right_logical3A_898 = arith.constant 7 : i32
    %shift_right_logical3A_899 = vector.broadcast %shift_right_logical3A_898 : i32 to vector<16xi32>
    %shift_right_logical3A_900 = arith.shrui %get3A_894, %shift_right_logical3A_899 : vector<16xi32>
    %mul3A_901 = arith.constant 4 : i32
    %mul3A_902 = vector.broadcast %mul3A_901 : i32 to vector<16xi32>
    %mul3A_903 = arith.muli %shift_right_logical3A_900, %mul3A_902 : vector<16xi32>
    tpu.vector_store_idx %arg16[%parallel_loop3A_742#2], %get3A_892 : memref<384xf32, #tpu.memory_space<vmem>>[vector<16xi32>], vector<16xf32>,
    tpu.vector_store_idx %arg17[%parallel_loop3A_742#2], %and3A_897 : memref<384xi32, #tpu.memory_space<vmem>>[vector<16xi32>], vector<16xi32>,
    %gather3A_904 = tpu.vector_load_idx %arg19[%mul3A_903] : memref<3712xf32, #tpu.memory_space<vmem>>[vector<16xi32>], vector<16xf32>,
    %add3A_905 = arith.constant 1 : i32
    %add3A_906 = vector.broadcast %add3A_905 : i32 to vector<16xi32>
    %add3A_907 = arith.addi %mul3A_903, %add3A_906 : vector<16xi32>
    %gather3A_908 = tpu.vector_load_idx %arg19[%add3A_907] : memref<3712xf32, #tpu.memory_space<vmem>>[vector<16xi32>], vector<16xf32>,
    %add3A_909 = arith.constant 2 : i32
    %add3A_910 = vector.broadcast %add3A_909 : i32 to vector<16xi32>
    %add3A_911 = arith.addi %mul3A_903, %add3A_910 : vector<16xi32>
    %gather3A_912 = tpu.vector_load_idx %arg19[%add3A_911] : memref<3712xf32, #tpu.memory_space<vmem>>[vector<16xi32>], vector<16xf32>,
    %add3A_913 = arith.constant 3 : i32
    %add3A_914 = vector.broadcast %add3A_913 : i32 to vector<16xi32>
    %add3A_915 = arith.addi %mul3A_903, %add3A_914 : vector<16xi32>
    %gather3A_916 = tpu.vector_load_idx %arg19[%add3A_915] : memref<3712xf32, #tpu.memory_space<vmem>>[vector<16xi32>], vector<16xf32>,
    %mul3A_917 = arith.constant 4 : i32
    %mul3A_918 = vector.broadcast %mul3A_917 : i32 to vector<16xi32>
    %mul3A_919 = arith.muli %parallel_loop3A_742#2, %mul3A_918 : vector<16xi32>
    %mul3A_920 = arith.constant 5.000000e-01 : f32
    %mul3A_921 = vector.broadcast %mul3A_920 : f32 to vector<16xf32>
    %mul3A_922 = arith.mulf %mul3A_921, %gather3A_912 : vector<16xf32>
    %sub3A_923 = arith.subf %gather3A_904, %mul3A_922 : vector<16xf32>
    %mul3A_924 = arith.mulf %sub3A_923, %broadcast_in_dim3A_773 : vector<16xf32>
    tpu.vector_store_idx %arg18[%mul3A_919], %mul3A_924 : memref<1280xf32, #tpu.memory_space<vmem>>[vector<16xi32>], vector<16xf32>,
    %add3A_925 = arith.constant 1 : i32
    %add3A_926 = vector.broadcast %add3A_925 : i32 to vector<16xi32>
    %add3A_927 = arith.addi %mul3A_919, %add3A_926 : vector<16xi32>
    %mul3A_928 = arith.constant 5.000000e-01 : f32
    %mul3A_929 = vector.broadcast %mul3A_928 : f32 to vector<16xf32>
    %mul3A_930 = arith.mulf %mul3A_929, %gather3A_916 : vector<16xf32>
    %sub3A_931 = arith.subf %gather3A_908, %mul3A_930 : vector<16xf32>
    %mul3A_932 = arith.mulf %sub3A_931, %broadcast_in_dim3A_776 : vector<16xf32>
    tpu.vector_store_idx %arg18[%add3A_927], %mul3A_932 : memref<1280xf32, #tpu.memory_space<vmem>>[vector<16xi32>], vector<16xf32>,
    %add3A_933 = arith.constant 2 : i32
    %add3A_934 = vector.broadcast %add3A_933 : i32 to vector<16xi32>
    %add3A_935 = arith.addi %mul3A_919, %add3A_934 : vector<16xi32>
    %mul3A_936 = arith.constant 5.000000e-01 : f32
    %mul3A_937 = vector.broadcast %mul3A_936 : f32 to vector<16xf32>
    %mul3A_938 = arith.mulf %mul3A_937, %gather3A_912 : vector<16xf32>
    %add3A_939 = arith.addf %gather3A_904, %mul3A_938 : vector<16xf32>
    %mul3A_940 = arith.mulf %add3A_939, %broadcast_in_dim3A_773 : vector<16xf32>
    tpu.vector_store_idx %arg18[%add3A_935], %mul3A_940 : memref<1280xf32, #tpu.memory_space<vmem>>[vector<16xi32>], vector<16xf32>,
    %add3A_941 = arith.constant 3 : i32
    %add3A_942 = vector.broadcast %add3A_941 : i32 to vector<16xi32>
    %add3A_943 = arith.addi %mul3A_919, %add3A_942 : vector<16xi32>
    %mul3A_944 = arith.constant 5.000000e-01 : f32
    %mul3A_945 = vector.broadcast %mul3A_944 : f32 to vector<16xf32>
    %mul3A_946 = arith.mulf %mul3A_945, %gather3A_916 : vector<16xf32>
    %add3A_947 = arith.addf %gather3A_908, %mul3A_946 : vector<16xf32>
    %mul3A_948 = arith.mulf %add3A_947, %broadcast_in_dim3A_776 : vector<16xf32>
    tpu.vector_store_idx %arg18[%add3A_943], %mul3A_948 : memref<1280xf32, #tpu.memory_space<vmem>>[vector<16xi32>], vector<16xf32>,
    %get3A_949 = arith.constant 48 : index
    %get3A_950 = tpu.vector_load %arg14[%get3A_949] {strides = array<i32>} : memref<336xf32, #tpu.memory_space<vmem>>, vector<16xf32>,
    %get3A_951 = arith.constant 48 : index
    %get3A_952 = tpu.vector_load %arg15[%get3A_951] {strides = array<i32>} : memref<320xi32, #tpu.memory_space<vmem>>, vector<16xi32>,
    %and3A_953 = arith.constant 127 : i32
    %and3A_954 = vector.broadcast %and3A_953 : i32 to vector<16xi32>
    %and3A_955 = arith.andi %get3A_952, %and3A_954 : vector<16xi32>
    %shift_right_logical3A_956 = arith.constant 7 : i32
    %shift_right_logical3A_957 = vector.broadcast %shift_right_logical3A_956 : i32 to vector<16xi32>
    %shift_right_logical3A_958 = arith.shrui %get3A_952, %shift_right_logical3A_957 : vector<16xi32>
    %mul3A_959 = arith.constant 4 : i32
    %mul3A_960 = vector.broadcast %mul3A_959 : i32 to vector<16xi32>
    %mul3A_961 = arith.muli %shift_right_logical3A_958, %mul3A_960 : vector<16xi32>
    tpu.vector_store_idx %arg16[%parallel_loop3A_742#3], %get3A_950 : memref<384xf32, #tpu.memory_space<vmem>>[vector<16xi32>], vector<16xf32>,
    tpu.vector_store_idx %arg17[%parallel_loop3A_742#3], %and3A_955 : memref<384xi32, #tpu.memory_space<vmem>>[vector<16xi32>], vector<16xi32>,
    %gather3A_962 = tpu.vector_load_idx %arg19[%mul3A_961] : memref<3712xf32, #tpu.memory_space<vmem>>[vector<16xi32>], vector<16xf32>,
    %add3A_963 = arith.constant 1 : i32
    %add3A_964 = vector.broadcast %add3A_963 : i32 to vector<16xi32>
    %add3A_965 = arith.addi %mul3A_961, %add3A_964 : vector<16xi32>
    %gather3A_966 = tpu.vector_load_idx %arg19[%add3A_965] : memref<3712xf32, #tpu.memory_space<vmem>>[vector<16xi32>], vector<16xf32>,
    %add3A_967 = arith.constant 2 : i32
    %add3A_968 = vector.broadcast %add3A_967 : i32 to vector<16xi32>
    %add3A_969 = arith.addi %mul3A_961, %add3A_968 : vector<16xi32>
    %gather3A_970 = tpu.vector_load_idx %arg19[%add3A_969] : memref<3712xf32, #tpu.memory_space<vmem>>[vector<16xi32>], vector<16xf32>,
    %add3A_971 = arith.constant 3 : i32
    %add3A_972 = vector.broadcast %add3A_971 : i32 to vector<16xi32>
    %add3A_973 = arith.addi %mul3A_961, %add3A_972 : vector<16xi32>
    %gather3A_974 = tpu.vector_load_idx %arg19[%add3A_973] : memref<3712xf32, #tpu.memory_space<vmem>>[vector<16xi32>], vector<16xf32>,
    %mul3A_975 = arith.constant 4 : i32
    %mul3A_976 = vector.broadcast %mul3A_975 : i32 to vector<16xi32>
    %mul3A_977 = arith.muli %parallel_loop3A_742#3, %mul3A_976 : vector<16xi32>
    %mul3A_978 = arith.constant 5.000000e-01 : f32
    %mul3A_979 = vector.broadcast %mul3A_978 : f32 to vector<16xf32>
    %mul3A_980 = arith.mulf %mul3A_979, %gather3A_970 : vector<16xf32>
    %sub3A_981 = arith.subf %gather3A_962, %mul3A_980 : vector<16xf32>
    %mul3A_982 = arith.mulf %sub3A_981, %broadcast_in_dim3A_773 : vector<16xf32>
    tpu.vector_store_idx %arg18[%mul3A_977], %mul3A_982 : memref<1280xf32, #tpu.memory_space<vmem>>[vector<16xi32>], vector<16xf32>,
    %add3A_983 = arith.constant 1 : i32
    %add3A_984 = vector.broadcast %add3A_983 : i32 to vector<16xi32>
    %add3A_985 = arith.addi %mul3A_977, %add3A_984 : vector<16xi32>
    %mul3A_986 = arith.constant 5.000000e-01 : f32
    %mul3A_987 = vector.broadcast %mul3A_986 : f32 to vector<16xf32>
    %mul3A_988 = arith.mulf %mul3A_987, %gather3A_974 : vector<16xf32>
    %sub3A_989 = arith.subf %gather3A_966, %mul3A_988 : vector<16xf32>
    %mul3A_990 = arith.mulf %sub3A_989, %broadcast_in_dim3A_776 : vector<16xf32>
    tpu.vector_store_idx %arg18[%add3A_985], %mul3A_990 : memref<1280xf32, #tpu.memory_space<vmem>>[vector<16xi32>], vector<16xf32>,
    %add3A_991 = arith.constant 2 : i32
    %add3A_992 = vector.broadcast %add3A_991 : i32 to vector<16xi32>
    %add3A_993 = arith.addi %mul3A_977, %add3A_992 : vector<16xi32>
    %mul3A_994 = arith.constant 5.000000e-01 : f32
    %mul3A_995 = vector.broadcast %mul3A_994 : f32 to vector<16xf32>
    %mul3A_996 = arith.mulf %mul3A_995, %gather3A_970 : vector<16xf32>
    %add3A_997 = arith.addf %gather3A_962, %mul3A_996 : vector<16xf32>
    %mul3A_998 = arith.mulf %add3A_997, %broadcast_in_dim3A_773 : vector<16xf32>
    tpu.vector_store_idx %arg18[%add3A_993], %mul3A_998 : memref<1280xf32, #tpu.memory_space<vmem>>[vector<16xi32>], vector<16xf32>,
    %add3A_999 = arith.constant 3 : i32
    %add3A_1000 = vector.broadcast %add3A_999 : i32 to vector<16xi32>
    %add3A_1001 = arith.addi %mul3A_977, %add3A_1000 : vector<16xi32>
    %mul3A_1002 = arith.constant 5.000000e-01 : f32
    %mul3A_1003 = vector.broadcast %mul3A_1002 : f32 to vector<16xf32>
    %mul3A_1004 = arith.mulf %mul3A_1003, %gather3A_974 : vector<16xf32>
    %add3A_1005 = arith.addf %gather3A_966, %mul3A_1004 : vector<16xf32>
    %mul3A_1006 = arith.mulf %add3A_1005, %broadcast_in_dim3A_776 : vector<16xf32>
    tpu.vector_store_idx %arg18[%add3A_1001], %mul3A_1006 : memref<1280xf32, #tpu.memory_space<vmem>>[vector<16xi32>], vector<16xf32>,
    %get3A_1007 = arith.constant 64 : index
    %get3A_1008 = tpu.vector_load %arg14[%get3A_1007] {strides = array<i32>} : memref<336xf32, #tpu.memory_space<vmem>>, vector<16xf32>,
    %get3A_1009 = arith.constant 64 : index
    %get3A_1010 = tpu.vector_load %arg15[%get3A_1009] {strides = array<i32>} : memref<320xi32, #tpu.memory_space<vmem>>, vector<16xi32>,
    %and3A_1011 = arith.constant 127 : i32
    %and3A_1012 = vector.broadcast %and3A_1011 : i32 to vector<16xi32>
    %and3A_1013 = arith.andi %get3A_1010, %and3A_1012 : vector<16xi32>
    %shift_right_logical3A_1014 = arith.constant 7 : i32
    %shift_right_logical3A_1015 = vector.broadcast %shift_right_logical3A_1014 : i32 to vector<16xi32>
    %shift_right_logical3A_1016 = arith.shrui %get3A_1010, %shift_right_logical3A_1015 : vector<16xi32>
    %mul3A_1017 = arith.constant 4 : i32
    %mul3A_1018 = vector.broadcast %mul3A_1017 : i32 to vector<16xi32>
    %mul3A_1019 = arith.muli %shift_right_logical3A_1016, %mul3A_1018 : vector<16xi32>
    tpu.vector_store_idx %arg16[%parallel_loop3A_742#4], %get3A_1008 : memref<384xf32, #tpu.memory_space<vmem>>[vector<16xi32>], vector<16xf32>,
    tpu.vector_store_idx %arg17[%parallel_loop3A_742#4], %and3A_1013 : memref<384xi32, #tpu.memory_space<vmem>>[vector<16xi32>], vector<16xi32>,
    %gather3A_1020 = tpu.vector_load_idx %arg19[%mul3A_1019] : memref<3712xf32, #tpu.memory_space<vmem>>[vector<16xi32>], vector<16xf32>,
    %add3A_1021 = arith.constant 1 : i32
    %add3A_1022 = vector.broadcast %add3A_1021 : i32 to vector<16xi32>
    %add3A_1023 = arith.addi %mul3A_1019, %add3A_1022 : vector<16xi32>
    %gather3A_1024 = tpu.vector_load_idx %arg19[%add3A_1023] : memref<3712xf32, #tpu.memory_space<vmem>>[vector<16xi32>], vector<16xf32>,
    %add3A_1025 = arith.constant 2 : i32
    %add3A_1026 = vector.broadcast %add3A_1025 : i32 to vector<16xi32>
    %add3A_1027 = arith.addi %mul3A_1019, %add3A_1026 : vector<16xi32>
    %gather3A_1028 = tpu.vector_load_idx %arg19[%add3A_1027] : memref<3712xf32, #tpu.memory_space<vmem>>[vector<16xi32>], vector<16xf32>,
    %add3A_1029 = arith.constant 3 : i32
    %add3A_1030 = vector.broadcast %add3A_1029 : i32 to vector<16xi32>
    %add3A_1031 = arith.addi %mul3A_1019, %add3A_1030 : vector<16xi32>
    %gather3A_1032 = tpu.vector_load_idx %arg19[%add3A_1031] : memref<3712xf32, #tpu.memory_space<vmem>>[vector<16xi32>], vector<16xf32>,
    %mul3A_1033 = arith.constant 4 : i32
    %mul3A_1034 = vector.broadcast %mul3A_1033 : i32 to vector<16xi32>
    %mul3A_1035 = arith.muli %parallel_loop3A_742#4, %mul3A_1034 : vector<16xi32>
    %mul3A_1036 = arith.constant 5.000000e-01 : f32
    %mul3A_1037 = vector.broadcast %mul3A_1036 : f32 to vector<16xf32>
    %mul3A_1038 = arith.mulf %mul3A_1037, %gather3A_1028 : vector<16xf32>
    %sub3A_1039 = arith.subf %gather3A_1020, %mul3A_1038 : vector<16xf32>
    %mul3A_1040 = arith.mulf %sub3A_1039, %broadcast_in_dim3A_773 : vector<16xf32>
    tpu.vector_store_idx %arg18[%mul3A_1035], %mul3A_1040 : memref<1280xf32, #tpu.memory_space<vmem>>[vector<16xi32>], vector<16xf32>,
    %add3A_1041 = arith.constant 1 : i32
    %add3A_1042 = vector.broadcast %add3A_1041 : i32 to vector<16xi32>
    %add3A_1043 = arith.addi %mul3A_1035, %add3A_1042 : vector<16xi32>
    %mul3A_1044 = arith.constant 5.000000e-01 : f32
    %mul3A_1045 = vector.broadcast %mul3A_1044 : f32 to vector<16xf32>
    %mul3A_1046 = arith.mulf %mul3A_1045, %gather3A_1032 : vector<16xf32>
    %sub3A_1047 = arith.subf %gather3A_1024, %mul3A_1046 : vector<16xf32>
    %mul3A_1048 = arith.mulf %sub3A_1047, %broadcast_in_dim3A_776 : vector<16xf32>
    tpu.vector_store_idx %arg18[%add3A_1043], %mul3A_1048 : memref<1280xf32, #tpu.memory_space<vmem>>[vector<16xi32>], vector<16xf32>,
    %add3A_1049 = arith.constant 2 : i32
    %add3A_1050 = vector.broadcast %add3A_1049 : i32 to vector<16xi32>
    %add3A_1051 = arith.addi %mul3A_1035, %add3A_1050 : vector<16xi32>
    %mul3A_1052 = arith.constant 5.000000e-01 : f32
    %mul3A_1053 = vector.broadcast %mul3A_1052 : f32 to vector<16xf32>
    %mul3A_1054 = arith.mulf %mul3A_1053, %gather3A_1028 : vector<16xf32>
    %add3A_1055 = arith.addf %gather3A_1020, %mul3A_1054 : vector<16xf32>
    %mul3A_1056 = arith.mulf %add3A_1055, %broadcast_in_dim3A_773 : vector<16xf32>
    tpu.vector_store_idx %arg18[%add3A_1051], %mul3A_1056 : memref<1280xf32, #tpu.memory_space<vmem>>[vector<16xi32>], vector<16xf32>,
    %add3A_1057 = arith.constant 3 : i32
    %add3A_1058 = vector.broadcast %add3A_1057 : i32 to vector<16xi32>
    %add3A_1059 = arith.addi %mul3A_1035, %add3A_1058 : vector<16xi32>
    %mul3A_1060 = arith.constant 5.000000e-01 : f32
    %mul3A_1061 = vector.broadcast %mul3A_1060 : f32 to vector<16xf32>
    %mul3A_1062 = arith.mulf %mul3A_1061, %gather3A_1032 : vector<16xf32>
    %add3A_1063 = arith.addf %gather3A_1024, %mul3A_1062 : vector<16xf32>
    %mul3A_1064 = arith.mulf %add3A_1063, %broadcast_in_dim3A_776 : vector<16xf32>
    tpu.vector_store_idx %arg18[%add3A_1059], %mul3A_1064 : memref<1280xf32, #tpu.memory_space<vmem>>[vector<16xi32>], vector<16xf32>,
    %get3A_1065 = arith.constant 80 : index
    %get3A_1066 = tpu.vector_load %arg14[%get3A_1065] {strides = array<i32>} : memref<336xf32, #tpu.memory_space<vmem>>, vector<16xf32>,
    %get3A_1067 = arith.constant 80 : index
    %get3A_1068 = tpu.vector_load %arg15[%get3A_1067] {strides = array<i32>} : memref<320xi32, #tpu.memory_space<vmem>>, vector<16xi32>,
    %and3A_1069 = arith.constant 127 : i32
    %and3A_1070 = vector.broadcast %and3A_1069 : i32 to vector<16xi32>
    %and3A_1071 = arith.andi %get3A_1068, %and3A_1070 : vector<16xi32>
    %shift_right_logical3A_1072 = arith.constant 7 : i32
    %shift_right_logical3A_1073 = vector.broadcast %shift_right_logical3A_1072 : i32 to vector<16xi32>
    %shift_right_logical3A_1074 = arith.shrui %get3A_1068, %shift_right_logical3A_1073 : vector<16xi32>
    %mul3A_1075 = arith.constant 4 : i32
    %mul3A_1076 = vector.broadcast %mul3A_1075 : i32 to vector<16xi32>
    %mul3A_1077 = arith.muli %shift_right_logical3A_1074, %mul3A_1076 : vector<16xi32>
    tpu.vector_store_idx %arg16[%parallel_loop3A_742#5], %get3A_1066 : memref<384xf32, #tpu.memory_space<vmem>>[vector<16xi32>], vector<16xf32>,
    tpu.vector_store_idx %arg17[%parallel_loop3A_742#5], %and3A_1071 : memref<384xi32, #tpu.memory_space<vmem>>[vector<16xi32>], vector<16xi32>,
    %gather3A_1078 = tpu.vector_load_idx %arg19[%mul3A_1077] : memref<3712xf32, #tpu.memory_space<vmem>>[vector<16xi32>], vector<16xf32>,
    %add3A_1079 = arith.constant 1 : i32
    %add3A_1080 = vector.broadcast %add3A_1079 : i32 to vector<16xi32>
    %add3A_1081 = arith.addi %mul3A_1077, %add3A_1080 : vector<16xi32>
    %gather3A_1082 = tpu.vector_load_idx %arg19[%add3A_1081] : memref<3712xf32, #tpu.memory_space<vmem>>[vector<16xi32>], vector<16xf32>,
    %add3A_1083 = arith.constant 2 : i32
    %add3A_1084 = vector.broadcast %add3A_1083 : i32 to vector<16xi32>
    %add3A_1085 = arith.addi %mul3A_1077, %add3A_1084 : vector<16xi32>
    %gather3A_1086 = tpu.vector_load_idx %arg19[%add3A_1085] : memref<3712xf32, #tpu.memory_space<vmem>>[vector<16xi32>], vector<16xf32>,
    %add3A_1087 = arith.constant 3 : i32
    %add3A_1088 = vector.broadcast %add3A_1087 : i32 to vector<16xi32>
    %add3A_1089 = arith.addi %mul3A_1077, %add3A_1088 : vector<16xi32>
    %gather3A_1090 = tpu.vector_load_idx %arg19[%add3A_1089] : memref<3712xf32, #tpu.memory_space<vmem>>[vector<16xi32>], vector<16xf32>,
    %mul3A_1091 = arith.constant 4 : i32
    %mul3A_1092 = vector.broadcast %mul3A_1091 : i32 to vector<16xi32>
    %mul3A_1093 = arith.muli %parallel_loop3A_742#5, %mul3A_1092 : vector<16xi32>
    %mul3A_1094 = arith.constant 5.000000e-01 : f32
    %mul3A_1095 = vector.broadcast %mul3A_1094 : f32 to vector<16xf32>
    %mul3A_1096 = arith.mulf %mul3A_1095, %gather3A_1086 : vector<16xf32>
    %sub3A_1097 = arith.subf %gather3A_1078, %mul3A_1096 : vector<16xf32>
    %mul3A_1098 = arith.mulf %sub3A_1097, %broadcast_in_dim3A_773 : vector<16xf32>
    tpu.vector_store_idx %arg18[%mul3A_1093], %mul3A_1098 : memref<1280xf32, #tpu.memory_space<vmem>>[vector<16xi32>], vector<16xf32>,
    %add3A_1099 = arith.constant 1 : i32
    %add3A_1100 = vector.broadcast %add3A_1099 : i32 to vector<16xi32>
    %add3A_1101 = arith.addi %mul3A_1093, %add3A_1100 : vector<16xi32>
    %mul3A_1102 = arith.constant 5.000000e-01 : f32
    %mul3A_1103 = vector.broadcast %mul3A_1102 : f32 to vector<16xf32>
    %mul3A_1104 = arith.mulf %mul3A_1103, %gather3A_1090 : vector<16xf32>
    %sub3A_1105 = arith.subf %gather3A_1082, %mul3A_1104 : vector<16xf32>
    %mul3A_1106 = arith.mulf %sub3A_1105, %broadcast_in_dim3A_776 : vector<16xf32>
    tpu.vector_store_idx %arg18[%add3A_1101], %mul3A_1106 : memref<1280xf32, #tpu.memory_space<vmem>>[vector<16xi32>], vector<16xf32>,
    %add3A_1107 = arith.constant 2 : i32
    %add3A_1108 = vector.broadcast %add3A_1107 : i32 to vector<16xi32>
    %add3A_1109 = arith.addi %mul3A_1093, %add3A_1108 : vector<16xi32>
    %mul3A_1110 = arith.constant 5.000000e-01 : f32
    %mul3A_1111 = vector.broadcast %mul3A_1110 : f32 to vector<16xf32>
    %mul3A_1112 = arith.mulf %mul3A_1111, %gather3A_1086 : vector<16xf32>
    %add3A_1113 = arith.addf %gather3A_1078, %mul3A_1112 : vector<16xf32>
    %mul3A_1114 = arith.mulf %add3A_1113, %broadcast_in_dim3A_773 : vector<16xf32>
    tpu.vector_store_idx %arg18[%add3A_1109], %mul3A_1114 : memref<1280xf32, #tpu.memory_space<vmem>>[vector<16xi32>], vector<16xf32>,
    %add3A_1115 = arith.constant 3 : i32
    %add3A_1116 = vector.broadcast %add3A_1115 : i32 to vector<16xi32>
    %add3A_1117 = arith.addi %mul3A_1093, %add3A_1116 : vector<16xi32>
    %mul3A_1118 = arith.constant 5.000000e-01 : f32
    %mul3A_1119 = vector.broadcast %mul3A_1118 : f32 to vector<16xf32>
    %mul3A_1120 = arith.mulf %mul3A_1119, %gather3A_1090 : vector<16xf32>
    %add3A_1121 = arith.addf %gather3A_1082, %mul3A_1120 : vector<16xf32>
    %mul3A_1122 = arith.mulf %add3A_1121, %broadcast_in_dim3A_776 : vector<16xf32>
    tpu.vector_store_idx %arg18[%add3A_1117], %mul3A_1122 : memref<1280xf32, #tpu.memory_space<vmem>>[vector<16xi32>], vector<16xf32>,
    %get3A_1123 = arith.constant 96 : index
    %get3A_1124 = tpu.vector_load %arg14[%get3A_1123] {strides = array<i32>} : memref<336xf32, #tpu.memory_space<vmem>>, vector<16xf32>,
    %get3A_1125 = arith.constant 96 : index
    %get3A_1126 = tpu.vector_load %arg15[%get3A_1125] {strides = array<i32>} : memref<320xi32, #tpu.memory_space<vmem>>, vector<16xi32>,
    %and3A_1127 = arith.constant 127 : i32
    %and3A_1128 = vector.broadcast %and3A_1127 : i32 to vector<16xi32>
    %and3A_1129 = arith.andi %get3A_1126, %and3A_1128 : vector<16xi32>
    %shift_right_logical3A_1130 = arith.constant 7 : i32
    %shift_right_logical3A_1131 = vector.broadcast %shift_right_logical3A_1130 : i32 to vector<16xi32>
    %shift_right_logical3A_1132 = arith.shrui %get3A_1126, %shift_right_logical3A_1131 : vector<16xi32>
    %mul3A_1133 = arith.constant 4 : i32
    %mul3A_1134 = vector.broadcast %mul3A_1133 : i32 to vector<16xi32>
    %mul3A_1135 = arith.muli %shift_right_logical3A_1132, %mul3A_1134 : vector<16xi32>
    tpu.vector_store_idx %arg16[%parallel_loop3A_742#6], %get3A_1124 : memref<384xf32, #tpu.memory_space<vmem>>[vector<16xi32>], vector<16xf32>,
    tpu.vector_store_idx %arg17[%parallel_loop3A_742#6], %and3A_1129 : memref<384xi32, #tpu.memory_space<vmem>>[vector<16xi32>], vector<16xi32>,
    %gather3A_1136 = tpu.vector_load_idx %arg19[%mul3A_1135] : memref<3712xf32, #tpu.memory_space<vmem>>[vector<16xi32>], vector<16xf32>,
    %add3A_1137 = arith.constant 1 : i32
    %add3A_1138 = vector.broadcast %add3A_1137 : i32 to vector<16xi32>
    %add3A_1139 = arith.addi %mul3A_1135, %add3A_1138 : vector<16xi32>
    %gather3A_1140 = tpu.vector_load_idx %arg19[%add3A_1139] : memref<3712xf32, #tpu.memory_space<vmem>>[vector<16xi32>], vector<16xf32>,
    %add3A_1141 = arith.constant 2 : i32
    %add3A_1142 = vector.broadcast %add3A_1141 : i32 to vector<16xi32>
    %add3A_1143 = arith.addi %mul3A_1135, %add3A_1142 : vector<16xi32>
    %gather3A_1144 = tpu.vector_load_idx %arg19[%add3A_1143] : memref<3712xf32, #tpu.memory_space<vmem>>[vector<16xi32>], vector<16xf32>,
    %add3A_1145 = arith.constant 3 : i32
    %add3A_1146 = vector.broadcast %add3A_1145 : i32 to vector<16xi32>
    %add3A_1147 = arith.addi %mul3A_1135, %add3A_1146 : vector<16xi32>
    %gather3A_1148 = tpu.vector_load_idx %arg19[%add3A_1147] : memref<3712xf32, #tpu.memory_space<vmem>>[vector<16xi32>], vector<16xf32>,
    %mul3A_1149 = arith.constant 4 : i32
    %mul3A_1150 = vector.broadcast %mul3A_1149 : i32 to vector<16xi32>
    %mul3A_1151 = arith.muli %parallel_loop3A_742#6, %mul3A_1150 : vector<16xi32>
    %mul3A_1152 = arith.constant 5.000000e-01 : f32
    %mul3A_1153 = vector.broadcast %mul3A_1152 : f32 to vector<16xf32>
    %mul3A_1154 = arith.mulf %mul3A_1153, %gather3A_1144 : vector<16xf32>
    %sub3A_1155 = arith.subf %gather3A_1136, %mul3A_1154 : vector<16xf32>
    %mul3A_1156 = arith.mulf %sub3A_1155, %broadcast_in_dim3A_773 : vector<16xf32>
    tpu.vector_store_idx %arg18[%mul3A_1151], %mul3A_1156 : memref<1280xf32, #tpu.memory_space<vmem>>[vector<16xi32>], vector<16xf32>,
    %add3A_1157 = arith.constant 1 : i32
    %add3A_1158 = vector.broadcast %add3A_1157 : i32 to vector<16xi32>
    %add3A_1159 = arith.addi %mul3A_1151, %add3A_1158 : vector<16xi32>
    %mul3A_1160 = arith.constant 5.000000e-01 : f32
    %mul3A_1161 = vector.broadcast %mul3A_1160 : f32 to vector<16xf32>
    %mul3A_1162 = arith.mulf %mul3A_1161, %gather3A_1148 : vector<16xf32>
    %sub3A_1163 = arith.subf %gather3A_1140, %mul3A_1162 : vector<16xf32>
    %mul3A_1164 = arith.mulf %sub3A_1163, %broadcast_in_dim3A_776 : vector<16xf32>
    tpu.vector_store_idx %arg18[%add3A_1159], %mul3A_1164 : memref<1280xf32, #tpu.memory_space<vmem>>[vector<16xi32>], vector<16xf32>,
    %add3A_1165 = arith.constant 2 : i32
    %add3A_1166 = vector.broadcast %add3A_1165 : i32 to vector<16xi32>
    %add3A_1167 = arith.addi %mul3A_1151, %add3A_1166 : vector<16xi32>
    %mul3A_1168 = arith.constant 5.000000e-01 : f32
    %mul3A_1169 = vector.broadcast %mul3A_1168 : f32 to vector<16xf32>
    %mul3A_1170 = arith.mulf %mul3A_1169, %gather3A_1144 : vector<16xf32>
    %add3A_1171 = arith.addf %gather3A_1136, %mul3A_1170 : vector<16xf32>
    %mul3A_1172 = arith.mulf %add3A_1171, %broadcast_in_dim3A_773 : vector<16xf32>
    tpu.vector_store_idx %arg18[%add3A_1167], %mul3A_1172 : memref<1280xf32, #tpu.memory_space<vmem>>[vector<16xi32>], vector<16xf32>,
    %add3A_1173 = arith.constant 3 : i32
    %add3A_1174 = vector.broadcast %add3A_1173 : i32 to vector<16xi32>
    %add3A_1175 = arith.addi %mul3A_1151, %add3A_1174 : vector<16xi32>
    %mul3A_1176 = arith.constant 5.000000e-01 : f32
    %mul3A_1177 = vector.broadcast %mul3A_1176 : f32 to vector<16xf32>
    %mul3A_1178 = arith.mulf %mul3A_1177, %gather3A_1148 : vector<16xf32>
    %add3A_1179 = arith.addf %gather3A_1140, %mul3A_1178 : vector<16xf32>
    %mul3A_1180 = arith.mulf %add3A_1179, %broadcast_in_dim3A_776 : vector<16xf32>
    tpu.vector_store_idx %arg18[%add3A_1175], %mul3A_1180 : memref<1280xf32, #tpu.memory_space<vmem>>[vector<16xi32>], vector<16xf32>,
    %get3A_1181 = arith.constant 112 : index
    %get3A_1182 = tpu.vector_load %arg14[%get3A_1181] {strides = array<i32>} : memref<336xf32, #tpu.memory_space<vmem>>, vector<16xf32>,
    %get3A_1183 = arith.constant 112 : index
    %get3A_1184 = tpu.vector_load %arg15[%get3A_1183] {strides = array<i32>} : memref<320xi32, #tpu.memory_space<vmem>>, vector<16xi32>,
    %and3A_1185 = arith.constant 127 : i32
    %and3A_1186 = vector.broadcast %and3A_1185 : i32 to vector<16xi32>
    %and3A_1187 = arith.andi %get3A_1184, %and3A_1186 : vector<16xi32>
    %shift_right_logical3A_1188 = arith.constant 7 : i32
    %shift_right_logical3A_1189 = vector.broadcast %shift_right_logical3A_1188 : i32 to vector<16xi32>
    %shift_right_logical3A_1190 = arith.shrui %get3A_1184, %shift_right_logical3A_1189 : vector<16xi32>
    %mul3A_1191 = arith.constant 4 : i32
    %mul3A_1192 = vector.broadcast %mul3A_1191 : i32 to vector<16xi32>
    %mul3A_1193 = arith.muli %shift_right_logical3A_1190, %mul3A_1192 : vector<16xi32>
    tpu.vector_store_idx %arg16[%parallel_loop3A_742#7], %get3A_1182 : memref<384xf32, #tpu.memory_space<vmem>>[vector<16xi32>], vector<16xf32>,
    tpu.vector_store_idx %arg17[%parallel_loop3A_742#7], %and3A_1187 : memref<384xi32, #tpu.memory_space<vmem>>[vector<16xi32>], vector<16xi32>,
    %gather3A_1194 = tpu.vector_load_idx %arg19[%mul3A_1193] : memref<3712xf32, #tpu.memory_space<vmem>>[vector<16xi32>], vector<16xf32>,
    %add3A_1195 = arith.constant 1 : i32
    %add3A_1196 = vector.broadcast %add3A_1195 : i32 to vector<16xi32>
    %add3A_1197 = arith.addi %mul3A_1193, %add3A_1196 : vector<16xi32>
    %gather3A_1198 = tpu.vector_load_idx %arg19[%add3A_1197] : memref<3712xf32, #tpu.memory_space<vmem>>[vector<16xi32>], vector<16xf32>,
    %add3A_1199 = arith.constant 2 : i32
    %add3A_1200 = vector.broadcast %add3A_1199 : i32 to vector<16xi32>
    %add3A_1201 = arith.addi %mul3A_1193, %add3A_1200 : vector<16xi32>
    %gather3A_1202 = tpu.vector_load_idx %arg19[%add3A_1201] : memref<3712xf32, #tpu.memory_space<vmem>>[vector<16xi32>], vector<16xf32>,
    %add3A_1203 = arith.constant 3 : i32
    %add3A_1204 = vector.broadcast %add3A_1203 : i32 to vector<16xi32>
    %add3A_1205 = arith.addi %mul3A_1193, %add3A_1204 : vector<16xi32>
    %gather3A_1206 = tpu.vector_load_idx %arg19[%add3A_1205] : memref<3712xf32, #tpu.memory_space<vmem>>[vector<16xi32>], vector<16xf32>,
    %mul3A_1207 = arith.constant 4 : i32
    %mul3A_1208 = vector.broadcast %mul3A_1207 : i32 to vector<16xi32>
    %mul3A_1209 = arith.muli %parallel_loop3A_742#7, %mul3A_1208 : vector<16xi32>
    %mul3A_1210 = arith.constant 5.000000e-01 : f32
    %mul3A_1211 = vector.broadcast %mul3A_1210 : f32 to vector<16xf32>
    %mul3A_1212 = arith.mulf %mul3A_1211, %gather3A_1202 : vector<16xf32>
    %sub3A_1213 = arith.subf %gather3A_1194, %mul3A_1212 : vector<16xf32>
    %mul3A_1214 = arith.mulf %sub3A_1213, %broadcast_in_dim3A_773 : vector<16xf32>
    tpu.vector_store_idx %arg18[%mul3A_1209], %mul3A_1214 : memref<1280xf32, #tpu.memory_space<vmem>>[vector<16xi32>], vector<16xf32>,
    %add3A_1215 = arith.constant 1 : i32
    %add3A_1216 = vector.broadcast %add3A_1215 : i32 to vector<16xi32>
    %add3A_1217 = arith.addi %mul3A_1209, %add3A_1216 : vector<16xi32>
    %mul3A_1218 = arith.constant 5.000000e-01 : f32
    %mul3A_1219 = vector.broadcast %mul3A_1218 : f32 to vector<16xf32>
    %mul3A_1220 = arith.mulf %mul3A_1219, %gather3A_1206 : vector<16xf32>
    %sub3A_1221 = arith.subf %gather3A_1198, %mul3A_1220 : vector<16xf32>
    %mul3A_1222 = arith.mulf %sub3A_1221, %broadcast_in_dim3A_776 : vector<16xf32>
    tpu.vector_store_idx %arg18[%add3A_1217], %mul3A_1222 : memref<1280xf32, #tpu.memory_space<vmem>>[vector<16xi32>], vector<16xf32>,
    %add3A_1223 = arith.constant 2 : i32
    %add3A_1224 = vector.broadcast %add3A_1223 : i32 to vector<16xi32>
    %add3A_1225 = arith.addi %mul3A_1209, %add3A_1224 : vector<16xi32>
    %mul3A_1226 = arith.constant 5.000000e-01 : f32
    %mul3A_1227 = vector.broadcast %mul3A_1226 : f32 to vector<16xf32>
    %mul3A_1228 = arith.mulf %mul3A_1227, %gather3A_1202 : vector<16xf32>
    %add3A_1229 = arith.addf %gather3A_1194, %mul3A_1228 : vector<16xf32>
    %mul3A_1230 = arith.mulf %add3A_1229, %broadcast_in_dim3A_773 : vector<16xf32>
    tpu.vector_store_idx %arg18[%add3A_1225], %mul3A_1230 : memref<1280xf32, #tpu.memory_space<vmem>>[vector<16xi32>], vector<16xf32>,
    %add3A_1231 = arith.constant 3 : i32
    %add3A_1232 = vector.broadcast %add3A_1231 : i32 to vector<16xi32>
    %add3A_1233 = arith.addi %mul3A_1209, %add3A_1232 : vector<16xi32>
    %mul3A_1234 = arith.constant 5.000000e-01 : f32
    %mul3A_1235 = vector.broadcast %mul3A_1234 : f32 to vector<16xf32>
    %mul3A_1236 = arith.mulf %mul3A_1235, %gather3A_1206 : vector<16xf32>
    %add3A_1237 = arith.addf %gather3A_1198, %mul3A_1236 : vector<16xf32>
    %mul3A_1238 = arith.mulf %add3A_1237, %broadcast_in_dim3A_776 : vector<16xf32>
    tpu.vector_store_idx %arg18[%add3A_1233], %mul3A_1238 : memref<1280xf32, #tpu.memory_space<vmem>>[vector<16xi32>], vector<16xf32>,
    %get3A_1239 = arith.constant 128 : index
    %get3A_1240 = tpu.vector_load %arg14[%get3A_1239] {strides = array<i32>} : memref<336xf32, #tpu.memory_space<vmem>>, vector<16xf32>,
    %get3A_1241 = arith.constant 128 : index
    %get3A_1242 = tpu.vector_load %arg15[%get3A_1241] {strides = array<i32>} : memref<320xi32, #tpu.memory_space<vmem>>, vector<16xi32>,
    %and3A_1243 = arith.constant 127 : i32
    %and3A_1244 = vector.broadcast %and3A_1243 : i32 to vector<16xi32>
    %and3A_1245 = arith.andi %get3A_1242, %and3A_1244 : vector<16xi32>
    %shift_right_logical3A_1246 = arith.constant 7 : i32
    %shift_right_logical3A_1247 = vector.broadcast %shift_right_logical3A_1246 : i32 to vector<16xi32>
    %shift_right_logical3A_1248 = arith.shrui %get3A_1242, %shift_right_logical3A_1247 : vector<16xi32>
    %mul3A_1249 = arith.constant 4 : i32
    %mul3A_1250 = vector.broadcast %mul3A_1249 : i32 to vector<16xi32>
    %mul3A_1251 = arith.muli %shift_right_logical3A_1248, %mul3A_1250 : vector<16xi32>
    tpu.vector_store_idx %arg16[%parallel_loop3A_742#8], %get3A_1240 : memref<384xf32, #tpu.memory_space<vmem>>[vector<16xi32>], vector<16xf32>,
    tpu.vector_store_idx %arg17[%parallel_loop3A_742#8], %and3A_1245 : memref<384xi32, #tpu.memory_space<vmem>>[vector<16xi32>], vector<16xi32>,
    %gather3A_1252 = tpu.vector_load_idx %arg19[%mul3A_1251] : memref<3712xf32, #tpu.memory_space<vmem>>[vector<16xi32>], vector<16xf32>,
    %add3A_1253 = arith.constant 1 : i32
    %add3A_1254 = vector.broadcast %add3A_1253 : i32 to vector<16xi32>
    %add3A_1255 = arith.addi %mul3A_1251, %add3A_1254 : vector<16xi32>
    %gather3A_1256 = tpu.vector_load_idx %arg19[%add3A_1255] : memref<3712xf32, #tpu.memory_space<vmem>>[vector<16xi32>], vector<16xf32>,
    %add3A_1257 = arith.constant 2 : i32
    %add3A_1258 = vector.broadcast %add3A_1257 : i32 to vector<16xi32>
    %add3A_1259 = arith.addi %mul3A_1251, %add3A_1258 : vector<16xi32>
    %gather3A_1260 = tpu.vector_load_idx %arg19[%add3A_1259] : memref<3712xf32, #tpu.memory_space<vmem>>[vector<16xi32>], vector<16xf32>,
    %add3A_1261 = arith.constant 3 : i32
    %add3A_1262 = vector.broadcast %add3A_1261 : i32 to vector<16xi32>
    %add3A_1263 = arith.addi %mul3A_1251, %add3A_1262 : vector<16xi32>
    %gather3A_1264 = tpu.vector_load_idx %arg19[%add3A_1263] : memref<3712xf32, #tpu.memory_space<vmem>>[vector<16xi32>], vector<16xf32>,
    %mul3A_1265 = arith.constant 4 : i32
    %mul3A_1266 = vector.broadcast %mul3A_1265 : i32 to vector<16xi32>
    %mul3A_1267 = arith.muli %parallel_loop3A_742#8, %mul3A_1266 : vector<16xi32>
    %mul3A_1268 = arith.constant 5.000000e-01 : f32
    %mul3A_1269 = vector.broadcast %mul3A_1268 : f32 to vector<16xf32>
    %mul3A_1270 = arith.mulf %mul3A_1269, %gather3A_1260 : vector<16xf32>
    %sub3A_1271 = arith.subf %gather3A_1252, %mul3A_1270 : vector<16xf32>
    %mul3A_1272 = arith.mulf %sub3A_1271, %broadcast_in_dim3A_773 : vector<16xf32>
    tpu.vector_store_idx %arg18[%mul3A_1267], %mul3A_1272 : memref<1280xf32, #tpu.memory_space<vmem>>[vector<16xi32>], vector<16xf32>,
    %add3A_1273 = arith.constant 1 : i32
    %add3A_1274 = vector.broadcast %add3A_1273 : i32 to vector<16xi32>
    %add3A_1275 = arith.addi %mul3A_1267, %add3A_1274 : vector<16xi32>
    %mul3A_1276 = arith.constant 5.000000e-01 : f32
    %mul3A_1277 = vector.broadcast %mul3A_1276 : f32 to vector<16xf32>
    %mul3A_1278 = arith.mulf %mul3A_1277, %gather3A_1264 : vector<16xf32>
    %sub3A_1279 = arith.subf %gather3A_1256, %mul3A_1278 : vector<16xf32>
    %mul3A_1280 = arith.mulf %sub3A_1279, %broadcast_in_dim3A_776 : vector<16xf32>
    tpu.vector_store_idx %arg18[%add3A_1275], %mul3A_1280 : memref<1280xf32, #tpu.memory_space<vmem>>[vector<16xi32>], vector<16xf32>,
    %add3A_1281 = arith.constant 2 : i32
    %add3A_1282 = vector.broadcast %add3A_1281 : i32 to vector<16xi32>
    %add3A_1283 = arith.addi %mul3A_1267, %add3A_1282 : vector<16xi32>
    %mul3A_1284 = arith.constant 5.000000e-01 : f32
    %mul3A_1285 = vector.broadcast %mul3A_1284 : f32 to vector<16xf32>
    %mul3A_1286 = arith.mulf %mul3A_1285, %gather3A_1260 : vector<16xf32>
    %add3A_1287 = arith.addf %gather3A_1252, %mul3A_1286 : vector<16xf32>
    %mul3A_1288 = arith.mulf %add3A_1287, %broadcast_in_dim3A_773 : vector<16xf32>
    tpu.vector_store_idx %arg18[%add3A_1283], %mul3A_1288 : memref<1280xf32, #tpu.memory_space<vmem>>[vector<16xi32>], vector<16xf32>,
    %add3A_1289 = arith.constant 3 : i32
    %add3A_1290 = vector.broadcast %add3A_1289 : i32 to vector<16xi32>
    %add3A_1291 = arith.addi %mul3A_1267, %add3A_1290 : vector<16xi32>
    %mul3A_1292 = arith.constant 5.000000e-01 : f32
    %mul3A_1293 = vector.broadcast %mul3A_1292 : f32 to vector<16xf32>
    %mul3A_1294 = arith.mulf %mul3A_1293, %gather3A_1264 : vector<16xf32>
    %add3A_1295 = arith.addf %gather3A_1256, %mul3A_1294 : vector<16xf32>
    %mul3A_1296 = arith.mulf %add3A_1295, %broadcast_in_dim3A_776 : vector<16xf32>
    tpu.vector_store_idx %arg18[%add3A_1291], %mul3A_1296 : memref<1280xf32, #tpu.memory_space<vmem>>[vector<16xi32>], vector<16xf32>,
    %get3A_1297 = arith.constant 144 : index
    %get3A_1298 = tpu.vector_load %arg14[%get3A_1297] {strides = array<i32>} : memref<336xf32, #tpu.memory_space<vmem>>, vector<16xf32>,
    %get3A_1299 = arith.constant 144 : index
    %get3A_1300 = tpu.vector_load %arg15[%get3A_1299] {strides = array<i32>} : memref<320xi32, #tpu.memory_space<vmem>>, vector<16xi32>,
    %and3A_1301 = arith.constant 127 : i32
    %and3A_1302 = vector.broadcast %and3A_1301 : i32 to vector<16xi32>
    %and3A_1303 = arith.andi %get3A_1300, %and3A_1302 : vector<16xi32>
    %shift_right_logical3A_1304 = arith.constant 7 : i32
    %shift_right_logical3A_1305 = vector.broadcast %shift_right_logical3A_1304 : i32 to vector<16xi32>
    %shift_right_logical3A_1306 = arith.shrui %get3A_1300, %shift_right_logical3A_1305 : vector<16xi32>
    %mul3A_1307 = arith.constant 4 : i32
    %mul3A_1308 = vector.broadcast %mul3A_1307 : i32 to vector<16xi32>
    %mul3A_1309 = arith.muli %shift_right_logical3A_1306, %mul3A_1308 : vector<16xi32>
    tpu.vector_store_idx %arg16[%parallel_loop3A_742#9], %get3A_1298 : memref<384xf32, #tpu.memory_space<vmem>>[vector<16xi32>], vector<16xf32>,
    tpu.vector_store_idx %arg17[%parallel_loop3A_742#9], %and3A_1303 : memref<384xi32, #tpu.memory_space<vmem>>[vector<16xi32>], vector<16xi32>,
    %gather3A_1310 = tpu.vector_load_idx %arg19[%mul3A_1309] : memref<3712xf32, #tpu.memory_space<vmem>>[vector<16xi32>], vector<16xf32>,
    %add3A_1311 = arith.constant 1 : i32
    %add3A_1312 = vector.broadcast %add3A_1311 : i32 to vector<16xi32>
    %add3A_1313 = arith.addi %mul3A_1309, %add3A_1312 : vector<16xi32>
    %gather3A_1314 = tpu.vector_load_idx %arg19[%add3A_1313] : memref<3712xf32, #tpu.memory_space<vmem>>[vector<16xi32>], vector<16xf32>,
    %add3A_1315 = arith.constant 2 : i32
    %add3A_1316 = vector.broadcast %add3A_1315 : i32 to vector<16xi32>
    %add3A_1317 = arith.addi %mul3A_1309, %add3A_1316 : vector<16xi32>
    %gather3A_1318 = tpu.vector_load_idx %arg19[%add3A_1317] : memref<3712xf32, #tpu.memory_space<vmem>>[vector<16xi32>], vector<16xf32>,
    %add3A_1319 = arith.constant 3 : i32
    %add3A_1320 = vector.broadcast %add3A_1319 : i32 to vector<16xi32>
    %add3A_1321 = arith.addi %mul3A_1309, %add3A_1320 : vector<16xi32>
    %gather3A_1322 = tpu.vector_load_idx %arg19[%add3A_1321] : memref<3712xf32, #tpu.memory_space<vmem>>[vector<16xi32>], vector<16xf32>,
    %mul3A_1323 = arith.constant 4 : i32
    %mul3A_1324 = vector.broadcast %mul3A_1323 : i32 to vector<16xi32>
    %mul3A_1325 = arith.muli %parallel_loop3A_742#9, %mul3A_1324 : vector<16xi32>
    %mul3A_1326 = arith.constant 5.000000e-01 : f32
    %mul3A_1327 = vector.broadcast %mul3A_1326 : f32 to vector<16xf32>
    %mul3A_1328 = arith.mulf %mul3A_1327, %gather3A_1318 : vector<16xf32>
    %sub3A_1329 = arith.subf %gather3A_1310, %mul3A_1328 : vector<16xf32>
    %mul3A_1330 = arith.mulf %sub3A_1329, %broadcast_in_dim3A_773 : vector<16xf32>
    tpu.vector_store_idx %arg18[%mul3A_1325], %mul3A_1330 : memref<1280xf32, #tpu.memory_space<vmem>>[vector<16xi32>], vector<16xf32>,
    %add3A_1331 = arith.constant 1 : i32
    %add3A_1332 = vector.broadcast %add3A_1331 : i32 to vector<16xi32>
    %add3A_1333 = arith.addi %mul3A_1325, %add3A_1332 : vector<16xi32>
    %mul3A_1334 = arith.constant 5.000000e-01 : f32
    %mul3A_1335 = vector.broadcast %mul3A_1334 : f32 to vector<16xf32>
    %mul3A_1336 = arith.mulf %mul3A_1335, %gather3A_1322 : vector<16xf32>
    %sub3A_1337 = arith.subf %gather3A_1314, %mul3A_1336 : vector<16xf32>
    %mul3A_1338 = arith.mulf %sub3A_1337, %broadcast_in_dim3A_776 : vector<16xf32>
    tpu.vector_store_idx %arg18[%add3A_1333], %mul3A_1338 : memref<1280xf32, #tpu.memory_space<vmem>>[vector<16xi32>], vector<16xf32>,
    %add3A_1339 = arith.constant 2 : i32
    %add3A_1340 = vector.broadcast %add3A_1339 : i32 to vector<16xi32>
    %add3A_1341 = arith.addi %mul3A_1325, %add3A_1340 : vector<16xi32>
    %mul3A_1342 = arith.constant 5.000000e-01 : f32
    %mul3A_1343 = vector.broadcast %mul3A_1342 : f32 to vector<16xf32>
    %mul3A_1344 = arith.mulf %mul3A_1343, %gather3A_1318 : vector<16xf32>
    %add3A_1345 = arith.addf %gather3A_1310, %mul3A_1344 : vector<16xf32>
    %mul3A_1346 = arith.mulf %add3A_1345, %broadcast_in_dim3A_773 : vector<16xf32>
    tpu.vector_store_idx %arg18[%add3A_1341], %mul3A_1346 : memref<1280xf32, #tpu.memory_space<vmem>>[vector<16xi32>], vector<16xf32>,
    %add3A_1347 = arith.constant 3 : i32
    %add3A_1348 = vector.broadcast %add3A_1347 : i32 to vector<16xi32>
    %add3A_1349 = arith.addi %mul3A_1325, %add3A_1348 : vector<16xi32>
    %mul3A_1350 = arith.constant 5.000000e-01 : f32
    %mul3A_1351 = vector.broadcast %mul3A_1350 : f32 to vector<16xf32>
    %mul3A_1352 = arith.mulf %mul3A_1351, %gather3A_1322 : vector<16xf32>
    %add3A_1353 = arith.addf %gather3A_1314, %mul3A_1352 : vector<16xf32>
    %mul3A_1354 = arith.mulf %add3A_1353, %broadcast_in_dim3A_776 : vector<16xf32>
    tpu.vector_store_idx %arg18[%add3A_1349], %mul3A_1354 : memref<1280xf32, #tpu.memory_space<vmem>>[vector<16xi32>], vector<16xf32>,
    %get3A_1355 = arith.constant 160 : index
    %get3A_1356 = tpu.vector_load %arg14[%get3A_1355] {strides = array<i32>} : memref<336xf32, #tpu.memory_space<vmem>>, vector<16xf32>,
    %get3A_1357 = arith.constant 160 : index
    %get3A_1358 = tpu.vector_load %arg15[%get3A_1357] {strides = array<i32>} : memref<320xi32, #tpu.memory_space<vmem>>, vector<16xi32>,
    %and3A_1359 = arith.constant 127 : i32
    %and3A_1360 = vector.broadcast %and3A_1359 : i32 to vector<16xi32>
    %and3A_1361 = arith.andi %get3A_1358, %and3A_1360 : vector<16xi32>
    %shift_right_logical3A_1362 = arith.constant 7 : i32
    %shift_right_logical3A_1363 = vector.broadcast %shift_right_logical3A_1362 : i32 to vector<16xi32>
    %shift_right_logical3A_1364 = arith.shrui %get3A_1358, %shift_right_logical3A_1363 : vector<16xi32>
    %mul3A_1365 = arith.constant 4 : i32
    %mul3A_1366 = vector.broadcast %mul3A_1365 : i32 to vector<16xi32>
    %mul3A_1367 = arith.muli %shift_right_logical3A_1364, %mul3A_1366 : vector<16xi32>
    tpu.vector_store_idx %arg16[%parallel_loop3A_766#0], %get3A_1356 : memref<384xf32, #tpu.memory_space<vmem>>[vector<16xi32>], vector<16xf32>,
    tpu.vector_store_idx %arg17[%parallel_loop3A_766#0], %and3A_1361 : memref<384xi32, #tpu.memory_space<vmem>>[vector<16xi32>], vector<16xi32>,
    %gather3A_1368 = tpu.vector_load_idx %arg19[%mul3A_1367] : memref<3712xf32, #tpu.memory_space<vmem>>[vector<16xi32>], vector<16xf32>,
    %add3A_1369 = arith.constant 1 : i32
    %add3A_1370 = vector.broadcast %add3A_1369 : i32 to vector<16xi32>
    %add3A_1371 = arith.addi %mul3A_1367, %add3A_1370 : vector<16xi32>
    %gather3A_1372 = tpu.vector_load_idx %arg19[%add3A_1371] : memref<3712xf32, #tpu.memory_space<vmem>>[vector<16xi32>], vector<16xf32>,
    %add3A_1373 = arith.constant 2 : i32
    %add3A_1374 = vector.broadcast %add3A_1373 : i32 to vector<16xi32>
    %add3A_1375 = arith.addi %mul3A_1367, %add3A_1374 : vector<16xi32>
    %gather3A_1376 = tpu.vector_load_idx %arg19[%add3A_1375] : memref<3712xf32, #tpu.memory_space<vmem>>[vector<16xi32>], vector<16xf32>,
    %add3A_1377 = arith.constant 3 : i32
    %add3A_1378 = vector.broadcast %add3A_1377 : i32 to vector<16xi32>
    %add3A_1379 = arith.addi %mul3A_1367, %add3A_1378 : vector<16xi32>
    %gather3A_1380 = tpu.vector_load_idx %arg19[%add3A_1379] : memref<3712xf32, #tpu.memory_space<vmem>>[vector<16xi32>], vector<16xf32>,
    %mul3A_1381 = arith.constant 4 : i32
    %mul3A_1382 = vector.broadcast %mul3A_1381 : i32 to vector<16xi32>
    %mul3A_1383 = arith.muli %parallel_loop3A_766#0, %mul3A_1382 : vector<16xi32>
    %mul3A_1384 = arith.constant 5.000000e-01 : f32
    %mul3A_1385 = vector.broadcast %mul3A_1384 : f32 to vector<16xf32>
    %mul3A_1386 = arith.mulf %mul3A_1385, %gather3A_1376 : vector<16xf32>
    %sub3A_1387 = arith.subf %gather3A_1368, %mul3A_1386 : vector<16xf32>
    %mul3A_1388 = arith.mulf %sub3A_1387, %broadcast_in_dim3A_773 : vector<16xf32>
    tpu.vector_store_idx %arg18[%mul3A_1383], %mul3A_1388 : memref<1280xf32, #tpu.memory_space<vmem>>[vector<16xi32>], vector<16xf32>,
    %add3A_1389 = arith.constant 1 : i32
    %add3A_1390 = vector.broadcast %add3A_1389 : i32 to vector<16xi32>
    %add3A_1391 = arith.addi %mul3A_1383, %add3A_1390 : vector<16xi32>
    %mul3A_1392 = arith.constant 5.000000e-01 : f32
    %mul3A_1393 = vector.broadcast %mul3A_1392 : f32 to vector<16xf32>
    %mul3A_1394 = arith.mulf %mul3A_1393, %gather3A_1380 : vector<16xf32>
    %sub3A_1395 = arith.subf %gather3A_1372, %mul3A_1394 : vector<16xf32>
    %mul3A_1396 = arith.mulf %sub3A_1395, %broadcast_in_dim3A_776 : vector<16xf32>
    tpu.vector_store_idx %arg18[%add3A_1391], %mul3A_1396 : memref<1280xf32, #tpu.memory_space<vmem>>[vector<16xi32>], vector<16xf32>,
    %add3A_1397 = arith.constant 2 : i32
    %add3A_1398 = vector.broadcast %add3A_1397 : i32 to vector<16xi32>
    %add3A_1399 = arith.addi %mul3A_1383, %add3A_1398 : vector<16xi32>
    %mul3A_1400 = arith.constant 5.000000e-01 : f32
    %mul3A_1401 = vector.broadcast %mul3A_1400 : f32 to vector<16xf32>
    %mul3A_1402 = arith.mulf %mul3A_1401, %gather3A_1376 : vector<16xf32>
    %add3A_1403 = arith.addf %gather3A_1368, %mul3A_1402 : vector<16xf32>
    %mul3A_1404 = arith.mulf %add3A_1403, %broadcast_in_dim3A_773 : vector<16xf32>
    tpu.vector_store_idx %arg18[%add3A_1399], %mul3A_1404 : memref<1280xf32, #tpu.memory_space<vmem>>[vector<16xi32>], vector<16xf32>,
    %add3A_1405 = arith.constant 3 : i32
    %add3A_1406 = vector.broadcast %add3A_1405 : i32 to vector<16xi32>
    %add3A_1407 = arith.addi %mul3A_1383, %add3A_1406 : vector<16xi32>
    %mul3A_1408 = arith.constant 5.000000e-01 : f32
    %mul3A_1409 = vector.broadcast %mul3A_1408 : f32 to vector<16xf32>
    %mul3A_1410 = arith.mulf %mul3A_1409, %gather3A_1380 : vector<16xf32>
    %add3A_1411 = arith.addf %gather3A_1372, %mul3A_1410 : vector<16xf32>
    %mul3A_1412 = arith.mulf %add3A_1411, %broadcast_in_dim3A_776 : vector<16xf32>
    tpu.vector_store_idx %arg18[%add3A_1407], %mul3A_1412 : memref<1280xf32, #tpu.memory_space<vmem>>[vector<16xi32>], vector<16xf32>,
    %get3A_1413 = arith.constant 176 : index
    %get3A_1414 = tpu.vector_load %arg14[%get3A_1413] {strides = array<i32>} : memref<336xf32, #tpu.memory_space<vmem>>, vector<16xf32>,
    %get3A_1415 = arith.constant 176 : index
    %get3A_1416 = tpu.vector_load %arg15[%get3A_1415] {strides = array<i32>} : memref<320xi32, #tpu.memory_space<vmem>>, vector<16xi32>,
    %and3A_1417 = arith.constant 127 : i32
    %and3A_1418 = vector.broadcast %and3A_1417 : i32 to vector<16xi32>
    %and3A_1419 = arith.andi %get3A_1416, %and3A_1418 : vector<16xi32>
    %shift_right_logical3A_1420 = arith.constant 7 : i32
    %shift_right_logical3A_1421 = vector.broadcast %shift_right_logical3A_1420 : i32 to vector<16xi32>
    %shift_right_logical3A_1422 = arith.shrui %get3A_1416, %shift_right_logical3A_1421 : vector<16xi32>
    %mul3A_1423 = arith.constant 4 : i32
    %mul3A_1424 = vector.broadcast %mul3A_1423 : i32 to vector<16xi32>
    %mul3A_1425 = arith.muli %shift_right_logical3A_1422, %mul3A_1424 : vector<16xi32>
    tpu.vector_store_idx %arg16[%parallel_loop3A_766#1], %get3A_1414 : memref<384xf32, #tpu.memory_space<vmem>>[vector<16xi32>], vector<16xf32>,
    tpu.vector_store_idx %arg17[%parallel_loop3A_766#1], %and3A_1419 : memref<384xi32, #tpu.memory_space<vmem>>[vector<16xi32>], vector<16xi32>,
    %gather3A_1426 = tpu.vector_load_idx %arg19[%mul3A_1425] : memref<3712xf32, #tpu.memory_space<vmem>>[vector<16xi32>], vector<16xf32>,
    %add3A_1427 = arith.constant 1 : i32
    %add3A_1428 = vector.broadcast %add3A_1427 : i32 to vector<16xi32>
    %add3A_1429 = arith.addi %mul3A_1425, %add3A_1428 : vector<16xi32>
    %gather3A_1430 = tpu.vector_load_idx %arg19[%add3A_1429] : memref<3712xf32, #tpu.memory_space<vmem>>[vector<16xi32>], vector<16xf32>,
    %add3A_1431 = arith.constant 2 : i32
    %add3A_1432 = vector.broadcast %add3A_1431 : i32 to vector<16xi32>
    %add3A_1433 = arith.addi %mul3A_1425, %add3A_1432 : vector<16xi32>
    %gather3A_1434 = tpu.vector_load_idx %arg19[%add3A_1433] : memref<3712xf32, #tpu.memory_space<vmem>>[vector<16xi32>], vector<16xf32>,
    %add3A_1435 = arith.constant 3 : i32
    %add3A_1436 = vector.broadcast %add3A_1435 : i32 to vector<16xi32>
    %add3A_1437 = arith.addi %mul3A_1425, %add3A_1436 : vector<16xi32>
    %gather3A_1438 = tpu.vector_load_idx %arg19[%add3A_1437] : memref<3712xf32, #tpu.memory_space<vmem>>[vector<16xi32>], vector<16xf32>,
    %mul3A_1439 = arith.constant 4 : i32
    %mul3A_1440 = vector.broadcast %mul3A_1439 : i32 to vector<16xi32>
    %mul3A_1441 = arith.muli %parallel_loop3A_766#1, %mul3A_1440 : vector<16xi32>
    %mul3A_1442 = arith.constant 5.000000e-01 : f32
    %mul3A_1443 = vector.broadcast %mul3A_1442 : f32 to vector<16xf32>
    %mul3A_1444 = arith.mulf %mul3A_1443, %gather3A_1434 : vector<16xf32>
    %sub3A_1445 = arith.subf %gather3A_1426, %mul3A_1444 : vector<16xf32>
    %mul3A_1446 = arith.mulf %sub3A_1445, %broadcast_in_dim3A_773 : vector<16xf32>
    tpu.vector_store_idx %arg18[%mul3A_1441], %mul3A_1446 : memref<1280xf32, #tpu.memory_space<vmem>>[vector<16xi32>], vector<16xf32>,
    %add3A_1447 = arith.constant 1 : i32
    %add3A_1448 = vector.broadcast %add3A_1447 : i32 to vector<16xi32>
    %add3A_1449 = arith.addi %mul3A_1441, %add3A_1448 : vector<16xi32>
    %mul3A_1450 = arith.constant 5.000000e-01 : f32
    %mul3A_1451 = vector.broadcast %mul3A_1450 : f32 to vector<16xf32>
    %mul3A_1452 = arith.mulf %mul3A_1451, %gather3A_1438 : vector<16xf32>
    %sub3A_1453 = arith.subf %gather3A_1430, %mul3A_1452 : vector<16xf32>
    %mul3A_1454 = arith.mulf %sub3A_1453, %broadcast_in_dim3A_776 : vector<16xf32>
    tpu.vector_store_idx %arg18[%add3A_1449], %mul3A_1454 : memref<1280xf32, #tpu.memory_space<vmem>>[vector<16xi32>], vector<16xf32>,
    %add3A_1455 = arith.constant 2 : i32
    %add3A_1456 = vector.broadcast %add3A_1455 : i32 to vector<16xi32>
    %add3A_1457 = arith.addi %mul3A_1441, %add3A_1456 : vector<16xi32>
    %mul3A_1458 = arith.constant 5.000000e-01 : f32
    %mul3A_1459 = vector.broadcast %mul3A_1458 : f32 to vector<16xf32>
    %mul3A_1460 = arith.mulf %mul3A_1459, %gather3A_1434 : vector<16xf32>
    %add3A_1461 = arith.addf %gather3A_1426, %mul3A_1460 : vector<16xf32>
    %mul3A_1462 = arith.mulf %add3A_1461, %broadcast_in_dim3A_773 : vector<16xf32>
    tpu.vector_store_idx %arg18[%add3A_1457], %mul3A_1462 : memref<1280xf32, #tpu.memory_space<vmem>>[vector<16xi32>], vector<16xf32>,
    %add3A_1463 = arith.constant 3 : i32
    %add3A_1464 = vector.broadcast %add3A_1463 : i32 to vector<16xi32>
    %add3A_1465 = arith.addi %mul3A_1441, %add3A_1464 : vector<16xi32>
    %mul3A_1466 = arith.constant 5.000000e-01 : f32
    %mul3A_1467 = vector.broadcast %mul3A_1466 : f32 to vector<16xf32>
    %mul3A_1468 = arith.mulf %mul3A_1467, %gather3A_1438 : vector<16xf32>
    %add3A_1469 = arith.addf %gather3A_1430, %mul3A_1468 : vector<16xf32>
    %mul3A_1470 = arith.mulf %add3A_1469, %broadcast_in_dim3A_776 : vector<16xf32>
    tpu.vector_store_idx %arg18[%add3A_1465], %mul3A_1470 : memref<1280xf32, #tpu.memory_space<vmem>>[vector<16xi32>], vector<16xf32>,
    %get3A_1471 = arith.constant 192 : index
    %get3A_1472 = tpu.vector_load %arg14[%get3A_1471] {strides = array<i32>} : memref<336xf32, #tpu.memory_space<vmem>>, vector<16xf32>,
    %get3A_1473 = arith.constant 192 : index
    %get3A_1474 = tpu.vector_load %arg15[%get3A_1473] {strides = array<i32>} : memref<320xi32, #tpu.memory_space<vmem>>, vector<16xi32>,
    %and3A_1475 = arith.constant 127 : i32
    %and3A_1476 = vector.broadcast %and3A_1475 : i32 to vector<16xi32>
    %and3A_1477 = arith.andi %get3A_1474, %and3A_1476 : vector<16xi32>
    %shift_right_logical3A_1478 = arith.constant 7 : i32
    %shift_right_logical3A_1479 = vector.broadcast %shift_right_logical3A_1478 : i32 to vector<16xi32>
    %shift_right_logical3A_1480 = arith.shrui %get3A_1474, %shift_right_logical3A_1479 : vector<16xi32>
    %mul3A_1481 = arith.constant 4 : i32
    %mul3A_1482 = vector.broadcast %mul3A_1481 : i32 to vector<16xi32>
    %mul3A_1483 = arith.muli %shift_right_logical3A_1480, %mul3A_1482 : vector<16xi32>
    tpu.vector_store_idx %arg16[%parallel_loop3A_766#2], %get3A_1472 : memref<384xf32, #tpu.memory_space<vmem>>[vector<16xi32>], vector<16xf32>,
    tpu.vector_store_idx %arg17[%parallel_loop3A_766#2], %and3A_1477 : memref<384xi32, #tpu.memory_space<vmem>>[vector<16xi32>], vector<16xi32>,
    %gather3A_1484 = tpu.vector_load_idx %arg19[%mul3A_1483] : memref<3712xf32, #tpu.memory_space<vmem>>[vector<16xi32>], vector<16xf32>,
    %add3A_1485 = arith.constant 1 : i32
    %add3A_1486 = vector.broadcast %add3A_1485 : i32 to vector<16xi32>
    %add3A_1487 = arith.addi %mul3A_1483, %add3A_1486 : vector<16xi32>
    %gather3A_1488 = tpu.vector_load_idx %arg19[%add3A_1487] : memref<3712xf32, #tpu.memory_space<vmem>>[vector<16xi32>], vector<16xf32>,
    %add3A_1489 = arith.constant 2 : i32
    %add3A_1490 = vector.broadcast %add3A_1489 : i32 to vector<16xi32>
    %add3A_1491 = arith.addi %mul3A_1483, %add3A_1490 : vector<16xi32>
    %gather3A_1492 = tpu.vector_load_idx %arg19[%add3A_1491] : memref<3712xf32, #tpu.memory_space<vmem>>[vector<16xi32>], vector<16xf32>,
    %add3A_1493 = arith.constant 3 : i32
    %add3A_1494 = vector.broadcast %add3A_1493 : i32 to vector<16xi32>
    %add3A_1495 = arith.addi %mul3A_1483, %add3A_1494 : vector<16xi32>
    %gather3A_1496 = tpu.vector_load_idx %arg19[%add3A_1495] : memref<3712xf32, #tpu.memory_space<vmem>>[vector<16xi32>], vector<16xf32>,
    %mul3A_1497 = arith.constant 4 : i32
    %mul3A_1498 = vector.broadcast %mul3A_1497 : i32 to vector<16xi32>
    %mul3A_1499 = arith.muli %parallel_loop3A_766#2, %mul3A_1498 : vector<16xi32>
    %mul3A_1500 = arith.constant 5.000000e-01 : f32
    %mul3A_1501 = vector.broadcast %mul3A_1500 : f32 to vector<16xf32>
    %mul3A_1502 = arith.mulf %mul3A_1501, %gather3A_1492 : vector<16xf32>
    %sub3A_1503 = arith.subf %gather3A_1484, %mul3A_1502 : vector<16xf32>
    %mul3A_1504 = arith.mulf %sub3A_1503, %broadcast_in_dim3A_773 : vector<16xf32>
    tpu.vector_store_idx %arg18[%mul3A_1499], %mul3A_1504 : memref<1280xf32, #tpu.memory_space<vmem>>[vector<16xi32>], vector<16xf32>,
    %add3A_1505 = arith.constant 1 : i32
    %add3A_1506 = vector.broadcast %add3A_1505 : i32 to vector<16xi32>
    %add3A_1507 = arith.addi %mul3A_1499, %add3A_1506 : vector<16xi32>
    %mul3A_1508 = arith.constant 5.000000e-01 : f32
    %mul3A_1509 = vector.broadcast %mul3A_1508 : f32 to vector<16xf32>
    %mul3A_1510 = arith.mulf %mul3A_1509, %gather3A_1496 : vector<16xf32>
    %sub3A_1511 = arith.subf %gather3A_1488, %mul3A_1510 : vector<16xf32>
    %mul3A_1512 = arith.mulf %sub3A_1511, %broadcast_in_dim3A_776 : vector<16xf32>
    tpu.vector_store_idx %arg18[%add3A_1507], %mul3A_1512 : memref<1280xf32, #tpu.memory_space<vmem>>[vector<16xi32>], vector<16xf32>,
    %add3A_1513 = arith.constant 2 : i32
    %add3A_1514 = vector.broadcast %add3A_1513 : i32 to vector<16xi32>
    %add3A_1515 = arith.addi %mul3A_1499, %add3A_1514 : vector<16xi32>
    %mul3A_1516 = arith.constant 5.000000e-01 : f32
    %mul3A_1517 = vector.broadcast %mul3A_1516 : f32 to vector<16xf32>
    %mul3A_1518 = arith.mulf %mul3A_1517, %gather3A_1492 : vector<16xf32>
    %add3A_1519 = arith.addf %gather3A_1484, %mul3A_1518 : vector<16xf32>
    %mul3A_1520 = arith.mulf %add3A_1519, %broadcast_in_dim3A_773 : vector<16xf32>
    tpu.vector_store_idx %arg18[%add3A_1515], %mul3A_1520 : memref<1280xf32, #tpu.memory_space<vmem>>[vector<16xi32>], vector<16xf32>,
    %add3A_1521 = arith.constant 3 : i32
    %add3A_1522 = vector.broadcast %add3A_1521 : i32 to vector<16xi32>
    %add3A_1523 = arith.addi %mul3A_1499, %add3A_1522 : vector<16xi32>
    %mul3A_1524 = arith.constant 5.000000e-01 : f32
    %mul3A_1525 = vector.broadcast %mul3A_1524 : f32 to vector<16xf32>
    %mul3A_1526 = arith.mulf %mul3A_1525, %gather3A_1496 : vector<16xf32>
    %add3A_1527 = arith.addf %gather3A_1488, %mul3A_1526 : vector<16xf32>
    %mul3A_1528 = arith.mulf %add3A_1527, %broadcast_in_dim3A_776 : vector<16xf32>
    tpu.vector_store_idx %arg18[%add3A_1523], %mul3A_1528 : memref<1280xf32, #tpu.memory_space<vmem>>[vector<16xi32>], vector<16xf32>,
    %get3A_1529 = arith.constant 208 : index
    %get3A_1530 = tpu.vector_load %arg14[%get3A_1529] {strides = array<i32>} : memref<336xf32, #tpu.memory_space<vmem>>, vector<16xf32>,
    %get3A_1531 = arith.constant 208 : index
    %get3A_1532 = tpu.vector_load %arg15[%get3A_1531] {strides = array<i32>} : memref<320xi32, #tpu.memory_space<vmem>>, vector<16xi32>,
    %and3A_1533 = arith.constant 127 : i32
    %and3A_1534 = vector.broadcast %and3A_1533 : i32 to vector<16xi32>
    %and3A_1535 = arith.andi %get3A_1532, %and3A_1534 : vector<16xi32>
    %shift_right_logical3A_1536 = arith.constant 7 : i32
    %shift_right_logical3A_1537 = vector.broadcast %shift_right_logical3A_1536 : i32 to vector<16xi32>
    %shift_right_logical3A_1538 = arith.shrui %get3A_1532, %shift_right_logical3A_1537 : vector<16xi32>
    %mul3A_1539 = arith.constant 4 : i32
    %mul3A_1540 = vector.broadcast %mul3A_1539 : i32 to vector<16xi32>
    %mul3A_1541 = arith.muli %shift_right_logical3A_1538, %mul3A_1540 : vector<16xi32>
    tpu.vector_store_idx %arg16[%parallel_loop3A_766#3], %get3A_1530 : memref<384xf32, #tpu.memory_space<vmem>>[vector<16xi32>], vector<16xf32>,
    tpu.vector_store_idx %arg17[%parallel_loop3A_766#3], %and3A_1535 : memref<384xi32, #tpu.memory_space<vmem>>[vector<16xi32>], vector<16xi32>,
    %gather3A_1542 = tpu.vector_load_idx %arg19[%mul3A_1541] : memref<3712xf32, #tpu.memory_space<vmem>>[vector<16xi32>], vector<16xf32>,
    %add3A_1543 = arith.constant 1 : i32
    %add3A_1544 = vector.broadcast %add3A_1543 : i32 to vector<16xi32>
    %add3A_1545 = arith.addi %mul3A_1541, %add3A_1544 : vector<16xi32>
    %gather3A_1546 = tpu.vector_load_idx %arg19[%add3A_1545] : memref<3712xf32, #tpu.memory_space<vmem>>[vector<16xi32>], vector<16xf32>,
    %add3A_1547 = arith.constant 2 : i32
    %add3A_1548 = vector.broadcast %add3A_1547 : i32 to vector<16xi32>
    %add3A_1549 = arith.addi %mul3A_1541, %add3A_1548 : vector<16xi32>
    %gather3A_1550 = tpu.vector_load_idx %arg19[%add3A_1549] : memref<3712xf32, #tpu.memory_space<vmem>>[vector<16xi32>], vector<16xf32>,
    %add3A_1551 = arith.constant 3 : i32
    %add3A_1552 = vector.broadcast %add3A_1551 : i32 to vector<16xi32>
    %add3A_1553 = arith.addi %mul3A_1541, %add3A_1552 : vector<16xi32>
    %gather3A_1554 = tpu.vector_load_idx %arg19[%add3A_1553] : memref<3712xf32, #tpu.memory_space<vmem>>[vector<16xi32>], vector<16xf32>,
    %mul3A_1555 = arith.constant 4 : i32
    %mul3A_1556 = vector.broadcast %mul3A_1555 : i32 to vector<16xi32>
    %mul3A_1557 = arith.muli %parallel_loop3A_766#3, %mul3A_1556 : vector<16xi32>
    %mul3A_1558 = arith.constant 5.000000e-01 : f32
    %mul3A_1559 = vector.broadcast %mul3A_1558 : f32 to vector<16xf32>
    %mul3A_1560 = arith.mulf %mul3A_1559, %gather3A_1550 : vector<16xf32>
    %sub3A_1561 = arith.subf %gather3A_1542, %mul3A_1560 : vector<16xf32>
    %mul3A_1562 = arith.mulf %sub3A_1561, %broadcast_in_dim3A_773 : vector<16xf32>
    tpu.vector_store_idx %arg18[%mul3A_1557], %mul3A_1562 : memref<1280xf32, #tpu.memory_space<vmem>>[vector<16xi32>], vector<16xf32>,
    %add3A_1563 = arith.constant 1 : i32
    %add3A_1564 = vector.broadcast %add3A_1563 : i32 to vector<16xi32>
    %add3A_1565 = arith.addi %mul3A_1557, %add3A_1564 : vector<16xi32>
    %mul3A_1566 = arith.constant 5.000000e-01 : f32
    %mul3A_1567 = vector.broadcast %mul3A_1566 : f32 to vector<16xf32>
    %mul3A_1568 = arith.mulf %mul3A_1567, %gather3A_1554 : vector<16xf32>
    %sub3A_1569 = arith.subf %gather3A_1546, %mul3A_1568 : vector<16xf32>
    %mul3A_1570 = arith.mulf %sub3A_1569, %broadcast_in_dim3A_776 : vector<16xf32>
    tpu.vector_store_idx %arg18[%add3A_1565], %mul3A_1570 : memref<1280xf32, #tpu.memory_space<vmem>>[vector<16xi32>], vector<16xf32>,
    %add3A_1571 = arith.constant 2 : i32
    %add3A_1572 = vector.broadcast %add3A_1571 : i32 to vector<16xi32>
    %add3A_1573 = arith.addi %mul3A_1557, %add3A_1572 : vector<16xi32>
    %mul3A_1574 = arith.constant 5.000000e-01 : f32
    %mul3A_1575 = vector.broadcast %mul3A_1574 : f32 to vector<16xf32>
    %mul3A_1576 = arith.mulf %mul3A_1575, %gather3A_1550 : vector<16xf32>
    %add3A_1577 = arith.addf %gather3A_1542, %mul3A_1576 : vector<16xf32>
    %mul3A_1578 = arith.mulf %add3A_1577, %broadcast_in_dim3A_773 : vector<16xf32>
    tpu.vector_store_idx %arg18[%add3A_1573], %mul3A_1578 : memref<1280xf32, #tpu.memory_space<vmem>>[vector<16xi32>], vector<16xf32>,
    %add3A_1579 = arith.constant 3 : i32
    %add3A_1580 = vector.broadcast %add3A_1579 : i32 to vector<16xi32>
    %add3A_1581 = arith.addi %mul3A_1557, %add3A_1580 : vector<16xi32>
    %mul3A_1582 = arith.constant 5.000000e-01 : f32
    %mul3A_1583 = vector.broadcast %mul3A_1582 : f32 to vector<16xf32>
    %mul3A_1584 = arith.mulf %mul3A_1583, %gather3A_1554 : vector<16xf32>
    %add3A_1585 = arith.addf %gather3A_1546, %mul3A_1584 : vector<16xf32>
    %mul3A_1586 = arith.mulf %add3A_1585, %broadcast_in_dim3A_776 : vector<16xf32>
    tpu.vector_store_idx %arg18[%add3A_1581], %mul3A_1586 : memref<1280xf32, #tpu.memory_space<vmem>>[vector<16xi32>], vector<16xf32>,
    %get3A_1587 = arith.constant 224 : index
    %get3A_1588 = tpu.vector_load %arg14[%get3A_1587] {strides = array<i32>} : memref<336xf32, #tpu.memory_space<vmem>>, vector<16xf32>,
    %get3A_1589 = arith.constant 224 : index
    %get3A_1590 = tpu.vector_load %arg15[%get3A_1589] {strides = array<i32>} : memref<320xi32, #tpu.memory_space<vmem>>, vector<16xi32>,
    %and3A_1591 = arith.constant 127 : i32
    %and3A_1592 = vector.broadcast %and3A_1591 : i32 to vector<16xi32>
    %and3A_1593 = arith.andi %get3A_1590, %and3A_1592 : vector<16xi32>
    %shift_right_logical3A_1594 = arith.constant 7 : i32
    %shift_right_logical3A_1595 = vector.broadcast %shift_right_logical3A_1594 : i32 to vector<16xi32>
    %shift_right_logical3A_1596 = arith.shrui %get3A_1590, %shift_right_logical3A_1595 : vector<16xi32>
    %mul3A_1597 = arith.constant 4 : i32
    %mul3A_1598 = vector.broadcast %mul3A_1597 : i32 to vector<16xi32>
    %mul3A_1599 = arith.muli %shift_right_logical3A_1596, %mul3A_1598 : vector<16xi32>
    tpu.vector_store_idx %arg16[%parallel_loop3A_766#4], %get3A_1588 : memref<384xf32, #tpu.memory_space<vmem>>[vector<16xi32>], vector<16xf32>,
    tpu.vector_store_idx %arg17[%parallel_loop3A_766#4], %and3A_1593 : memref<384xi32, #tpu.memory_space<vmem>>[vector<16xi32>], vector<16xi32>,
    %gather3A_1600 = tpu.vector_load_idx %arg19[%mul3A_1599] : memref<3712xf32, #tpu.memory_space<vmem>>[vector<16xi32>], vector<16xf32>,
    %add3A_1601 = arith.constant 1 : i32
    %add3A_1602 = vector.broadcast %add3A_1601 : i32 to vector<16xi32>
    %add3A_1603 = arith.addi %mul3A_1599, %add3A_1602 : vector<16xi32>
    %gather3A_1604 = tpu.vector_load_idx %arg19[%add3A_1603] : memref<3712xf32, #tpu.memory_space<vmem>>[vector<16xi32>], vector<16xf32>,
    %add3A_1605 = arith.constant 2 : i32
    %add3A_1606 = vector.broadcast %add3A_1605 : i32 to vector<16xi32>
    %add3A_1607 = arith.addi %mul3A_1599, %add3A_1606 : vector<16xi32>
    %gather3A_1608 = tpu.vector_load_idx %arg19[%add3A_1607] : memref<3712xf32, #tpu.memory_space<vmem>>[vector<16xi32>], vector<16xf32>,
    %add3A_1609 = arith.constant 3 : i32
    %add3A_1610 = vector.broadcast %add3A_1609 : i32 to vector<16xi32>
    %add3A_1611 = arith.addi %mul3A_1599, %add3A_1610 : vector<16xi32>
    %gather3A_1612 = tpu.vector_load_idx %arg19[%add3A_1611] : memref<3712xf32, #tpu.memory_space<vmem>>[vector<16xi32>], vector<16xf32>,
    %mul3A_1613 = arith.constant 4 : i32
    %mul3A_1614 = vector.broadcast %mul3A_1613 : i32 to vector<16xi32>
    %mul3A_1615 = arith.muli %parallel_loop3A_766#4, %mul3A_1614 : vector<16xi32>
    %mul3A_1616 = arith.constant 5.000000e-01 : f32
    %mul3A_1617 = vector.broadcast %mul3A_1616 : f32 to vector<16xf32>
    %mul3A_1618 = arith.mulf %mul3A_1617, %gather3A_1608 : vector<16xf32>
    %sub3A_1619 = arith.subf %gather3A_1600, %mul3A_1618 : vector<16xf32>
    %mul3A_1620 = arith.mulf %sub3A_1619, %broadcast_in_dim3A_773 : vector<16xf32>
    tpu.vector_store_idx %arg18[%mul3A_1615], %mul3A_1620 : memref<1280xf32, #tpu.memory_space<vmem>>[vector<16xi32>], vector<16xf32>,
    %add3A_1621 = arith.constant 1 : i32
    %add3A_1622 = vector.broadcast %add3A_1621 : i32 to vector<16xi32>
    %add3A_1623 = arith.addi %mul3A_1615, %add3A_1622 : vector<16xi32>
    %mul3A_1624 = arith.constant 5.000000e-01 : f32
    %mul3A_1625 = vector.broadcast %mul3A_1624 : f32 to vector<16xf32>
    %mul3A_1626 = arith.mulf %mul3A_1625, %gather3A_1612 : vector<16xf32>
    %sub3A_1627 = arith.subf %gather3A_1604, %mul3A_1626 : vector<16xf32>
    %mul3A_1628 = arith.mulf %sub3A_1627, %broadcast_in_dim3A_776 : vector<16xf32>
    tpu.vector_store_idx %arg18[%add3A_1623], %mul3A_1628 : memref<1280xf32, #tpu.memory_space<vmem>>[vector<16xi32>], vector<16xf32>,
    %add3A_1629 = arith.constant 2 : i32
    %add3A_1630 = vector.broadcast %add3A_1629 : i32 to vector<16xi32>
    %add3A_1631 = arith.addi %mul3A_1615, %add3A_1630 : vector<16xi32>
    %mul3A_1632 = arith.constant 5.000000e-01 : f32
    %mul3A_1633 = vector.broadcast %mul3A_1632 : f32 to vector<16xf32>
    %mul3A_1634 = arith.mulf %mul3A_1633, %gather3A_1608 : vector<16xf32>
    %add3A_1635 = arith.addf %gather3A_1600, %mul3A_1634 : vector<16xf32>
    %mul3A_1636 = arith.mulf %add3A_1635, %broadcast_in_dim3A_773 : vector<16xf32>
    tpu.vector_store_idx %arg18[%add3A_1631], %mul3A_1636 : memref<1280xf32, #tpu.memory_space<vmem>>[vector<16xi32>], vector<16xf32>,
    %add3A_1637 = arith.constant 3 : i32
    %add3A_1638 = vector.broadcast %add3A_1637 : i32 to vector<16xi32>
    %add3A_1639 = arith.addi %mul3A_1615, %add3A_1638 : vector<16xi32>
    %mul3A_1640 = arith.constant 5.000000e-01 : f32
    %mul3A_1641 = vector.broadcast %mul3A_1640 : f32 to vector<16xf32>
    %mul3A_1642 = arith.mulf %mul3A_1641, %gather3A_1612 : vector<16xf32>
    %add3A_1643 = arith.addf %gather3A_1604, %mul3A_1642 : vector<16xf32>
    %mul3A_1644 = arith.mulf %add3A_1643, %broadcast_in_dim3A_776 : vector<16xf32>
    tpu.vector_store_idx %arg18[%add3A_1639], %mul3A_1644 : memref<1280xf32, #tpu.memory_space<vmem>>[vector<16xi32>], vector<16xf32>,
    %get3A_1645 = arith.constant 240 : index
    %get3A_1646 = tpu.vector_load %arg14[%get3A_1645] {strides = array<i32>} : memref<336xf32, #tpu.memory_space<vmem>>, vector<16xf32>,
    %get3A_1647 = arith.constant 240 : index
    %get3A_1648 = tpu.vector_load %arg15[%get3A_1647] {strides = array<i32>} : memref<320xi32, #tpu.memory_space<vmem>>, vector<16xi32>,
    %and3A_1649 = arith.constant 127 : i32
    %and3A_1650 = vector.broadcast %and3A_1649 : i32 to vector<16xi32>
    %and3A_1651 = arith.andi %get3A_1648, %and3A_1650 : vector<16xi32>
    %shift_right_logical3A_1652 = arith.constant 7 : i32
    %shift_right_logical3A_1653 = vector.broadcast %shift_right_logical3A_1652 : i32 to vector<16xi32>
    %shift_right_logical3A_1654 = arith.shrui %get3A_1648, %shift_right_logical3A_1653 : vector<16xi32>
    %mul3A_1655 = arith.constant 4 : i32
    %mul3A_1656 = vector.broadcast %mul3A_1655 : i32 to vector<16xi32>
    %mul3A_1657 = arith.muli %shift_right_logical3A_1654, %mul3A_1656 : vector<16xi32>
    tpu.vector_store_idx %arg16[%parallel_loop3A_766#5], %get3A_1646 : memref<384xf32, #tpu.memory_space<vmem>>[vector<16xi32>], vector<16xf32>,
    tpu.vector_store_idx %arg17[%parallel_loop3A_766#5], %and3A_1651 : memref<384xi32, #tpu.memory_space<vmem>>[vector<16xi32>], vector<16xi32>,
    %gather3A_1658 = tpu.vector_load_idx %arg19[%mul3A_1657] : memref<3712xf32, #tpu.memory_space<vmem>>[vector<16xi32>], vector<16xf32>,
    %add3A_1659 = arith.constant 1 : i32
    %add3A_1660 = vector.broadcast %add3A_1659 : i32 to vector<16xi32>
    %add3A_1661 = arith.addi %mul3A_1657, %add3A_1660 : vector<16xi32>
    %gather3A_1662 = tpu.vector_load_idx %arg19[%add3A_1661] : memref<3712xf32, #tpu.memory_space<vmem>>[vector<16xi32>], vector<16xf32>,
    %add3A_1663 = arith.constant 2 : i32
    %add3A_1664 = vector.broadcast %add3A_1663 : i32 to vector<16xi32>
    %add3A_1665 = arith.addi %mul3A_1657, %add3A_1664 : vector<16xi32>
    %gather3A_1666 = tpu.vector_load_idx %arg19[%add3A_1665] : memref<3712xf32, #tpu.memory_space<vmem>>[vector<16xi32>], vector<16xf32>,
    %add3A_1667 = arith.constant 3 : i32
    %add3A_1668 = vector.broadcast %add3A_1667 : i32 to vector<16xi32>
    %add3A_1669 = arith.addi %mul3A_1657, %add3A_1668 : vector<16xi32>
    %gather3A_1670 = tpu.vector_load_idx %arg19[%add3A_1669] : memref<3712xf32, #tpu.memory_space<vmem>>[vector<16xi32>], vector<16xf32>,
    %mul3A_1671 = arith.constant 4 : i32
    %mul3A_1672 = vector.broadcast %mul3A_1671 : i32 to vector<16xi32>
    %mul3A_1673 = arith.muli %parallel_loop3A_766#5, %mul3A_1672 : vector<16xi32>
    %mul3A_1674 = arith.constant 5.000000e-01 : f32
    %mul3A_1675 = vector.broadcast %mul3A_1674 : f32 to vector<16xf32>
    %mul3A_1676 = arith.mulf %mul3A_1675, %gather3A_1666 : vector<16xf32>
    %sub3A_1677 = arith.subf %gather3A_1658, %mul3A_1676 : vector<16xf32>
    %mul3A_1678 = arith.mulf %sub3A_1677, %broadcast_in_dim3A_773 : vector<16xf32>
    tpu.vector_store_idx %arg18[%mul3A_1673], %mul3A_1678 : memref<1280xf32, #tpu.memory_space<vmem>>[vector<16xi32>], vector<16xf32>,
    %add3A_1679 = arith.constant 1 : i32
    %add3A_1680 = vector.broadcast %add3A_1679 : i32 to vector<16xi32>
    %add3A_1681 = arith.addi %mul3A_1673, %add3A_1680 : vector<16xi32>
    %mul3A_1682 = arith.constant 5.000000e-01 : f32
    %mul3A_1683 = vector.broadcast %mul3A_1682 : f32 to vector<16xf32>
    %mul3A_1684 = arith.mulf %mul3A_1683, %gather3A_1670 : vector<16xf32>
    %sub3A_1685 = arith.subf %gather3A_1662, %mul3A_1684 : vector<16xf32>
    %mul3A_1686 = arith.mulf %sub3A_1685, %broadcast_in_dim3A_776 : vector<16xf32>
    tpu.vector_store_idx %arg18[%add3A_1681], %mul3A_1686 : memref<1280xf32, #tpu.memory_space<vmem>>[vector<16xi32>], vector<16xf32>,
    %add3A_1687 = arith.constant 2 : i32
    %add3A_1688 = vector.broadcast %add3A_1687 : i32 to vector<16xi32>
    %add3A_1689 = arith.addi %mul3A_1673, %add3A_1688 : vector<16xi32>
    %mul3A_1690 = arith.constant 5.000000e-01 : f32
    %mul3A_1691 = vector.broadcast %mul3A_1690 : f32 to vector<16xf32>
    %mul3A_1692 = arith.mulf %mul3A_1691, %gather3A_1666 : vector<16xf32>
    %add3A_1693 = arith.addf %gather3A_1658, %mul3A_1692 : vector<16xf32>
    %mul3A_1694 = arith.mulf %add3A_1693, %broadcast_in_dim3A_773 : vector<16xf32>
    tpu.vector_store_idx %arg18[%add3A_1689], %mul3A_1694 : memref<1280xf32, #tpu.memory_space<vmem>>[vector<16xi32>], vector<16xf32>,
    %add3A_1695 = arith.constant 3 : i32
    %add3A_1696 = vector.broadcast %add3A_1695 : i32 to vector<16xi32>
    %add3A_1697 = arith.addi %mul3A_1673, %add3A_1696 : vector<16xi32>
    %mul3A_1698 = arith.constant 5.000000e-01 : f32
    %mul3A_1699 = vector.broadcast %mul3A_1698 : f32 to vector<16xf32>
    %mul3A_1700 = arith.mulf %mul3A_1699, %gather3A_1670 : vector<16xf32>
    %add3A_1701 = arith.addf %gather3A_1662, %mul3A_1700 : vector<16xf32>
    %mul3A_1702 = arith.mulf %add3A_1701, %broadcast_in_dim3A_776 : vector<16xf32>
    tpu.vector_store_idx %arg18[%add3A_1697], %mul3A_1702 : memref<1280xf32, #tpu.memory_space<vmem>>[vector<16xi32>], vector<16xf32>,
    %get3A_1703 = arith.constant 256 : index
    %get3A_1704 = tpu.vector_load %arg14[%get3A_1703] {strides = array<i32>} : memref<336xf32, #tpu.memory_space<vmem>>, vector<16xf32>,
    %get3A_1705 = arith.constant 256 : index
    %get3A_1706 = tpu.vector_load %arg15[%get3A_1705] {strides = array<i32>} : memref<320xi32, #tpu.memory_space<vmem>>, vector<16xi32>,
    %and3A_1707 = arith.constant 127 : i32
    %and3A_1708 = vector.broadcast %and3A_1707 : i32 to vector<16xi32>
    %and3A_1709 = arith.andi %get3A_1706, %and3A_1708 : vector<16xi32>
    %shift_right_logical3A_1710 = arith.constant 7 : i32
    %shift_right_logical3A_1711 = vector.broadcast %shift_right_logical3A_1710 : i32 to vector<16xi32>
    %shift_right_logical3A_1712 = arith.shrui %get3A_1706, %shift_right_logical3A_1711 : vector<16xi32>
    %mul3A_1713 = arith.constant 4 : i32
    %mul3A_1714 = vector.broadcast %mul3A_1713 : i32 to vector<16xi32>
    %mul3A_1715 = arith.muli %shift_right_logical3A_1712, %mul3A_1714 : vector<16xi32>
    tpu.vector_store_idx %arg16[%parallel_loop3A_766#6], %get3A_1704 : memref<384xf32, #tpu.memory_space<vmem>>[vector<16xi32>], vector<16xf32>,
    tpu.vector_store_idx %arg17[%parallel_loop3A_766#6], %and3A_1709 : memref<384xi32, #tpu.memory_space<vmem>>[vector<16xi32>], vector<16xi32>,
    %gather3A_1716 = tpu.vector_load_idx %arg19[%mul3A_1715] : memref<3712xf32, #tpu.memory_space<vmem>>[vector<16xi32>], vector<16xf32>,
    %add3A_1717 = arith.constant 1 : i32
    %add3A_1718 = vector.broadcast %add3A_1717 : i32 to vector<16xi32>
    %add3A_1719 = arith.addi %mul3A_1715, %add3A_1718 : vector<16xi32>
    %gather3A_1720 = tpu.vector_load_idx %arg19[%add3A_1719] : memref<3712xf32, #tpu.memory_space<vmem>>[vector<16xi32>], vector<16xf32>,
    %add3A_1721 = arith.constant 2 : i32
    %add3A_1722 = vector.broadcast %add3A_1721 : i32 to vector<16xi32>
    %add3A_1723 = arith.addi %mul3A_1715, %add3A_1722 : vector<16xi32>
    %gather3A_1724 = tpu.vector_load_idx %arg19[%add3A_1723] : memref<3712xf32, #tpu.memory_space<vmem>>[vector<16xi32>], vector<16xf32>,
    %add3A_1725 = arith.constant 3 : i32
    %add3A_1726 = vector.broadcast %add3A_1725 : i32 to vector<16xi32>
    %add3A_1727 = arith.addi %mul3A_1715, %add3A_1726 : vector<16xi32>
    %gather3A_1728 = tpu.vector_load_idx %arg19[%add3A_1727] : memref<3712xf32, #tpu.memory_space<vmem>>[vector<16xi32>], vector<16xf32>,
    %mul3A_1729 = arith.constant 4 : i32
    %mul3A_1730 = vector.broadcast %mul3A_1729 : i32 to vector<16xi32>
    %mul3A_1731 = arith.muli %parallel_loop3A_766#6, %mul3A_1730 : vector<16xi32>
    %mul3A_1732 = arith.constant 5.000000e-01 : f32
    %mul3A_1733 = vector.broadcast %mul3A_1732 : f32 to vector<16xf32>
    %mul3A_1734 = arith.mulf %mul3A_1733, %gather3A_1724 : vector<16xf32>
    %sub3A_1735 = arith.subf %gather3A_1716, %mul3A_1734 : vector<16xf32>
    %mul3A_1736 = arith.mulf %sub3A_1735, %broadcast_in_dim3A_773 : vector<16xf32>
    tpu.vector_store_idx %arg18[%mul3A_1731], %mul3A_1736 : memref<1280xf32, #tpu.memory_space<vmem>>[vector<16xi32>], vector<16xf32>,
    %add3A_1737 = arith.constant 1 : i32
    %add3A_1738 = vector.broadcast %add3A_1737 : i32 to vector<16xi32>
    %add3A_1739 = arith.addi %mul3A_1731, %add3A_1738 : vector<16xi32>
    %mul3A_1740 = arith.constant 5.000000e-01 : f32
    %mul3A_1741 = vector.broadcast %mul3A_1740 : f32 to vector<16xf32>
    %mul3A_1742 = arith.mulf %mul3A_1741, %gather3A_1728 : vector<16xf32>
    %sub3A_1743 = arith.subf %gather3A_1720, %mul3A_1742 : vector<16xf32>
    %mul3A_1744 = arith.mulf %sub3A_1743, %broadcast_in_dim3A_776 : vector<16xf32>
    tpu.vector_store_idx %arg18[%add3A_1739], %mul3A_1744 : memref<1280xf32, #tpu.memory_space<vmem>>[vector<16xi32>], vector<16xf32>,
    %add3A_1745 = arith.constant 2 : i32
    %add3A_1746 = vector.broadcast %add3A_1745 : i32 to vector<16xi32>
    %add3A_1747 = arith.addi %mul3A_1731, %add3A_1746 : vector<16xi32>
    %mul3A_1748 = arith.constant 5.000000e-01 : f32
    %mul3A_1749 = vector.broadcast %mul3A_1748 : f32 to vector<16xf32>
    %mul3A_1750 = arith.mulf %mul3A_1749, %gather3A_1724 : vector<16xf32>
    %add3A_1751 = arith.addf %gather3A_1716, %mul3A_1750 : vector<16xf32>
    %mul3A_1752 = arith.mulf %add3A_1751, %broadcast_in_dim3A_773 : vector<16xf32>
    tpu.vector_store_idx %arg18[%add3A_1747], %mul3A_1752 : memref<1280xf32, #tpu.memory_space<vmem>>[vector<16xi32>], vector<16xf32>,
    %add3A_1753 = arith.constant 3 : i32
    %add3A_1754 = vector.broadcast %add3A_1753 : i32 to vector<16xi32>
    %add3A_1755 = arith.addi %mul3A_1731, %add3A_1754 : vector<16xi32>
    %mul3A_1756 = arith.constant 5.000000e-01 : f32
    %mul3A_1757 = vector.broadcast %mul3A_1756 : f32 to vector<16xf32>
    %mul3A_1758 = arith.mulf %mul3A_1757, %gather3A_1728 : vector<16xf32>
    %add3A_1759 = arith.addf %gather3A_1720, %mul3A_1758 : vector<16xf32>
    %mul3A_1760 = arith.mulf %add3A_1759, %broadcast_in_dim3A_776 : vector<16xf32>
    tpu.vector_store_idx %arg18[%add3A_1755], %mul3A_1760 : memref<1280xf32, #tpu.memory_space<vmem>>[vector<16xi32>], vector<16xf32>,
    %get3A_1761 = arith.constant 272 : index
    %get3A_1762 = tpu.vector_load %arg14[%get3A_1761] {strides = array<i32>} : memref<336xf32, #tpu.memory_space<vmem>>, vector<16xf32>,
    %get3A_1763 = arith.constant 272 : index
    %get3A_1764 = tpu.vector_load %arg15[%get3A_1763] {strides = array<i32>} : memref<320xi32, #tpu.memory_space<vmem>>, vector<16xi32>,
    %and3A_1765 = arith.constant 127 : i32
    %and3A_1766 = vector.broadcast %and3A_1765 : i32 to vector<16xi32>
    %and3A_1767 = arith.andi %get3A_1764, %and3A_1766 : vector<16xi32>
    %shift_right_logical3A_1768 = arith.constant 7 : i32
    %shift_right_logical3A_1769 = vector.broadcast %shift_right_logical3A_1768 : i32 to vector<16xi32>
    %shift_right_logical3A_1770 = arith.shrui %get3A_1764, %shift_right_logical3A_1769 : vector<16xi32>
    %mul3A_1771 = arith.constant 4 : i32
    %mul3A_1772 = vector.broadcast %mul3A_1771 : i32 to vector<16xi32>
    %mul3A_1773 = arith.muli %shift_right_logical3A_1770, %mul3A_1772 : vector<16xi32>
    tpu.vector_store_idx %arg16[%parallel_loop3A_766#7], %get3A_1762 : memref<384xf32, #tpu.memory_space<vmem>>[vector<16xi32>], vector<16xf32>,
    tpu.vector_store_idx %arg17[%parallel_loop3A_766#7], %and3A_1767 : memref<384xi32, #tpu.memory_space<vmem>>[vector<16xi32>], vector<16xi32>,
    %gather3A_1774 = tpu.vector_load_idx %arg19[%mul3A_1773] : memref<3712xf32, #tpu.memory_space<vmem>>[vector<16xi32>], vector<16xf32>,
    %add3A_1775 = arith.constant 1 : i32
    %add3A_1776 = vector.broadcast %add3A_1775 : i32 to vector<16xi32>
    %add3A_1777 = arith.addi %mul3A_1773, %add3A_1776 : vector<16xi32>
    %gather3A_1778 = tpu.vector_load_idx %arg19[%add3A_1777] : memref<3712xf32, #tpu.memory_space<vmem>>[vector<16xi32>], vector<16xf32>,
    %add3A_1779 = arith.constant 2 : i32
    %add3A_1780 = vector.broadcast %add3A_1779 : i32 to vector<16xi32>
    %add3A_1781 = arith.addi %mul3A_1773, %add3A_1780 : vector<16xi32>
    %gather3A_1782 = tpu.vector_load_idx %arg19[%add3A_1781] : memref<3712xf32, #tpu.memory_space<vmem>>[vector<16xi32>], vector<16xf32>,
    %add3A_1783 = arith.constant 3 : i32
    %add3A_1784 = vector.broadcast %add3A_1783 : i32 to vector<16xi32>
    %add3A_1785 = arith.addi %mul3A_1773, %add3A_1784 : vector<16xi32>
    %gather3A_1786 = tpu.vector_load_idx %arg19[%add3A_1785] : memref<3712xf32, #tpu.memory_space<vmem>>[vector<16xi32>], vector<16xf32>,
    %mul3A_1787 = arith.constant 4 : i32
    %mul3A_1788 = vector.broadcast %mul3A_1787 : i32 to vector<16xi32>
    %mul3A_1789 = arith.muli %parallel_loop3A_766#7, %mul3A_1788 : vector<16xi32>
    %mul3A_1790 = arith.constant 5.000000e-01 : f32
    %mul3A_1791 = vector.broadcast %mul3A_1790 : f32 to vector<16xf32>
    %mul3A_1792 = arith.mulf %mul3A_1791, %gather3A_1782 : vector<16xf32>
    %sub3A_1793 = arith.subf %gather3A_1774, %mul3A_1792 : vector<16xf32>
    %mul3A_1794 = arith.mulf %sub3A_1793, %broadcast_in_dim3A_773 : vector<16xf32>
    tpu.vector_store_idx %arg18[%mul3A_1789], %mul3A_1794 : memref<1280xf32, #tpu.memory_space<vmem>>[vector<16xi32>], vector<16xf32>,
    %add3A_1795 = arith.constant 1 : i32
    %add3A_1796 = vector.broadcast %add3A_1795 : i32 to vector<16xi32>
    %add3A_1797 = arith.addi %mul3A_1789, %add3A_1796 : vector<16xi32>
    %mul3A_1798 = arith.constant 5.000000e-01 : f32
    %mul3A_1799 = vector.broadcast %mul3A_1798 : f32 to vector<16xf32>
    %mul3A_1800 = arith.mulf %mul3A_1799, %gather3A_1786 : vector<16xf32>
    %sub3A_1801 = arith.subf %gather3A_1778, %mul3A_1800 : vector<16xf32>
    %mul3A_1802 = arith.mulf %sub3A_1801, %broadcast_in_dim3A_776 : vector<16xf32>
    tpu.vector_store_idx %arg18[%add3A_1797], %mul3A_1802 : memref<1280xf32, #tpu.memory_space<vmem>>[vector<16xi32>], vector<16xf32>,
    %add3A_1803 = arith.constant 2 : i32
    %add3A_1804 = vector.broadcast %add3A_1803 : i32 to vector<16xi32>
    %add3A_1805 = arith.addi %mul3A_1789, %add3A_1804 : vector<16xi32>
    %mul3A_1806 = arith.constant 5.000000e-01 : f32
    %mul3A_1807 = vector.broadcast %mul3A_1806 : f32 to vector<16xf32>
    %mul3A_1808 = arith.mulf %mul3A_1807, %gather3A_1782 : vector<16xf32>
    %add3A_1809 = arith.addf %gather3A_1774, %mul3A_1808 : vector<16xf32>
    %mul3A_1810 = arith.mulf %add3A_1809, %broadcast_in_dim3A_773 : vector<16xf32>
    tpu.vector_store_idx %arg18[%add3A_1805], %mul3A_1810 : memref<1280xf32, #tpu.memory_space<vmem>>[vector<16xi32>], vector<16xf32>,
    %add3A_1811 = arith.constant 3 : i32
    %add3A_1812 = vector.broadcast %add3A_1811 : i32 to vector<16xi32>
    %add3A_1813 = arith.addi %mul3A_1789, %add3A_1812 : vector<16xi32>
    %mul3A_1814 = arith.constant 5.000000e-01 : f32
    %mul3A_1815 = vector.broadcast %mul3A_1814 : f32 to vector<16xf32>
    %mul3A_1816 = arith.mulf %mul3A_1815, %gather3A_1786 : vector<16xf32>
    %add3A_1817 = arith.addf %gather3A_1778, %mul3A_1816 : vector<16xf32>
    %mul3A_1818 = arith.mulf %add3A_1817, %broadcast_in_dim3A_776 : vector<16xf32>
    tpu.vector_store_idx %arg18[%add3A_1813], %mul3A_1818 : memref<1280xf32, #tpu.memory_space<vmem>>[vector<16xi32>], vector<16xf32>,
    %get3A_1819 = arith.constant 288 : index
    %get3A_1820 = tpu.vector_load %arg14[%get3A_1819] {strides = array<i32>} : memref<336xf32, #tpu.memory_space<vmem>>, vector<16xf32>,
    %get3A_1821 = arith.constant 288 : index
    %get3A_1822 = tpu.vector_load %arg15[%get3A_1821] {strides = array<i32>} : memref<320xi32, #tpu.memory_space<vmem>>, vector<16xi32>,
    %and3A_1823 = arith.constant 127 : i32
    %and3A_1824 = vector.broadcast %and3A_1823 : i32 to vector<16xi32>
    %and3A_1825 = arith.andi %get3A_1822, %and3A_1824 : vector<16xi32>
    %shift_right_logical3A_1826 = arith.constant 7 : i32
    %shift_right_logical3A_1827 = vector.broadcast %shift_right_logical3A_1826 : i32 to vector<16xi32>
    %shift_right_logical3A_1828 = arith.shrui %get3A_1822, %shift_right_logical3A_1827 : vector<16xi32>
    %mul3A_1829 = arith.constant 4 : i32
    %mul3A_1830 = vector.broadcast %mul3A_1829 : i32 to vector<16xi32>
    %mul3A_1831 = arith.muli %shift_right_logical3A_1828, %mul3A_1830 : vector<16xi32>
    tpu.vector_store_idx %arg16[%parallel_loop3A_766#8], %get3A_1820 : memref<384xf32, #tpu.memory_space<vmem>>[vector<16xi32>], vector<16xf32>,
    tpu.vector_store_idx %arg17[%parallel_loop3A_766#8], %and3A_1825 : memref<384xi32, #tpu.memory_space<vmem>>[vector<16xi32>], vector<16xi32>,
    %gather3A_1832 = tpu.vector_load_idx %arg19[%mul3A_1831] : memref<3712xf32, #tpu.memory_space<vmem>>[vector<16xi32>], vector<16xf32>,
    %add3A_1833 = arith.constant 1 : i32
    %add3A_1834 = vector.broadcast %add3A_1833 : i32 to vector<16xi32>
    %add3A_1835 = arith.addi %mul3A_1831, %add3A_1834 : vector<16xi32>
    %gather3A_1836 = tpu.vector_load_idx %arg19[%add3A_1835] : memref<3712xf32, #tpu.memory_space<vmem>>[vector<16xi32>], vector<16xf32>,
    %add3A_1837 = arith.constant 2 : i32
    %add3A_1838 = vector.broadcast %add3A_1837 : i32 to vector<16xi32>
    %add3A_1839 = arith.addi %mul3A_1831, %add3A_1838 : vector<16xi32>
    %gather3A_1840 = tpu.vector_load_idx %arg19[%add3A_1839] : memref<3712xf32, #tpu.memory_space<vmem>>[vector<16xi32>], vector<16xf32>,
    %add3A_1841 = arith.constant 3 : i32
    %add3A_1842 = vector.broadcast %add3A_1841 : i32 to vector<16xi32>
    %add3A_1843 = arith.addi %mul3A_1831, %add3A_1842 : vector<16xi32>
    %gather3A_1844 = tpu.vector_load_idx %arg19[%add3A_1843] : memref<3712xf32, #tpu.memory_space<vmem>>[vector<16xi32>], vector<16xf32>,
    %mul3A_1845 = arith.constant 4 : i32
    %mul3A_1846 = vector.broadcast %mul3A_1845 : i32 to vector<16xi32>
    %mul3A_1847 = arith.muli %parallel_loop3A_766#8, %mul3A_1846 : vector<16xi32>
    %mul3A_1848 = arith.constant 5.000000e-01 : f32
    %mul3A_1849 = vector.broadcast %mul3A_1848 : f32 to vector<16xf32>
    %mul3A_1850 = arith.mulf %mul3A_1849, %gather3A_1840 : vector<16xf32>
    %sub3A_1851 = arith.subf %gather3A_1832, %mul3A_1850 : vector<16xf32>
    %mul3A_1852 = arith.mulf %sub3A_1851, %broadcast_in_dim3A_773 : vector<16xf32>
    tpu.vector_store_idx %arg18[%mul3A_1847], %mul3A_1852 : memref<1280xf32, #tpu.memory_space<vmem>>[vector<16xi32>], vector<16xf32>,
    %add3A_1853 = arith.constant 1 : i32
    %add3A_1854 = vector.broadcast %add3A_1853 : i32 to vector<16xi32>
    %add3A_1855 = arith.addi %mul3A_1847, %add3A_1854 : vector<16xi32>
    %mul3A_1856 = arith.constant 5.000000e-01 : f32
    %mul3A_1857 = vector.broadcast %mul3A_1856 : f32 to vector<16xf32>
    %mul3A_1858 = arith.mulf %mul3A_1857, %gather3A_1844 : vector<16xf32>
    %sub3A_1859 = arith.subf %gather3A_1836, %mul3A_1858 : vector<16xf32>
    %mul3A_1860 = arith.mulf %sub3A_1859, %broadcast_in_dim3A_776 : vector<16xf32>
    tpu.vector_store_idx %arg18[%add3A_1855], %mul3A_1860 : memref<1280xf32, #tpu.memory_space<vmem>>[vector<16xi32>], vector<16xf32>,
    %add3A_1861 = arith.constant 2 : i32
    %add3A_1862 = vector.broadcast %add3A_1861 : i32 to vector<16xi32>
    %add3A_1863 = arith.addi %mul3A_1847, %add3A_1862 : vector<16xi32>
    %mul3A_1864 = arith.constant 5.000000e-01 : f32
    %mul3A_1865 = vector.broadcast %mul3A_1864 : f32 to vector<16xf32>
    %mul3A_1866 = arith.mulf %mul3A_1865, %gather3A_1840 : vector<16xf32>
    %add3A_1867 = arith.addf %gather3A_1832, %mul3A_1866 : vector<16xf32>
    %mul3A_1868 = arith.mulf %add3A_1867, %broadcast_in_dim3A_773 : vector<16xf32>
    tpu.vector_store_idx %arg18[%add3A_1863], %mul3A_1868 : memref<1280xf32, #tpu.memory_space<vmem>>[vector<16xi32>], vector<16xf32>,
    %add3A_1869 = arith.constant 3 : i32
    %add3A_1870 = vector.broadcast %add3A_1869 : i32 to vector<16xi32>
    %add3A_1871 = arith.addi %mul3A_1847, %add3A_1870 : vector<16xi32>
    %mul3A_1872 = arith.constant 5.000000e-01 : f32
    %mul3A_1873 = vector.broadcast %mul3A_1872 : f32 to vector<16xf32>
    %mul3A_1874 = arith.mulf %mul3A_1873, %gather3A_1844 : vector<16xf32>
    %add3A_1875 = arith.addf %gather3A_1836, %mul3A_1874 : vector<16xf32>
    %mul3A_1876 = arith.mulf %add3A_1875, %broadcast_in_dim3A_776 : vector<16xf32>
    tpu.vector_store_idx %arg18[%add3A_1871], %mul3A_1876 : memref<1280xf32, #tpu.memory_space<vmem>>[vector<16xi32>], vector<16xf32>,
    %get3A_1877 = arith.constant 304 : index
    %get3A_1878 = tpu.vector_load %arg14[%get3A_1877] {strides = array<i32>} : memref<336xf32, #tpu.memory_space<vmem>>, vector<16xf32>,
    %get3A_1879 = arith.constant 304 : index
    %get3A_1880 = tpu.vector_load %arg15[%get3A_1879] {strides = array<i32>} : memref<320xi32, #tpu.memory_space<vmem>>, vector<16xi32>,
    %and3A_1881 = arith.constant 127 : i32
    %and3A_1882 = vector.broadcast %and3A_1881 : i32 to vector<16xi32>
    %and3A_1883 = arith.andi %get3A_1880, %and3A_1882 : vector<16xi32>
    %shift_right_logical3A_1884 = arith.constant 7 : i32
    %shift_right_logical3A_1885 = vector.broadcast %shift_right_logical3A_1884 : i32 to vector<16xi32>
    %shift_right_logical3A_1886 = arith.shrui %get3A_1880, %shift_right_logical3A_1885 : vector<16xi32>
    %mul3A_1887 = arith.constant 4 : i32
    %mul3A_1888 = vector.broadcast %mul3A_1887 : i32 to vector<16xi32>
    %mul3A_1889 = arith.muli %shift_right_logical3A_1886, %mul3A_1888 : vector<16xi32>
    tpu.vector_store_idx %arg16[%parallel_loop3A_766#9], %get3A_1878 : memref<384xf32, #tpu.memory_space<vmem>>[vector<16xi32>], vector<16xf32>,
    tpu.vector_store_idx %arg17[%parallel_loop3A_766#9], %and3A_1883 : memref<384xi32, #tpu.memory_space<vmem>>[vector<16xi32>], vector<16xi32>,
    %gather3A_1890 = tpu.vector_load_idx %arg19[%mul3A_1889] : memref<3712xf32, #tpu.memory_space<vmem>>[vector<16xi32>], vector<16xf32>,
    %add3A_1891 = arith.constant 1 : i32
    %add3A_1892 = vector.broadcast %add3A_1891 : i32 to vector<16xi32>
    %add3A_1893 = arith.addi %mul3A_1889, %add3A_1892 : vector<16xi32>
    %gather3A_1894 = tpu.vector_load_idx %arg19[%add3A_1893] : memref<3712xf32, #tpu.memory_space<vmem>>[vector<16xi32>], vector<16xf32>,
    %add3A_1895 = arith.constant 2 : i32
    %add3A_1896 = vector.broadcast %add3A_1895 : i32 to vector<16xi32>
    %add3A_1897 = arith.addi %mul3A_1889, %add3A_1896 : vector<16xi32>
    %gather3A_1898 = tpu.vector_load_idx %arg19[%add3A_1897] : memref<3712xf32, #tpu.memory_space<vmem>>[vector<16xi32>], vector<16xf32>,
    %add3A_1899 = arith.constant 3 : i32
    %add3A_1900 = vector.broadcast %add3A_1899 : i32 to vector<16xi32>
    %add3A_1901 = arith.addi %mul3A_1889, %add3A_1900 : vector<16xi32>
    %gather3A_1902 = tpu.vector_load_idx %arg19[%add3A_1901] : memref<3712xf32, #tpu.memory_space<vmem>>[vector<16xi32>], vector<16xf32>,
    %mul3A_1903 = arith.constant 4 : i32
    %mul3A_1904 = vector.broadcast %mul3A_1903 : i32 to vector<16xi32>
    %mul3A_1905 = arith.muli %parallel_loop3A_766#9, %mul3A_1904 : vector<16xi32>
    %mul3A_1906 = arith.constant 5.000000e-01 : f32
    %mul3A_1907 = vector.broadcast %mul3A_1906 : f32 to vector<16xf32>
    %mul3A_1908 = arith.mulf %mul3A_1907, %gather3A_1898 : vector<16xf32>
    %sub3A_1909 = arith.subf %gather3A_1890, %mul3A_1908 : vector<16xf32>
    %mul3A_1910 = arith.mulf %sub3A_1909, %broadcast_in_dim3A_773 : vector<16xf32>
    tpu.vector_store_idx %arg18[%mul3A_1905], %mul3A_1910 : memref<1280xf32, #tpu.memory_space<vmem>>[vector<16xi32>], vector<16xf32>,
    %add3A_1911 = arith.constant 1 : i32
    %add3A_1912 = vector.broadcast %add3A_1911 : i32 to vector<16xi32>
    %add3A_1913 = arith.addi %mul3A_1905, %add3A_1912 : vector<16xi32>
    %mul3A_1914 = arith.constant 5.000000e-01 : f32
    %mul3A_1915 = vector.broadcast %mul3A_1914 : f32 to vector<16xf32>
    %mul3A_1916 = arith.mulf %mul3A_1915, %gather3A_1902 : vector<16xf32>
    %sub3A_1917 = arith.subf %gather3A_1894, %mul3A_1916 : vector<16xf32>
    %mul3A_1918 = arith.mulf %sub3A_1917, %broadcast_in_dim3A_776 : vector<16xf32>
    tpu.vector_store_idx %arg18[%add3A_1913], %mul3A_1918 : memref<1280xf32, #tpu.memory_space<vmem>>[vector<16xi32>], vector<16xf32>,
    %add3A_1919 = arith.constant 2 : i32
    %add3A_1920 = vector.broadcast %add3A_1919 : i32 to vector<16xi32>
    %add3A_1921 = arith.addi %mul3A_1905, %add3A_1920 : vector<16xi32>
    %mul3A_1922 = arith.constant 5.000000e-01 : f32
    %mul3A_1923 = vector.broadcast %mul3A_1922 : f32 to vector<16xf32>
    %mul3A_1924 = arith.mulf %mul3A_1923, %gather3A_1898 : vector<16xf32>
    %add3A_1925 = arith.addf %gather3A_1890, %mul3A_1924 : vector<16xf32>
    %mul3A_1926 = arith.mulf %add3A_1925, %broadcast_in_dim3A_773 : vector<16xf32>
    tpu.vector_store_idx %arg18[%add3A_1921], %mul3A_1926 : memref<1280xf32, #tpu.memory_space<vmem>>[vector<16xi32>], vector<16xf32>,
    %add3A_1927 = arith.constant 3 : i32
    %add3A_1928 = vector.broadcast %add3A_1927 : i32 to vector<16xi32>
    %add3A_1929 = arith.addi %mul3A_1905, %add3A_1928 : vector<16xi32>
    %mul3A_1930 = arith.constant 5.000000e-01 : f32
    %mul3A_1931 = vector.broadcast %mul3A_1930 : f32 to vector<16xf32>
    %mul3A_1932 = arith.mulf %mul3A_1931, %gather3A_1902 : vector<16xf32>
    %add3A_1933 = arith.addf %gather3A_1894, %mul3A_1932 : vector<16xf32>
    %mul3A_1934 = arith.mulf %add3A_1933, %broadcast_in_dim3A_776 : vector<16xf32>
    tpu.vector_store_idx %arg18[%add3A_1929], %mul3A_1934 : memref<1280xf32, #tpu.memory_space<vmem>>[vector<16xi32>], vector<16xf32>,
    %mul3A_1935 = arith.constant 384 : i32
    %mul3A_1936 = arith.muli %add3A, %mul3A_1935 : i32
    "tpu.region"() ({
      %run_scoped3A = tpu.sem_alloc : memref<!tpu.dma_semaphore, #tpu.memory_space<semaphore_mem>>
      %dma_start3A_1943 = tpu.memref_slice %arg5[%mul3A_1936] : memref<12288xf32, #tpu.memory_space<hbm>> -> memref<384xf32, #tpu.memory_space<hbm>>
      %dma_start3A_1944 = tpu.memref_slice %arg5[%mul3A_1936] : memref<12288xf32, #tpu.memory_space<hbm>> -> memref<384xf32, #tpu.memory_space<hbm>>
      tpu.enqueue_dma source(%arg16 : memref<384xf32, #tpu.memory_space<vmem>>) target(%dma_start3A_1944 : memref<384xf32, #tpu.memory_space<hbm>>) target_semaphore(%run_scoped3A : memref<!tpu.dma_semaphore, #tpu.memory_space<semaphore_mem>>)
      %dma_wait3A_1945 = tpu.memref_slice %arg5[%mul3A_1936] : memref<12288xf32, #tpu.memory_space<hbm>> -> memref<384xf32, #tpu.memory_space<hbm>>
      %dma_wait3A_1946 = tpu.memref_slice %arg5[%mul3A_1936] : memref<12288xf32, #tpu.memory_space<hbm>> -> memref<384xf32, #tpu.memory_space<hbm>>
      tpu.wait_dma2 semaphore(%run_scoped3A : memref<!tpu.dma_semaphore, #tpu.memory_space<semaphore_mem>>) src(%arg16 : memref<384xf32, #tpu.memory_space<vmem>>) dst(%dma_wait3A_1946 : memref<384xf32, #tpu.memory_space<hbm>>)
      tpu.yield
    }) : () -> ()
    %mul3A_1937 = arith.constant 384 : i32
    %mul3A_1938 = arith.muli %add3A, %mul3A_1937 : i32
    "tpu.region"() ({
      %run_scoped3A = tpu.sem_alloc : memref<!tpu.dma_semaphore, #tpu.memory_space<semaphore_mem>>
      %dma_start3A_1943 = tpu.memref_slice %arg6[%mul3A_1938] : memref<12288xi32, #tpu.memory_space<hbm>> -> memref<384xi32, #tpu.memory_space<hbm>>
      %dma_start3A_1944 = tpu.memref_slice %arg6[%mul3A_1938] : memref<12288xi32, #tpu.memory_space<hbm>> -> memref<384xi32, #tpu.memory_space<hbm>>
      tpu.enqueue_dma source(%arg17 : memref<384xi32, #tpu.memory_space<vmem>>) target(%dma_start3A_1944 : memref<384xi32, #tpu.memory_space<hbm>>) target_semaphore(%run_scoped3A : memref<!tpu.dma_semaphore, #tpu.memory_space<semaphore_mem>>)
      %dma_wait3A_1945 = tpu.memref_slice %arg6[%mul3A_1938] : memref<12288xi32, #tpu.memory_space<hbm>> -> memref<384xi32, #tpu.memory_space<hbm>>
      %dma_wait3A_1946 = tpu.memref_slice %arg6[%mul3A_1938] : memref<12288xi32, #tpu.memory_space<hbm>> -> memref<384xi32, #tpu.memory_space<hbm>>
      tpu.wait_dma2 semaphore(%run_scoped3A : memref<!tpu.dma_semaphore, #tpu.memory_space<semaphore_mem>>) src(%arg17 : memref<384xi32, #tpu.memory_space<vmem>>) dst(%dma_wait3A_1946 : memref<384xi32, #tpu.memory_space<hbm>>)
      tpu.yield
    }) : () -> ()
    %mul3A_1939 = arith.constant 320 : i32
    %mul3A_1940 = arith.muli %add3A, %mul3A_1939 : i32
    %mul3A_1941 = arith.constant 4 : i32
    %mul3A_1942 = arith.muli %mul3A_1940, %mul3A_1941 : i32
    "tpu.region"() ({
      %run_scoped3A = tpu.sem_alloc : memref<!tpu.dma_semaphore, #tpu.memory_space<semaphore_mem>>
      %dma_start3A_1943 = tpu.memref_slice %arg7[%mul3A_1942] : memref<40960xf32, #tpu.memory_space<hbm>> -> memref<1280xf32, #tpu.memory_space<hbm>>
      %dma_start3A_1944 = tpu.memref_slice %arg7[%mul3A_1942] : memref<40960xf32, #tpu.memory_space<hbm>> -> memref<1280xf32, #tpu.memory_space<hbm>>
      tpu.enqueue_dma source(%arg18 : memref<1280xf32, #tpu.memory_space<vmem>>) target(%dma_start3A_1944 : memref<1280xf32, #tpu.memory_space<hbm>>) target_semaphore(%run_scoped3A : memref<!tpu.dma_semaphore, #tpu.memory_space<semaphore_mem>>)
      %dma_wait3A_1945 = tpu.memref_slice %arg7[%mul3A_1942] : memref<40960xf32, #tpu.memory_space<hbm>> -> memref<1280xf32, #tpu.memory_space<hbm>>
      %dma_wait3A_1946 = tpu.memref_slice %arg7[%mul3A_1942] : memref<40960xf32, #tpu.memory_space<hbm>> -> memref<1280xf32, #tpu.memory_space<hbm>>
      tpu.wait_dma2 semaphore(%run_scoped3A : memref<!tpu.dma_semaphore, #tpu.memory_space<semaphore_mem>>) src(%arg18 : memref<1280xf32, #tpu.memory_space<vmem>>) dst(%dma_wait3A_1946 : memref<1280xf32, #tpu.memory_space<hbm>>)
      tpu.yield
    }) : () -> ()
    return
  }
}

module attributes {stable_mosaic.version = 14 : i64} {
  func.func @_prob_kernel(%arg0: i32, %arg1: memref<1x900x256xf32, #tpu.memory_space<vmem>>, %arg2: memref<256x128xf32, #tpu.memory_space<vmem>>, %arg3: memref<904x128xf32, #tpu.memory_space<vmem>>) attributes {dimension_semantics = [#tpu.dimension_semantics<arbitrary>], iteration_bounds = array<i64: 32>, scalar_prefetch = 0 : i64, scratch_operands = 0 : i64, tpu.core_type = #tpu.core_type<tc>, window_params = [{transform_indices = @transform_0, window_bounds = array<i64: 1, 900, 256>}, {pipeline_mode = #tpu.pipeline_mode<synchronous>, transform_indices = @transform_1, window_bounds = array<i64: 256, 128>}, {transform_indices = @transform_2, window_bounds = array<i64: 904, 128>}]} {
    %get3A = arith.constant 0 : index
    %get3A_0 = arith.constant 0 : index
    %get3A_1 = arith.constant 0 : index
    %get3A_2 = vector.load %arg1[%get3A, %get3A_0, %get3A_1] : memref<1x900x256xf32, #tpu.memory_space<vmem>>, vector<1x900x256xf32>
    %get3A_3 = vector.shape_cast %get3A_2 : vector<1x900x256xf32> to vector<900x256xf32>
    %logistic3A = arith.negf %get3A_3 : vector<900x256xf32>
    %logistic3A_4 = math.exp %logistic3A : vector<900x256xf32>
    %logistic3A_5 = arith.constant 1.000000e+00 : f32
    %logistic3A_6 = vector.broadcast %logistic3A_5 : f32 to vector<900x256xf32>
    %logistic3A_7 = arith.addf %logistic3A_6, %logistic3A_4 : vector<900x256xf32>
    %logistic3A_8 = arith.divf %logistic3A_6, %logistic3A_7 : vector<900x256xf32>
    %get3A_9 = arith.constant 0 : index
    %get3A_10 = arith.constant 0 : index
    %get3A_11 = vector.load %arg2[%get3A_9, %get3A_10] : memref<256x128xf32, #tpu.memory_space<vmem>>, vector<256x128xf32>
    %dot_general3A = arith.constant dense<0.000000e+00> : vector<900x128xf32>
    %dot_general3A_12 = tpu.matmul %logistic3A_8, %get3A_11, %dot_general3A {dimension_numbers = #tpu.dot_dimension_numbers<[1], [0], [0], [1], [0, 0, 1, 1], [], []>, transpose_lhs_hint = false} : vector<900x256xf32>, vector<256x128xf32>, vector<900x128xf32> -> vector<900x128xf32>
    %swap3A = arith.constant 0 : index
    %swap3A_13 = arith.constant 0 : index
    %swap3A_14 = vector.load %arg3[%swap3A, %swap3A_13] : memref<904x128xf32, #tpu.memory_space<vmem>>, vector<900x128xf32>
    tpu.vector_store %arg3[%swap3A, %swap3A_13], %dot_general3A_12 {strides = array<i32>} : memref<904x128xf32, #tpu.memory_space<vmem>>, vector<900x128xf32>,
    %broadcast_in_dim3A = arith.constant 0.000000e+00 : f32
    %broadcast_in_dim3A_15 = vector.broadcast %broadcast_in_dim3A : f32 to vector<4x128xf32>
    %swap3A_16 = arith.constant 900 : index
    %swap3A_17 = arith.constant 0 : index
    %swap3A_18 = vector.load %arg3[%swap3A_16, %swap3A_17] : memref<904x128xf32, #tpu.memory_space<vmem>>, vector<4x128xf32>
    tpu.vector_store %arg3[%swap3A_16, %swap3A_17], %broadcast_in_dim3A_15 {strides = array<i32>} : memref<904x128xf32, #tpu.memory_space<vmem>>, vector<4x128xf32>,
    return
  }
  func.func @transform_0(%arg0: i32) -> (i32, i32, i32) {
    %c0_i32 = arith.constant 0 : i32
    %c0_i32_0 = arith.constant 0 : i32
    %c0_i32_1 = arith.constant 0 : i32
    return %arg0, %c0_i32, %c0_i32_0 : i32, i32, i32
  }
  func.func @transform_1(%arg0: i32) -> (i32, i32) {
    %c0_i32 = arith.constant 0 : i32
    %c0_i32_0 = arith.constant 0 : i32
    %c0_i32_1 = arith.constant 0 : i32
    return %c0_i32, %c0_i32_0 : i32, i32
  }
  func.func @transform_2(%arg0: i32) -> (i32, i32) {
    %c0_i32 = arith.constant 0 : i32
    %c0_i32_0 = arith.constant 0 : i32
    return %arg0, %c0_i32 : i32, i32
  }
}

</mosaic_0001>

<sc_bundles>
// kernel: kernel.4.cloned.1.call-start
scs
__scs_entry_jumppad:
0x0: {  	(pc) =	sbr.rel $0x88, $3  }
0x1: {  	(tag) =	ssettag $0x0;
	lr =	simm.s32 $0x1  }
0x2: {  	[smem:$0x3F9D] =	sst lr;
	_ =	strace $0xD0000000  }
0x3: {  	_ = 	snop  }
0x4: {  	_ = 	snop  }
0x5: {  	_ = 	snop  }
0x6: {  	_ = 	snop  }
0x7: {  	_ = 	snop  }
__scs_overlays_trampoline_lowered:
0x8: {  	[smem:$0x3FAC] =	sst s0  }
0x9: {  	[smem:$0x3FAD] =	sst s1  }
0xa: {  	[smem:$0x3FAE] =	sst s2  }
0xb: {  	[smem:$0x3FAF] =	sst s3  }
0xc: {  	[smem:$0x3FB0] =	sst s4  }
0xd: {  	[smem:$0x3FB1] =	sst s5  }
0xe: {  	[smem:$0x3FB2] =	sst s6  }
0xf: {  	[smem:$0x3FB3] =	sst s7  }
0x10: {  	[smem:$0x3FB4] =	sst s8  }
0x11: {  	[smem:$0x3FB5] =	sst s9;
	s0 =	simm.s32 @!p0 $0x0  }
0x12: {  	s1 =	sld [smem:$0x3F9B];
	s0 =	simm.s32 @p0 $0x1  }
0x13: {  	[smem:$0x3FB6] =	sst s0;
	s0 =	simm.s32 @!p1 $0x0  }
0x14: {  	s2 =	sld [smem:$0x3F9A];
	s0 =	simm.s32 @p1 $0x1  }
0x15: {  	[smem:$0x3FB7] =	sst s0;
	s0 =	simm.s32 @!p2 $0x0  }
0x16: {  	s3 =	sld [smem:$0x3FDB];
	s0 =	simm.s32 @p2 $0x1  }
0x17: {  	s4 =	simm.s32 $0x1BF5;
	[smem:$0x3FB9] =	sst s0  }
0x18: {  	s0 =	sld [smem:$0x3F9C];
	_ =	swait.ge [sflag:s4], $0x0  }
0x19: {  	s7 =	sld [smem:$0x3F9D]  }
0x1a: {  	s8 =	sadd.s32 $0xFFFFE003, lr  }
0x1b: {  	s9 =	sadd.s32 $0xFFFFFEF7, lr;
	s5 =	simm.s32 $0xFFFFFFFF;
	p2 =	slt.u32 s8, $0xFFFFF086  }
0x1c: {  	p1 =	slt.u32 s9, $0xF7A;
	s5 =	simm.s32 @!p2 $0x0  }
0x1d: {  	s5 =	simm.s32 @p1 $0x1;
	p0 =	seq.s32 s7, s2  }
0x1e: {  	s7 =	smul.u32 @!p0 $0xF7A, s2;
	p2 =	seq.s32 @!p0 s5, $0x0  }
0x1f: {  	s9 =	smul.u32 $0xF7A, s1;
	s8 =	simm.s32 @!p0 $0x1BF5;
	p2 =	por !p2, p0  }
0x20: {  	[sflag:s8] =	ssyncset.s32 @!p0 $0xFFFFF086;
	s6 =	sadd.s32 @!p0 s3, s7;
	s7 =	simm.s32 @!p0 $0x108  }
0x21: {  	s3 =	sadd.s32 s3, s9;
	s6 =	sadd.s32 @!p0 $0x88, s6;
	s7 =	simm.s32 @p2 $0x1082  }
0x22: {  	[simem:s7], [sflag:s8] =	dma.local @!p0 [hbm:s6], $0xF7A  }
0x23: {  	s9 =	sor.u32 $0xD0000000, s2;
	s6 =	simm.s32 $0x108;
	_ =	swait.ge @!p0 [sflag:s8], $0x0  }
0x24: {  	s3 =	sadd.s32 $0x88, s3;
	s6 =	simm.s32 @!p1 $0x1082;
	[sflag:s4] =	ssyncset.s32 $0xFFFFF086  }
0x25: {  	[simem:s6], [sflag:s4] =	dma.local [hbm:s3], $0xF7A  }
0x26: {  	[smem:$0x3F9D] =	sst s1;
	(tag) =	ssettag s2;
	_ =	strace s9  }
0x27: {  	s1 =	sld [smem:$0x3FAD]  }
0x28: {  	s2 =	sld [smem:$0x3FAE]  }
0x29: {  	s4 =	sld [smem:$0x3FB0]  }
0x2a: {  	p0 =	seq.s32 s5, $0x0;
	s5 =	sld [smem:$0x3FB1]  }
0x2b: {  	s6 =	sld [smem:$0x3FB2]  }
0x2c: {  	s7 =	sld [smem:$0x3FB3]  }
0x2d: {  	s3 =	simm.s32 $0x108;
	s8 =	sld [smem:$0x3FB4]  }
0x2e: {  	s3 =	simm.s32 @!p0 $0x1082;
	s9 =	sld [smem:$0x3FB5]  }
0x2f: {  	lr =	sadd.s32 s0, s3;
	s0 =	sld [smem:$0x3FAC]  }
0x30: {  	s3 =	sld [smem:$0x3FAF]  }
0x31: {  	[smem:$0x3FB8] =	sst s10  }
0x32: {  	s10 =	sld [smem:$0x3FB6];
	_ =	sdelay $0x3  }
0x33: {  	p0 =	seq.s32 s10, $0x1;
	s10 =	sld [smem:$0x3FB8];
	_ =	sdelay $0x3  }
0x34: {  	[smem:$0x3FB8] =	sst s10  }
0x35: {  	s10 =	sld [smem:$0x3FB7];
	_ =	sdelay $0x3  }
0x36: {  	p1 =	seq.s32 s10, $0x1;
	s10 =	sld [smem:$0x3FB8];
	_ =	sdelay $0x3  }
0x37: {  	[smem:$0x3FB8] =	sst s10  }
0x38: {  	s10 =	sld [smem:$0x3FB9]  }
0x39: {  	_ = 	snop;
	(pc) =	sbr.ind lr, $3  }
0x3a: {  	_ = 	snop  }
0x3b: {  	_ = 	snop  }
0x3c: {  	p2 =	seq.s32 s10, $0x1;
	s10 =	sld [smem:$0x3FB8]  }
0x3d: {  	_ =	shalt  }
0x3e: {  	_ =	shalt  }
0x3f: {  	_ =	shalt  }
0x40: {  	_ =	shalt  }
0x41: {  	_ =	shalt  }
0x42: {  	_ =	shalt  }
0x43: {  	_ =	shalt  }
0x44: {  	_ =	shalt  }
0x45: {  	_ =	shalt  }
0x46: {  	_ =	shalt  }
0x47: {  	_ =	shalt  }
0x48: {  	_ =	shalt  }
0x49: {  	_ =	shalt  }
0x4a: {  	_ =	shalt  }
0x4b: {  	_ =	shalt  }
0x4c: {  	_ =	shalt  }
0x4d: {  	_ =	shalt  }
0x4e: {  	_ =	shalt  }
0x4f: {  	_ =	shalt  }
0x50: {  	_ =	shalt  }
0x51: {  	_ =	shalt  }
0x52: {  	_ =	shalt  }
0x53: {  	_ =	shalt  }
0x54: {  	_ =	shalt  }
0x55: {  	_ =	shalt  }
0x56: {  	_ =	shalt  }
0x57: {  	_ =	shalt  }
0x58: {  	_ =	shalt  }
0x59: {  	_ =	shalt  }
0x5a: {  	_ =	shalt  }
0x5b: {  	_ =	shalt  }
0x5c: {  	_ =	shalt  }
0x5d: {  	_ =	shalt  }
0x5e: {  	_ =	shalt  }
0x5f: {  	_ =	shalt  }
0x60: {  	_ =	shalt  }
0x61: {  	_ =	shalt  }
0x62: {  	_ =	shalt  }
0x63: {  	_ =	shalt  }
0x64: {  	_ =	shalt  }
0x65: {  	_ =	shalt  }
0x66: {  	_ =	shalt  }
0x67: {  	_ =	shalt  }
0x68: {  	_ =	shalt  }
0x69: {  	_ =	shalt  }
0x6a: {  	_ =	shalt  }
0x6b: {  	_ =	shalt  }
0x6c: {  	_ =	shalt  }
0x6d: {  	_ =	shalt  }
0x6e: {  	_ =	shalt  }
0x6f: {  	_ =	shalt  }
0x70: {  	_ =	shalt  }
0x71: {  	_ =	shalt  }
0x72: {  	_ =	shalt  }
0x73: {  	_ =	shalt  }
0x74: {  	_ =	shalt  }
0x75: {  	_ =	shalt  }
0x76: {  	_ =	shalt  }
0x77: {  	_ =	shalt  }
0x78: {  	_ =	shalt  }
0x79: {  	_ =	shalt  }
0x7a: {  	_ =	shalt  }
0x7b: {  	_ =	shalt  }
0x7c: {  	_ =	shalt  }
0x7d: {  	_ =	shalt  }
0x7e: {  	_ =	shalt  }
0x7f: {  	_ =	shalt  }
0x80: {  	_ =	shalt  }
0x81: {  	_ =	shalt  }
0x82: {  	_ =	shalt  }
0x83: {  	_ =	shalt  }
0x84: {  	_ =	shalt  }
0x85: {  	_ =	shalt  }
0x86: {  	_ =	shalt  }
0x87: {  	_ =	shalt  }
.Lfunc_end0:
.L_simem_size_0:
called_computation_lowered:
.L_overlay_start_0:
0x88: {  	s2 =	sld [smem:$0x3FD9]  }
0x89: {  	s3 =	sld [smem:$0x3FFE];
	_ =	sdelay $0x1  }
0x8a: {  	s1 =	srdreg.scid  }
0x8b: {  	s0 =	sand.u32 $0x1, s1  }
0x8c: {  	s14 =	sshll.u32 s0, $0xA;
	s2 =	sadd.s32 s3, s2  }
0x8d: {  	s2 =	sadd.s32 s2, s14  }
0x8e: {  	[smem:$0x3FC4] =	sst s2  }
0x8f: {  	_ = 	snop  }
0x90: {  	s2 =	sld [smem:$0x3FD0];
	_ =	sdelay $0x2  }
0x91: {  	s15 =	simm.s32 $0xA;
	s4 =	simm.s32 $0x10  }
0x92: {  	[smem:s4], [sflag:s15] =	dma.local [hbm:s2], $0x1  }
0x93: {  	_ =	swait.eq [sflag:s15], $0x1  }
0x94: {  	s16 =	sld [smem:$0x10];
	[sflag:s15] =	ssyncset.done $0x0  }
0x95: {  	s17 =	sld [smem:$0x11];
	[sflag:s15] =	ssyncadd.s32 $0xFFFFFFFF  }
0x96: {  	s18 =	sld [smem:$0x12];
	(tm) =	ssettm $0x1  }
0x97: {  	s5 =	sld [smem:$0x3FFB];
	_ =	sdelay $0x3  }
0x98: {  	_ =	strace s5  }
0x99: {  	s5 =	sld [smem:$0x3FFC];
	_ =	sdelay $0x3  }
0x9a: {  	_ =	strace s5  }
0x9b: {  	s5 =	sld [smem:$0x3FFD];
	_ =	sdelay $0x3  }
0x9c: {  	_ =	strace s5  }
0x9d: {  	_ =	strace $0x8FFFFFFF  }
0x9e: {  	s19 =	sld [smem:$0x3FDB];
	_ =	sdelay $0x1  }
0x9f: {  	s6 =	simm.s32 $_scs_section_size  }
0xa0: {  	s7 =	simm.s32 $_size__tile_overlayer_lowered;
	s8 =	simm.s32 $_tile_overlayer_lowered  }
0xa1: {  	s22 =	simm.s32 $0x1BFF;
	s21 =	sshll.u32 s8, $0x1;
	s5 =	sadd.s32 s6, s19  }
0xa2: {  	s9 =	simm.s32 $0x0;
	s20 =	sshll.u32 s7, $0x1;
	s7 =	sadd.s32 s21, s5  }
0xa3: {  	[timem:s9], [sflag:s22] =	dma.local [hbm:s7], s20  }
0xa4: {  	_ =	swait.ge [sflag:s22], s20  }
0xa5: {  	s6 =	ssub.s32 $0x0, s20;
	[sflag:s22] =	ssyncset.done $0x0  }
0xa6: {  	[sflag:s22] =	ssyncadd.s32 s6;
	_ =	sdelay $0x1  }
0xa7: {  	s23 =	simm.s32 $0x1B8B  }
0xa8: {  	_ =	swait.ge [sflag:s23], $0x1  }
0xa9: {  	[sflag:s23] =	ssyncset.done $0x0  }
0xaa: {  	s25 =	simm.s32 $0x1B8E;
	s24 =	sld [smem:$0x3FFE];
	[sflag:s23] =	ssyncadd.s32 $0xFFFFFFFF  }
0xab: {  	s26 =	simm.s32 $execute0_lowered;
	[smem:$0x3FD2] =	sst s25  }
0xac: {  	s7 =	sshll.u32 s26, $0x1;
	_ =	strace $0x80000046;
	[dreg:$0x1] =	wrdreg $0xFFFFFFFF  }
0xad: {  	s28 =	simm.s32 $_size_execute0_lowered;
	s5 =	sadd.s32 s5, s7;
	[dreg:$0x0] =	wrdreg $0x0  }
0xae: {  	s7 =	sshll.u32 s28, $0x1;
	[dreg:$0x2] =	wrdreg s5  }
0xaf: {  	[dreg:$0x3] =	wrdreg s7  }
0xb0: {  	[dreg:$0x4] =	wrdreg $0xC0  }
0xb1: {  	_ =	task [dreg:s9], $0x5FFFF  }
0xb2: {  	[dreg:$0x1] =	wrdreg $0xFFFFFFFF  }
0xb3: {  	[dreg:$0x0] =	wrdreg $0x60  }
0xb4: {  	[dreg:$0x2] =	wrdreg s24  }
0xb5: {  	[dreg:$0x3] =	wrdreg s16  }
0xb6: {  	[dreg:$0x4] =	wrdreg s17  }
0xb7: {  	[dreg:$0x5] =	wrdreg s18  }
0xb8: {  	[dreg:$0x6] =	wrdreg $0x9  }
0xb9: {  	_ =	task.clear_ibuf [dreg:s9], $0x7FFFF;
	_ =	strace $0x90000046  }
0xba: {  	s29 =	simm.s32 $0x9;
	_ =	strace $0x80000048  }
0xbb: {  	_ =	swait.ge [sflag:s29], $0x1  }
0xbc: {  	[sflag:s29] =	ssyncadd.s32 $0xFFFFFFFF  }
0xbd: {  	_ =	strace $0x90000048  }
0xbe: {  	_ =	sfence  }
0xbf: {  	s30 =	sld [smem:$0x0];
	_ =	sdelay $0x2  }
0xc0: {  	s31 =	sshll.u32 s1, $0xD;
	s1 =	sshrl.u32 s1, $0x2  }
0xc1: {  	s3 =	sand.u32 $0x4000, s31;
	s1 =	sadd.s32 s1, s30  }
0xc2: {  	s0 =	sor.u32 s3, s0;
	s1 =	sshll.u32 s1, $0x11  }
0xc3: {  	s0 =	sor.u32 s1, s0  }
0xc4: {  	s0 =	sadd.s32 $0x8F2B, s0  }
0xc5: {  	[sflag:s0] =	ssyncadd.remote.s32 $0x1  }
0xc6: {  	_ =	sfence.sel $0xFFFF  }
0xc7: {  	[dreg:$0x0] =	wrdreg $0xFFFFFFFF;
	(pc) =	sbr.abs _section_cstart, $3  }
0xc8: {  	[dreg:$0x1] =	wrdreg $0xFFFFFFFF  }
0xc9: {  	_ =	task.clear_ibuf [dreg:s9], $0x2FFFF;
	_ =	strace $0x9FFFFFFF  }
0xca: {  	(tm) =	ssettm $0x7FFFFFFF  }
0xcb: {  	_ =	shalt  }
tec
execute0_lowered:
.L_overlay_start_1:
0x0: {  	(tag) =	ssettag $0x1  }
0x1: {  	s0 =	rddreg [dreg:$0x0]  }
0x2: {  	s1 =	rddreg [dreg:$0x1]  }
0x3: {  	s2 =	srdreg.scid;
	s3 =	rddreg [dreg:$0x2]  }
0x4: {  	s5 =	rddreg [dreg:$0x3];
	s7 =	stileid.u32;
	s4 =	sand.u32 $0x1, s2  }
0x5: {  	s17 =	simm.s32 $0x12B00;
	s19 =	simm.s32 $0x4;
	s6 =	sshll.u32 s4, $0x4  }
0x6: {  	s28 =	simm.s32 $0x12000;
	s29 =	simm.s32 $0x12180;
	s6 =	sor.u32 s7, s6  }
0x7: {  	s31 =	simm.s32 $0x12300;
	s18 =	simm.s32 $0x0;
	s7 =	smul.u32 $0x1D0, s6  }
0x8: {  	s2 =	simm.s32 $0x0;
	s8 =	sadd.s32 $0x1200, s0;
	s13 =	smul.u32 $0x30, s6  }
0x9: {  	[smem:$0x7FF] =	sst s2;
	s4 =	ssub.s32 $0x2, s4;
	s10 =	smul.u32 $0x1C400, s6  }
0xa: {  	_ =	strace $0x80000047;
	s9 =	sshrl.u32 s4, $0x1;
	s11 =	smul.u32 $0x3880, s6  }
0xb: {  	s4 =	ssub.s32 s4, s9;
	s20 =	sshll.u32 s6, $0x4;
	s6 =	smul.u32 $0xA0, s6  }
0xc: {  	s1 =	sadd.s32 s1, s20;
	s30 =	smax.u32 s4, $0x1;
	s20 =	simm.s32 $0x4000  }
0xd: {  	s7 =	sadd.s32 s7, s0;
	s0 =	sadd.s32 s13, s0;
	s10 =	sshrl.u32 s10, $0x3  }
0xe: {  	[dreg:$0x6] =	wrdreg s1;
	s25 =	sadd.s32 s3, s13;
	s26 =	sadd.s32 s5, s6  }
0xf: {  	[dreg:$0xd] =	wrdreg s30;
	s1 =	simm.s32 $0x12600;
	s7 =	sadd.s32 $0xE3200, s7  }
0x10: {  	s21 =	sadd.s32 s8, s10;
	[dreg:$0xa] =	wrdreg s25;
	s0 =	sadd.s32 $0x72200, s0  }
0x11: {  	[dreg:$0xc] =	wrdreg s26;
	s25 =	simm.s32 $0x11800;
	s26 =	simm.s32 $0x10000  }
0x12: {  	[dreg:$0x5] =	wrdreg s7;
	s7 =	sadd.s32 s8, s11;
	s15 =	sadd.s32 $0x800, s21  }
0x13: {  	s22 =	sadd.s32 $0x1000, s21;
	s23 =	sadd.s32 $0x1800, s21;
	[dreg:$0xb] =	wrdreg s0  }
0x14: {  	s24 =	sadd.s32 $0x2000, s21;
	s10 =	sadd.s32 $0x2800, s21;
	[dreg:$0x7] =	wrdreg s22  }
0x15: {  	s11 =	sadd.s32 $0x3000, s21;
	s12 =	sadd.s32 $0x3800, s21;
	[dreg:$0x8] =	wrdreg s23  }
0x16: {  	v0 =	vimm.s32 $0x0;
	s21 =	simm.s32 $0x1;
	s0 =	simm.s32 $0x12480;
	[dreg:$0x9] =	wrdreg s24  }
0x17: {  	v1 =	vlaneseq.u32;
	v2 =	vimm.s32 $0x1;
	v3 =	vimm.f32 $-Inf;
	s22 =	simm.s32 $0x8000;
	s23 =	simm.s32 $0x2;
	s24 =	simm.s32 $0x11000  }
.LBB2_1:
0x18: {  	s3 =	rddreg [dreg:$0x5]  }
0x19: {  	[tilespmem:s17], [sflag:$0x3] =	stream.linear.gather [hbm4b:s3+s2], $0xE80, $0x38;
	[tilespmem:$0x13A80] =	vst v63  }
0x1a: {  	s30 =	rddreg [dreg:$0x6];
	s4 =	simm.s32 $0x13980  }
0x1b: {  	[tilespmem:s4], [sflag:$0x4] =	stream.linear.gather [hbm4b:s30+s2], $0x80, $0x38;
	[tilespmem:$0x13A80] =	vst v63  }
0x1c: {  	_ =	swait.ge [sflag:s19], $0x80  }
0x1d: {  	[sflag:s19] =	ssyncset.done $0x0  }
0x1e: {  	s3 =	simm.s32 $0x8040;
	[sflag:s19] =	ssyncadd.s32 $0xFFFFFF80  }
0x1f: {  	[tilespmem:s3+$0xFFFFFFC0] =	vst v0  }
0x20: {  	[tilespmem:s3+$0x30] =	vst v0  }
0x21: {  	[tilespmem:s3+$0x20] =	vst v0  }
0x22: {  	[tilespmem:s3+$0x10] =	vst v0  }
0x23: {  	[tilespmem:s3+$0x0] =	vst v0  }
0x24: {  	[tilespmem:s3+$0xFFFFFFF0] =	vst v0  }
0x25: {  	s4 =	simm.s32 $0x0;
	[tilespmem:s3+$0xFFFFFFE0] =	vst v0  }
.LBB2_2:
0x26: {  	s4 =	sadd.s32 $0x8, s4;
	[tilespmem:s3+$0xFFFFFFD0] =	vst v0;
	s3 =	sadd.s32 $0x80, s3  }
0x27: {  	[tilespmem:s3+$0xFFFFFFC0] =	vst v0;
	p0 =	slt.u32 s4, $0x7F8  }
0x28: {  	[tilespmem:s3+$0x30] =	vst v0  }
.Ltmp0:
0x29: {  	[tilespmem:s3+$0x20] =	vst v0;
	(pc) =	sbr.rel @p0 .LBB2_2-.Ltmp0, $4  }
0x2a: {  	[tilespmem:s3+$0x10] =	vst v0  }
0x2b: {  	[tilespmem:s3+$0x0] =	vst v0  }
0x2c: {  	[tilespmem:s3+$0xFFFFFFF0] =	vst v0  }
0x2d: {  	[tilespmem:s3+$0xFFFFFFE0] =	vst v0  }
0x2e: {  	[tilespmem:s3+$0xFFFFFFD0] =	vst v0;
	s16 =	simm.s32 $0x0  }
0x2f: {  	[tilespmem:s16], [sflag:$0x1] =	stream.linear.gather [hbm4b:s7+s16], $0x4000, $0x38;
	[tilespmem:$0x13A80] =	vst v63  }
0x30: {  	_ = 	snop  }
0x31: {  	[tilespmem:s20], [sflag:$0x2] =	stream.linear.gather [hbm4b:s15+s16], $0x4000, $0x38;
	[tilespmem:$0x13A80] =	vst v63  }
0x32: {  	_ =	swait.ge [sflag:s21], $0x4000  }
0x33: {  	[sflag:s21] =	ssyncset.done $0x0  }
0x34: {  	s3 =	sand.u32 $0x3FC0, s16;
	[sflag:s21] =	ssyncadd.s32 $0xFFFFC000  }
0x35: {  	v5 =	vld [tilespmem:s3+$0x0];
	_ =	sdelay $0x2  }
0x36: {  	v4 =	vld [tilespmem:s3+$0x30]  }
0x37: {  	v6 =	vld [tilespmem:s3+$0x10]  }
0x38: {  	v7 =	vld [tilespmem:s3+$0x20];
	v5 =	vshrl.u32 v5, $0x10  }
0x39: {  	v5 =	vand.u32 $0xFFF0, v5  }
0x3a: {  	s4 =	simm.s32 $0x40;
	v5 =	vor.u32 v1, v5  }
0x3b: {  	s30 =	sand.u32 $0x3FC0, s4;
	v4 =	vshrl.u32 v4, $0x10  }
0x3c: {  	v9 =	vld [tilespmem:s30+$0x30];
	v6 =	vshrl.u32 v6, $0x10;
	v4 =	vand.u32 $0xFFF0, v4  }
0x3d: {  	v10 =	vld [tilespmem:s30+$0x0];
	v7 =	vshrl.u32 v7, $0x10;
	v8 =	vor.u32 v1, v4;
	v4 =	vand.u32 $0xFFF0, v6  }
0x3e: {  	v7 =	vand.u32 $0xFFF0, v7;
	v6 =	vld [tilespmem:s30+$0x10];
	v11 =	vor.u32 v1, v4  }
0x3f: {  	[tilespmem:v5+s22+$0x0] =	vst.idx.add.s32.msk $0xffff, v2;
	v5 =	vor.u32 v1, v7  }
0x40: {  	v4 =	vld [tilespmem:s30+$0x20];
	_ =	sdelay $0x1  }
0x41: {  	v9 =	vshrl.u32 v9, $0x10;
	[tilespmem:v8+s22+$0x0] =	vst.idx.add.s32.msk $0xffff, v2  }
0x42: {  	s4 =	simm.s32 $0x80;
	s3 =	simm.s32 $0x4;
	v8 =	vshrl.u32 v10, $0x10;
	v7 =	vand.u32 $0xFFF0, v9;
	[tilespmem:v11+s22+$0x0] =	vst.idx.add.s32.msk $0xffff, v2  }
.LBB2_4:
0x43: {  	s5 =	sand.u32 $0x3FC0, s4;
	s3 =	sadd.s32 $0x4, s3;
	v8 =	vand.u32 $0xFFF0, v8;
	v6 =	vshrl.u32 v6, $0x10;
	v7 =	vor.u32 v1, v7;
	[tilespmem:v5+s22+$0x0] =	vst.idx.add.s32.msk $0xffff, v2  }
0x44: {  	v9 =	vld [tilespmem:s5+$0x30];
	p0 =	slt.u32 s3, $0x3FC;
	v8 =	vor.u32 v1, v8;
	v5 =	vand.u32 $0xFFF0, v6;
	v4 =	vshrl.u32 v4, $0x10  }
0x45: {  	v10 =	vld [tilespmem:s5+$0x0];
	v11 =	vor.u32 v1, v5;
	v4 =	vand.u32 $0xFFF0, v4  }
.Ltmp1:
0x46: {  	v6 =	vld [tilespmem:s5+$0x10];
	v5 =	vor.u32 v1, v4;
	(pc) =	sbr.rel @p0 .LBB2_4-.Ltmp1, $4  }
0x47: {  	v4 =	vld [tilespmem:s5+$0x20]  }
0x48: {  	[tilespmem:v7+s22+$0x0] =	vst.idx.add.s32.msk $0xffff, v2  }
0x49: {  	v7 =	vshrl.u32 v9, $0x10;
	[tilespmem:v8+s22+$0x0] =	vst.idx.add.s32.msk $0xffff, v2  }
0x4a: {  	s4 =	sadd.s32 $0x40, s4;
	v8 =	vshrl.u32 v10, $0x10;
	v7 =	vand.u32 $0xFFF0, v7;
	[tilespmem:v11+s22+$0x0] =	vst.idx.add.s32.msk $0xffff, v2  }
0x4b: {  	v8 =	vand.u32 $0xFFF0, v8;
	v6 =	vshrl.u32 v6, $0x10;
	v7 =	vor.u32 v1, v7  }
0x4c: {  	v8 =	vor.u32 v1, v8;
	v6 =	vand.u32 $0xFFF0, v6;
	v4 =	vshrl.u32 v4, $0x10  }
0x4d: {  	v6 =	vor.u32 v1, v6;
	v4 =	vand.u32 $0xFFF0, v4  }
0x4e: {  	v4 =	vor.u32 v1, v4  }
0x4f: {  	[tilespmem:v5+s22+$0x0] =	vst.idx.add.s32.msk $0xffff, v2  }
0x50: {  	[tilespmem:v7+s22+$0x0] =	vst.idx.add.s32.msk $0xffff, v2  }
0x51: {  	[tilespmem:v8+s22+$0x0] =	vst.idx.add.s32.msk $0xffff, v2  }
0x52: {  	[tilespmem:v6+s22+$0x0] =	vst.idx.add.s32.msk $0xffff, v2  }
0x53: {  	[tilespmem:v4+s22+$0x0] =	vst.idx.add.s32.msk $0xffff, v2  }
0x54: {  	s3 =	simm.s32 $0x0;
	s4 =	rddreg [dreg:$0x7]  }
0x55: {  	[tilespmem:s3], [sflag:$0x1] =	stream.linear.gather [hbm4b:s4+s3], $0x4000, $0x38;
	[tilespmem:$0x13A80] =	vst v63  }
0x56: {  	_ =	swait.ge [sflag:s23], $0x4000  }
0x57: {  	[sflag:s23] =	ssyncset.done $0x0  }
0x58: {  	s3 =	sand.u32 $0x3FC0, s3;
	[sflag:s23] =	ssyncadd.s32 $0xFFFFC000  }
0x59: {  	v5 =	vld [tilespmem:s3+$0x4000];
	_ =	sdelay $0x2  }
0x5a: {  	v4 =	vld [tilespmem:s3+$0x4030]  }
0x5b: {  	v6 =	vld [tilespmem:s3+$0x4010]  }
0x5c: {  	v7 =	vld [tilespmem:s3+$0x4020];
	v5 =	vshrl.u32 v5, $0x10  }
0x5d: {  	v5 =	vand.u32 $0xFFF0, v5  }
0x5e: {  	s16 =	simm.s32 $0x40;
	v5 =	vor.u32 v1, v5  }
0x5f: {  	s30 =	sand.u32 $0x3FC0, s16;
	v4 =	vshrl.u32 v4, $0x10  }
0x60: {  	v9 =	vld [tilespmem:s30+$0x4030];
	v6 =	vshrl.u32 v6, $0x10;
	v4 =	vand.u32 $0xFFF0, v4  }
0x61: {  	v10 =	vld [tilespmem:s30+$0x4000];
	v7 =	vshrl.u32 v7, $0x10;
	v8 =	vor.u32 v1, v4;
	v4 =	vand.u32 $0xFFF0, v6  }
0x62: {  	v7 =	vand.u32 $0xFFF0, v7;
	v6 =	vld [tilespmem:s30+$0x4010];
	v11 =	vor.u32 v1, v4  }
0x63: {  	[tilespmem:v5+s22+$0x0] =	vst.idx.add.s32.msk $0xffff, v2;
	v5 =	vor.u32 v1, v7  }
0x64: {  	v4 =	vld [tilespmem:s30+$0x4020];
	_ =	sdelay $0x1  }
0x65: {  	v9 =	vshrl.u32 v9, $0x10;
	[tilespmem:v8+s22+$0x0] =	vst.idx.add.s32.msk $0xffff, v2  }
0x66: {  	s4 =	simm.s32 $0x80;
	s3 =	simm.s32 $0x4;
	v8 =	vshrl.u32 v10, $0x10;
	v7 =	vand.u32 $0xFFF0, v9;
	[tilespmem:v11+s22+$0x0] =	vst.idx.add.s32.msk $0xffff, v2  }
.LBB2_6:
0x67: {  	s5 =	sand.u32 $0x3FC0, s4;
	s3 =	sadd.s32 $0x4, s3;
	v8 =	vand.u32 $0xFFF0, v8;
	v6 =	vshrl.u32 v6, $0x10;
	v7 =	vor.u32 v1, v7;
	[tilespmem:v5+s22+$0x0] =	vst.idx.add.s32.msk $0xffff, v2  }
0x68: {  	v9 =	vld [tilespmem:s5+$0x4030];
	p0 =	slt.u32 s3, $0x3FC;
	v8 =	vor.u32 v1, v8;
	v5 =	vand.u32 $0xFFF0, v6;
	v4 =	vshrl.u32 v4, $0x10  }
0x69: {  	v10 =	vld [tilespmem:s5+$0x4000];
	v11 =	vor.u32 v1, v5;
	v4 =	vand.u32 $0xFFF0, v4  }
.Ltmp2:
0x6a: {  	v6 =	vld [tilespmem:s5+$0x4010];
	v5 =	vor.u32 v1, v4;
	(pc) =	sbr.rel @p0 .LBB2_6-.Ltmp2, $4  }
0x6b: {  	v4 =	vld [tilespmem:s5+$0x4020]  }
0x6c: {  	[tilespmem:v7+s22+$0x0] =	vst.idx.add.s32.msk $0xffff, v2  }
0x6d: {  	v7 =	vshrl.u32 v9, $0x10;
	[tilespmem:v8+s22+$0x0] =	vst.idx.add.s32.msk $0xffff, v2  }
0x6e: {  	s4 =	sadd.s32 $0x40, s4;
	v8 =	vshrl.u32 v10, $0x10;
	v7 =	vand.u32 $0xFFF0, v7;
	[tilespmem:v11+s22+$0x0] =	vst.idx.add.s32.msk $0xffff, v2  }
0x6f: {  	v8 =	vand.u32 $0xFFF0, v8;
	v6 =	vshrl.u32 v6, $0x10;
	v7 =	vor.u32 v1, v7  }
0x70: {  	v8 =	vor.u32 v1, v8;
	v6 =	vand.u32 $0xFFF0, v6;
	v4 =	vshrl.u32 v4, $0x10  }
0x71: {  	v6 =	vor.u32 v1, v6;
	v4 =	vand.u32 $0xFFF0, v4  }
0x72: {  	v4 =	vor.u32 v1, v4  }
0x73: {  	[tilespmem:v5+s22+$0x0] =	vst.idx.add.s32.msk $0xffff, v2  }
0x74: {  	[tilespmem:v7+s22+$0x0] =	vst.idx.add.s32.msk $0xffff, v2  }
0x75: {  	[tilespmem:v8+s22+$0x0] =	vst.idx.add.s32.msk $0xffff, v2  }
0x76: {  	[tilespmem:v6+s22+$0x0] =	vst.idx.add.s32.msk $0xffff, v2  }
0x77: {  	[tilespmem:v4+s22+$0x0] =	vst.idx.add.s32.msk $0xffff, v2  }
0x78: {  	s3 =	simm.s32 $0x0;
	s4 =	rddreg [dreg:$0x8]  }
0x79: {  	[tilespmem:s20], [sflag:$0x2] =	stream.linear.gather [hbm4b:s4+s3], $0x4000, $0x38;
	[tilespmem:$0x13A80] =	vst v63  }
0x7a: {  	_ =	swait.ge [sflag:s21], $0x4000  }
0x7b: {  	[sflag:s21] =	ssyncset.done $0x0  }
0x7c: {  	s3 =	sand.u32 $0x3FC0, s3;
	[sflag:s21] =	ssyncadd.s32 $0xFFFFC000  }
0x7d: {  	v5 =	vld [tilespmem:s3+$0x0];
	_ =	sdelay $0x2  }
0x7e: {  	v4 =	vld [tilespmem:s3+$0x30]  }
0x7f: {  	v6 =	vld [tilespmem:s3+$0x10]  }
0x80: {  	v7 =	vld [tilespmem:s3+$0x20];
	v5 =	vshrl.u32 v5, $0x10  }
0x81: {  	v5 =	vand.u32 $0xFFF0, v5  }
0x82: {  	s16 =	simm.s32 $0x40;
	v5 =	vor.u32 v1, v5  }
0x83: {  	s30 =	sand.u32 $0x3FC0, s16;
	v4 =	vshrl.u32 v4, $0x10  }
0x84: {  	v9 =	vld [tilespmem:s30+$0x30];
	v6 =	vshrl.u32 v6, $0x10;
	v4 =	vand.u32 $0xFFF0, v4  }
0x85: {  	v10 =	vld [tilespmem:s30+$0x0];
	v7 =	vshrl.u32 v7, $0x10;
	v8 =	vor.u32 v1, v4;
	v4 =	vand.u32 $0xFFF0, v6  }
0x86: {  	v7 =	vand.u32 $0xFFF0, v7;
	v6 =	vld [tilespmem:s30+$0x10];
	v11 =	vor.u32 v1, v4  }
0x87: {  	[tilespmem:v5+s22+$0x0] =	vst.idx.add.s32.msk $0xffff, v2;
	v5 =	vor.u32 v1, v7  }
0x88: {  	v4 =	vld [tilespmem:s30+$0x20];
	_ =	sdelay $0x1  }
0x89: {  	v9 =	vshrl.u32 v9, $0x10;
	[tilespmem:v8+s22+$0x0] =	vst.idx.add.s32.msk $0xffff, v2  }
0x8a: {  	s4 =	simm.s32 $0x80;
	s3 =	simm.s32 $0x4;
	v8 =	vshrl.u32 v10, $0x10;
	v7 =	vand.u32 $0xFFF0, v9;
	[tilespmem:v11+s22+$0x0] =	vst.idx.add.s32.msk $0xffff, v2  }
.LBB2_8:
0x8b: {  	s5 =	sand.u32 $0x3FC0, s4;
	s3 =	sadd.s32 $0x4, s3;
	v8 =	vand.u32 $0xFFF0, v8;
	v6 =	vshrl.u32 v6, $0x10;
	v7 =	vor.u32 v1, v7;
	[tilespmem:v5+s22+$0x0] =	vst.idx.add.s32.msk $0xffff, v2  }
0x8c: {  	v9 =	vld [tilespmem:s5+$0x30];
	p0 =	slt.u32 s3, $0x3FC;
	v8 =	vor.u32 v1, v8;
	v5 =	vand.u32 $0xFFF0, v6;
	v4 =	vshrl.u32 v4, $0x10  }
0x8d: {  	v10 =	vld [tilespmem:s5+$0x0];
	v11 =	vor.u32 v1, v5;
	v4 =	vand.u32 $0xFFF0, v4  }
.Ltmp3:
0x8e: {  	v6 =	vld [tilespmem:s5+$0x10];
	v5 =	vor.u32 v1, v4;
	(pc) =	sbr.rel @p0 .LBB2_8-.Ltmp3, $4  }
0x8f: {  	v4 =	vld [tilespmem:s5+$0x20]  }
0x90: {  	[tilespmem:v7+s22+$0x0] =	vst.idx.add.s32.msk $0xffff, v2  }
0x91: {  	v7 =	vshrl.u32 v9, $0x10;
	[tilespmem:v8+s22+$0x0] =	vst.idx.add.s32.msk $0xffff, v2  }
0x92: {  	s4 =	sadd.s32 $0x40, s4;
	v8 =	vshrl.u32 v10, $0x10;
	v7 =	vand.u32 $0xFFF0, v7;
	[tilespmem:v11+s22+$0x0] =	vst.idx.add.s32.msk $0xffff, v2  }
0x93: {  	v8 =	vand.u32 $0xFFF0, v8;
	v6 =	vshrl.u32 v6, $0x10;
	v7 =	vor.u32 v1, v7  }
0x94: {  	v8 =	vor.u32 v1, v8;
	v6 =	vand.u32 $0xFFF0, v6;
	v4 =	vshrl.u32 v4, $0x10  }
0x95: {  	v6 =	vor.u32 v1, v6;
	v4 =	vand.u32 $0xFFF0, v4  }
0x96: {  	v4 =	vor.u32 v1, v4  }
0x97: {  	[tilespmem:v5+s22+$0x0] =	vst.idx.add.s32.msk $0xffff, v2  }
0x98: {  	[tilespmem:v7+s22+$0x0] =	vst.idx.add.s32.msk $0xffff, v2  }
0x99: {  	[tilespmem:v8+s22+$0x0] =	vst.idx.add.s32.msk $0xffff, v2  }
0x9a: {  	[tilespmem:v6+s22+$0x0] =	vst.idx.add.s32.msk $0xffff, v2  }
0x9b: {  	[tilespmem:v4+s22+$0x0] =	vst.idx.add.s32.msk $0xffff, v2  }
0x9c: {  	s3 =	simm.s32 $0x0;
	s4 =	rddreg [dreg:$0x9]  }
0x9d: {  	[tilespmem:s3], [sflag:$0x1] =	stream.linear.gather [hbm4b:s4+s3], $0x4000, $0x38;
	[tilespmem:$0x13A80] =	vst v63  }
0x9e: {  	_ =	swait.ge [sflag:s23], $0x4000  }
0x9f: {  	[sflag:s23] =	ssyncset.done $0x0  }
0xa0: {  	s3 =	sand.u32 $0x3FC0, s3;
	[sflag:s23] =	ssyncadd.s32 $0xFFFFC000  }
0xa1: {  	v5 =	vld [tilespmem:s3+$0x4000];
	_ =	sdelay $0x2  }
0xa2: {  	v4 =	vld [tilespmem:s3+$0x4030]  }
0xa3: {  	v6 =	vld [tilespmem:s3+$0x4010]  }
0xa4: {  	v7 =	vld [tilespmem:s3+$0x4020];
	v5 =	vshrl.u32 v5, $0x10  }
0xa5: {  	v5 =	vand.u32 $0xFFF0, v5  }
0xa6: {  	s16 =	simm.s32 $0x40;
	v5 =	vor.u32 v1, v5  }
0xa7: {  	s30 =	sand.u32 $0x3FC0, s16;
	v4 =	vshrl.u32 v4, $0x10  }
0xa8: {  	v9 =	vld [tilespmem:s30+$0x4030];
	v6 =	vshrl.u32 v6, $0x10;
	v4 =	vand.u32 $0xFFF0, v4  }
0xa9: {  	v10 =	vld [tilespmem:s30+$0x4000];
	v7 =	vshrl.u32 v7, $0x10;
	v8 =	vor.u32 v1, v4;
	v4 =	vand.u32 $0xFFF0, v6  }
0xaa: {  	v7 =	vand.u32 $0xFFF0, v7;
	v6 =	vld [tilespmem:s30+$0x4010];
	v11 =	vor.u32 v1, v4  }
0xab: {  	[tilespmem:v5+s22+$0x0] =	vst.idx.add.s32.msk $0xffff, v2;
	v5 =	vor.u32 v1, v7  }
0xac: {  	v4 =	vld [tilespmem:s30+$0x4020];
	_ =	sdelay $0x1  }
0xad: {  	v9 =	vshrl.u32 v9, $0x10;
	[tilespmem:v8+s22+$0x0] =	vst.idx.add.s32.msk $0xffff, v2  }
0xae: {  	s4 =	simm.s32 $0x80;
	s3 =	simm.s32 $0x4;
	v8 =	vshrl.u32 v10, $0x10;
	v7 =	vand.u32 $0xFFF0, v9;
	[tilespmem:v11+s22+$0x0] =	vst.idx.add.s32.msk $0xffff, v2  }
.LBB2_10:
0xaf: {  	s5 =	sand.u32 $0x3FC0, s4;
	s3 =	sadd.s32 $0x4, s3;
	v8 =	vand.u32 $0xFFF0, v8;
	v6 =	vshrl.u32 v6, $0x10;
	v7 =	vor.u32 v1, v7;
	[tilespmem:v5+s22+$0x0] =	vst.idx.add.s32.msk $0xffff, v2  }
0xb0: {  	v9 =	vld [tilespmem:s5+$0x4030];
	p0 =	slt.u32 s3, $0x3FC;
	v8 =	vor.u32 v1, v8;
	v5 =	vand.u32 $0xFFF0, v6;
	v4 =	vshrl.u32 v4, $0x10  }
0xb1: {  	v10 =	vld [tilespmem:s5+$0x4000];
	v11 =	vor.u32 v1, v5;
	v4 =	vand.u32 $0xFFF0, v4  }
.Ltmp4:
0xb2: {  	v6 =	vld [tilespmem:s5+$0x4010];
	v5 =	vor.u32 v1, v4;
	(pc) =	sbr.rel @p0 .LBB2_10-.Ltmp4, $4  }
0xb3: {  	v4 =	vld [tilespmem:s5+$0x4020]  }
0xb4: {  	[tilespmem:v7+s22+$0x0] =	vst.idx.add.s32.msk $0xffff, v2  }
0xb5: {  	v7 =	vshrl.u32 v9, $0x10;
	[tilespmem:v8+s22+$0x0] =	vst.idx.add.s32.msk $0xffff, v2  }
0xb6: {  	s4 =	sadd.s32 $0x40, s4;
	v8 =	vshrl.u32 v10, $0x10;
	v7 =	vand.u32 $0xFFF0, v7;
	[tilespmem:v11+s22+$0x0] =	vst.idx.add.s32.msk $0xffff, v2  }
0xb7: {  	v8 =	vand.u32 $0xFFF0, v8;
	v6 =	vshrl.u32 v6, $0x10;
	v7 =	vor.u32 v1, v7  }
0xb8: {  	v8 =	vor.u32 v1, v8;
	v6 =	vand.u32 $0xFFF0, v6;
	v4 =	vshrl.u32 v4, $0x10  }
0xb9: {  	v6 =	vor.u32 v1, v6;
	v4 =	vand.u32 $0xFFF0, v4  }
0xba: {  	v4 =	vor.u32 v1, v4  }
0xbb: {  	[tilespmem:v5+s22+$0x0] =	vst.idx.add.s32.msk $0xffff, v2  }
0xbc: {  	[tilespmem:v7+s22+$0x0] =	vst.idx.add.s32.msk $0xffff, v2  }
0xbd: {  	[tilespmem:v8+s22+$0x0] =	vst.idx.add.s32.msk $0xffff, v2  }
0xbe: {  	[tilespmem:v6+s22+$0x0] =	vst.idx.add.s32.msk $0xffff, v2  }
0xbf: {  	s3 =	simm.s32 $0x0;
	[tilespmem:v4+s22+$0x0] =	vst.idx.add.s32.msk $0xffff, v2  }
0xc0: {  	[tilespmem:s20], [sflag:$0x2] =	stream.linear.gather [hbm4b:s10+s3], $0x4000, $0x38;
	[tilespmem:$0x13A80] =	vst v63  }
0xc1: {  	_ =	swait.ge [sflag:s21], $0x4000  }
0xc2: {  	[sflag:s21] =	ssyncset.done $0x0  }
0xc3: {  	s3 =	sand.u32 $0x3FC0, s3;
	[sflag:s21] =	ssyncadd.s32 $0xFFFFC000  }
0xc4: {  	v5 =	vld [tilespmem:s3+$0x0];
	_ =	sdelay $0x2  }
0xc5: {  	v4 =	vld [tilespmem:s3+$0x30]  }
0xc6: {  	v6 =	vld [tilespmem:s3+$0x10]  }
0xc7: {  	v7 =	vld [tilespmem:s3+$0x20];
	v5 =	vshrl.u32 v5, $0x10  }
0xc8: {  	v5 =	vand.u32 $0xFFF0, v5  }
0xc9: {  	s4 =	simm.s32 $0x40;
	v5 =	vor.u32 v1, v5  }
0xca: {  	s30 =	sand.u32 $0x3FC0, s4;
	v4 =	vshrl.u32 v4, $0x10  }
0xcb: {  	v9 =	vld [tilespmem:s30+$0x30];
	v6 =	vshrl.u32 v6, $0x10;
	v4 =	vand.u32 $0xFFF0, v4  }
0xcc: {  	v10 =	vld [tilespmem:s30+$0x0];
	v7 =	vshrl.u32 v7, $0x10;
	v8 =	vor.u32 v1, v4;
	v4 =	vand.u32 $0xFFF0, v6  }
0xcd: {  	v7 =	vand.u32 $0xFFF0, v7;
	v6 =	vld [tilespmem:s30+$0x10];
	v11 =	vor.u32 v1, v4  }
0xce: {  	[tilespmem:v5+s22+$0x0] =	vst.idx.add.s32.msk $0xffff, v2;
	v5 =	vor.u32 v1, v7  }
0xcf: {  	v4 =	vld [tilespmem:s30+$0x20];
	_ =	sdelay $0x1  }
0xd0: {  	v9 =	vshrl.u32 v9, $0x10;
	[tilespmem:v8+s22+$0x0] =	vst.idx.add.s32.msk $0xffff, v2  }
0xd1: {  	s4 =	simm.s32 $0x80;
	s3 =	simm.s32 $0x4;
	v8 =	vshrl.u32 v10, $0x10;
	v7 =	vand.u32 $0xFFF0, v9;
	[tilespmem:v11+s22+$0x0] =	vst.idx.add.s32.msk $0xffff, v2  }
.LBB2_12:
0xd2: {  	s5 =	sand.u32 $0x3FC0, s4;
	s3 =	sadd.s32 $0x4, s3;
	v8 =	vand.u32 $0xFFF0, v8;
	v6 =	vshrl.u32 v6, $0x10;
	v7 =	vor.u32 v1, v7;
	[tilespmem:v5+s22+$0x0] =	vst.idx.add.s32.msk $0xffff, v2  }
0xd3: {  	v9 =	vld [tilespmem:s5+$0x30];
	p0 =	slt.u32 s3, $0x3FC;
	v8 =	vor.u32 v1, v8;
	v5 =	vand.u32 $0xFFF0, v6;
	v4 =	vshrl.u32 v4, $0x10  }
0xd4: {  	v10 =	vld [tilespmem:s5+$0x0];
	v11 =	vor.u32 v1, v5;
	v4 =	vand.u32 $0xFFF0, v4  }
.Ltmp5:
0xd5: {  	v6 =	vld [tilespmem:s5+$0x10];
	v5 =	vor.u32 v1, v4;
	(pc) =	sbr.rel @p0 .LBB2_12-.Ltmp5, $4  }
0xd6: {  	v4 =	vld [tilespmem:s5+$0x20]  }
0xd7: {  	[tilespmem:v7+s22+$0x0] =	vst.idx.add.s32.msk $0xffff, v2  }
0xd8: {  	v7 =	vshrl.u32 v9, $0x10;
	[tilespmem:v8+s22+$0x0] =	vst.idx.add.s32.msk $0xffff, v2  }
0xd9: {  	s4 =	sadd.s32 $0x40, s4;
	v8 =	vshrl.u32 v10, $0x10;
	v7 =	vand.u32 $0xFFF0, v7;
	[tilespmem:v11+s22+$0x0] =	vst.idx.add.s32.msk $0xffff, v2  }
0xda: {  	v8 =	vand.u32 $0xFFF0, v8;
	v6 =	vshrl.u32 v6, $0x10;
	v7 =	vor.u32 v1, v7  }
0xdb: {  	v8 =	vor.u32 v1, v8;
	v6 =	vand.u32 $0xFFF0, v6;
	v4 =	vshrl.u32 v4, $0x10  }
0xdc: {  	v6 =	vor.u32 v1, v6;
	v4 =	vand.u32 $0xFFF0, v4  }
0xdd: {  	v4 =	vor.u32 v1, v4  }
0xde: {  	[tilespmem:v5+s22+$0x0] =	vst.idx.add.s32.msk $0xffff, v2  }
0xdf: {  	[tilespmem:v7+s22+$0x0] =	vst.idx.add.s32.msk $0xffff, v2  }
0xe0: {  	[tilespmem:v8+s22+$0x0] =	vst.idx.add.s32.msk $0xffff, v2  }
0xe1: {  	[tilespmem:v6+s22+$0x0] =	vst.idx.add.s32.msk $0xffff, v2  }
0xe2: {  	s3 =	simm.s32 $0x0;
	[tilespmem:v4+s22+$0x0] =	vst.idx.add.s32.msk $0xffff, v2  }
0xe3: {  	[tilespmem:s3], [sflag:$0x1] =	stream.linear.gather [hbm4b:s11+s3], $0x4000, $0x38;
	[tilespmem:$0x13A80] =	vst v63  }
0xe4: {  	_ =	swait.ge [sflag:s23], $0x4000  }
0xe5: {  	[sflag:s23] =	ssyncset.done $0x0  }
0xe6: {  	s3 =	sand.u32 $0x3FC0, s3;
	[sflag:s23] =	ssyncadd.s32 $0xFFFFC000  }
0xe7: {  	v5 =	vld [tilespmem:s3+$0x4000];
	_ =	sdelay $0x2  }
0xe8: {  	v4 =	vld [tilespmem:s3+$0x4030]  }
0xe9: {  	v6 =	vld [tilespmem:s3+$0x4010]  }
0xea: {  	v7 =	vld [tilespmem:s3+$0x4020];
	v5 =	vshrl.u32 v5, $0x10  }
0xeb: {  	v5 =	vand.u32 $0xFFF0, v5  }
0xec: {  	s4 =	simm.s32 $0x40;
	v5 =	vor.u32 v1, v5  }
0xed: {  	s30 =	sand.u32 $0x3FC0, s4;
	v4 =	vshrl.u32 v4, $0x10  }
0xee: {  	v9 =	vld [tilespmem:s30+$0x4030];
	v6 =	vshrl.u32 v6, $0x10;
	v4 =	vand.u32 $0xFFF0, v4  }
0xef: {  	v10 =	vld [tilespmem:s30+$0x4000];
	v7 =	vshrl.u32 v7, $0x10;
	v8 =	vor.u32 v1, v4;
	v4 =	vand.u32 $0xFFF0, v6  }
0xf0: {  	v7 =	vand.u32 $0xFFF0, v7;
	v6 =	vld [tilespmem:s30+$0x4010];
	v11 =	vor.u32 v1, v4  }
0xf1: {  	[tilespmem:v5+s22+$0x0] =	vst.idx.add.s32.msk $0xffff, v2;
	v5 =	vor.u32 v1, v7  }
0xf2: {  	v4 =	vld [tilespmem:s30+$0x4020];
	_ =	sdelay $0x1  }
0xf3: {  	v9 =	vshrl.u32 v9, $0x10;
	[tilespmem:v8+s22+$0x0] =	vst.idx.add.s32.msk $0xffff, v2  }
0xf4: {  	s4 =	simm.s32 $0x80;
	s3 =	simm.s32 $0x4;
	v8 =	vshrl.u32 v10, $0x10;
	v7 =	vand.u32 $0xFFF0, v9;
	[tilespmem:v11+s22+$0x0] =	vst.idx.add.s32.msk $0xffff, v2  }
.LBB2_14:
0xf5: {  	s5 =	sand.u32 $0x3FC0, s4;
	s3 =	sadd.s32 $0x4, s3;
	v8 =	vand.u32 $0xFFF0, v8;
	v6 =	vshrl.u32 v6, $0x10;
	v7 =	vor.u32 v1, v7;
	[tilespmem:v5+s22+$0x0] =	vst.idx.add.s32.msk $0xffff, v2  }
0xf6: {  	v9 =	vld [tilespmem:s5+$0x4030];
	p0 =	slt.u32 s3, $0x3FC;
	v8 =	vor.u32 v1, v8;
	v5 =	vand.u32 $0xFFF0, v6;
	v4 =	vshrl.u32 v4, $0x10  }
0xf7: {  	v10 =	vld [tilespmem:s5+$0x4000];
	v11 =	vor.u32 v1, v5;
	v4 =	vand.u32 $0xFFF0, v4  }
.Ltmp6:
0xf8: {  	v6 =	vld [tilespmem:s5+$0x4010];
	v5 =	vor.u32 v1, v4;
	(pc) =	sbr.rel @p0 .LBB2_14-.Ltmp6, $4  }
0xf9: {  	v4 =	vld [tilespmem:s5+$0x4020]  }
0xfa: {  	[tilespmem:v7+s22+$0x0] =	vst.idx.add.s32.msk $0xffff, v2  }
0xfb: {  	v7 =	vshrl.u32 v9, $0x10;
	[tilespmem:v8+s22+$0x0] =	vst.idx.add.s32.msk $0xffff, v2  }
0xfc: {  	s4 =	sadd.s32 $0x40, s4;
	v8 =	vshrl.u32 v10, $0x10;
	v7 =	vand.u32 $0xFFF0, v7;
	[tilespmem:v11+s22+$0x0] =	vst.idx.add.s32.msk $0xffff, v2  }
0xfd: {  	v8 =	vand.u32 $0xFFF0, v8;
	v6 =	vshrl.u32 v6, $0x10;
	v7 =	vor.u32 v1, v7  }
0xfe: {  	v8 =	vor.u32 v1, v8;
	v6 =	vand.u32 $0xFFF0, v6;
	v4 =	vshrl.u32 v4, $0x10  }
0xff: {  	v6 =	vor.u32 v1, v6;
	v4 =	vand.u32 $0xFFF0, v4  }
0x100: {  	v4 =	vor.u32 v1, v4  }
0x101: {  	[tilespmem:v5+s22+$0x0] =	vst.idx.add.s32.msk $0xffff, v2  }
0x102: {  	[tilespmem:v7+s22+$0x0] =	vst.idx.add.s32.msk $0xffff, v2  }
0x103: {  	[tilespmem:v8+s22+$0x0] =	vst.idx.add.s32.msk $0xffff, v2  }
0x104: {  	[tilespmem:v6+s22+$0x0] =	vst.idx.add.s32.msk $0xffff, v2  }
0x105: {  	s3 =	simm.s32 $0x0;
	[tilespmem:v4+s22+$0x0] =	vst.idx.add.s32.msk $0xffff, v2  }
0x106: {  	[tilespmem:s20], [sflag:$0x2] =	stream.linear.gather [hbm4b:s12+s3], $0x400, $0x38;
	[tilespmem:$0x13A80] =	vst v63  }
0x107: {  	_ =	swait.ge [sflag:s21], $0x4000  }
0x108: {  	[sflag:s21] =	ssyncset.done $0x0  }
0x109: {  	s3 =	sand.u32 $0x3FC0, s3;
	[sflag:s21] =	ssyncadd.s32 $0xFFFFC000  }
0x10a: {  	v5 =	vld [tilespmem:s3+$0x0];
	_ =	sdelay $0x2  }
0x10b: {  	v4 =	vld [tilespmem:s3+$0x30]  }
0x10c: {  	v6 =	vld [tilespmem:s3+$0x10]  }
0x10d: {  	v7 =	vld [tilespmem:s3+$0x20];
	v5 =	vshrl.u32 v5, $0x10  }
0x10e: {  	v5 =	vand.u32 $0xFFF0, v5  }
0x10f: {  	s4 =	simm.s32 $0x40;
	v5 =	vor.u32 v1, v5  }
0x110: {  	s30 =	sand.u32 $0x3FC0, s4;
	v4 =	vshrl.u32 v4, $0x10  }
0x111: {  	v9 =	vld [tilespmem:s30+$0x30];
	v6 =	vshrl.u32 v6, $0x10;
	v4 =	vand.u32 $0xFFF0, v4  }
0x112: {  	v10 =	vld [tilespmem:s30+$0x0];
	v7 =	vshrl.u32 v7, $0x10;
	v8 =	vor.u32 v1, v4;
	v4 =	vand.u32 $0xFFF0, v6  }
0x113: {  	v7 =	vand.u32 $0xFFF0, v7;
	v6 =	vld [tilespmem:s30+$0x10];
	v11 =	vor.u32 v1, v4  }
0x114: {  	[tilespmem:v5+s22+$0x0] =	vst.idx.add.s32.msk $0xffff, v2;
	v5 =	vor.u32 v1, v7  }
0x115: {  	v4 =	vld [tilespmem:s30+$0x20];
	_ =	sdelay $0x1  }
0x116: {  	v9 =	vshrl.u32 v9, $0x10;
	[tilespmem:v8+s22+$0x0] =	vst.idx.add.s32.msk $0xffff, v2  }
0x117: {  	s4 =	simm.s32 $0x80;
	s3 =	simm.s32 $0x4;
	v8 =	vshrl.u32 v10, $0x10;
	v7 =	vand.u32 $0xFFF0, v9;
	[tilespmem:v11+s22+$0x0] =	vst.idx.add.s32.msk $0xffff, v2  }
.LBB2_16:
0x118: {  	s5 =	sand.u32 $0x3FC0, s4;
	s3 =	sadd.s32 $0x4, s3;
	v8 =	vand.u32 $0xFFF0, v8;
	v6 =	vshrl.u32 v6, $0x10;
	v7 =	vor.u32 v1, v7;
	[tilespmem:v5+s22+$0x0] =	vst.idx.add.s32.msk $0xffff, v2  }
0x119: {  	v9 =	vld [tilespmem:s5+$0x30];
	p0 =	slt.u32 s3, $0x3FC;
	v8 =	vor.u32 v1, v8;
	v5 =	vand.u32 $0xFFF0, v6;
	v4 =	vshrl.u32 v4, $0x10  }
0x11a: {  	v10 =	vld [tilespmem:s5+$0x0];
	v11 =	vor.u32 v1, v5;
	v4 =	vand.u32 $0xFFF0, v4  }
.Ltmp7:
0x11b: {  	v6 =	vld [tilespmem:s5+$0x10];
	v5 =	vor.u32 v1, v4;
	(pc) =	sbr.rel @p0 .LBB2_16-.Ltmp7, $4  }
0x11c: {  	v4 =	vld [tilespmem:s5+$0x20]  }
0x11d: {  	[tilespmem:v7+s22+$0x0] =	vst.idx.add.s32.msk $0xffff, v2  }
0x11e: {  	v7 =	vshrl.u32 v9, $0x10;
	[tilespmem:v8+s22+$0x0] =	vst.idx.add.s32.msk $0xffff, v2  }
0x11f: {  	s4 =	sadd.s32 $0x40, s4;
	v8 =	vshrl.u32 v10, $0x10;
	v7 =	vand.u32 $0xFFF0, v7;
	[tilespmem:v11+s22+$0x0] =	vst.idx.add.s32.msk $0xffff, v2  }
0x120: {  	v8 =	vand.u32 $0xFFF0, v8;
	v6 =	vshrl.u32 v6, $0x10;
	v7 =	vor.u32 v1, v7  }
0x121: {  	v8 =	vor.u32 v1, v8;
	v6 =	vand.u32 $0xFFF0, v6;
	v4 =	vshrl.u32 v4, $0x10  }
0x122: {  	v6 =	vor.u32 v1, v6;
	v4 =	vand.u32 $0xFFF0, v4  }
0x123: {  	v4 =	vor.u32 v1, v4  }
0x124: {  	[tilespmem:v5+s22+$0x0] =	vst.idx.add.s32.msk $0xffff, v2  }
0x125: {  	[tilespmem:v7+s22+$0x0] =	vst.idx.add.s32.msk $0xffff, v2  }
0x126: {  	[tilespmem:v8+s22+$0x0] =	vst.idx.add.s32.msk $0xffff, v2  }
0x127: {  	[tilespmem:v6+s22+$0x0] =	vst.idx.add.s32.msk $0xffff, v2  }
0x128: {  	[tilespmem:v4+s22+$0x0] =	vst.idx.add.s32.msk $0xffff, v2  }
0x129: {  	_ =	swait.ge [sflag:s23], $0x400  }
0x12a: {  	s14 =	simm.s32 $0x0;
	[sflag:s23] =	ssyncset.done $0x0  }
0x12b: {  	s3 =	sand.u32 $0x3C0, s14;
	[sflag:s23] =	ssyncadd.s32 $0xFFFFFC00  }
0x12c: {  	v5 =	vld [tilespmem:s3+$0x4000];
	_ =	sdelay $0x2  }
0x12d: {  	v4 =	vld [tilespmem:s3+$0x4030]  }
0x12e: {  	v6 =	vld [tilespmem:s3+$0x4010]  }
0x12f: {  	v7 =	vld [tilespmem:s3+$0x4020];
	v5 =	vshrl.u32 v5, $0x10  }
0x130: {  	v5 =	vand.u32 $0xFFF0, v5  }
0x131: {  	s4 =	simm.s32 $0x40;
	v5 =	vor.u32 v1, v5  }
0x132: {  	s30 =	sand.u32 $0x3C0, s4;
	v4 =	vshrl.u32 v4, $0x10  }
0x133: {  	v9 =	vld [tilespmem:s30+$0x4030];
	v6 =	vshrl.u32 v6, $0x10;
	v4 =	vand.u32 $0xFFF0, v4  }
0x134: {  	v10 =	vld [tilespmem:s30+$0x4000];
	v7 =	vshrl.u32 v7, $0x10;
	v8 =	vor.u32 v1, v4;
	v4 =	vand.u32 $0xFFF0, v6  }
0x135: {  	v7 =	vand.u32 $0xFFF0, v7;
	v6 =	vld [tilespmem:s30+$0x4010];
	v11 =	vor.u32 v1, v4  }
0x136: {  	[tilespmem:v5+s22+$0x0] =	vst.idx.add.s32.msk $0xffff, v2;
	v5 =	vor.u32 v1, v7  }
0x137: {  	v4 =	vld [tilespmem:s30+$0x4020];
	_ =	sdelay $0x1  }
0x138: {  	v9 =	vshrl.u32 v9, $0x10;
	[tilespmem:v8+s22+$0x0] =	vst.idx.add.s32.msk $0xffff, v2  }
0x139: {  	s4 =	simm.s32 $0x80;
	s3 =	simm.s32 $0x4;
	v8 =	vshrl.u32 v10, $0x10;
	v7 =	vand.u32 $0xFFF0, v9;
	[tilespmem:v11+s22+$0x0] =	vst.idx.add.s32.msk $0xffff, v2  }
.LBB2_18:
0x13a: {  	s5 =	sand.u32 $0x3C0, s4;
	s3 =	sadd.s32 $0x4, s3;
	v8 =	vand.u32 $0xFFF0, v8;
	v6 =	vshrl.u32 v6, $0x10;
	v7 =	vor.u32 v1, v7;
	[tilespmem:v5+s22+$0x0] =	vst.idx.add.s32.msk $0xffff, v2  }
0x13b: {  	v9 =	vld [tilespmem:s5+$0x4030];
	p0 =	slt.u32 s3, $0x3C;
	v8 =	vor.u32 v1, v8;
	v5 =	vand.u32 $0xFFF0, v6;
	v4 =	vshrl.u32 v4, $0x10  }
0x13c: {  	v10 =	vld [tilespmem:s5+$0x4000];
	v11 =	vor.u32 v1, v5;
	v4 =	vand.u32 $0xFFF0, v4  }
.Ltmp8:
0x13d: {  	v6 =	vld [tilespmem:s5+$0x4010];
	v5 =	vor.u32 v1, v4;
	(pc) =	sbr.rel @p0 .LBB2_18-.Ltmp8, $4  }
0x13e: {  	v4 =	vld [tilespmem:s5+$0x4020]  }
0x13f: {  	[tilespmem:v7+s22+$0x0] =	vst.idx.add.s32.msk $0xffff, v2  }
0x140: {  	v7 =	vshrl.u32 v9, $0x10;
	[tilespmem:v8+s22+$0x0] =	vst.idx.add.s32.msk $0xffff, v2  }
0x141: {  	s4 =	sadd.s32 $0x40, s4;
	v8 =	vshrl.u32 v10, $0x10;
	v7 =	vand.u32 $0xFFF0, v7;
	[tilespmem:v11+s22+$0x0] =	vst.idx.add.s32.msk $0xffff, v2  }
0x142: {  	v8 =	vand.u32 $0xFFF0, v8;
	v6 =	vshrl.u32 v6, $0x10;
	v7 =	vor.u32 v1, v7  }
0x143: {  	v8 =	vor.u32 v1, v8;
	v6 =	vand.u32 $0xFFF0, v6;
	v4 =	vshrl.u32 v4, $0x10  }
0x144: {  	v6 =	vor.u32 v1, v6;
	v4 =	vand.u32 $0xFFF0, v4  }
0x145: {  	v4 =	vor.u32 v1, v4  }
0x146: {  	[tilespmem:v5+s22+$0x0] =	vst.idx.add.s32.msk $0xffff, v2  }
0x147: {  	[tilespmem:v7+s22+$0x0] =	vst.idx.add.s32.msk $0xffff, v2  }
0x148: {  	[tilespmem:v8+s22+$0x0] =	vst.idx.add.s32.msk $0xffff, v2  }
0x149: {  	[tilespmem:v6+s22+$0x0] =	vst.idx.add.s32.msk $0xffff, v2  }
0x14a: {  	s13 =	simm.s32 $0x80000000;
	s5 =	simm.s32 $0xFFF0;
	[tilespmem:v4+s22+$0x0] =	vst.idx.add.s32.msk $0xffff, v2  }
.LBB2_20:
0x14b: {  	v4 =	vld [tilespmem:s5+$0x0];
	_ =	sdelay $0x4  }
0x14c: {  	(xrf0) =	vadd.scan.msk.s32 $0xffff, v4;
	_ =	sdelay $0x5  }
0x14d: {  	v4, _, _ =	vpop (xrf0)  }
0x14e: {  	(v2sf) =	vpush v4, $0xF;
	_ =	sdelay $0xe  }
0x14f: {  	s6 =	spop (v2sf)  }
0x150: {  	s4 =	smov.u32 s14;
	p0 =	seq.s32 s13, $0x100000;
	s14 =	sadd.s32 s14, s6  }
0x151: {  	p1 =	slt.s32 @!p0 s14, $0x12C  }
0x152: {  	p0 =	por p0, !p1  }
.Ltmp9:
0x153: {  	_ = 	snop;
	(pc) =	sbr.rel @!p0 .LBB2_20-.Ltmp9, $2  }
0x154: {  	_ =	sdelay $0x2  }
0x155: {  	s3 =	smov.u32 s13;
	s13 =	sadd.s32 $0xFFF00000, s13;
	s5 =	sadd.s32 $0xFFFFFFF0, s5  }
0x156: {  	[tilespmem:s2], [sflag:$0x1] =	stream.linear.gather [hbm4b:s7+s2], $0x4000, $0x38;
	[tilespmem:$0x13A80] =	vst v63  }
0x157: {  	s8 =	smov.u32 s7  }
0x158: {  	[tilespmem:s20], [sflag:$0x2] =	stream.linear.gather [hbm4b:s15+s2], $0x4000, $0x38;
	[tilespmem:$0x13A80] =	vst v63  }
0x159: {  	s5 =	simm.s32 $0x0;
	s6 =	simm.s32 $0x10;
	_ =	swait.ge [sflag:s21], $0x4000  }
0x15a: {  	s30 =	simm.s32 $0x20;
	s14 =	sand.u32 $0x3F80, s5;
	[sflag:s21] =	ssyncset.done $0x0  }
0x15b: {  	s7 =	sand.u32 $0x3FC0, s5;
	s16 =	sand.u32 $0x50, s6;
	[sflag:s21] =	ssyncadd.s32 $0xFFFFC000  }
0x15c: {  	s9 =	smov.u32 s15;
	s15 =	sor.u32 s16, s14;
	v8 =	vld [tilespmem:s7+$0x0];
	s7 =	sand.u32 $0x60, s30  }
0x15d: {  	s16 =	simm.s32 $0x30;
	v7 =	vld [tilespmem:s15+$0x0];
	s7 =	sor.u32 s7, s14  }
0x15e: {  	v4 =	vmov s13;
	s15 =	sand.u32 $0x70, s16;
	v6 =	vld [tilespmem:s7+$0x0]  }
0x15f: {  	v4 =	vbroadcast v4, $0x0;
	s15 =	sor.u32 s15, s14  }
0x160: {  	v5 =	vld [tilespmem:s15+$0x0]  }
0x161: {  	vm0 =	vge.f32 v8, v4  }
0x162: {  	vm1 =	vge.f32 v7, v4;
	v9 =	vsel vm0, $0x1, v0  }
0x163: {  	v13 =	vimm.s32 $0x0;
	v10 =	vsel vm1, $0x1, v0;
	(xrf0) =	vadd.scan.msk.s32 $0xffff, v9;
	vm5 =	vge.f32 v6, v4  }
0x164: {  	v11 =	vmpcnt.ones.xlane vm0;
	v12 =	vmpcnt.ones.xlane vm1;
	(xrf0) =	vadd.scan.msk.s32 $0xffff, v10;
	v10 =	vsel vm5, $0x1, v0  }
0x165: {  	vm4 =	vmmov vm0;
	vm2 =	vmmov vm1;
	vm3 =	vge.f32 v5, v4;
	(xrf0) =	vadd.scan.msk.s32 $0xffff, v10  }
0x166: {  	v15 =	vadd.s32 v13, v11;
	v14 =	vmpcnt.ones.xlane vm5;
	v11 =	vsel vm3, $0x1, v0  }
0x167: {  	v9 =	vor.u32 s16, v1;
	v17 =	vmpcnt.ones.xlane vm3;
	v16 =	vadd.s32 v15, v12;
	(xrf0) =	vadd.scan.msk.s32 $0xffff, v11  }
0x168: {  	vm1 =	vmmov vm5;
	v10 =	vor.u32 s5, v1;
	v21 =	vadd.s32 v16, v14  }
0x169: {  	s15 =	simm.s32 $0x70;
	s16 =	simm.s32 $0x40;
	v12 =	vor.u32 s6, v1;
	v11 =	vor.u32 s30, v1;
	v14 =	vadd.s32 v21, v17;
	v18, _, _ =	vpop (xrf0)  }
0x16a: {  	s14 =	simm.s32 $0x60;
	s6 =	simm.s32 $0x50;
	v17 =	vor.u32 s15, v1;
	v13 =	vadd.s32 v18, v13;
	v19, _, _ =	vpop (xrf0);
	v18 =	vor.u32 s16, v1  }
0x16b: {  	s7 =	sand.u32 $0x3FC0, s16;
	s30 =	sand.u32 $0x3F80, s16;
	s16 =	sand.u32 $0x50, s6;
	v13 =	vadd.s32 $0xFFFFFFFF, v13;
	v19 =	vadd.s32 v19, v15;
	v15 =	vor.u32 s6, v1;
	v23, _, _ =	vpop (xrf0)  }
0x16c: {  	v20 =	vld [tilespmem:s7+$0x0];
	s7 =	sand.u32 $0x60, s14;
	s5 =	sor.u32 s16, s30;
	vm5 =	vlt.s32 v13, $0x7FF;
	v22 =	vadd.s32 $0xFFFFFFFF, v19;
	v23 =	vadd.s32 v23, v16  }
0x16d: {  	s16 =	simm.s32 $0x4;
	s6 =	sand.u32 $0x70, s15;
	v19 =	vld [tilespmem:s5+$0x0];
	s5 =	sor.u32 s7, s30;
	v24, _, _ =	vpop (xrf0);
	v16 =	vmov v14;
	v13 =	vnsel vm5, $0x7FF, v13;
	vm5 =	vlt.s32 v22, $0x7FF  }
.LBB2_22:
0x16e: {  	s16 =	sadd.s32 $0x4, s16;
	v25 =	vld [tilespmem:s5+$0x0];
	s5 =	sor.u32 s6, s30;
	v22 =	vnsel vm5, $0x7FF, v22;
	v23 =	vadd.s32 $0xFFFFFFFF, v23;
	v21 =	vadd.s32 v24, v21;
	v24 =	vmovc v17;
	v26 =	vmovc v10  }
0x16f: {  	v17 =	vor.u32 s14, v1;
	v10 =	vmovc v18;
	p0 =	slt.u32 s16, $0x3FC;
	v27 =	vld [tilespmem:s5+$0x0];
	vm5 =	vlt.s32 v23, $0x7FF;
	v21 =	vadd.s32 $0xFFFFFFFF, v21  }
0x170: {  	v18 =	vnsel vm5, $0x7FF, v23;
	vm6 =	vlt.s32 v21, $0x7FF;
	vm5 =	vmmov vm0  }
0x171: {  	vm0 =	vge.f32 v20, v4;
	v23 =	vnsel vm6, $0x7FF, v21;
	vm6 =	vmmov vm3  }
0x172: {  	v21 =	vsel vm0, $0x1, v0;
	v28 =	vmpcnt.ones.xlane vm0;
	vm7 =	vge.f32 v19, v4;
	[tilespmem:v13+s24+$0x0] =	vst.idx.msk vm4, v8;
	v8 =	vmovc v20  }
0x173: {  	v20 =	vsel vm7, $0x1, v0;
	v29 =	vmpcnt.ones.xlane vm7;
	vm8 =	vge.f32 v25, v4;
	(xrf0) =	vadd.scan.msk.s32 $0xffff, v21  }
0x174: {  	v28 =	vadd.s32 v14, v28;
	v14 =	vmpcnt.ones.xlane vm8;
	vm3 =	vge.f32 v27, v4;
	(xrf0) =	vadd.scan.msk.s32 $0xffff, v20  }
0x175: {  	v20 =	vsel vm8, $0x1, v0;
	v29 =	vadd.s32 v28, v29;
	v30 =	vmpcnt.ones.xlane vm3;
	[tilespmem:v22+s24+$0x0] =	vst.idx.msk vm2, v7;
	v7 =	vmovc v19  }
0x176: {  	v19 =	vsel vm3, $0x1, v0;
	v21 =	vadd.s32 v29, v14;
	(xrf0) =	vadd.scan.msk.s32 $0xffff, v20;
	[tilespmem:v22+s25+$0x0] =	vst.idx.msk vm2, v12;
	v12 =	vmovc v15  }
0x177: {  	vm4 =	vmmov vm0;
	v14 =	vadd.s32 v21, v30;
	(xrf0) =	vadd.scan.msk.s32 $0xffff, v19;
	[tilespmem:v18+s24+$0x0] =	vst.idx.msk vm1, v6;
	v6 =	vmovc v25  }
0x178: {  	vm2 =	vmmov vm7;
	[tilespmem:v18+s25+$0x0] =	vst.idx.msk vm1, v11;
	v11 =	vmov v17;
	vm1 =	vmmov vm8  }
.Ltmp10:
0x179: {  	s15 =	sadd.s32 $0x40, s15;
	v15, _, _ =	vpop (xrf0);
	[tilespmem:v23+s24+$0x0] =	vst.idx.msk vm6, v5;
	v5 =	vmov v27;
	(pc) =	sbr.rel @p0 .LBB2_22-.Ltmp10, $4  }
0x17a: {  	s5 =	sadd.s32 $0xFFFFFFD0, s15;
	s6 =	sadd.s32 $0xFFFFFFE0, s15;
	s14 =	sadd.s32 $0xFFFFFFF0, s15;
	v17 =	vor.u32 s15, v1;
	v15 =	vadd.s32 v15, v16;
	v19, _, _ =	vpop (xrf0);
	[tilespmem:v23+s25+$0x0] =	vst.idx.msk vm6, v9;
	v16 =	vmov v14  }
0x17b: {  	s30 =	sand.u32 $0x3F80, s5;
	s7 =	sand.u32 $0x3FC0, s5;
	v18 =	vor.u32 s5, v1;
	s5 =	sand.u32 $0x50, s6;
	v9 =	vmovc v24;
	v23 =	vadd.s32 $0xFFFFFFFF, v15;
	v19 =	vadd.s32 v19, v28;
	[tilespmem:v13+s25+$0x0] =	vst.idx.msk vm5, v26  }
0x17c: {  	s5 =	sor.u32 s5, s30;
	v15 =	vor.u32 s6, v1;
	s6 =	sand.u32 $0x60, s14;
	v20 =	vld [tilespmem:s7+$0x0];
	vm5 =	vlt.s32 v23, $0x7FF;
	v22 =	vadd.s32 $0xFFFFFFFF, v19;
	v24, _, _ =	vpop (xrf0)  }
0x17d: {  	v19 =	vld [tilespmem:s5+$0x0];
	s5 =	sor.u32 s6, s30;
	s6 =	sand.u32 $0x70, s15;
	v13 =	vnsel vm5, $0x7FF, v23;
	vm5 =	vlt.s32 v22, $0x7FF;
	v23 =	vadd.s32 v24, v29;
	v24, _, _ =	vpop (xrf0)  }
0x17e: {  	v25 =	vld [tilespmem:s5+$0x0];
	_ =	sdelay $0x2  }
0x17f: {  	vm9 =	vge.f32 v20, v4  }
0x180: {  	s7 =	sor.u32 s6, s30;
	v27 =	vsel vm9, $0x1, v0;
	vm8 =	vge.f32 v19, v4  }
0x181: {  	v26 =	vld [tilespmem:s7+$0x0];
	v28 =	vsel vm8, $0x1, v0;
	(xrf0) =	vadd.scan.msk.s32 $0xffff, v27;
	vm6 =	vge.f32 v25, v4  }
0x182: {  	v21 =	vadd.s32 v24, v21;
	(xrf0) =	vadd.scan.msk.s32 $0xffff, v28;
	v24 =	vsel vm6, $0x1, v0  }
0x183: {  	(xrf0) =	vadd.scan.msk.s32 $0xffff, v24;
	v24 =	vmpcnt.ones.xlane vm9  }
0x184: {  	v23 =	vadd.s32 $0xFFFFFFFF, v23  }
0x185: {  	v22 =	vnsel vm5, $0x7FF, v22;
	vm7 =	vlt.s32 v23, $0x7FF  }
0x186: {  	vm15 =	vmmov vm0;
	v23 =	vnsel vm7, $0x7FF, v23;
	vm5 =	vge.f32 v26, v4  }
0x187: {  	v63 =	vmpcnt.ones.xlane vm8;
	v27 =	vsel vm5, $0x1, v0;
	v14 =	vadd.s32 v14, v24;
	v24, _, _ =	vpop (xrf0)  }
0x188: {  	vm3 =	vmmov vm3;
	v21 =	vadd.s32 $0xFFFFFFFF, v21;
	(xrf0) =	vadd.scan.msk.s32 $0xffff, v27;
	v16 =	vadd.s32 v24, v16;
	v24, _, _ =	vpop (xrf0)  }
0x189: {  	[tilespmem:v13+s24+$0x0] =	vst.idx.msk vm4, v8;
	vm10 =	vlt.s32 v21, $0x7FF;
	v27 =	vadd.s32 v14, v63;
	v14 =	vadd.s32 v24, v14  }
0x18a: {  	v21 =	vnsel vm10, $0x7FF, v21;
	[tilespmem:v22+s24+$0x0] =	vst.idx.msk vm2, v7;
	v8 =	vmpcnt.ones.xlane vm6;
	v7 =	vadd.s32 $0xFFFFFFFF, v16  }
0x18b: {  	[tilespmem:v22+s25+$0x0] =	vst.idx.msk vm2, v12;
	vm4 =	vlt.s32 v7, $0x7FF;
	v12 =	vadd.s32 $0xFFFFFFFF, v14  }
0x18c: {  	[tilespmem:v23+s24+$0x0] =	vst.idx.msk vm1, v6;
	v6 =	vnsel vm4, $0x7FF, v7;
	vm4 =	vlt.s32 v12, $0x7FF;
	v14, _, _ =	vpop (xrf0)  }
0x18d: {  	[tilespmem:v23+s25+$0x0] =	vst.idx.msk vm1, v11;
	v11 =	vnsel vm4, $0x7FF, v12;
	v7 =	vadd.s32 v14, v27  }
0x18e: {  	[tilespmem:v13+s25+$0x0] =	vst.idx.msk vm15, v10;
	v14 =	vadd.s32 v27, v8;
	v8, _, _ =	vpop (xrf0);
	v7 =	vadd.s32 $0xFFFFFFFF, v7  }
0x18f: {  	[tilespmem:v21+s24+$0x0] =	vst.idx.msk vm3, v5;
	v5 =	vadd.s32 v8, v14;
	vm4 =	vlt.s32 v7, $0x7FF  }
0x190: {  	[tilespmem:v21+s25+$0x0] =	vst.idx.msk vm3, v9;
	v5 =	vadd.s32 $0xFFFFFFFF, v5;
	v7 =	vnsel vm4, $0x7FF, v7  }
0x191: {  	vm3 =	vlt.s32 v5, $0x7FF;
	[tilespmem:v6+s24+$0x0] =	vst.idx.msk vm9, v20  }
0x192: {  	v5 =	vnsel vm3, $0x7FF, v5;
	[tilespmem:v11+s24+$0x0] =	vst.idx.msk vm8, v19  }
0x193: {  	[tilespmem:v6+s25+$0x0] =	vst.idx.msk vm9, v18  }
0x194: {  	[tilespmem:v11+s25+$0x0] =	vst.idx.msk vm8, v15  }
0x195: {  	v8 =	vor.u32 s14, v1;
	[tilespmem:v7+s24+$0x0] =	vst.idx.msk vm6, v25  }
0x196: {  	[tilespmem:v7+s25+$0x0] =	vst.idx.msk vm6, v8  }
0x197: {  	[tilespmem:v5+s24+$0x0] =	vst.idx.msk vm5, v26  }
0x198: {  	[tilespmem:v5+s25+$0x0] =	vst.idx.msk vm5, v17  }
0x199: {  	s14 =	rddreg [dreg:$0x7]  }
0x19a: {  	[tilespmem:s2], [sflag:$0x1] =	stream.linear.gather [hbm4b:s14+s2], $0x4000, $0x38;
	[tilespmem:$0x13A80] =	vst v63  }
0x19b: {  	_ =	swait.ge [sflag:s23], $0x4000  }
0x19c: {  	s15 =	simm.s32 $0x0;
	[sflag:s23] =	ssyncset.done $0x0  }
0x19d: {  	s5 =	sand.u32 $0x3FC0, s15;
	[sflag:s23] =	ssyncadd.s32 $0xFFFFC000  }
0x19e: {  	v8 =	vld [tilespmem:s5+$0x4000]  }
0x19f: {  	v7 =	vld [tilespmem:s5+$0x4010];
	_ =	sdelay $0x1  }
0x1a0: {  	v6 =	vld [tilespmem:s5+$0x4020]  }
0x1a1: {  	vm0 =	vmmov vm9;
	v5 =	vld [tilespmem:s5+$0x4030]  }
0x1a2: {  	vm1 =	vmmov vm6;
	v9 =	vmpcnt.ones.xlane vm5;
	vm0 =	vge.f32 v8, v4  }
0x1a3: {  	vm2 =	vmmov vm8;
	vm1 =	vge.f32 v7, v4;
	v10 =	vsel vm0, $0x1, v0  }
0x1a4: {  	s16 =	simm.s32 $0x4030;
	v13 =	vadd.s32 v14, v9;
	vm4 =	vmmov vm5;
	v11 =	vsel vm1, $0x1, v0;
	(xrf0) =	vadd.scan.msk.s32 $0xffff, v10  }
0x1a5: {  	v9 =	vor.u32 s16, v1;
	vm4 =	vge.f32 v6, v4;
	v10 =	vmpcnt.ones.xlane vm0;
	(xrf0) =	vadd.scan.msk.s32 $0xffff, v11  }
0x1a6: {  	vm2 =	vge.f32 v5, v4;
	v12 =	vsel vm4, $0x1, v0;
	v14 =	vmpcnt.ones.xlane vm4  }
0x1a7: {  	v11 =	vmpcnt.ones.xlane vm1;
	v17 =	vadd.s32 v13, v10;
	v10 =	vsel vm2, $0x1, v0;
	(xrf0) =	vadd.scan.msk.s32 $0xffff, v12  }
0x1a8: {  	s6 =	simm.s32 $0x4000;
	v15 =	vmpcnt.ones.xlane vm2;
	vm3 =	vmmov vm0;
	vm0 =	vmmov vm4;
	(xrf0) =	vadd.scan.msk.s32 $0xffff, v10  }
0x1a9: {  	s7 =	simm.s32 $0x4010;
	s14 =	simm.s32 $0x4020;
	vm1 =	vmmov vm1;
	v12 =	vor.u32 s6, v1;
	v18 =	vadd.s32 v17, v11  }
0x1aa: {  	v11 =	vor.u32 s7, v1;
	v10 =	vor.u32 s14, v1;
	s14 =	simm.s32 $0x4070;
	v20 =	vadd.s32 v18, v14;
	v14, _, _ =	vpop (xrf0)  }
0x1ab: {  	s15 =	simm.s32 $0x40;
	s16 =	simm.s32 $0x4040;
	v16 =	vor.u32 s14, v1;
	v15 =	vadd.s32 v20, v15;
	v13 =	vadd.s32 v14, v13;
	v19, _, _ =	vpop (xrf0)  }
0x1ac: {  	s30 =	sand.u32 $0x3FC0, s15;
	s7 =	simm.s32 $0x4050;
	v14 =	vor.u32 s16, v1;
	v21 =	vadd.s32 $0xFFFFFFFF, v13;
	v17 =	vadd.s32 v19, v17  }
0x1ad: {  	v19 =	vld [tilespmem:s30+$0x4000];
	v13 =	vor.u32 s7, v1;
	v24, _, _ =	vpop (xrf0);
	vm4 =	vlt.s32 v21, $0x7FF;
	v23 =	vadd.s32 $0xFFFFFFFF, v17  }
0x1ae: {  	v17 =	vld [tilespmem:s30+$0x4010];
	v24 =	vadd.s32 v24, v18;
	v25, _, _ =	vpop (xrf0);
	v22 =	vnsel vm4, $0x7FF, v21;
	vm4 =	vlt.s32 v23, $0x7FF  }
0x1af: {  	s15 =	simm.s32 $0x4;
	s16 =	simm.s32 $0x4060;
	v18 =	vld [tilespmem:s30+$0x4020];
	v21 =	vnsel vm4, $0x7FF, v23;
	v23 =	vadd.s32 $0xFFFFFFFF, v24;
	v24 =	vadd.s32 v25, v20;
	v20 =	vmovc v15  }
.LBB2_24:
0x1b0: {  	s15 =	sadd.s32 $0x4, s15;
	v25 =	vor.u32 s16, v1;
	v26 =	vld [tilespmem:s30+$0x4030];
	vm4 =	vlt.s32 v23, $0x7FF;
	v24 =	vadd.s32 $0xFFFFFFFF, v24;
	v27 =	vmovc v16  }
0x1b1: {  	p0 =	slt.u32 s15, $0x3FC;
	v16 =	vnsel vm4, $0x7FF, v23;
	vm6 =	vlt.s32 v24, $0x7FF;
	vm4 =	vmmov vm2  }
0x1b2: {  	vm5 =	vge.f32 v19, v4;
	v23 =	vnsel vm6, $0x7FF, v24  }
0x1b3: {  	v24 =	vsel vm5, $0x1, v0;
	v28 =	vmpcnt.ones.xlane vm5;
	vm6 =	vge.f32 v17, v4;
	[tilespmem:v22+s24+$0x0] =	vst.idx.msk vm3, v8;
	v8 =	vmovc v19  }
0x1b4: {  	v19 =	vsel vm6, $0x1, v0;
	v29 =	vmpcnt.ones.xlane vm6;
	vm7 =	vge.f32 v18, v4;
	(xrf0) =	vadd.scan.msk.s32 $0xffff, v24  }
0x1b5: {  	v24 =	vadd.s32 v15, v28;
	v15 =	vmpcnt.ones.xlane vm7;
	vm2 =	vge.f32 v26, v4;
	(xrf0) =	vadd.scan.msk.s32 $0xffff, v19  }
0x1b6: {  	v19 =	vsel vm7, $0x1, v0;
	v28 =	vadd.s32 v24, v29;
	v29 =	vmpcnt.ones.xlane vm2;
	[tilespmem:v22+s25+$0x0] =	vst.idx.msk vm3, v12;
	v12 =	vmovc v14  }
0x1b7: {  	v14 =	vsel vm2, $0x1, v0;
	v30 =	vadd.s32 v28, v15;
	(xrf0) =	vadd.scan.msk.s32 $0xffff, v19;
	[tilespmem:v21+s24+$0x0] =	vst.idx.msk vm1, v7;
	v7 =	vmovc v17  }
0x1b8: {  	vm3 =	vmmov vm5;
	v15 =	vadd.s32 v30, v29;
	(xrf0) =	vadd.scan.msk.s32 $0xffff, v14;
	[tilespmem:v21+s25+$0x0] =	vst.idx.msk vm1, v11;
	v11 =	vmovc v13  }
0x1b9: {  	s14 =	sadd.s32 $0x40, s14;
	vm1 =	vmmov vm6;
	[tilespmem:v16+s24+$0x0] =	vst.idx.msk vm0, v6;
	v6 =	vmov v18  }
0x1ba: {  	s5 =	sadd.s32 $0xFFFFBFD0, s14;
	v13, _, _ =	vpop (xrf0);
	[tilespmem:v16+s25+$0x0] =	vst.idx.msk vm0, v10;
	v10 =	vmov v25;
	vm0 =	vmmov vm7  }
.Ltmp11:
0x1bb: {  	s6 =	sadd.s32 $0xFFFFFFD0, s14;
	s7 =	sadd.s32 $0xFFFFFFE0, s14;
	v16 =	vor.u32 s14, v1;
	v13 =	vadd.s32 v13, v20;
	v17, _, _ =	vpop (xrf0);
	[tilespmem:v23+s24+$0x0] =	vst.idx.msk vm4, v5;
	(pc) =	sbr.rel @p0 .LBB2_24-.Ltmp11, $4  }
0x1bc: {  	s16 =	sadd.s32 $0xFFFFFFF0, s14;
	s30 =	sand.u32 $0x3FC0, s5;
	v14 =	vor.u32 s6, v1;
	v5 =	vmovc v26;
	v18 =	vadd.s32 $0xFFFFFFFF, v13;
	v17 =	vadd.s32 v17, v24;
	[tilespmem:v23+s25+$0x0] =	vst.idx.msk vm4, v9  }
0x1bd: {  	v13 =	vor.u32 s7, v1;
	v19 =	vld [tilespmem:s30+$0x4000];
	vm4 =	vlt.s32 v18, $0x7FF;
	v26 =	vadd.s32 $0xFFFFFFFF, v17;
	v20, _, _ =	vpop (xrf0)  }
0x1be: {  	v17 =	vld [tilespmem:s30+$0x4010];
	v22 =	vnsel vm4, $0x7FF, v18;
	vm4 =	vlt.s32 v26, $0x7FF;
	v25 =	vadd.s32 v20, v28;
	v24, _, _ =	vpop (xrf0)  }
0x1bf: {  	v9 =	vmovc v27;
	v20 =	vmovc v15;
	v18 =	vld [tilespmem:s30+$0x4020];
	v21 =	vnsel vm4, $0x7FF, v26;
	v23 =	vadd.s32 $0xFFFFFFFF, v25;
	v24 =	vadd.s32 v24, v30  }
0x1c0: {  	_ = 	snop  }
0x1c1: {  	v25 =	vld [tilespmem:s30+$0x4030]  }
0x1c2: {  	vm7 =	vge.f32 v19, v4  }
0x1c3: {  	v26 =	vsel vm7, $0x1, v0  }
0x1c4: {  	vm6 =	vge.f32 v17, v4;
	(xrf0) =	vadd.scan.msk.s32 $0xffff, v26  }
0x1c5: {  	v26 =	vsel vm6, $0x1, v0;
	vm5 =	vge.f32 v18, v4  }
0x1c6: {  	(xrf0) =	vadd.scan.msk.s32 $0xffff, v26;
	v26 =	vsel vm5, $0x1, v0;
	vm4 =	vge.f32 v25, v4  }
0x1c7: {  	(xrf0) =	vadd.scan.msk.s32 $0xffff, v26;
	v26 =	vsel vm4, $0x1, v0;
	_ =	sdelay $0x1  }
0x1c8: {  	v24 =	vadd.s32 $0xFFFFFFFF, v24;
	vm8 =	vlt.s32 v23, $0x7FF;
	vm2 =	vmmov vm2  }
0x1c9: {  	vm9 =	vlt.s32 v24, $0x7FF;
	v23 =	vnsel vm8, $0x7FF, v23;
	v27 =	vmpcnt.ones.xlane vm7;
	(xrf0) =	vadd.scan.msk.s32 $0xffff, v26;
	v26, _, _ =	vpop (xrf0)  }
0x1ca: {  	[tilespmem:v22+s24+$0x0] =	vst.idx.msk vm3, v8;
	v24 =	vnsel vm9, $0x7FF, v24;
	v8 =	vmpcnt.ones.xlane vm6;
	v20 =	vadd.s32 v26, v20  }
0x1cb: {  	[tilespmem:v22+s25+$0x0] =	vst.idx.msk vm3, v12;
	vm3 =	vmmov vm7;
	v15 =	vadd.s32 v15, v27;
	v12, _, _ =	vpop (xrf0);
	v20 =	vadd.s32 $0xFFFFFFFF, v20  }
0x1cc: {  	[tilespmem:v21+s24+$0x0] =	vst.idx.msk vm1, v7;
	v8 =	vadd.s32 v15, v8;
	v7 =	vadd.s32 v12, v15;
	vm14 =	vlt.s32 v20, $0x7FF  }
0x1cd: {  	[tilespmem:v21+s25+$0x0] =	vst.idx.msk vm1, v11;
	v26 =	vmpcnt.ones.xlane vm5;
	v11, _, _ =	vpop (xrf0);
	v7 =	vadd.s32 $0xFFFFFFFF, v7;
	v12 =	vnsel vm14, $0x7FF, v20  }
0x1ce: {  	vm1 =	vmmov vm6;
	[tilespmem:v23+s24+$0x0] =	vst.idx.msk vm0, v6;
	v6 =	vadd.s32 v11, v8;
	vm15 =	vlt.s32 v7, $0x7FF  }
0x1cf: {  	[tilespmem:v23+s25+$0x0] =	vst.idx.msk vm0, v10;
	v11 =	vadd.s32 v8, v26;
	v8, _, _ =	vpop (xrf0);
	v6 =	vadd.s32 $0xFFFFFFFF, v6;
	v7 =	vnsel vm15, $0x7FF, v7  }
0x1d0: {  	vm0 =	vmmov vm5;
	[tilespmem:v24+s24+$0x0] =	vst.idx.msk vm2, v5;
	v5 =	vadd.s32 v8, v11;
	vm5 =	vlt.s32 v6, $0x7FF  }
0x1d1: {  	[tilespmem:v24+s25+$0x0] =	vst.idx.msk vm2, v9;
	v5 =	vadd.s32 $0xFFFFFFFF, v5;
	v6 =	vnsel vm5, $0x7FF, v6  }
0x1d2: {  	vm2 =	vlt.s32 v5, $0x7FF;
	[tilespmem:v12+s24+$0x0] =	vst.idx.msk vm3, v19  }
0x1d3: {  	v5 =	vnsel vm2, $0x7FF, v5;
	[tilespmem:v12+s25+$0x0] =	vst.idx.msk vm3, v14  }
0x1d4: {  	[tilespmem:v7+s24+$0x0] =	vst.idx.msk vm1, v17  }
0x1d5: {  	[tilespmem:v7+s25+$0x0] =	vst.idx.msk vm1, v13  }
0x1d6: {  	v7 =	vor.u32 s16, v1;
	[tilespmem:v6+s24+$0x0] =	vst.idx.msk vm0, v18  }
0x1d7: {  	[tilespmem:v6+s25+$0x0] =	vst.idx.msk vm0, v7  }
0x1d8: {  	[tilespmem:v5+s24+$0x0] =	vst.idx.msk vm4, v25  }
0x1d9: {  	[tilespmem:v5+s25+$0x0] =	vst.idx.msk vm4, v16  }
0x1da: {  	s5 =	rddreg [dreg:$0x8]  }
0x1db: {  	[tilespmem:s20], [sflag:$0x2] =	stream.linear.gather [hbm4b:s5+s2], $0x4000, $0x38;
	[tilespmem:$0x13A80] =	vst v63  }
0x1dc: {  	_ =	swait.ge [sflag:s21], $0x4000  }
0x1dd: {  	s16 =	simm.s32 $0x0;
	[sflag:s21] =	ssyncset.done $0x0  }
0x1de: {  	s5 =	sand.u32 $0x3FC0, s16;
	[sflag:s21] =	ssyncadd.s32 $0xFFFFC000  }
0x1df: {  	v8 =	vld [tilespmem:s5+$0x0]  }
0x1e0: {  	v7 =	vld [tilespmem:s5+$0x10];
	_ =	sdelay $0x1  }
0x1e1: {  	v6 =	vld [tilespmem:s5+$0x20]  }
0x1e2: {  	v5 =	vld [tilespmem:s5+$0x30]  }
0x1e3: {  	v9 =	vmpcnt.ones.xlane vm4;
	vm0 =	vge.f32 v8, v4  }
0x1e4: {  	vm1 =	vge.f32 v7, v4;
	v10 =	vsel vm0, $0x1, v0  }
0x1e5: {  	s6 =	simm.s32 $0x8030;
	vm5 =	vmmov vm4;
	v13 =	vadd.s32 v11, v9;
	v11 =	vsel vm1, $0x1, v0;
	(xrf0) =	vadd.scan.msk.s32 $0xffff, v10  }
0x1e6: {  	v9 =	vor.u32 s6, v1;
	vm4 =	vge.f32 v6, v4;
	v10 =	vmpcnt.ones.xlane vm0;
	(xrf0) =	vadd.scan.msk.s32 $0xffff, v11  }
0x1e7: {  	vm2 =	vge.f32 v5, v4;
	v12 =	vsel vm4, $0x1, v0;
	v14 =	vmpcnt.ones.xlane vm4  }
0x1e8: {  	v11 =	vmpcnt.ones.xlane vm1;
	v17 =	vadd.s32 v13, v10;
	v10 =	vsel vm2, $0x1, v0;
	(xrf0) =	vadd.scan.msk.s32 $0xffff, v12  }
0x1e9: {  	s7 =	simm.s32 $0x8000;
	v15 =	vmpcnt.ones.xlane vm2;
	vm3 =	vmmov vm0;
	vm0 =	vmmov vm4;
	(xrf0) =	vadd.scan.msk.s32 $0xffff, v10  }
0x1ea: {  	s14 =	simm.s32 $0x8020;
	s6 =	simm.s32 $0x8010;
	vm1 =	vmmov vm1;
	v12 =	vor.u32 s7, v1;
	v18 =	vadd.s32 v17, v11  }
0x1eb: {  	v11 =	vor.u32 s6, v1;
	v10 =	vor.u32 s14, v1;
	s14 =	simm.s32 $0x8070;
	v20 =	vadd.s32 v18, v14;
	v14, _, _ =	vpop (xrf0)  }
0x1ec: {  	s15 =	simm.s32 $0x40;
	s16 =	simm.s32 $0x8040;
	v16 =	vor.u32 s14, v1;
	v15 =	vadd.s32 v20, v15;
	v13 =	vadd.s32 v14, v13;
	v19, _, _ =	vpop (xrf0)  }
0x1ed: {  	s30 =	sand.u32 $0x3FC0, s15;
	s7 =	simm.s32 $0x8050;
	v14 =	vor.u32 s16, v1;
	v21 =	vadd.s32 $0xFFFFFFFF, v13;
	v17 =	vadd.s32 v19, v17  }
0x1ee: {  	v19 =	vld [tilespmem:s30+$0x0];
	v13 =	vor.u32 s7, v1;
	v24, _, _ =	vpop (xrf0);
	vm4 =	vlt.s32 v21, $0x7FF;
	v23 =	vadd.s32 $0xFFFFFFFF, v17  }
0x1ef: {  	v17 =	vld [tilespmem:s30+$0x10];
	v24 =	vadd.s32 v24, v18;
	v25, _, _ =	vpop (xrf0);
	v22 =	vnsel vm4, $0x7FF, v21;
	vm4 =	vlt.s32 v23, $0x7FF  }
0x1f0: {  	s15 =	simm.s32 $0x4;
	s16 =	simm.s32 $0x8060;
	v18 =	vld [tilespmem:s30+$0x20];
	v21 =	vnsel vm4, $0x7FF, v23;
	v23 =	vadd.s32 $0xFFFFFFFF, v24;
	v24 =	vadd.s32 v25, v20;
	v20 =	vmovc v15  }
.LBB2_26:
0x1f1: {  	s15 =	sadd.s32 $0x4, s15;
	v25 =	vor.u32 s16, v1;
	v26 =	vld [tilespmem:s30+$0x30];
	vm4 =	vlt.s32 v23, $0x7FF;
	v24 =	vadd.s32 $0xFFFFFFFF, v24;
	v27 =	vmovc v16  }
0x1f2: {  	p0 =	slt.u32 s15, $0x3FC;
	v16 =	vnsel vm4, $0x7FF, v23;
	vm6 =	vlt.s32 v24, $0x7FF;
	vm4 =	vmmov vm2  }
0x1f3: {  	vm5 =	vge.f32 v19, v4;
	v23 =	vnsel vm6, $0x7FF, v24  }
0x1f4: {  	v24 =	vsel vm5, $0x1, v0;
	v28 =	vmpcnt.ones.xlane vm5;
	vm6 =	vge.f32 v17, v4;
	[tilespmem:v22+s24+$0x0] =	vst.idx.msk vm3, v8;
	v8 =	vmovc v19  }
0x1f5: {  	v19 =	vsel vm6, $0x1, v0;
	v29 =	vmpcnt.ones.xlane vm6;
	vm7 =	vge.f32 v18, v4;
	(xrf0) =	vadd.scan.msk.s32 $0xffff, v24  }
0x1f6: {  	v24 =	vadd.s32 v15, v28;
	v15 =	vmpcnt.ones.xlane vm7;
	vm2 =	vge.f32 v26, v4;
	(xrf0) =	vadd.scan.msk.s32 $0xffff, v19  }
0x1f7: {  	v19 =	vsel vm7, $0x1, v0;
	v28 =	vadd.s32 v24, v29;
	v29 =	vmpcnt.ones.xlane vm2;
	[tilespmem:v22+s25+$0x0] =	vst.idx.msk vm3, v12;
	v12 =	vmovc v14  }
0x1f8: {  	v14 =	vsel vm2, $0x1, v0;
	v30 =	vadd.s32 v28, v15;
	(xrf0) =	vadd.scan.msk.s32 $0xffff, v19;
	[tilespmem:v21+s24+$0x0] =	vst.idx.msk vm1, v7;
	v7 =	vmovc v17  }
0x1f9: {  	vm3 =	vmmov vm5;
	v15 =	vadd.s32 v30, v29;
	(xrf0) =	vadd.scan.msk.s32 $0xffff, v14;
	[tilespmem:v21+s25+$0x0] =	vst.idx.msk vm1, v11;
	v11 =	vmovc v13  }
0x1fa: {  	s14 =	sadd.s32 $0x40, s14;
	vm1 =	vmmov vm6;
	[tilespmem:v16+s24+$0x0] =	vst.idx.msk vm0, v6;
	v6 =	vmov v18  }
0x1fb: {  	s5 =	sadd.s32 $0xFFFF7FD0, s14;
	v13, _, _ =	vpop (xrf0);
	[tilespmem:v16+s25+$0x0] =	vst.idx.msk vm0, v10;
	v10 =	vmov v25;
	vm0 =	vmmov vm7  }
.Ltmp12:
0x1fc: {  	s6 =	sadd.s32 $0xFFFFFFD0, s14;
	s7 =	sadd.s32 $0xFFFFFFE0, s14;
	v16 =	vor.u32 s14, v1;
	v13 =	vadd.s32 v13, v20;
	v17, _, _ =	vpop (xrf0);
	[tilespmem:v23+s24+$0x0] =	vst.idx.msk vm4, v5;
	(pc) =	sbr.rel @p0 .LBB2_26-.Ltmp12, $4  }
0x1fd: {  	s16 =	sadd.s32 $0xFFFFFFF0, s14;
	s30 =	sand.u32 $0x3FC0, s5;
	v14 =	vor.u32 s6, v1;
	v5 =	vmovc v26;
	v18 =	vadd.s32 $0xFFFFFFFF, v13;
	v17 =	vadd.s32 v17, v24;
	[tilespmem:v23+s25+$0x0] =	vst.idx.msk vm4, v9  }
0x1fe: {  	v13 =	vor.u32 s7, v1;
	v19 =	vld [tilespmem:s30+$0x0];
	vm4 =	vlt.s32 v18, $0x7FF;
	v26 =	vadd.s32 $0xFFFFFFFF, v17;
	v20, _, _ =	vpop (xrf0)  }
0x1ff: {  	v17 =	vld [tilespmem:s30+$0x10];
	v22 =	vnsel vm4, $0x7FF, v18;
	vm4 =	vlt.s32 v26, $0x7FF;
	v25 =	vadd.s32 v20, v28;
	v24, _, _ =	vpop (xrf0)  }
0x200: {  	v9 =	vmovc v27;
	v20 =	vmovc v15;
	v18 =	vld [tilespmem:s30+$0x20];
	v21 =	vnsel vm4, $0x7FF, v26;
	v23 =	vadd.s32 $0xFFFFFFFF, v25;
	v24 =	vadd.s32 v24, v30  }
0x201: {  	_ = 	snop  }
0x202: {  	v25 =	vld [tilespmem:s30+$0x30]  }
0x203: {  	vm7 =	vge.f32 v19, v4  }
0x204: {  	v26 =	vsel vm7, $0x1, v0  }
0x205: {  	vm6 =	vge.f32 v17, v4;
	(xrf0) =	vadd.scan.msk.s32 $0xffff, v26  }
0x206: {  	v26 =	vsel vm6, $0x1, v0;
	vm5 =	vge.f32 v18, v4  }
0x207: {  	(xrf0) =	vadd.scan.msk.s32 $0xffff, v26;
	v26 =	vsel vm5, $0x1, v0;
	vm4 =	vge.f32 v25, v4  }
0x208: {  	(xrf0) =	vadd.scan.msk.s32 $0xffff, v26;
	v26 =	vsel vm4, $0x1, v0;
	_ =	sdelay $0x1  }
0x209: {  	v24 =	vadd.s32 $0xFFFFFFFF, v24;
	vm8 =	vlt.s32 v23, $0x7FF;
	vm2 =	vmmov vm2  }
0x20a: {  	vm9 =	vlt.s32 v24, $0x7FF;
	v23 =	vnsel vm8, $0x7FF, v23;
	v27 =	vmpcnt.ones.xlane vm7;
	(xrf0) =	vadd.scan.msk.s32 $0xffff, v26;
	v26, _, _ =	vpop (xrf0)  }
0x20b: {  	[tilespmem:v22+s24+$0x0] =	vst.idx.msk vm3, v8;
	v24 =	vnsel vm9, $0x7FF, v24;
	v8 =	vmpcnt.ones.xlane vm6;
	v20 =	vadd.s32 v26, v20  }
0x20c: {  	[tilespmem:v22+s25+$0x0] =	vst.idx.msk vm3, v12;
	vm3 =	vmmov vm7;
	v15 =	vadd.s32 v15, v27;
	v12, _, _ =	vpop (xrf0);
	v20 =	vadd.s32 $0xFFFFFFFF, v20  }
0x20d: {  	[tilespmem:v21+s24+$0x0] =	vst.idx.msk vm1, v7;
	v8 =	vadd.s32 v15, v8;
	v7 =	vadd.s32 v12, v15;
	vm14 =	vlt.s32 v20, $0x7FF  }
0x20e: {  	[tilespmem:v21+s25+$0x0] =	vst.idx.msk vm1, v11;
	v26 =	vmpcnt.ones.xlane vm5;
	v11, _, _ =	vpop (xrf0);
	v7 =	vadd.s32 $0xFFFFFFFF, v7;
	v12 =	vnsel vm14, $0x7FF, v20  }
0x20f: {  	vm1 =	vmmov vm6;
	[tilespmem:v23+s24+$0x0] =	vst.idx.msk vm0, v6;
	v6 =	vadd.s32 v11, v8;
	vm15 =	vlt.s32 v7, $0x7FF  }
0x210: {  	[tilespmem:v23+s25+$0x0] =	vst.idx.msk vm0, v10;
	v11 =	vadd.s32 v8, v26;
	v8, _, _ =	vpop (xrf0);
	v6 =	vadd.s32 $0xFFFFFFFF, v6;
	v7 =	vnsel vm15, $0x7FF, v7  }
0x211: {  	vm0 =	vmmov vm5;
	[tilespmem:v24+s24+$0x0] =	vst.idx.msk vm2, v5;
	v5 =	vadd.s32 v8, v11;
	vm5 =	vlt.s32 v6, $0x7FF  }
0x212: {  	[tilespmem:v24+s25+$0x0] =	vst.idx.msk vm2, v9;
	v5 =	vadd.s32 $0xFFFFFFFF, v5;
	v6 =	vnsel vm5, $0x7FF, v6  }
0x213: {  	vm2 =	vlt.s32 v5, $0x7FF;
	[tilespmem:v12+s24+$0x0] =	vst.idx.msk vm3, v19  }
0x214: {  	v5 =	vnsel vm2, $0x7FF, v5;
	[tilespmem:v12+s25+$0x0] =	vst.idx.msk vm3, v14  }
0x215: {  	[tilespmem:v7+s24+$0x0] =	vst.idx.msk vm1, v17  }
0x216: {  	[tilespmem:v7+s25+$0x0] =	vst.idx.msk vm1, v13  }
0x217: {  	v7 =	vor.u32 s16, v1;
	[tilespmem:v6+s24+$0x0] =	vst.idx.msk vm0, v18  }
0x218: {  	[tilespmem:v6+s25+$0x0] =	vst.idx.msk vm0, v7  }
0x219: {  	[tilespmem:v5+s24+$0x0] =	vst.idx.msk vm4, v25  }
0x21a: {  	[tilespmem:v5+s25+$0x0] =	vst.idx.msk vm4, v16  }
0x21b: {  	s5 =	rddreg [dreg:$0x9]  }
0x21c: {  	[tilespmem:s2], [sflag:$0x1] =	stream.linear.gather [hbm4b:s5+s2], $0x4000, $0x38;
	[tilespmem:$0x13A80] =	vst v63  }
0x21d: {  	_ =	swait.ge [sflag:s23], $0x4000  }
0x21e: {  	s16 =	simm.s32 $0x0;
	[sflag:s23] =	ssyncset.done $0x0  }
0x21f: {  	s5 =	sand.u32 $0x3FC0, s16;
	[sflag:s23] =	ssyncadd.s32 $0xFFFFC000  }
0x220: {  	v8 =	vld [tilespmem:s5+$0x4000]  }
0x221: {  	v7 =	vld [tilespmem:s5+$0x4010];
	_ =	sdelay $0x1  }
0x222: {  	v6 =	vld [tilespmem:s5+$0x4020]  }
0x223: {  	v5 =	vld [tilespmem:s5+$0x4030]  }
0x224: {  	v9 =	vmpcnt.ones.xlane vm4;
	vm0 =	vge.f32 v8, v4  }
0x225: {  	vm1 =	vge.f32 v7, v4;
	v10 =	vsel vm0, $0x1, v0  }
0x226: {  	s6 =	simm.s32 $0xC030;
	vm5 =	vmmov vm4;
	v13 =	vadd.s32 v11, v9;
	v11 =	vsel vm1, $0x1, v0;
	(xrf0) =	vadd.scan.msk.s32 $0xffff, v10  }
0x227: {  	v9 =	vor.u32 s6, v1;
	vm4 =	vge.f32 v6, v4;
	v10 =	vmpcnt.ones.xlane vm0;
	(xrf0) =	vadd.scan.msk.s32 $0xffff, v11  }
0x228: {  	vm2 =	vge.f32 v5, v4;
	v12 =	vsel vm4, $0x1, v0;
	v14 =	vmpcnt.ones.xlane vm4  }
0x229: {  	v11 =	vmpcnt.ones.xlane vm1;
	v17 =	vadd.s32 v13, v10;
	v10 =	vsel vm2, $0x1, v0;
	(xrf0) =	vadd.scan.msk.s32 $0xffff, v12  }
0x22a: {  	s7 =	simm.s32 $0xC000;
	v15 =	vmpcnt.ones.xlane vm2;
	vm3 =	vmmov vm0;
	vm0 =	vmmov vm4;
	(xrf0) =	vadd.scan.msk.s32 $0xffff, v10  }
0x22b: {  	s14 =	simm.s32 $0xC020;
	s6 =	simm.s32 $0xC010;
	vm1 =	vmmov vm1;
	v12 =	vor.u32 s7, v1;
	v18 =	vadd.s32 v17, v11  }
0x22c: {  	v11 =	vor.u32 s6, v1;
	v10 =	vor.u32 s14, v1;
	s14 =	simm.s32 $0xC070;
	v20 =	vadd.s32 v18, v14;
	v14, _, _ =	vpop (xrf0)  }
0x22d: {  	s15 =	simm.s32 $0x40;
	s16 =	simm.s32 $0xC040;
	v16 =	vor.u32 s14, v1;
	v15 =	vadd.s32 v20, v15;
	v13 =	vadd.s32 v14, v13;
	v19, _, _ =	vpop (xrf0)  }
0x22e: {  	s30 =	sand.u32 $0x3FC0, s15;
	s7 =	simm.s32 $0xC050;
	v14 =	vor.u32 s16, v1;
	v21 =	vadd.s32 $0xFFFFFFFF, v13;
	v17 =	vadd.s32 v19, v17  }
0x22f: {  	v19 =	vld [tilespmem:s30+$0x4000];
	v13 =	vor.u32 s7, v1;
	v24, _, _ =	vpop (xrf0);
	vm4 =	vlt.s32 v21, $0x7FF;
	v23 =	vadd.s32 $0xFFFFFFFF, v17  }
0x230: {  	v17 =	vld [tilespmem:s30+$0x4010];
	v24 =	vadd.s32 v24, v18;
	v25, _, _ =	vpop (xrf0);
	v22 =	vnsel vm4, $0x7FF, v21;
	vm4 =	vlt.s32 v23, $0x7FF  }
0x231: {  	s15 =	simm.s32 $0x4;
	s16 =	simm.s32 $0xC060;
	v18 =	vld [tilespmem:s30+$0x4020];
	v21 =	vnsel vm4, $0x7FF, v23;
	v23 =	vadd.s32 $0xFFFFFFFF, v24;
	v24 =	vadd.s32 v25, v20;
	v20 =	vmovc v15  }
.LBB2_28:
0x232: {  	s15 =	sadd.s32 $0x4, s15;
	v25 =	vor.u32 s16, v1;
	v26 =	vld [tilespmem:s30+$0x4030];
	vm4 =	vlt.s32 v23, $0x7FF;
	v24 =	vadd.s32 $0xFFFFFFFF, v24;
	v27 =	vmovc v16  }
0x233: {  	p0 =	slt.u32 s15, $0x3FC;
	v16 =	vnsel vm4, $0x7FF, v23;
	vm6 =	vlt.s32 v24, $0x7FF;
	vm4 =	vmmov vm2  }
0x234: {  	vm5 =	vge.f32 v19, v4;
	v23 =	vnsel vm6, $0x7FF, v24  }
0x235: {  	v24 =	vsel vm5, $0x1, v0;
	v28 =	vmpcnt.ones.xlane vm5;
	vm6 =	vge.f32 v17, v4;
	[tilespmem:v22+s24+$0x0] =	vst.idx.msk vm3, v8;
	v8 =	vmovc v19  }
0x236: {  	v19 =	vsel vm6, $0x1, v0;
	v29 =	vmpcnt.ones.xlane vm6;
	vm7 =	vge.f32 v18, v4;
	(xrf0) =	vadd.scan.msk.s32 $0xffff, v24  }
0x237: {  	v24 =	vadd.s32 v15, v28;
	v15 =	vmpcnt.ones.xlane vm7;
	vm2 =	vge.f32 v26, v4;
	(xrf0) =	vadd.scan.msk.s32 $0xffff, v19  }
0x238: {  	v19 =	vsel vm7, $0x1, v0;
	v28 =	vadd.s32 v24, v29;
	v29 =	vmpcnt.ones.xlane vm2;
	[tilespmem:v22+s25+$0x0] =	vst.idx.msk vm3, v12;
	v12 =	vmovc v14  }
0x239: {  	v14 =	vsel vm2, $0x1, v0;
	v30 =	vadd.s32 v28, v15;
	(xrf0) =	vadd.scan.msk.s32 $0xffff, v19;
	[tilespmem:v21+s24+$0x0] =	vst.idx.msk vm1, v7;
	v7 =	vmovc v17  }
0x23a: {  	vm3 =	vmmov vm5;
	v15 =	vadd.s32 v30, v29;
	(xrf0) =	vadd.scan.msk.s32 $0xffff, v14;
	[tilespmem:v21+s25+$0x0] =	vst.idx.msk vm1, v11;
	v11 =	vmovc v13  }
0x23b: {  	s14 =	sadd.s32 $0x40, s14;
	vm1 =	vmmov vm6;
	[tilespmem:v16+s24+$0x0] =	vst.idx.msk vm0, v6;
	v6 =	vmov v18  }
0x23c: {  	s5 =	sadd.s32 $0xFFFF3FD0, s14;
	v13, _, _ =	vpop (xrf0);
	[tilespmem:v16+s25+$0x0] =	vst.idx.msk vm0, v10;
	v10 =	vmov v25;
	vm0 =	vmmov vm7  }
.Ltmp13:
0x23d: {  	s6 =	sadd.s32 $0xFFFFFFD0, s14;
	s7 =	sadd.s32 $0xFFFFFFE0, s14;
	v16 =	vor.u32 s14, v1;
	v13 =	vadd.s32 v13, v20;
	v17, _, _ =	vpop (xrf0);
	[tilespmem:v23+s24+$0x0] =	vst.idx.msk vm4, v5;
	(pc) =	sbr.rel @p0 .LBB2_28-.Ltmp13, $4  }
0x23e: {  	s16 =	sadd.s32 $0xFFFFFFF0, s14;
	s30 =	sand.u32 $0x3FC0, s5;
	v14 =	vor.u32 s6, v1;
	v5 =	vmovc v26;
	v18 =	vadd.s32 $0xFFFFFFFF, v13;
	v17 =	vadd.s32 v17, v24;
	[tilespmem:v23+s25+$0x0] =	vst.idx.msk vm4, v9  }
0x23f: {  	v13 =	vor.u32 s7, v1;
	v19 =	vld [tilespmem:s30+$0x4000];
	vm4 =	vlt.s32 v18, $0x7FF;
	v26 =	vadd.s32 $0xFFFFFFFF, v17;
	v20, _, _ =	vpop (xrf0)  }
0x240: {  	v17 =	vld [tilespmem:s30+$0x4010];
	v22 =	vnsel vm4, $0x7FF, v18;
	vm4 =	vlt.s32 v26, $0x7FF;
	v25 =	vadd.s32 v20, v28;
	v24, _, _ =	vpop (xrf0)  }
0x241: {  	v9 =	vmovc v27;
	v20 =	vmovc v15;
	v18 =	vld [tilespmem:s30+$0x4020];
	v21 =	vnsel vm4, $0x7FF, v26;
	v23 =	vadd.s32 $0xFFFFFFFF, v25;
	v24 =	vadd.s32 v24, v30  }
0x242: {  	_ = 	snop  }
0x243: {  	v25 =	vld [tilespmem:s30+$0x4030]  }
0x244: {  	vm7 =	vge.f32 v19, v4  }
0x245: {  	v26 =	vsel vm7, $0x1, v0  }
0x246: {  	vm6 =	vge.f32 v17, v4;
	(xrf0) =	vadd.scan.msk.s32 $0xffff, v26  }
0x247: {  	v26 =	vsel vm6, $0x1, v0;
	vm5 =	vge.f32 v18, v4  }
0x248: {  	(xrf0) =	vadd.scan.msk.s32 $0xffff, v26;
	v26 =	vsel vm5, $0x1, v0;
	vm4 =	vge.f32 v25, v4  }
0x249: {  	(xrf0) =	vadd.scan.msk.s32 $0xffff, v26;
	v26 =	vsel vm4, $0x1, v0;
	_ =	sdelay $0x1  }
0x24a: {  	v24 =	vadd.s32 $0xFFFFFFFF, v24;
	vm8 =	vlt.s32 v23, $0x7FF;
	vm2 =	vmmov vm2  }
0x24b: {  	vm9 =	vlt.s32 v24, $0x7FF;
	v23 =	vnsel vm8, $0x7FF, v23;
	v27 =	vmpcnt.ones.xlane vm7;
	(xrf0) =	vadd.scan.msk.s32 $0xffff, v26;
	v26, _, _ =	vpop (xrf0)  }
0x24c: {  	[tilespmem:v22+s24+$0x0] =	vst.idx.msk vm3, v8;
	v24 =	vnsel vm9, $0x7FF, v24;
	v8 =	vmpcnt.ones.xlane vm6;
	v20 =	vadd.s32 v26, v20  }
0x24d: {  	[tilespmem:v22+s25+$0x0] =	vst.idx.msk vm3, v12;
	vm3 =	vmmov vm7;
	v15 =	vadd.s32 v15, v27;
	v12, _, _ =	vpop (xrf0);
	v20 =	vadd.s32 $0xFFFFFFFF, v20  }
0x24e: {  	[tilespmem:v21+s24+$0x0] =	vst.idx.msk vm1, v7;
	v8 =	vadd.s32 v15, v8;
	v7 =	vadd.s32 v12, v15;
	vm14 =	vlt.s32 v20, $0x7FF  }
0x24f: {  	[tilespmem:v21+s25+$0x0] =	vst.idx.msk vm1, v11;
	v26 =	vmpcnt.ones.xlane vm5;
	v11, _, _ =	vpop (xrf0);
	v7 =	vadd.s32 $0xFFFFFFFF, v7;
	v12 =	vnsel vm14, $0x7FF, v20  }
0x250: {  	vm1 =	vmmov vm6;
	[tilespmem:v23+s24+$0x0] =	vst.idx.msk vm0, v6;
	v6 =	vadd.s32 v11, v8;
	vm15 =	vlt.s32 v7, $0x7FF  }
0x251: {  	[tilespmem:v23+s25+$0x0] =	vst.idx.msk vm0, v10;
	v11 =	vadd.s32 v8, v26;
	v8, _, _ =	vpop (xrf0);
	v6 =	vadd.s32 $0xFFFFFFFF, v6;
	v7 =	vnsel vm15, $0x7FF, v7  }
0x252: {  	vm0 =	vmmov vm5;
	[tilespmem:v24+s24+$0x0] =	vst.idx.msk vm2, v5;
	v5 =	vadd.s32 v8, v11;
	vm5 =	vlt.s32 v6, $0x7FF  }
0x253: {  	[tilespmem:v24+s25+$0x0] =	vst.idx.msk vm2, v9;
	v5 =	vadd.s32 $0xFFFFFFFF, v5;
	v6 =	vnsel vm5, $0x7FF, v6  }
0x254: {  	vm2 =	vlt.s32 v5, $0x7FF;
	[tilespmem:v12+s24+$0x0] =	vst.idx.msk vm3, v19  }
0x255: {  	v5 =	vnsel vm2, $0x7FF, v5;
	[tilespmem:v12+s25+$0x0] =	vst.idx.msk vm3, v14  }
0x256: {  	[tilespmem:v7+s24+$0x0] =	vst.idx.msk vm1, v17  }
0x257: {  	[tilespmem:v7+s25+$0x0] =	vst.idx.msk vm1, v13  }
0x258: {  	v7 =	vor.u32 s16, v1;
	[tilespmem:v6+s24+$0x0] =	vst.idx.msk vm0, v18  }
0x259: {  	[tilespmem:v6+s25+$0x0] =	vst.idx.msk vm0, v7  }
0x25a: {  	[tilespmem:v5+s24+$0x0] =	vst.idx.msk vm4, v25  }
0x25b: {  	[tilespmem:v5+s25+$0x0] =	vst.idx.msk vm4, v16  }
0x25c: {  	[tilespmem:s20], [sflag:$0x2] =	stream.linear.gather [hbm4b:s10+s2], $0x4000, $0x38;
	[tilespmem:$0x13A80] =	vst v63  }
0x25d: {  	_ =	swait.ge [sflag:s21], $0x4000  }
0x25e: {  	s5 =	simm.s32 $0x0;
	[sflag:s21] =	ssyncset.done $0x0  }
0x25f: {  	s5 =	sand.u32 $0x3FC0, s5;
	[sflag:s21] =	ssyncadd.s32 $0xFFFFC000  }
0x260: {  	v8 =	vld [tilespmem:s5+$0x0]  }
0x261: {  	v7 =	vld [tilespmem:s5+$0x10];
	_ =	sdelay $0x1  }
0x262: {  	v6 =	vld [tilespmem:s5+$0x20]  }
0x263: {  	v5 =	vld [tilespmem:s5+$0x30]  }
0x264: {  	v9 =	vmpcnt.ones.xlane vm4;
	vm0 =	vge.f32 v8, v4  }
0x265: {  	vm1 =	vge.f32 v7, v4;
	v10 =	vsel vm0, $0x1, v0  }
0x266: {  	s6 =	simm.s32 $0x10030;
	vm5 =	vmmov vm4;
	v13 =	vadd.s32 v11, v9;
	v11 =	vsel vm1, $0x1, v0;
	(xrf0) =	vadd.scan.msk.s32 $0xffff, v10  }
0x267: {  	v9 =	vor.u32 s6, v1;
	vm4 =	vge.f32 v6, v4;
	v10 =	vmpcnt.ones.xlane vm0;
	(xrf0) =	vadd.scan.msk.s32 $0xffff, v11  }
0x268: {  	vm2 =	vge.f32 v5, v4;
	v12 =	vsel vm4, $0x1, v0;
	v14 =	vmpcnt.ones.xlane vm4  }
0x269: {  	v11 =	vmpcnt.ones.xlane vm1;
	v17 =	vadd.s32 v13, v10;
	v10 =	vsel vm2, $0x1, v0;
	(xrf0) =	vadd.scan.msk.s32 $0xffff, v12  }
0x26a: {  	s7 =	simm.s32 $0x10000;
	v15 =	vmpcnt.ones.xlane vm2;
	vm3 =	vmmov vm0;
	vm0 =	vmmov vm4;
	(xrf0) =	vadd.scan.msk.s32 $0xffff, v10  }
0x26b: {  	s14 =	simm.s32 $0x10020;
	s6 =	simm.s32 $0x10010;
	vm1 =	vmmov vm1;
	v12 =	vor.u32 s7, v1;
	v18 =	vadd.s32 v17, v11  }
0x26c: {  	v11 =	vor.u32 s6, v1;
	v10 =	vor.u32 s14, v1;
	s14 =	simm.s32 $0x10070;
	v20 =	vadd.s32 v18, v14;
	v14, _, _ =	vpop (xrf0)  }
0x26d: {  	s15 =	simm.s32 $0x40;
	s16 =	simm.s32 $0x10040;
	v16 =	vor.u32 s14, v1;
	v15 =	vadd.s32 v20, v15;
	v13 =	vadd.s32 v14, v13;
	v19, _, _ =	vpop (xrf0)  }
0x26e: {  	s30 =	sand.u32 $0x3FC0, s15;
	s7 =	simm.s32 $0x10050;
	v14 =	vor.u32 s16, v1;
	v21 =	vadd.s32 $0xFFFFFFFF, v13;
	v17 =	vadd.s32 v19, v17  }
0x26f: {  	v19 =	vld [tilespmem:s30+$0x0];
	v13 =	vor.u32 s7, v1;
	v24, _, _ =	vpop (xrf0);
	vm4 =	vlt.s32 v21, $0x7FF;
	v23 =	vadd.s32 $0xFFFFFFFF, v17  }
0x270: {  	v17 =	vld [tilespmem:s30+$0x10];
	v24 =	vadd.s32 v24, v18;
	v25, _, _ =	vpop (xrf0);
	v22 =	vnsel vm4, $0x7FF, v21;
	vm4 =	vlt.s32 v23, $0x7FF  }
0x271: {  	s15 =	simm.s32 $0x4;
	s16 =	simm.s32 $0x10060;
	v18 =	vld [tilespmem:s30+$0x20];
	v21 =	vnsel vm4, $0x7FF, v23;
	v23 =	vadd.s32 $0xFFFFFFFF, v24;
	v24 =	vadd.s32 v25, v20;
	v20 =	vmovc v15  }
.LBB2_30:
0x272: {  	s15 =	sadd.s32 $0x4, s15;
	v25 =	vor.u32 s16, v1;
	v26 =	vld [tilespmem:s30+$0x30];
	vm4 =	vlt.s32 v23, $0x7FF;
	v24 =	vadd.s32 $0xFFFFFFFF, v24;
	v27 =	vmovc v16  }
0x273: {  	p0 =	slt.u32 s15, $0x3FC;
	v16 =	vnsel vm4, $0x7FF, v23;
	vm6 =	vlt.s32 v24, $0x7FF;
	vm4 =	vmmov vm2  }
0x274: {  	vm5 =	vge.f32 v19, v4;
	v23 =	vnsel vm6, $0x7FF, v24  }
0x275: {  	v24 =	vsel vm5, $0x1, v0;
	v28 =	vmpcnt.ones.xlane vm5;
	vm6 =	vge.f32 v17, v4;
	[tilespmem:v22+s24+$0x0] =	vst.idx.msk vm3, v8;
	v8 =	vmovc v19  }
0x276: {  	v19 =	vsel vm6, $0x1, v0;
	v29 =	vmpcnt.ones.xlane vm6;
	vm7 =	vge.f32 v18, v4;
	(xrf0) =	vadd.scan.msk.s32 $0xffff, v24  }
0x277: {  	v24 =	vadd.s32 v15, v28;
	v15 =	vmpcnt.ones.xlane vm7;
	vm2 =	vge.f32 v26, v4;
	(xrf0) =	vadd.scan.msk.s32 $0xffff, v19  }
0x278: {  	v19 =	vsel vm7, $0x1, v0;
	v28 =	vadd.s32 v24, v29;
	v29 =	vmpcnt.ones.xlane vm2;
	[tilespmem:v22+s25+$0x0] =	vst.idx.msk vm3, v12;
	v12 =	vmovc v14  }
0x279: {  	v14 =	vsel vm2, $0x1, v0;
	v30 =	vadd.s32 v28, v15;
	(xrf0) =	vadd.scan.msk.s32 $0xffff, v19;
	[tilespmem:v21+s24+$0x0] =	vst.idx.msk vm1, v7;
	v7 =	vmovc v17  }
0x27a: {  	vm3 =	vmmov vm5;
	v15 =	vadd.s32 v30, v29;
	(xrf0) =	vadd.scan.msk.s32 $0xffff, v14;
	[tilespmem:v21+s25+$0x0] =	vst.idx.msk vm1, v11;
	v11 =	vmovc v13  }
0x27b: {  	s14 =	sadd.s32 $0x40, s14;
	vm1 =	vmmov vm6;
	[tilespmem:v16+s24+$0x0] =	vst.idx.msk vm0, v6;
	v6 =	vmov v18  }
0x27c: {  	s5 =	sadd.s32 $0xFFFEFFD0, s14;
	v13, _, _ =	vpop (xrf0);
	[tilespmem:v16+s25+$0x0] =	vst.idx.msk vm0, v10;
	v10 =	vmov v25;
	vm0 =	vmmov vm7  }
.Ltmp14:
0x27d: {  	s6 =	sadd.s32 $0xFFFFFFD0, s14;
	s7 =	sadd.s32 $0xFFFFFFE0, s14;
	v16 =	vor.u32 s14, v1;
	v13 =	vadd.s32 v13, v20;
	v17, _, _ =	vpop (xrf0);
	[tilespmem:v23+s24+$0x0] =	vst.idx.msk vm4, v5;
	(pc) =	sbr.rel @p0 .LBB2_30-.Ltmp14, $4  }
0x27e: {  	s16 =	sadd.s32 $0xFFFFFFF0, s14;
	s30 =	sand.u32 $0x3FC0, s5;
	v14 =	vor.u32 s6, v1;
	v5 =	vmovc v26;
	v18 =	vadd.s32 $0xFFFFFFFF, v13;
	v17 =	vadd.s32 v17, v24;
	[tilespmem:v23+s25+$0x0] =	vst.idx.msk vm4, v9  }
0x27f: {  	v13 =	vor.u32 s7, v1;
	v19 =	vld [tilespmem:s30+$0x0];
	vm4 =	vlt.s32 v18, $0x7FF;
	v26 =	vadd.s32 $0xFFFFFFFF, v17;
	v20, _, _ =	vpop (xrf0)  }
0x280: {  	v17 =	vld [tilespmem:s30+$0x10];
	v22 =	vnsel vm4, $0x7FF, v18;
	vm4 =	vlt.s32 v26, $0x7FF;
	v25 =	vadd.s32 v20, v28;
	v24, _, _ =	vpop (xrf0)  }
0x281: {  	v9 =	vmovc v27;
	v20 =	vmovc v15;
	v18 =	vld [tilespmem:s30+$0x20];
	v21 =	vnsel vm4, $0x7FF, v26;
	v23 =	vadd.s32 $0xFFFFFFFF, v25;
	v24 =	vadd.s32 v24, v30  }
0x282: {  	_ = 	snop  }
0x283: {  	v25 =	vld [tilespmem:s30+$0x30]  }
0x284: {  	vm7 =	vge.f32 v19, v4  }
0x285: {  	v26 =	vsel vm7, $0x1, v0  }
0x286: {  	vm6 =	vge.f32 v17, v4;
	(xrf0) =	vadd.scan.msk.s32 $0xffff, v26  }
0x287: {  	v26 =	vsel vm6, $0x1, v0;
	vm5 =	vge.f32 v18, v4  }
0x288: {  	(xrf0) =	vadd.scan.msk.s32 $0xffff, v26;
	v26 =	vsel vm5, $0x1, v0;
	vm4 =	vge.f32 v25, v4  }
0x289: {  	(xrf0) =	vadd.scan.msk.s32 $0xffff, v26;
	v26 =	vsel vm4, $0x1, v0;
	_ =	sdelay $0x1  }
0x28a: {  	v24 =	vadd.s32 $0xFFFFFFFF, v24;
	vm8 =	vlt.s32 v23, $0x7FF;
	vm2 =	vmmov vm2  }
0x28b: {  	vm9 =	vlt.s32 v24, $0x7FF;
	v23 =	vnsel vm8, $0x7FF, v23;
	v27 =	vmpcnt.ones.xlane vm7;
	(xrf0) =	vadd.scan.msk.s32 $0xffff, v26;
	v26, _, _ =	vpop (xrf0)  }
0x28c: {  	[tilespmem:v22+s24+$0x0] =	vst.idx.msk vm3, v8;
	v24 =	vnsel vm9, $0x7FF, v24;
	v8 =	vmpcnt.ones.xlane vm6;
	v20 =	vadd.s32 v26, v20  }
0x28d: {  	[tilespmem:v22+s25+$0x0] =	vst.idx.msk vm3, v12;
	vm3 =	vmmov vm7;
	v15 =	vadd.s32 v15, v27;
	v12, _, _ =	vpop (xrf0);
	v20 =	vadd.s32 $0xFFFFFFFF, v20  }
0x28e: {  	[tilespmem:v21+s24+$0x0] =	vst.idx.msk vm1, v7;
	v8 =	vadd.s32 v15, v8;
	v7 =	vadd.s32 v12, v15;
	vm14 =	vlt.s32 v20, $0x7FF  }
0x28f: {  	[tilespmem:v21+s25+$0x0] =	vst.idx.msk vm1, v11;
	v26 =	vmpcnt.ones.xlane vm5;
	v11, _, _ =	vpop (xrf0);
	v7 =	vadd.s32 $0xFFFFFFFF, v7;
	v12 =	vnsel vm14, $0x7FF, v20  }
0x290: {  	vm1 =	vmmov vm6;
	[tilespmem:v23+s24+$0x0] =	vst.idx.msk vm0, v6;
	v6 =	vadd.s32 v11, v8;
	vm15 =	vlt.s32 v7, $0x7FF  }
0x291: {  	[tilespmem:v23+s25+$0x0] =	vst.idx.msk vm0, v10;
	v11 =	vadd.s32 v8, v26;
	v8, _, _ =	vpop (xrf0);
	v6 =	vadd.s32 $0xFFFFFFFF, v6;
	v7 =	vnsel vm15, $0x7FF, v7  }
0x292: {  	vm0 =	vmmov vm5;
	[tilespmem:v24+s24+$0x0] =	vst.idx.msk vm2, v5;
	v5 =	vadd.s32 v8, v11;
	vm5 =	vlt.s32 v6, $0x7FF  }
0x293: {  	[tilespmem:v24+s25+$0x0] =	vst.idx.msk vm2, v9;
	v5 =	vadd.s32 $0xFFFFFFFF, v5;
	v6 =	vnsel vm5, $0x7FF, v6  }
0x294: {  	vm2 =	vlt.s32 v5, $0x7FF;
	[tilespmem:v12+s24+$0x0] =	vst.idx.msk vm3, v19  }
0x295: {  	v5 =	vnsel vm2, $0x7FF, v5;
	[tilespmem:v12+s25+$0x0] =	vst.idx.msk vm3, v14  }
0x296: {  	[tilespmem:v7+s24+$0x0] =	vst.idx.msk vm1, v17  }
0x297: {  	[tilespmem:v7+s25+$0x0] =	vst.idx.msk vm1, v13  }
0x298: {  	v7 =	vor.u32 s16, v1;
	[tilespmem:v6+s24+$0x0] =	vst.idx.msk vm0, v18  }
0x299: {  	[tilespmem:v6+s25+$0x0] =	vst.idx.msk vm0, v7  }
0x29a: {  	[tilespmem:v5+s24+$0x0] =	vst.idx.msk vm4, v25  }
0x29b: {  	[tilespmem:v5+s25+$0x0] =	vst.idx.msk vm4, v16  }
0x29c: {  	[tilespmem:s2], [sflag:$0x1] =	stream.linear.gather [hbm4b:s11+s2], $0x4000, $0x38;
	[tilespmem:$0x13A80] =	vst v63  }
0x29d: {  	_ =	swait.ge [sflag:s23], $0x4000  }
0x29e: {  	s5 =	simm.s32 $0x0;
	[sflag:s23] =	ssyncset.done $0x0  }
0x29f: {  	s5 =	sand.u32 $0x3FC0, s5;
	[sflag:s23] =	ssyncadd.s32 $0xFFFFC000  }
0x2a0: {  	v8 =	vld [tilespmem:s5+$0x4000]  }
0x2a1: {  	v7 =	vld [tilespmem:s5+$0x4010];
	_ =	sdelay $0x1  }
0x2a2: {  	v6 =	vld [tilespmem:s5+$0x4020]  }
0x2a3: {  	v5 =	vld [tilespmem:s5+$0x4030]  }
0x2a4: {  	v9 =	vmpcnt.ones.xlane vm4;
	vm0 =	vge.f32 v8, v4  }
0x2a5: {  	vm1 =	vge.f32 v7, v4;
	v10 =	vsel vm0, $0x1, v0  }
0x2a6: {  	s6 =	simm.s32 $0x14030;
	vm5 =	vmmov vm4;
	v13 =	vadd.s32 v11, v9;
	v11 =	vsel vm1, $0x1, v0;
	(xrf0) =	vadd.scan.msk.s32 $0xffff, v10  }
0x2a7: {  	v9 =	vor.u32 s6, v1;
	vm4 =	vge.f32 v6, v4;
	v10 =	vmpcnt.ones.xlane vm0;
	(xrf0) =	vadd.scan.msk.s32 $0xffff, v11  }
0x2a8: {  	vm2 =	vge.f32 v5, v4;
	v12 =	vsel vm4, $0x1, v0;
	v14 =	vmpcnt.ones.xlane vm4  }
0x2a9: {  	v11 =	vmpcnt.ones.xlane vm1;
	v17 =	vadd.s32 v13, v10;
	v10 =	vsel vm2, $0x1, v0;
	(xrf0) =	vadd.scan.msk.s32 $0xffff, v12  }
0x2aa: {  	s7 =	simm.s32 $0x14000;
	v15 =	vmpcnt.ones.xlane vm2;
	vm3 =	vmmov vm0;
	vm0 =	vmmov vm4;
	(xrf0) =	vadd.scan.msk.s32 $0xffff, v10  }
0x2ab: {  	s14 =	simm.s32 $0x14020;
	s6 =	simm.s32 $0x14010;
	vm1 =	vmmov vm1;
	v12 =	vor.u32 s7, v1;
	v18 =	vadd.s32 v17, v11  }
0x2ac: {  	v11 =	vor.u32 s6, v1;
	v10 =	vor.u32 s14, v1;
	s14 =	simm.s32 $0x14070;
	v20 =	vadd.s32 v18, v14;
	v14, _, _ =	vpop (xrf0)  }
0x2ad: {  	s15 =	simm.s32 $0x40;
	s16 =	simm.s32 $0x14040;
	v16 =	vor.u32 s14, v1;
	v15 =	vadd.s32 v20, v15;
	v13 =	vadd.s32 v14, v13;
	v19, _, _ =	vpop (xrf0)  }
0x2ae: {  	s30 =	sand.u32 $0x3FC0, s15;
	s7 =	simm.s32 $0x14050;
	v14 =	vor.u32 s16, v1;
	v21 =	vadd.s32 $0xFFFFFFFF, v13;
	v17 =	vadd.s32 v19, v17  }
0x2af: {  	v19 =	vld [tilespmem:s30+$0x4000];
	v13 =	vor.u32 s7, v1;
	v24, _, _ =	vpop (xrf0);
	vm4 =	vlt.s32 v21, $0x7FF;
	v23 =	vadd.s32 $0xFFFFFFFF, v17  }
0x2b0: {  	v17 =	vld [tilespmem:s30+$0x4010];
	v24 =	vadd.s32 v24, v18;
	v25, _, _ =	vpop (xrf0);
	v22 =	vnsel vm4, $0x7FF, v21;
	vm4 =	vlt.s32 v23, $0x7FF  }
0x2b1: {  	s15 =	simm.s32 $0x4;
	s16 =	simm.s32 $0x14060;
	v18 =	vld [tilespmem:s30+$0x4020];
	v21 =	vnsel vm4, $0x7FF, v23;
	v23 =	vadd.s32 $0xFFFFFFFF, v24;
	v24 =	vadd.s32 v25, v20;
	v20 =	vmovc v15  }
.LBB2_32:
0x2b2: {  	s15 =	sadd.s32 $0x4, s15;
	v25 =	vor.u32 s16, v1;
	v26 =	vld [tilespmem:s30+$0x4030];
	vm4 =	vlt.s32 v23, $0x7FF;
	v24 =	vadd.s32 $0xFFFFFFFF, v24;
	v27 =	vmovc v16  }
0x2b3: {  	p0 =	slt.u32 s15, $0x3FC;
	v16 =	vnsel vm4, $0x7FF, v23;
	vm6 =	vlt.s32 v24, $0x7FF;
	vm4 =	vmmov vm2  }
0x2b4: {  	vm5 =	vge.f32 v19, v4;
	v23 =	vnsel vm6, $0x7FF, v24  }
0x2b5: {  	v24 =	vsel vm5, $0x1, v0;
	v28 =	vmpcnt.ones.xlane vm5;
	vm6 =	vge.f32 v17, v4;
	[tilespmem:v22+s24+$0x0] =	vst.idx.msk vm3, v8;
	v8 =	vmovc v19  }
0x2b6: {  	v19 =	vsel vm6, $0x1, v0;
	v29 =	vmpcnt.ones.xlane vm6;
	vm7 =	vge.f32 v18, v4;
	(xrf0) =	vadd.scan.msk.s32 $0xffff, v24  }
0x2b7: {  	v24 =	vadd.s32 v15, v28;
	v15 =	vmpcnt.ones.xlane vm7;
	vm2 =	vge.f32 v26, v4;
	(xrf0) =	vadd.scan.msk.s32 $0xffff, v19  }
0x2b8: {  	v19 =	vsel vm7, $0x1, v0;
	v28 =	vadd.s32 v24, v29;
	v29 =	vmpcnt.ones.xlane vm2;
	[tilespmem:v22+s25+$0x0] =	vst.idx.msk vm3, v12;
	v12 =	vmovc v14  }
0x2b9: {  	v14 =	vsel vm2, $0x1, v0;
	v30 =	vadd.s32 v28, v15;
	(xrf0) =	vadd.scan.msk.s32 $0xffff, v19;
	[tilespmem:v21+s24+$0x0] =	vst.idx.msk vm1, v7;
	v7 =	vmovc v17  }
0x2ba: {  	vm3 =	vmmov vm5;
	v15 =	vadd.s32 v30, v29;
	(xrf0) =	vadd.scan.msk.s32 $0xffff, v14;
	[tilespmem:v21+s25+$0x0] =	vst.idx.msk vm1, v11;
	v11 =	vmovc v13  }
0x2bb: {  	s14 =	sadd.s32 $0x40, s14;
	vm1 =	vmmov vm6;
	[tilespmem:v16+s24+$0x0] =	vst.idx.msk vm0, v6;
	v6 =	vmov v18  }
0x2bc: {  	s5 =	sadd.s32 $0xFFFEBFD0, s14;
	v13, _, _ =	vpop (xrf0);
	[tilespmem:v16+s25+$0x0] =	vst.idx.msk vm0, v10;
	v10 =	vmov v25;
	vm0 =	vmmov vm7  }
.Ltmp15:
0x2bd: {  	s6 =	sadd.s32 $0xFFFFFFD0, s14;
	s7 =	sadd.s32 $0xFFFFFFE0, s14;
	v16 =	vor.u32 s14, v1;
	v13 =	vadd.s32 v13, v20;
	v17, _, _ =	vpop (xrf0);
	[tilespmem:v23+s24+$0x0] =	vst.idx.msk vm4, v5;
	(pc) =	sbr.rel @p0 .LBB2_32-.Ltmp15, $4  }
0x2be: {  	s16 =	sadd.s32 $0xFFFFFFF0, s14;
	s30 =	sand.u32 $0x3FC0, s5;
	v14 =	vor.u32 s6, v1;
	v5 =	vmovc v26;
	v18 =	vadd.s32 $0xFFFFFFFF, v13;
	v17 =	vadd.s32 v17, v24;
	[tilespmem:v23+s25+$0x0] =	vst.idx.msk vm4, v9  }
0x2bf: {  	v13 =	vor.u32 s7, v1;
	v19 =	vld [tilespmem:s30+$0x4000];
	vm4 =	vlt.s32 v18, $0x7FF;
	v26 =	vadd.s32 $0xFFFFFFFF, v17;
	v20, _, _ =	vpop (xrf0)  }
0x2c0: {  	v17 =	vld [tilespmem:s30+$0x4010];
	v22 =	vnsel vm4, $0x7FF, v18;
	vm4 =	vlt.s32 v26, $0x7FF;
	v25 =	vadd.s32 v20, v28;
	v24, _, _ =	vpop (xrf0)  }
0x2c1: {  	v9 =	vmovc v27;
	v20 =	vmovc v15;
	v18 =	vld [tilespmem:s30+$0x4020];
	v21 =	vnsel vm4, $0x7FF, v26;
	v23 =	vadd.s32 $0xFFFFFFFF, v25;
	v24 =	vadd.s32 v24, v30  }
0x2c2: {  	_ = 	snop  }
0x2c3: {  	v25 =	vld [tilespmem:s30+$0x4030]  }
0x2c4: {  	vm7 =	vge.f32 v19, v4  }
0x2c5: {  	v26 =	vsel vm7, $0x1, v0  }
0x2c6: {  	vm6 =	vge.f32 v17, v4;
	(xrf0) =	vadd.scan.msk.s32 $0xffff, v26  }
0x2c7: {  	v26 =	vsel vm6, $0x1, v0;
	vm5 =	vge.f32 v18, v4  }
0x2c8: {  	(xrf0) =	vadd.scan.msk.s32 $0xffff, v26;
	v26 =	vsel vm5, $0x1, v0;
	vm4 =	vge.f32 v25, v4  }
0x2c9: {  	(xrf0) =	vadd.scan.msk.s32 $0xffff, v26;
	v26 =	vsel vm4, $0x1, v0;
	_ =	sdelay $0x1  }
0x2ca: {  	v24 =	vadd.s32 $0xFFFFFFFF, v24;
	vm8 =	vlt.s32 v23, $0x7FF;
	vm2 =	vmmov vm2  }
0x2cb: {  	vm9 =	vlt.s32 v24, $0x7FF;
	v23 =	vnsel vm8, $0x7FF, v23;
	v27 =	vmpcnt.ones.xlane vm7;
	(xrf0) =	vadd.scan.msk.s32 $0xffff, v26;
	v26, _, _ =	vpop (xrf0)  }
0x2cc: {  	[tilespmem:v22+s24+$0x0] =	vst.idx.msk vm3, v8;
	v24 =	vnsel vm9, $0x7FF, v24;
	v8 =	vmpcnt.ones.xlane vm6;
	v20 =	vadd.s32 v26, v20  }
0x2cd: {  	[tilespmem:v22+s25+$0x0] =	vst.idx.msk vm3, v12;
	vm3 =	vmmov vm7;
	v15 =	vadd.s32 v15, v27;
	v12, _, _ =	vpop (xrf0);
	v20 =	vadd.s32 $0xFFFFFFFF, v20  }
0x2ce: {  	[tilespmem:v21+s24+$0x0] =	vst.idx.msk vm1, v7;
	v8 =	vadd.s32 v15, v8;
	v7 =	vadd.s32 v12, v15;
	vm14 =	vlt.s32 v20, $0x7FF  }
0x2cf: {  	[tilespmem:v21+s25+$0x0] =	vst.idx.msk vm1, v11;
	v26 =	vmpcnt.ones.xlane vm5;
	v11, _, _ =	vpop (xrf0);
	v7 =	vadd.s32 $0xFFFFFFFF, v7;
	v12 =	vnsel vm14, $0x7FF, v20  }
0x2d0: {  	vm1 =	vmmov vm6;
	[tilespmem:v23+s24+$0x0] =	vst.idx.msk vm0, v6;
	v6 =	vadd.s32 v11, v8;
	vm15 =	vlt.s32 v7, $0x7FF  }
0x2d1: {  	[tilespmem:v23+s25+$0x0] =	vst.idx.msk vm0, v10;
	v11 =	vadd.s32 v8, v26;
	v8, _, _ =	vpop (xrf0);
	v6 =	vadd.s32 $0xFFFFFFFF, v6;
	v7 =	vnsel vm15, $0x7FF, v7  }
0x2d2: {  	vm0 =	vmmov vm5;
	[tilespmem:v24+s24+$0x0] =	vst.idx.msk vm2, v5;
	v5 =	vadd.s32 v8, v11;
	vm5 =	vlt.s32 v6, $0x7FF  }
0x2d3: {  	[tilespmem:v24+s25+$0x0] =	vst.idx.msk vm2, v9;
	v5 =	vadd.s32 $0xFFFFFFFF, v5;
	v6 =	vnsel vm5, $0x7FF, v6  }
0x2d4: {  	vm2 =	vlt.s32 v5, $0x7FF;
	[tilespmem:v12+s24+$0x0] =	vst.idx.msk vm3, v19  }
0x2d5: {  	v5 =	vnsel vm2, $0x7FF, v5;
	[tilespmem:v12+s25+$0x0] =	vst.idx.msk vm3, v14  }
0x2d6: {  	[tilespmem:v7+s24+$0x0] =	vst.idx.msk vm1, v17  }
0x2d7: {  	[tilespmem:v7+s25+$0x0] =	vst.idx.msk vm1, v13  }
0x2d8: {  	v7 =	vor.u32 s16, v1;
	[tilespmem:v6+s24+$0x0] =	vst.idx.msk vm0, v18  }
0x2d9: {  	[tilespmem:v6+s25+$0x0] =	vst.idx.msk vm0, v7  }
0x2da: {  	[tilespmem:v5+s24+$0x0] =	vst.idx.msk vm4, v25  }
0x2db: {  	[tilespmem:v5+s25+$0x0] =	vst.idx.msk vm4, v16  }
0x2dc: {  	[tilespmem:s20], [sflag:$0x2] =	stream.linear.gather [hbm4b:s12+s2], $0x400, $0x38;
	[tilespmem:$0x13A80] =	vst v63  }
0x2dd: {  	_ =	swait.ge [sflag:s21], $0x4000  }
0x2de: {  	s5 =	simm.s32 $0x0;
	[sflag:s21] =	ssyncset.done $0x0  }
0x2df: {  	s5 =	sand.u32 $0x3FC0, s5;
	[sflag:s21] =	ssyncadd.s32 $0xFFFFC000  }
0x2e0: {  	v8 =	vld [tilespmem:s5+$0x0]  }
0x2e1: {  	v7 =	vld [tilespmem:s5+$0x10];
	_ =	sdelay $0x1  }
0x2e2: {  	v6 =	vld [tilespmem:s5+$0x20]  }
0x2e3: {  	v5 =	vld [tilespmem:s5+$0x30]  }
0x2e4: {  	v9 =	vmpcnt.ones.xlane vm4;
	vm0 =	vge.f32 v8, v4  }
0x2e5: {  	vm1 =	vge.f32 v7, v4;
	v10 =	vsel vm0, $0x1, v0  }
0x2e6: {  	s6 =	simm.s32 $0x18030;
	vm5 =	vmmov vm4;
	v13 =	vadd.s32 v11, v9;
	v11 =	vsel vm1, $0x1, v0;
	(xrf0) =	vadd.scan.msk.s32 $0xffff, v10  }
0x2e7: {  	v9 =	vor.u32 s6, v1;
	vm4 =	vge.f32 v6, v4;
	v10 =	vmpcnt.ones.xlane vm0;
	(xrf0) =	vadd.scan.msk.s32 $0xffff, v11  }
0x2e8: {  	vm2 =	vge.f32 v5, v4;
	v12 =	vsel vm4, $0x1, v0;
	v14 =	vmpcnt.ones.xlane vm4  }
0x2e9: {  	v11 =	vmpcnt.ones.xlane vm1;
	v17 =	vadd.s32 v13, v10;
	v10 =	vsel vm2, $0x1, v0;
	(xrf0) =	vadd.scan.msk.s32 $0xffff, v12  }
0x2ea: {  	s7 =	simm.s32 $0x18000;
	v15 =	vmpcnt.ones.xlane vm2;
	vm3 =	vmmov vm0;
	vm0 =	vmmov vm4;
	(xrf0) =	vadd.scan.msk.s32 $0xffff, v10  }
0x2eb: {  	s14 =	simm.s32 $0x18020;
	s6 =	simm.s32 $0x18010;
	vm1 =	vmmov vm1;
	v12 =	vor.u32 s7, v1;
	v18 =	vadd.s32 v17, v11  }
0x2ec: {  	v11 =	vor.u32 s6, v1;
	v10 =	vor.u32 s14, v1;
	s14 =	simm.s32 $0x18070;
	v20 =	vadd.s32 v18, v14;
	v14, _, _ =	vpop (xrf0)  }
0x2ed: {  	s15 =	simm.s32 $0x40;
	s16 =	simm.s32 $0x18040;
	v16 =	vor.u32 s14, v1;
	v15 =	vadd.s32 v20, v15;
	v13 =	vadd.s32 v14, v13;
	v19, _, _ =	vpop (xrf0)  }
0x2ee: {  	s30 =	sand.u32 $0x3FC0, s15;
	s7 =	simm.s32 $0x18050;
	v14 =	vor.u32 s16, v1;
	v21 =	vadd.s32 $0xFFFFFFFF, v13;
	v17 =	vadd.s32 v19, v17  }
0x2ef: {  	v19 =	vld [tilespmem:s30+$0x0];
	v13 =	vor.u32 s7, v1;
	v24, _, _ =	vpop (xrf0);
	vm4 =	vlt.s32 v21, $0x7FF;
	v23 =	vadd.s32 $0xFFFFFFFF, v17  }
0x2f0: {  	v17 =	vld [tilespmem:s30+$0x10];
	v24 =	vadd.s32 v24, v18;
	v25, _, _ =	vpop (xrf0);
	v22 =	vnsel vm4, $0x7FF, v21;
	vm4 =	vlt.s32 v23, $0x7FF  }
0x2f1: {  	s15 =	simm.s32 $0x4;
	s16 =	simm.s32 $0x18060;
	v18 =	vld [tilespmem:s30+$0x20];
	v21 =	vnsel vm4, $0x7FF, v23;
	v23 =	vadd.s32 $0xFFFFFFFF, v24;
	v24 =	vadd.s32 v25, v20;
	v20 =	vmovc v15  }
.LBB2_34:
0x2f2: {  	s15 =	sadd.s32 $0x4, s15;
	v25 =	vor.u32 s16, v1;
	v26 =	vld [tilespmem:s30+$0x30];
	vm4 =	vlt.s32 v23, $0x7FF;
	v24 =	vadd.s32 $0xFFFFFFFF, v24;
	v27 =	vmovc v16  }
0x2f3: {  	p0 =	slt.u32 s15, $0x3FC;
	v16 =	vnsel vm4, $0x7FF, v23;
	vm6 =	vlt.s32 v24, $0x7FF;
	vm4 =	vmmov vm2  }
0x2f4: {  	vm5 =	vge.f32 v19, v4;
	v23 =	vnsel vm6, $0x7FF, v24  }
0x2f5: {  	v24 =	vsel vm5, $0x1, v0;
	v28 =	vmpcnt.ones.xlane vm5;
	vm6 =	vge.f32 v17, v4;
	[tilespmem:v22+s24+$0x0] =	vst.idx.msk vm3, v8;
	v8 =	vmovc v19  }
0x2f6: {  	v19 =	vsel vm6, $0x1, v0;
	v29 =	vmpcnt.ones.xlane vm6;
	vm7 =	vge.f32 v18, v4;
	(xrf0) =	vadd.scan.msk.s32 $0xffff, v24  }
0x2f7: {  	v24 =	vadd.s32 v15, v28;
	v15 =	vmpcnt.ones.xlane vm7;
	vm2 =	vge.f32 v26, v4;
	(xrf0) =	vadd.scan.msk.s32 $0xffff, v19  }
0x2f8: {  	v19 =	vsel vm7, $0x1, v0;
	v28 =	vadd.s32 v24, v29;
	v29 =	vmpcnt.ones.xlane vm2;
	[tilespmem:v22+s25+$0x0] =	vst.idx.msk vm3, v12;
	v12 =	vmovc v14  }
0x2f9: {  	v14 =	vsel vm2, $0x1, v0;
	v30 =	vadd.s32 v28, v15;
	(xrf0) =	vadd.scan.msk.s32 $0xffff, v19;
	[tilespmem:v21+s24+$0x0] =	vst.idx.msk vm1, v7;
	v7 =	vmovc v17  }
0x2fa: {  	vm3 =	vmmov vm5;
	v15 =	vadd.s32 v30, v29;
	(xrf0) =	vadd.scan.msk.s32 $0xffff, v14;
	[tilespmem:v21+s25+$0x0] =	vst.idx.msk vm1, v11;
	v11 =	vmovc v13  }
0x2fb: {  	s14 =	sadd.s32 $0x40, s14;
	vm1 =	vmmov vm6;
	[tilespmem:v16+s24+$0x0] =	vst.idx.msk vm0, v6;
	v6 =	vmov v18  }
0x2fc: {  	s5 =	sadd.s32 $0xFFFE7FD0, s14;
	v13, _, _ =	vpop (xrf0);
	[tilespmem:v16+s25+$0x0] =	vst.idx.msk vm0, v10;
	v10 =	vmov v25;
	vm0 =	vmmov vm7  }
.Ltmp16:
0x2fd: {  	s6 =	sadd.s32 $0xFFFFFFD0, s14;
	s7 =	sadd.s32 $0xFFFFFFE0, s14;
	v16 =	vor.u32 s14, v1;
	v13 =	vadd.s32 v13, v20;
	v17, _, _ =	vpop (xrf0);
	[tilespmem:v23+s24+$0x0] =	vst.idx.msk vm4, v5;
	(pc) =	sbr.rel @p0 .LBB2_34-.Ltmp16, $4  }
0x2fe: {  	s16 =	sadd.s32 $0xFFFFFFF0, s14;
	s30 =	sand.u32 $0x3FC0, s5;
	v14 =	vor.u32 s6, v1;
	v5 =	vmovc v26;
	v18 =	vadd.s32 $0xFFFFFFFF, v13;
	v17 =	vadd.s32 v17, v24;
	[tilespmem:v23+s25+$0x0] =	vst.idx.msk vm4, v9  }
0x2ff: {  	v13 =	vor.u32 s7, v1;
	v19 =	vld [tilespmem:s30+$0x0];
	vm4 =	vlt.s32 v18, $0x7FF;
	v26 =	vadd.s32 $0xFFFFFFFF, v17;
	v20, _, _ =	vpop (xrf0)  }
0x300: {  	v17 =	vld [tilespmem:s30+$0x10];
	v22 =	vnsel vm4, $0x7FF, v18;
	vm4 =	vlt.s32 v26, $0x7FF;
	v25 =	vadd.s32 v20, v28;
	v24, _, _ =	vpop (xrf0)  }
0x301: {  	v9 =	vmovc v27;
	v20 =	vmovc v15;
	v18 =	vld [tilespmem:s30+$0x20];
	v21 =	vnsel vm4, $0x7FF, v26;
	v23 =	vadd.s32 $0xFFFFFFFF, v25;
	v24 =	vadd.s32 v24, v30  }
0x302: {  	_ = 	snop  }
0x303: {  	v25 =	vld [tilespmem:s30+$0x30]  }
0x304: {  	vm7 =	vge.f32 v19, v4  }
0x305: {  	v26 =	vsel vm7, $0x1, v0  }
0x306: {  	vm6 =	vge.f32 v17, v4;
	(xrf0) =	vadd.scan.msk.s32 $0xffff, v26  }
0x307: {  	v26 =	vsel vm6, $0x1, v0;
	vm5 =	vge.f32 v18, v4  }
0x308: {  	(xrf0) =	vadd.scan.msk.s32 $0xffff, v26;
	v26 =	vsel vm5, $0x1, v0;
	vm4 =	vge.f32 v25, v4  }
0x309: {  	(xrf0) =	vadd.scan.msk.s32 $0xffff, v26;
	v26 =	vsel vm4, $0x1, v0;
	_ =	sdelay $0x1  }
0x30a: {  	v24 =	vadd.s32 $0xFFFFFFFF, v24;
	vm8 =	vlt.s32 v23, $0x7FF;
	vm2 =	vmmov vm2  }
0x30b: {  	vm9 =	vlt.s32 v24, $0x7FF;
	v23 =	vnsel vm8, $0x7FF, v23;
	v27 =	vmpcnt.ones.xlane vm7;
	(xrf0) =	vadd.scan.msk.s32 $0xffff, v26;
	v26, _, _ =	vpop (xrf0)  }
0x30c: {  	[tilespmem:v22+s24+$0x0] =	vst.idx.msk vm3, v8;
	v24 =	vnsel vm9, $0x7FF, v24;
	v8 =	vmpcnt.ones.xlane vm6;
	v20 =	vadd.s32 v26, v20  }
0x30d: {  	[tilespmem:v22+s25+$0x0] =	vst.idx.msk vm3, v12;
	vm3 =	vmmov vm7;
	v15 =	vadd.s32 v15, v27;
	v12, _, _ =	vpop (xrf0);
	v20 =	vadd.s32 $0xFFFFFFFF, v20  }
0x30e: {  	[tilespmem:v21+s24+$0x0] =	vst.idx.msk vm1, v7;
	v8 =	vadd.s32 v15, v8;
	v7 =	vadd.s32 v12, v15;
	vm14 =	vlt.s32 v20, $0x7FF  }
0x30f: {  	[tilespmem:v21+s25+$0x0] =	vst.idx.msk vm1, v11;
	v26 =	vmpcnt.ones.xlane vm5;
	v11, _, _ =	vpop (xrf0);
	v7 =	vadd.s32 $0xFFFFFFFF, v7;
	v12 =	vnsel vm14, $0x7FF, v20  }
0x310: {  	vm1 =	vmmov vm6;
	[tilespmem:v23+s24+$0x0] =	vst.idx.msk vm0, v6;
	v6 =	vadd.s32 v11, v8;
	vm15 =	vlt.s32 v7, $0x7FF  }
0x311: {  	[tilespmem:v23+s25+$0x0] =	vst.idx.msk vm0, v10;
	v11 =	vadd.s32 v8, v26;
	v8, _, _ =	vpop (xrf0);
	v6 =	vadd.s32 $0xFFFFFFFF, v6;
	v7 =	vnsel vm15, $0x7FF, v7  }
0x312: {  	vm0 =	vmmov vm5;
	[tilespmem:v24+s24+$0x0] =	vst.idx.msk vm2, v5;
	v5 =	vadd.s32 v8, v11;
	vm5 =	vlt.s32 v6, $0x7FF  }
0x313: {  	[tilespmem:v24+s25+$0x0] =	vst.idx.msk vm2, v9;
	v5 =	vadd.s32 $0xFFFFFFFF, v5;
	v6 =	vnsel vm5, $0x7FF, v6  }
0x314: {  	vm2 =	vlt.s32 v5, $0x7FF;
	[tilespmem:v12+s24+$0x0] =	vst.idx.msk vm3, v19  }
0x315: {  	v5 =	vnsel vm2, $0x7FF, v5;
	[tilespmem:v12+s25+$0x0] =	vst.idx.msk vm3, v14  }
0x316: {  	[tilespmem:v7+s24+$0x0] =	vst.idx.msk vm1, v17  }
0x317: {  	[tilespmem:v7+s25+$0x0] =	vst.idx.msk vm1, v13  }
0x318: {  	v7 =	vor.u32 s16, v1;
	[tilespmem:v6+s24+$0x0] =	vst.idx.msk vm0, v18  }
0x319: {  	[tilespmem:v6+s25+$0x0] =	vst.idx.msk vm0, v7  }
0x31a: {  	[tilespmem:v5+s24+$0x0] =	vst.idx.msk vm4, v25  }
0x31b: {  	[tilespmem:v5+s25+$0x0] =	vst.idx.msk vm4, v16  }
0x31c: {  	_ =	swait.ge [sflag:s23], $0x400  }
0x31d: {  	s5 =	simm.s32 $0x0;
	[sflag:s23] =	ssyncset.done $0x0  }
0x31e: {  	s5 =	sand.u32 $0x3C0, s5;
	[sflag:s23] =	ssyncadd.s32 $0xFFFFFC00  }
0x31f: {  	v8 =	vld [tilespmem:s5+$0x4000]  }
0x320: {  	v7 =	vld [tilespmem:s5+$0x4010];
	_ =	sdelay $0x1  }
0x321: {  	v6 =	vld [tilespmem:s5+$0x4020]  }
0x322: {  	v5 =	vld [tilespmem:s5+$0x4030]  }
0x323: {  	v9 =	vmpcnt.ones.xlane vm4;
	vm0 =	vge.f32 v8, v4  }
0x324: {  	vm1 =	vge.f32 v7, v4;
	v10 =	vsel vm0, $0x1, v0  }
0x325: {  	s6 =	simm.s32 $0x1C030;
	vm5 =	vmmov vm4;
	v13 =	vadd.s32 v11, v9;
	v11 =	vsel vm1, $0x1, v0;
	(xrf0) =	vadd.scan.msk.s32 $0xffff, v10  }
0x326: {  	v9 =	vor.u32 s6, v1;
	vm4 =	vge.f32 v6, v4;
	v10 =	vmpcnt.ones.xlane vm0;
	(xrf0) =	vadd.scan.msk.s32 $0xffff, v11  }
0x327: {  	vm2 =	vge.f32 v5, v4;
	v12 =	vsel vm4, $0x1, v0;
	v14 =	vmpcnt.ones.xlane vm4  }
0x328: {  	v11 =	vmpcnt.ones.xlane vm1;
	v17 =	vadd.s32 v13, v10;
	v10 =	vsel vm2, $0x1, v0;
	(xrf0) =	vadd.scan.msk.s32 $0xffff, v12  }
0x329: {  	s7 =	simm.s32 $0x1C000;
	v15 =	vmpcnt.ones.xlane vm2;
	vm3 =	vmmov vm0;
	vm0 =	vmmov vm4;
	(xrf0) =	vadd.scan.msk.s32 $0xffff, v10  }
0x32a: {  	s14 =	simm.s32 $0x1C020;
	s6 =	simm.s32 $0x1C010;
	vm1 =	vmmov vm1;
	v12 =	vor.u32 s7, v1;
	v18 =	vadd.s32 v17, v11  }
0x32b: {  	v11 =	vor.u32 s6, v1;
	v10 =	vor.u32 s14, v1;
	s14 =	simm.s32 $0x1C070;
	v20 =	vadd.s32 v18, v14;
	v14, _, _ =	vpop (xrf0)  }
0x32c: {  	s15 =	simm.s32 $0x40;
	s16 =	simm.s32 $0x1C040;
	v16 =	vor.u32 s14, v1;
	v15 =	vadd.s32 v20, v15;
	v13 =	vadd.s32 v14, v13;
	v19, _, _ =	vpop (xrf0)  }
0x32d: {  	s30 =	sand.u32 $0x3C0, s15;
	s7 =	simm.s32 $0x1C050;
	v14 =	vor.u32 s16, v1;
	v21 =	vadd.s32 $0xFFFFFFFF, v13;
	v17 =	vadd.s32 v19, v17  }
0x32e: {  	v19 =	vld [tilespmem:s30+$0x4000];
	v13 =	vor.u32 s7, v1;
	v24, _, _ =	vpop (xrf0);
	vm4 =	vlt.s32 v21, $0x7FF;
	v23 =	vadd.s32 $0xFFFFFFFF, v17  }
0x32f: {  	v17 =	vld [tilespmem:s30+$0x4010];
	v24 =	vadd.s32 v24, v18;
	v25, _, _ =	vpop (xrf0);
	v22 =	vnsel vm4, $0x7FF, v21;
	vm4 =	vlt.s32 v23, $0x7FF  }
0x330: {  	s15 =	simm.s32 $0x4;
	s16 =	simm.s32 $0x1C060;
	v18 =	vld [tilespmem:s30+$0x4020];
	v21 =	vnsel vm4, $0x7FF, v23;
	v23 =	vadd.s32 $0xFFFFFFFF, v24;
	v24 =	vadd.s32 v25, v20;
	v20 =	vmovc v15  }
.LBB2_36:
0x331: {  	s15 =	sadd.s32 $0x4, s15;
	v25 =	vor.u32 s16, v1;
	v26 =	vld [tilespmem:s30+$0x4030];
	vm4 =	vlt.s32 v23, $0x7FF;
	v24 =	vadd.s32 $0xFFFFFFFF, v24;
	v27 =	vmovc v16  }
0x332: {  	p0 =	slt.u32 s15, $0x3C;
	v16 =	vnsel vm4, $0x7FF, v23;
	vm6 =	vlt.s32 v24, $0x7FF;
	vm4 =	vmmov vm2  }
0x333: {  	vm5 =	vge.f32 v19, v4;
	v23 =	vnsel vm6, $0x7FF, v24  }
0x334: {  	v24 =	vsel vm5, $0x1, v0;
	v28 =	vmpcnt.ones.xlane vm5;
	vm6 =	vge.f32 v17, v4;
	[tilespmem:v22+s24+$0x0] =	vst.idx.msk vm3, v8;
	v8 =	vmovc v19  }
0x335: {  	v19 =	vsel vm6, $0x1, v0;
	v29 =	vmpcnt.ones.xlane vm6;
	vm7 =	vge.f32 v18, v4;
	(xrf0) =	vadd.scan.msk.s32 $0xffff, v24  }
0x336: {  	v24 =	vadd.s32 v15, v28;
	v15 =	vmpcnt.ones.xlane vm7;
	vm2 =	vge.f32 v26, v4;
	(xrf0) =	vadd.scan.msk.s32 $0xffff, v19  }
0x337: {  	v19 =	vsel vm7, $0x1, v0;
	v28 =	vadd.s32 v24, v29;
	v29 =	vmpcnt.ones.xlane vm2;
	[tilespmem:v22+s25+$0x0] =	vst.idx.msk vm3, v12;
	v12 =	vmovc v14  }
0x338: {  	v14 =	vsel vm2, $0x1, v0;
	v30 =	vadd.s32 v28, v15;
	(xrf0) =	vadd.scan.msk.s32 $0xffff, v19;
	[tilespmem:v21+s24+$0x0] =	vst.idx.msk vm1, v7;
	v7 =	vmovc v17  }
0x339: {  	vm3 =	vmmov vm5;
	v15 =	vadd.s32 v30, v29;
	(xrf0) =	vadd.scan.msk.s32 $0xffff, v14;
	[tilespmem:v21+s25+$0x0] =	vst.idx.msk vm1, v11;
	v11 =	vmovc v13  }
0x33a: {  	s14 =	sadd.s32 $0x40, s14;
	vm1 =	vmmov vm6;
	[tilespmem:v16+s24+$0x0] =	vst.idx.msk vm0, v6;
	v6 =	vmov v18  }
0x33b: {  	s5 =	sadd.s32 $0xFFFE3FD0, s14;
	v13, _, _ =	vpop (xrf0);
	[tilespmem:v16+s25+$0x0] =	vst.idx.msk vm0, v10;
	v10 =	vmov v25;
	vm0 =	vmmov vm7  }
.Ltmp17:
0x33c: {  	s6 =	sadd.s32 $0xFFFFFFD0, s14;
	s7 =	sadd.s32 $0xFFFFFFE0, s14;
	v16 =	vor.u32 s14, v1;
	v13 =	vadd.s32 v13, v20;
	v17, _, _ =	vpop (xrf0);
	[tilespmem:v23+s24+$0x0] =	vst.idx.msk vm4, v5;
	(pc) =	sbr.rel @p0 .LBB2_36-.Ltmp17, $4  }
0x33d: {  	s16 =	sadd.s32 $0xFFFFFFF0, s14;
	s30 =	sand.u32 $0x3C0, s5;
	v14 =	vor.u32 s6, v1;
	v5 =	vmovc v26;
	v18 =	vadd.s32 $0xFFFFFFFF, v13;
	v17 =	vadd.s32 v17, v24;
	[tilespmem:v23+s25+$0x0] =	vst.idx.msk vm4, v9  }
0x33e: {  	v13 =	vor.u32 s7, v1;
	v19 =	vld [tilespmem:s30+$0x4000];
	vm4 =	vlt.s32 v18, $0x7FF;
	v26 =	vadd.s32 $0xFFFFFFFF, v17;
	v20, _, _ =	vpop (xrf0)  }
0x33f: {  	v17 =	vld [tilespmem:s30+$0x4010];
	v22 =	vnsel vm4, $0x7FF, v18;
	vm4 =	vlt.s32 v26, $0x7FF;
	v25 =	vadd.s32 v20, v28;
	v24, _, _ =	vpop (xrf0)  }
0x340: {  	v9 =	vmovc v27;
	v20 =	vmovc v15;
	v18 =	vld [tilespmem:s30+$0x4020];
	v21 =	vnsel vm4, $0x7FF, v26;
	v23 =	vadd.s32 $0xFFFFFFFF, v25;
	v24 =	vadd.s32 v24, v30  }
0x341: {  	_ = 	snop  }
0x342: {  	v25 =	vld [tilespmem:s30+$0x4030]  }
0x343: {  	vm7 =	vge.f32 v19, v4  }
0x344: {  	v26 =	vsel vm7, $0x1, v0  }
0x345: {  	vm6 =	vge.f32 v17, v4;
	(xrf0) =	vadd.scan.msk.s32 $0xffff, v26  }
0x346: {  	v56 =	vsel vm6, $0x1, v0  }
0x347: {  	vm5 =	vge.f32 v18, v4;
	(xrf0) =	vadd.scan.msk.s32 $0xffff, v56;
	vm4 =	vge.f32 v25, v4  }
0x348: {  	v57 =	vsel vm5, $0x1, v0;
	v4 =	vsel vm4, $0x1, v0  }
0x349: {  	(xrf0) =	vadd.scan.msk.s32 $0xffff, v57  }
0x34a: {  	v24 =	vadd.s32 $0xFFFFFFFF, v24;
	vm8 =	vlt.s32 v23, $0x7FF;
	vm2 =	vmmov vm2;
	[tilespmem:v22+s24+$0x0] =	vst.idx.msk vm3, v8  }
0x34b: {  	vm9 =	vlt.s32 v24, $0x7FF;
	v23 =	vnsel vm8, $0x7FF, v23;
	v58 =	vmpcnt.ones.xlane vm7;
	(xrf0) =	vadd.scan.msk.s32 $0xffff, v4;
	v4, _, _ =	vpop (xrf0)  }
0x34c: {  	[tilespmem:v22+s25+$0x0] =	vst.idx.msk vm3, v12;
	v24 =	vnsel vm9, $0x7FF, v24;
	vm3 =	vmmov vm7;
	v4 =	vadd.s32 v4, v20  }
0x34d: {  	v59 =	vmpcnt.ones.xlane vm6;
	v15 =	vadd.s32 v15, v58;
	v61, _, _ =	vpop (xrf0);
	v4 =	vadd.s32 $0xFFFFFFFF, v4  }
0x34e: {  	[tilespmem:v21+s24+$0x0] =	vst.idx.msk vm1, v7;
	v60 =	vmpcnt.ones.xlane vm5;
	v7 =	vadd.s32 v61, v15;
	vm9 =	vlt.s32 v4, $0x7FF  }
0x34f: {  	[tilespmem:v21+s25+$0x0] =	vst.idx.msk vm1, v11;
	v8 =	vadd.s32 v15, v59;
	v62, _, _ =	vpop (xrf0);
	v7 =	vadd.s32 $0xFFFFFFFF, v7;
	v4 =	vnsel vm9, $0x7FF, v4  }
0x350: {  	vm10 =	vmmov vm6;
	[tilespmem:v23+s24+$0x0] =	vst.idx.msk vm0, v6;
	v6 =	vadd.s32 v62, v8;
	vm11 =	vlt.s32 v7, $0x7FF  }
0x351: {  	[tilespmem:v23+s25+$0x0] =	vst.idx.msk vm0, v10;
	v8 =	vadd.s32 v8, v60;
	v63, _, _ =	vpop (xrf0);
	v6 =	vadd.s32 $0xFFFFFFFF, v6;
	v7 =	vnsel vm11, $0x7FF, v7  }
0x352: {  	vm12 =	vmmov vm5;
	[tilespmem:v24+s24+$0x0] =	vst.idx.msk vm2, v5;
	v5 =	vadd.s32 v63, v8;
	vm13 =	vlt.s32 v6, $0x7FF  }
0x353: {  	[tilespmem:v24+s25+$0x0] =	vst.idx.msk vm2, v9;
	v5 =	vadd.s32 $0xFFFFFFFF, v5;
	v6 =	vnsel vm13, $0x7FF, v6  }
0x354: {  	vm14 =	vlt.s32 v5, $0x7FF;
	[tilespmem:v4+s24+$0x0] =	vst.idx.msk vm3, v19  }
0x355: {  	v5 =	vnsel vm14, $0x7FF, v5;
	[tilespmem:v4+s25+$0x0] =	vst.idx.msk vm3, v14  }
0x356: {  	[tilespmem:v7+s24+$0x0] =	vst.idx.msk vm10, v17  }
0x357: {  	[tilespmem:v7+s25+$0x0] =	vst.idx.msk vm10, v13  }
0x358: {  	v4 =	vor.u32 s16, v1;
	[tilespmem:v6+s24+$0x0] =	vst.idx.msk vm12, v18  }
0x359: {  	v7 =	vmpcnt.ones.xlane vm4;
	[tilespmem:v6+s25+$0x0] =	vst.idx.msk vm12, v4  }
0x35a: {  	[tilespmem:v5+s24+$0x0] =	vst.idx.msk vm4, v25  }
0x35b: {  	v4 =	vadd.s32 v8, v7;
	[tilespmem:v5+s25+$0x0] =	vst.idx.msk vm4, v16  }
0x35c: {  	s15 =	simm.s32 $0x10040;
	[tilespmem:$0x13A00] =	vst v4  }
0x35d: {  	[tilespmem:s15+$0xFFFFFFC0] =	vst v0  }
0x35e: {  	[tilespmem:s15+$0x30] =	vst v0  }
0x35f: {  	[tilespmem:s15+$0x20] =	vst v0  }
0x360: {  	[tilespmem:s15+$0x10] =	vst v0  }
0x361: {  	[tilespmem:s15+$0x0] =	vst v0  }
0x362: {  	[tilespmem:s15+$0xFFFFFFF0] =	vst v0  }
0x363: {  	s5 =	simm.s32 $0x0;
	vm15 =	vmmov vm4;
	[tilespmem:s15+$0xFFFFFFE0] =	vst v0  }
.LBB2_38:
0x364: {  	s5 =	sadd.s32 $0x8, s5;
	[tilespmem:s15+$0xFFFFFFD0] =	vst v0;
	s15 =	sadd.s32 $0x80, s15  }
0x365: {  	[tilespmem:s15+$0xFFFFFFC0] =	vst v0;
	p0 =	slt.u32 s5, $0xF8  }
0x366: {  	[tilespmem:s15+$0x30] =	vst v0  }
.Ltmp18:
0x367: {  	[tilespmem:s15+$0x20] =	vst v0;
	(pc) =	sbr.rel @p0 .LBB2_38-.Ltmp18, $4  }
0x368: {  	[tilespmem:s15+$0x10] =	vst v0  }
0x369: {  	[tilespmem:s15+$0x0] =	vst v0  }
0x36a: {  	[tilespmem:s15+$0xFFFFFFF0] =	vst v0  }
0x36b: {  	[tilespmem:s15+$0xFFFFFFE0] =	vst v0  }
0x36c: {  	(v2sf) =	vpush v4, $0x0;
	_ =	sdelay $0xe  }
0x36d: {  	s5 =	spop (v2sf)  }
0x36e: {  	p0 =	slt.s32 s5, $0x800  }
0x36f: {  	p1 =	slt.s32 s5, $0xFFFFFFF2;
	s5 =	simm.s32 @!p0 $0x800  }
0x370: {  	s6 =	sadd.s32 $0xF, s5  }
0x371: {  	s7 =	sand.u32 $0xF, s6  }
0x372: {  	s30 =	sshra.s32 s6, $0x1F;
	p6 =	sne.s32 s7, $0x0  }
0x373: {  	s7 =	sshrl.u32 s30, $0x1C;
	p0 =	por !p1, !p6  }
0x374: {  	s6 =	sadd.s32 s7, s6;
	s7 =	simm.s32 $0x1;
	p0 =	por !p0, !p0  }
0x375: {  	s6 =	sshra.s32 s6, $0x4;
	s7 =	simm.s32 @!p0 $0x0  }
0x376: {  	s14 =	ssub.s32 s6, s7  }
0x377: {  	p0 =	slt.s32 s14, $0x1  }
.Ltmp19:
0x378: {  	_ = 	snop;
	(pc) =	sbr.rel @p0 .LBB2_46-.Ltmp19, $2  }
0x379: {  	_ =	sdelay $0x2  }
0x37a: {  	[tilespmem:s15+$0xFFFFFFD0] =	vst v0;
	v4 =	vmov s5;
	s7 =	smov.u32 s8  }
0x37b: {  	p2 =	sne.s32 s14, $0x1  }
.Ltmp20:
0x37c: {  	_ = 	snop;
	(pc) =	sbr.rel @!p2 .LBB2_41-.Ltmp20, $3  }
0x37d: {  	_ =	sdelay $0x1  }
0x37e: {  	v5 =	vmov s3;
	s5 =	simm.s32 $0x11000  }
0x37f: {  	s3 =	simm.s32 $0x0;
	s6 =	sadd.s32 $0xFFFFFFFF, s14;
	p1 =	por $0x0, $0x0;
	v5 =	vbroadcast v5, $0x0;
	v6 =	vld [tilespmem:s5+$0x0]  }
0x380: {  	_ =	sdelay $0x2  }
0x381: {  	v7 =	vor.u32 s3, v1  }
0x382: {  	vm0 =	vlt.s32 v7, v4;
	vm1 =	vlt.f32 v6, v5;
	v6 =	vshrl.u32 v6, $0x8  }
0x383: {  	vm0 =	vmand vm0, vm1;
	v6 =	vand.u32 $0xFF0, v6  }
0x384: {  	v6 =	vor.u32 v1, v6  }
0x385: {  	p2 =	sne.s32 s6, $0x1  }
.Ltmp21:
0x386: {  	_ = 	snop;
	(pc) =	sbr.rel @!p2 .LBB2_43-.Ltmp21, $3  }
0x387: {  	_ =	sdelay $0x1  }
0x388: {  	s5 =	simm.s32 $0x11010;
	[tilespmem:v6+s26+$0x0] =	vst.idx.add.s32.msk vm0, v2  }
0x389: {  	s16 =	sadd.s32 $0xFFFFFFFF, s6;
	p1 =	por $0x1, $0x1;
	s15 =	simm.s32 $0x0;
	v6 =	vld [tilespmem:s5+$0x0]  }
.LBB2_44:
0x38a: {  	p2 =	sne.s32 s16, $0x1;
	_ =	sdelay $0x1  }
0x38b: {  	s15 =	sadd.s32 $0x10, s15  }
0x38c: {  	v7 =	vor.u32 s15, v1  }
0x38d: {  	vm0 =	vlt.s32 v7, v4;
	vm1 =	vlt.f32 v6, v5;
	v6 =	vshrl.u32 v6, $0x8  }
0x38e: {  	vm0 =	vmand vm0, vm1;
	v6 =	vand.u32 $0xFF0, v6  }
0x38f: {  	v6 =	vor.u32 v1, v6;
	_ =	sdelay $0x1  }
.Ltmp22:
0x390: {  	(pc) =	sbr.rel @p2 .LBB2_44-.Ltmp22, $3  }
0x391: {  	_ =	sdelay $0x1  }
0x392: {  	s5 =	sadd.s32 $0x10, s5;
	[tilespmem:v6+s26+$0x0] =	vst.idx.add.s32.msk vm0, v2  }
0x393: {  	s16 =	sadd.s32 $0xFFFFFFFF, s16;
	v6 =	vld [tilespmem:s5+$0x0]  }
.LBB2_45:
0x394: {  	_ = 	snop  }
0x395: {  	s5 =	sadd.s32 @p1 $0x10, s15  }
0x396: {  	s3 =	smov.u32 @p1 s5  }
0x397: {  	v7 =	vor.u32 s3, v1  }
0x398: {  	vm0 =	vlt.s32 v7, v4;
	vm1 =	vlt.f32 v6, v5;
	v5 =	vshrl.u32 v6, $0x8  }
0x399: {  	vm0 =	vmand vm0, vm1;
	v5 =	vand.u32 $0xFF0, v5  }
0x39a: {  	v5 =	vor.u32 v1, v5;
	_ =	sdelay $0x4  }
0x39b: {  	[tilespmem:v5+s26+$0x0] =	vst.idx.add.s32.msk vm0, v2  }
.LBB2_46:
0x39c: {  	s3 =	ssub.s32 $0x12C, s4  }
0x39d: {  	s6 =	simm.s32 $0x0;
	s15 =	simm.s32 $0x100000;
	s5 =	simm.s32 $0x10FF0  }
.LBB2_47:
0x39e: {  	v5 =	vld [tilespmem:s5+$0x0];
	_ =	sdelay $0x4  }
0x39f: {  	(xrf0) =	vadd.scan.msk.s32 $0xffff, v5;
	_ =	sdelay $0x5  }
0x3a0: {  	v5, _, _ =	vpop (xrf0)  }
0x3a1: {  	(v2sf) =	vpush v5, $0xF;
	_ =	sdelay $0xe  }
0x3a2: {  	s4 =	smov.u32 s6;
	s30 =	spop (v2sf)  }
0x3a3: {  	p1 =	seq.s32 s15, $0x1000;
	s6 =	sadd.s32 s4, s30  }
0x3a4: {  	p2 =	slt.s32 @!p1 s6, s3  }
0x3a5: {  	p2 =	por p1, !p2  }
.Ltmp23:
0x3a6: {  	_ = 	snop;
	(pc) =	sbr.rel @!p2 .LBB2_47-.Ltmp23, $2  }
0x3a7: {  	_ =	sdelay $0x2  }
0x3a8: {  	s15 =	sadd.s32 $0xFFFFF000, s15;
	s5 =	sadd.s32 $0xFFFFFFF0, s5  }
0x3a9: {  	s16 =	simm.s32 $0x10040;
	s5 =	simm.s32 $0xFFFFFFF8  }
0x3aa: {  	s16 =	simm.s32 @p1 $0x10040;
	s5 =	simm.s32 @p1 $0xFFFFFFF8  }
0x3ab: {  	[tilespmem:s16+$0xFFFFFFC0] =	vst v0;
	s5 =	sadd.s32 $0x8, s5  }
0x3ac: {  	[tilespmem:s16+$0x30] =	vst v0;
	p1 =	slt.u32 s5, $0xF8  }
.Ltmp24:
0x3ad: {  	[tilespmem:s16+$0x20] =	vst v0;
	(pc) =	sbr.rel @!p1 .LBB2_50-.Ltmp24, $4  }
0x3ae: {  	[tilespmem:s16+$0x10] =	vst v0  }
0x3af: {  	[tilespmem:s16+$0x0] =	vst v0  }
0x3b0: {  	[tilespmem:s16+$0xFFFFFFF0] =	vst v0  }
0x3b1: {  	[tilespmem:s16+$0xFFFFFFE0] =	vst v0  }
.LBB2_49:
0x3b2: {  	s5 =	sadd.s32 $0x8, s5;
	[tilespmem:s16+$0xFFFFFFD0] =	vst v0;
	s16 =	sadd.s32 $0x80, s16  }
0x3b3: {  	[tilespmem:s16+$0xFFFFFFC0] =	vst v0;
	p1 =	slt.u32 s5, $0xF8  }
0x3b4: {  	[tilespmem:s16+$0x30] =	vst v0  }
.Ltmp25:
0x3b5: {  	[tilespmem:s16+$0x20] =	vst v0;
	(pc) =	sbr.rel @p1 .LBB2_49-.Ltmp25, $4  }
0x3b6: {  	[tilespmem:s16+$0x10] =	vst v0  }
0x3b7: {  	[tilespmem:s16+$0x0] =	vst v0  }
0x3b8: {  	[tilespmem:s16+$0xFFFFFFF0] =	vst v0  }
0x3b9: {  	[tilespmem:s16+$0xFFFFFFE0] =	vst v0  }
.LBB2_50:
.Ltmp26:
0x3ba: {  	(pc) =	sbr.rel @p0 .LBB2_57-.Ltmp26, $2  }
0x3bb: {  	_ =	sdelay $0x2  }
0x3bc: {  	[tilespmem:s16+$0xFFFFFFD0] =	vst v0;
	s13 =	sor.u32 s13, s15  }
0x3bd: {  	p2 =	sne.s32 s14, $0x1  }
.Ltmp27:
0x3be: {  	_ = 	snop;
	(pc) =	sbr.rel @!p2 .LBB2_52-.Ltmp27, $4  }
0x3bf: {  	_ = 	snop  }
0x3c0: {  	s5 =	sadd.s32 $0x1000, s13  }
0x3c1: {  	v5 =	vmov s13;
	s30 =	simm.s32 $0x11000;
	v6 =	vmov s5  }
0x3c2: {  	s15 =	simm.s32 $0x0;
	p1 =	por $0x0, $0x0;
	v5 =	vbroadcast v5, $0x0;
	v7 =	vld [tilespmem:s30+$0x0];
	s5 =	sadd.s32 $0xFFFFFFFF, s14;
	v6 =	vbroadcast v6, $0x0  }
0x3c3: {  	_ =	sdelay $0x3  }
0x3c4: {  	v8 =	vor.u32 s15, v1;
	vm0 =	vge.f32 v7, v5;
	vm1 =	vlt.f32 v7, v6  }
0x3c5: {  	vm2 =	vlt.s32 v8, v4;
	vm0 =	vmand vm0, vm1  }
0x3c6: {  	v7 =	vand.u32 $0xFF0, v7;
	vm0 =	vmand vm2, vm0  }
0x3c7: {  	v7 =	vor.u32 v1, v7  }
0x3c8: {  	p2 =	sne.s32 s5, $0x1  }
.Ltmp28:
0x3c9: {  	_ = 	snop;
	(pc) =	sbr.rel @!p2 .LBB2_54-.Ltmp28, $3  }
0x3ca: {  	_ =	sdelay $0x1  }
0x3cb: {  	s30 =	simm.s32 $0x11010;
	[tilespmem:v7+s26+$0x0] =	vst.idx.add.s32.msk vm0, v2  }
0x3cc: {  	s5 =	sadd.s32 $0xFFFFFFFF, s5;
	p1 =	por $0x1, $0x1;
	s16 =	simm.s32 $0x0;
	v7 =	vld [tilespmem:s30+$0x0]  }
.LBB2_55:
0x3cd: {  	p2 =	sne.s32 s5, $0x1;
	_ =	sdelay $0x2  }
0x3ce: {  	s16 =	sadd.s32 $0x10, s16  }
0x3cf: {  	v8 =	vor.u32 s16, v1;
	vm0 =	vge.f32 v7, v5;
	vm1 =	vlt.f32 v7, v6  }
0x3d0: {  	vm2 =	vlt.s32 v8, v4;
	vm0 =	vmand vm0, vm1  }
0x3d1: {  	v7 =	vand.u32 $0xFF0, v7;
	vm0 =	vmand vm2, vm0  }
0x3d2: {  	v7 =	vor.u32 v1, v7;
	_ =	sdelay $0x1  }
.Ltmp29:
0x3d3: {  	(pc) =	sbr.rel @p2 .LBB2_55-.Ltmp29, $3  }
0x3d4: {  	_ =	sdelay $0x1  }
0x3d5: {  	s30 =	sadd.s32 $0x10, s30;
	[tilespmem:v7+s26+$0x0] =	vst.idx.add.s32.msk vm0, v2  }
0x3d6: {  	s5 =	sadd.s32 $0xFFFFFFFF, s5;
	v7 =	vld [tilespmem:s30+$0x0]  }
.LBB2_56:
0x3d7: {  	_ =	sdelay $0x1  }
0x3d8: {  	s5 =	sadd.s32 @p1 $0x10, s16  }
0x3d9: {  	s15 =	smov.u32 @p1 s5  }
0x3da: {  	v8 =	vor.u32 s15, v1;
	vm0 =	vge.f32 v7, v5;
	vm1 =	vlt.f32 v7, v6  }
0x3db: {  	vm2 =	vlt.s32 v8, v4;
	vm0 =	vmand vm0, vm1  }
0x3dc: {  	v5 =	vand.u32 $0xFF0, v7;
	vm0 =	vmand vm2, vm0  }
0x3dd: {  	v5 =	vor.u32 v1, v5;
	_ =	sdelay $0x4  }
0x3de: {  	[tilespmem:v5+s26+$0x0] =	vst.idx.add.s32.msk vm0, v2  }
.LBB2_57:
0x3df: {  	s4 =	ssub.s32 s3, s4  }
0x3e0: {  	s6 =	simm.s32 $0x0;
	s3 =	simm.s32 $0x1000;
	s5 =	simm.s32 $0x10FF0  }
.LBB2_58:
0x3e1: {  	v5 =	vld [tilespmem:s5+$0x0];
	_ =	sdelay $0x4  }
0x3e2: {  	(xrf0) =	vadd.scan.msk.s32 $0xffff, v5;
	_ =	sdelay $0x5  }
0x3e3: {  	v5, _, _ =	vpop (xrf0)  }
0x3e4: {  	(v2sf) =	vpush v5, $0xF;
	_ =	sdelay $0xe  }
0x3e5: {  	s15 =	smov.u32 s6;
	s30 =	spop (v2sf)  }
0x3e6: {  	p1 =	seq.s32 s3, $0x10;
	s6 =	sadd.s32 s15, s30  }
0x3e7: {  	p2 =	slt.s32 @!p1 s6, s4  }
0x3e8: {  	p2 =	por p1, !p2  }
.Ltmp30:
0x3e9: {  	_ = 	snop;
	(pc) =	sbr.rel @!p2 .LBB2_58-.Ltmp30, $2  }
0x3ea: {  	_ =	sdelay $0x2  }
0x3eb: {  	s3 =	sadd.s32 $0xFFFFFFF0, s3;
	s5 =	sadd.s32 $0xFFFFFFF0, s5  }
0x3ec: {  	s16 =	simm.s32 $0x10040;
	s5 =	simm.s32 $0xFFFFFFF8  }
0x3ed: {  	s16 =	simm.s32 @p1 $0x10040;
	s5 =	simm.s32 @p1 $0xFFFFFFF8  }
0x3ee: {  	[tilespmem:s16+$0xFFFFFFC0] =	vst v0;
	s5 =	sadd.s32 $0x8, s5  }
0x3ef: {  	[tilespmem:s16+$0x30] =	vst v0;
	p1 =	slt.u32 s5, $0xF8  }
.Ltmp31:
0x3f0: {  	[tilespmem:s16+$0x20] =	vst v0;
	(pc) =	sbr.rel @!p1 .LBB2_61-.Ltmp31, $4  }
0x3f1: {  	[tilespmem:s16+$0x10] =	vst v0  }
0x3f2: {  	[tilespmem:s16+$0x0] =	vst v0  }
0x3f3: {  	[tilespmem:s16+$0xFFFFFFF0] =	vst v0  }
0x3f4: {  	[tilespmem:s16+$0xFFFFFFE0] =	vst v0  }
.LBB2_60:
0x3f5: {  	s5 =	sadd.s32 $0x8, s5;
	[tilespmem:s16+$0xFFFFFFD0] =	vst v0;
	s16 =	sadd.s32 $0x80, s16  }
0x3f6: {  	[tilespmem:s16+$0xFFFFFFC0] =	vst v0;
	p1 =	slt.u32 s5, $0xF8  }
0x3f7: {  	[tilespmem:s16+$0x30] =	vst v0  }
.Ltmp32:
0x3f8: {  	[tilespmem:s16+$0x20] =	vst v0;
	(pc) =	sbr.rel @p1 .LBB2_60-.Ltmp32, $4  }
0x3f9: {  	[tilespmem:s16+$0x10] =	vst v0  }
0x3fa: {  	[tilespmem:s16+$0x0] =	vst v0  }
0x3fb: {  	[tilespmem:s16+$0xFFFFFFF0] =	vst v0  }
0x3fc: {  	[tilespmem:s16+$0xFFFFFFE0] =	vst v0  }
.LBB2_61:
.Ltmp33:
0x3fd: {  	(pc) =	sbr.rel @p0 .LBB2_68-.Ltmp33, $2  }
0x3fe: {  	_ =	sdelay $0x2  }
0x3ff: {  	[tilespmem:s16+$0xFFFFFFD0] =	vst v0;
	s3 =	sor.u32 s13, s3  }
0x400: {  	p2 =	sne.s32 s14, $0x1  }
.Ltmp34:
0x401: {  	_ = 	snop;
	(pc) =	sbr.rel @!p2 .LBB2_63-.Ltmp34, $4  }
0x402: {  	_ = 	snop  }
0x403: {  	s5 =	sadd.s32 $0x10, s3  }
0x404: {  	v5 =	vmov s3;
	s30 =	simm.s32 $0x11000;
	v6 =	vmov s5  }
0x405: {  	s13 =	simm.s32 $0x0;
	p1 =	por $0x0, $0x0;
	v5 =	vbroadcast v5, $0x0;
	v7 =	vld [tilespmem:s30+$0x0];
	s5 =	sadd.s32 $0xFFFFFFFF, s14;
	v6 =	vbroadcast v6, $0x0  }
0x406: {  	_ =	sdelay $0x3  }
0x407: {  	v8 =	vor.u32 s13, v1;
	vm0 =	vge.f32 v7, v5;
	vm1 =	vlt.f32 v7, v6  }
0x408: {  	vm2 =	vlt.s32 v8, v4;
	v7 =	vshll.u32 v7, $0x4;
	vm0 =	vmand vm0, vm1  }
0x409: {  	v7 =	vor.u32 v1, v7;
	vm0 =	vmand vm2, vm0  }
0x40a: {  	v7 =	vand.u32 $0xFF, v7  }
0x40b: {  	p2 =	sne.s32 s5, $0x1  }
.Ltmp35:
0x40c: {  	_ = 	snop;
	(pc) =	sbr.rel @!p2 .LBB2_65-.Ltmp35, $3  }
0x40d: {  	_ =	sdelay $0x1  }
0x40e: {  	s30 =	simm.s32 $0x11010;
	[tilespmem:v7+s26+$0x0] =	vst.idx.add.s32.msk vm0, v2  }
0x40f: {  	s5 =	sadd.s32 $0xFFFFFFFF, s5;
	p1 =	por $0x1, $0x1;
	s16 =	simm.s32 $0x0;
	v7 =	vld [tilespmem:s30+$0x0]  }
.LBB2_66:
0x410: {  	p2 =	sne.s32 s5, $0x1;
	_ =	sdelay $0x2  }
0x411: {  	s16 =	sadd.s32 $0x10, s16  }
0x412: {  	v8 =	vor.u32 s16, v1;
	vm0 =	vge.f32 v7, v5;
	vm1 =	vlt.f32 v7, v6  }
0x413: {  	vm2 =	vlt.s32 v8, v4;
	v7 =	vshll.u32 v7, $0x4;
	vm0 =	vmand vm0, vm1  }
0x414: {  	v7 =	vor.u32 v1, v7;
	vm0 =	vmand vm2, vm0  }
0x415: {  	v7 =	vand.u32 $0xFF, v7;
	_ =	sdelay $0x1  }
.Ltmp36:
0x416: {  	(pc) =	sbr.rel @p2 .LBB2_66-.Ltmp36, $3  }
0x417: {  	_ =	sdelay $0x1  }
0x418: {  	s30 =	sadd.s32 $0x10, s30;
	[tilespmem:v7+s26+$0x0] =	vst.idx.add.s32.msk vm0, v2  }
0x419: {  	s5 =	sadd.s32 $0xFFFFFFFF, s5;
	v7 =	vld [tilespmem:s30+$0x0]  }
.LBB2_67:
0x41a: {  	_ =	sdelay $0x1  }
0x41b: {  	s5 =	sadd.s32 @p1 $0x10, s16  }
0x41c: {  	s13 =	smov.u32 @p1 s5  }
0x41d: {  	v8 =	vor.u32 s13, v1;
	vm0 =	vge.f32 v7, v5;
	vm1 =	vlt.f32 v7, v6  }
0x41e: {  	vm2 =	vlt.s32 v8, v4;
	v5 =	vshll.u32 v7, $0x4;
	vm0 =	vmand vm0, vm1  }
0x41f: {  	v5 =	vor.u32 v1, v5;
	vm0 =	vmand vm2, vm0  }
0x420: {  	v5 =	vand.u32 $0xFF, v5;
	_ =	sdelay $0x4  }
0x421: {  	[tilespmem:v5+s26+$0x0] =	vst.idx.add.s32.msk vm0, v2  }
.LBB2_68:
0x422: {  	s4 =	ssub.s32 s4, s15  }
0x423: {  	s6 =	simm.s32 $0x0;
	s13 =	simm.s32 $0x10;
	s5 =	simm.s32 $0x100F0  }
.LBB2_69:
0x424: {  	v5 =	vld [tilespmem:s5+$0x0];
	_ =	sdelay $0x4  }
0x425: {  	(xrf0) =	vadd.scan.msk.s32 $0xffff, v5;
	_ =	sdelay $0x5  }
0x426: {  	v5, _, _ =	vpop (xrf0)  }
0x427: {  	(v2sf) =	vpush v5, $0xF;
	_ =	sdelay $0xe  }
0x428: {  	s15 =	smov.u32 s6;
	s30 =	spop (v2sf)  }
0x429: {  	p1 =	seq.s32 s13, $0x1;
	s6 =	sadd.s32 s15, s30  }
0x42a: {  	p2 =	slt.s32 @!p1 s6, s4  }
0x42b: {  	p1 =	por p1, !p2  }
.Ltmp37:
0x42c: {  	_ = 	snop;
	(pc) =	sbr.rel @!p1 .LBB2_69-.Ltmp37, $2  }
0x42d: {  	_ =	sdelay $0x2  }
0x42e: {  	s13 =	sadd.s32 $0xFFFFFFFF, s13;
	s5 =	sadd.s32 $0xFFFFFFF0, s5  }
0x42f: {  	[tilespmem:$0x12000] =	vst v3  }
0x430: {  	[tilespmem:$0x12180] =	vst v0  }
0x431: {  	[tilespmem:$0x12010] =	vst v3  }
0x432: {  	[tilespmem:$0x12190] =	vst v0  }
0x433: {  	[tilespmem:$0x12020] =	vst v3  }
0x434: {  	[tilespmem:$0x121A0] =	vst v0  }
0x435: {  	[tilespmem:$0x12030] =	vst v3  }
0x436: {  	[tilespmem:$0x121B0] =	vst v0  }
0x437: {  	[tilespmem:$0x12040] =	vst v3  }
0x438: {  	[tilespmem:$0x121C0] =	vst v0  }
0x439: {  	[tilespmem:$0x12050] =	vst v3  }
0x43a: {  	[tilespmem:$0x121D0] =	vst v0  }
0x43b: {  	[tilespmem:$0x12060] =	vst v3  }
0x43c: {  	[tilespmem:$0x121E0] =	vst v0  }
0x43d: {  	[tilespmem:$0x12070] =	vst v3  }
0x43e: {  	[tilespmem:$0x121F0] =	vst v0  }
0x43f: {  	[tilespmem:$0x12080] =	vst v3  }
0x440: {  	[tilespmem:$0x12200] =	vst v0  }
0x441: {  	[tilespmem:$0x12090] =	vst v3  }
0x442: {  	[tilespmem:$0x12210] =	vst v0  }
0x443: {  	[tilespmem:$0x120A0] =	vst v3  }
0x444: {  	[tilespmem:$0x12220] =	vst v0  }
0x445: {  	[tilespmem:$0x120B0] =	vst v3  }
0x446: {  	[tilespmem:$0x12230] =	vst v0  }
0x447: {  	[tilespmem:$0x120C0] =	vst v3  }
0x448: {  	[tilespmem:$0x12240] =	vst v0  }
0x449: {  	[tilespmem:$0x120D0] =	vst v3  }
0x44a: {  	[tilespmem:$0x12250] =	vst v0  }
0x44b: {  	[tilespmem:$0x120E0] =	vst v3  }
0x44c: {  	[tilespmem:$0x12260] =	vst v0  }
0x44d: {  	[tilespmem:$0x120F0] =	vst v3  }
0x44e: {  	[tilespmem:$0x12270] =	vst v0  }
0x44f: {  	[tilespmem:$0x12100] =	vst v3  }
0x450: {  	[tilespmem:$0x12280] =	vst v0  }
0x451: {  	[tilespmem:$0x12110] =	vst v3  }
.Ltmp38:
0x452: {  	[tilespmem:$0x12290] =	vst v0;
	(pc) =	sbr.rel @p0 .LBB2_78-.Ltmp38, $4  }
0x453: {  	[tilespmem:$0x12120] =	vst v3  }
0x454: {  	[tilespmem:$0x122A0] =	vst v0  }
0x455: {  	[tilespmem:$0x12130] =	vst v3  }
0x456: {  	[tilespmem:$0x122B0] =	vst v0  }
0x457: {  	p1 =	sne.s32 s14, $0x1  }
.Ltmp39:
0x458: {  	_ = 	snop;
	(pc) =	sbr.rel @!p1 .LBB2_72-.Ltmp39, $4  }
0x459: {  	_ = 	snop  }
0x45a: {  	s3 =	sor.u32 s3, s13  }
0x45b: {  	s4 =	ssub.s32 s4, s15;
	s5 =	simm.s32 $0x11000;
	p0 =	por $0x0, $0x0;
	v5 =	vmov s3  }
0x45c: {  	v10 =	vimm.s32 $0x0;
	s3 =	simm.s32 $0x11800;
	v6 =	vmov s4;
	s4 =	simm.s32 $0x0;
	v7 =	vld [tilespmem:s5+$0x0];
	s5 =	sadd.s32 $0xFFFFFFFF, s14;
	v5 =	vbroadcast v5, $0x0  }
0x45d: {  	_ =	sdelay $0x2  }
0x45e: {  	v8 =	vor.u32 s4, v1  }
0x45f: {  	vm0 =	vlt.s32 v8, v4;
	vm1 =	veq.f32 v7, v5  }
0x460: {  	vm1 =	vmand vm0, vm1  }
0x461: {  	v8 =	vsel vm1, $0x1, v0  }
0x462: {  	(xrf0) =	vadd.scan.msk.s32 $0xffff, v8;
	_ =	sdelay $0x5  }
0x463: {  	v8, _, _ =	vpop (xrf0)  }
0x464: {  	v8 =	vadd.s32 v10, v8  }
0x465: {  	vm2 =	vgt.f32 v7, v5;
	vm3 =	vle.s32 v8, v6  }
0x466: {  	vm0 =	vmand vm0, vm2;
	vm14 =	vmand vm1, vm3  }
0x467: {  	vm0 =	vmor vm0, vm14  }
0x468: {  	v8 =	vsel vm0, $0x1, v0  }
0x469: {  	(xrf0) =	vadd.scan.msk.s32 $0xffff, v8;
	_ =	sdelay $0x5  }
0x46a: {  	v8, _, _ =	vpop (xrf0)  }
0x46b: {  	v8 =	vadd.s32 v8, v10  }
0x46c: {  	v8 =	vadd.s32 $0xFFFFFFFF, v8  }
0x46d: {  	vm15 =	vlt.s32 v8, $0x13F  }
0x46e: {  	v11 =	vnsel vm15, $0x13F, v8  }
0x46f: {  	v12 =	vld [tilespmem:s3+$0x0];
	_ =	sdelay $0x1  }
0x470: {  	p1 =	sne.s32 s5, $0x1  }
.Ltmp40:
0x471: {  	_ = 	snop;
	(pc) =	sbr.rel @!p1 .LBB2_74-.Ltmp40, $4  }
0x472: {  	v13 =	vmpcnt.ones.xlane vm0;
	v8 =	vmpcnt.ones.xlane vm1;
	[tilespmem:v11+s28+$0x0] =	vst.idx.msk vm0, v7  }
0x473: {  	s15 =	simm.s32 $0x11010;
	[tilespmem:v11+s29+$0x0] =	vst.idx.msk vm0, v12  }
0x474: {  	s16 =	sadd.s32 $0xFFFFFFFF, s5;
	v9 =	vadd.s32 v10, v8;
	v8 =	vadd.s32 v10, v13;
	v7 =	vld [tilespmem:s15+$0x0]  }
0x475: {  	p0 =	por $0x1, $0x1;
	s14 =	simm.s32 $0x0;
	s13 =	simm.s32 $0x11800;
	v10 =	vmov v9;
	v11 =	vmov v8  }
.LBB2_75:
0x476: {  	p1 =	sne.s32 s16, $0x1  }
0x477: {  	s14 =	sadd.s32 $0x10, s14  }
0x478: {  	v12 =	vor.u32 s14, v1  }
0x479: {  	vm0 =	vlt.s32 v12, v4;
	vm1 =	veq.f32 v7, v5  }
0x47a: {  	vm1 =	vmand vm0, vm1  }
0x47b: {  	v12 =	vsel vm1, $0x1, v0;
	v13 =	vmpcnt.ones.xlane vm1  }
0x47c: {  	(xrf0) =	vadd.scan.msk.s32 $0xffff, v12  }
0x47d: {  	v10 =	vadd.s32 v10, v13;
	_ =	sdelay $0x4  }
0x47e: {  	v12, _, _ =	vpop (xrf0)  }
0x47f: {  	v12 =	vadd.s32 v9, v12;
	v9 =	vmov v10  }
0x480: {  	vm2 =	vgt.f32 v7, v5;
	vm3 =	vle.s32 v12, v6  }
0x481: {  	vm0 =	vmand vm0, vm2;
	vm1 =	vmand vm1, vm3  }
0x482: {  	vm0 =	vmor vm0, vm1  }
0x483: {  	v12 =	vsel vm0, $0x1, v0;
	v13 =	vmpcnt.ones.xlane vm0  }
0x484: {  	(xrf0) =	vadd.scan.msk.s32 $0xffff, v12  }
0x485: {  	v11 =	vadd.s32 v11, v13;
	_ =	sdelay $0x4  }
0x486: {  	v12, _, _ =	vpop (xrf0)  }
0x487: {  	v12 =	vadd.s32 v12, v8;
	v8 =	vmov v11  }
0x488: {  	v12 =	vadd.s32 $0xFFFFFFFF, v12  }
0x489: {  	vm1 =	vlt.s32 v12, $0x13F  }
0x48a: {  	s13 =	sadd.s32 $0x10, s13;
	v12 =	vnsel vm1, $0x13F, v12  }
0x48b: {  	v13 =	vld [tilespmem:s13+$0x0];
	_ =	sdelay $0x2  }
.Ltmp41:
0x48c: {  	(pc) =	sbr.rel @p1 .LBB2_75-.Ltmp41, $4  }
0x48d: {  	[tilespmem:v12+s28+$0x0] =	vst.idx.msk vm0, v7  }
0x48e: {  	s15 =	sadd.s32 $0x10, s15;
	[tilespmem:v12+s29+$0x0] =	vst.idx.msk vm0, v13  }
0x48f: {  	v7 =	vld [tilespmem:s15+$0x0]  }
0x490: {  	s16 =	sadd.s32 $0xFFFFFFFF, s16  }
0x491: {  	v10 =	vmov v9  }
.LBB2_77:
0x492: {  	s5 =	sadd.s32 @p0 $0x10, s14  }
0x493: {  	s4 =	smov.u32 @p0 s5  }
0x494: {  	v9 =	vor.u32 s4, v1  }
0x495: {  	vm1 =	veq.f32 v7, v5;
	vm0 =	vlt.s32 v9, v4  }
0x496: {  	vm1 =	vmand vm0, vm1  }
0x497: {  	v4 =	vsel vm1, $0x1, v0  }
0x498: {  	(xrf0) =	vadd.scan.msk.s32 $0xffff, v4;
	_ =	sdelay $0x5  }
0x499: {  	v4, _, _ =	vpop (xrf0)  }
0x49a: {  	v4 =	vadd.s32 v10, v4  }
0x49b: {  	vm2 =	vgt.f32 v7, v5;
	vm3 =	vle.s32 v4, v6  }
0x49c: {  	vm0 =	vmand vm0, vm2;
	vm1 =	vmand vm1, vm3  }
0x49d: {  	vm0 =	vmor vm0, vm1  }
0x49e: {  	v4 =	vsel vm0, $0x1, v0  }
0x49f: {  	(xrf0) =	vadd.scan.msk.s32 $0xffff, v4;
	_ =	sdelay $0x5  }
0x4a0: {  	v4, _, _ =	vpop (xrf0)  }
0x4a1: {  	v4 =	vadd.s32 v4, v8  }
0x4a2: {  	v4 =	vadd.s32 $0xFFFFFFFF, v4  }
0x4a3: {  	s4 =	sadd.s32 @p0 $0x10, s13;
	vm15 =	vlt.s32 v4, $0x13F  }
0x4a4: {  	s3 =	smov.u32 @p0 s4;
	v4 =	vnsel vm15, $0x13F, v4  }
0x4a5: {  	v5 =	vld [tilespmem:s3+$0x0];
	_ =	sdelay $0x3  }
0x4a6: {  	[tilespmem:v4+s28+$0x0] =	vst.idx.msk vm0, v7  }
0x4a7: {  	[tilespmem:v4+s29+$0x0] =	vst.idx.msk vm0, v5  }
.LBB2_78:
0x4a8: {  	v20 =	vld [tilespmem:$0x12000]  }
0x4a9: {  	v6 =	vld [tilespmem:$0x12010]  }
0x4aa: {  	v4 =	vld [tilespmem:$0x12020]  }
0x4ab: {  	v5 =	vld [tilespmem:$0x12030];
	v16 =	vor.u32 $0x10, v1;
	v15 =	vor.u32 $0x20, v1  }
0x4ac: {  	s3 =	simm.s32 $0x12000;
	v28 =	vld [tilespmem:$0x12090];
	v18 =	vor.u32 $0x30, v1;
	v19 =	vor.u32 $0x40, v1;
	v22 =	vor.u32 $0x50, v1  }
0x4ad: {  	v25 =	vor.u32 $0x60, v1;
	v24 =	vor.u32 $0x70, v1;
	v26 =	vor.u32 $0x80, v1;
	v8 =	vld.msk [tilespmem:s3+$0x0 ss:$0x0], $0xffff  }
0x4ae: {  	v9 =	vld [tilespmem:$0x12050];
	s30 =	simm.s32 $0x0;
	v29 =	vor.u32 $0x90, v1;
	v27 =	vimm.s32 $0x0;
	v32 =	vimm.s32 $0x0  }
0x4af: {  	v11 =	vld [tilespmem:$0x12070];
	v36 =	vimm.s32 $0x0;
	v38 =	vimm.s32 $0x0;
	v12 =	vmov s30  }
0x4b0: {  	v13 =	vld [tilespmem:$0x12080];
	vm2 =	vlt.u32 v12, v29;
	vm8 =	vlt.u32 v12, v1;
	vm9 =	vlt.u32 v12, v16  }
0x4b1: {  	vm11 =	vlt.u32 v12, v15;
	vm13 =	vlt.u32 v12, v18;
	vm14 =	vlt.u32 v12, v19  }
0x4b2: {  	vm15 =	vlt.u32 v12, v22;
	vm0 =	veq.f32 v8, v20;
	vm1 =	veq.f32 v8, v28  }
0x4b3: {  	v7 =	vld [tilespmem:$0x12040];
	vm3 =	veq.f32 v8, v6;
	vm4 =	vgt.f32 v8, v28;
	vm12 =	veq.f32 v8, v4  }
0x4b4: {  	vm5 =	veq.f32 v8, v5;
	vm6 =	veq.f32 v8, v9;
	vm7 =	veq.f32 v8, v11  }
0x4b5: {  	v10 =	vld [tilespmem:$0x12060];
	vm10 =	veq.f32 v8, v13;
	vm1 =	vmand vm2, vm1;
	vm0 =	vmand vm8, vm0  }
0x4b6: {  	vm3 =	vmand vm9, vm3;
	vm2 =	vmand vm11, vm12;
	vm5 =	vmand vm13, vm5  }
0x4b7: {  	vm12 =	vlt.u32 v12, v25;
	vm13 =	vlt.u32 v12, v24;
	vm6 =	vmand vm15, vm6  }
0x4b8: {  	vm15 =	vgt.f32 v8, v20;
	vm1 =	vmor vm4, vm1;
	vm4 =	veq.f32 v8, v7  }
0x4b9: {  	vm7 =	vmand vm13, vm7;
	vm13 =	vgt.f32 v8, v4;
	vm0 =	vmor vm15, vm0  }
0x4ba: {  	vm15 =	vgt.f32 v8, v7;
	v14 =	vsel vm1, $0x1, v0;
	vm1 =	veq.f32 v8, v10  }
0x4bb: {  	vm4 =	vmand vm14, vm4;
	vm14 =	vlt.u32 v12, v26;
	vm2 =	vmor vm13, vm2  }
0x4bc: {  	vm13 =	vgt.f32 v8, v10;
	v12 =	vsel vm0, $0x1, v0;
	vm1 =	vmand vm12, vm1  }
0x4bd: {  	vm12 =	vgt.f32 v8, v6;
	vm10 =	vmand vm14, vm10;
	vm14 =	vgt.f32 v8, v5  }
0x4be: {  	vm4 =	vmor vm15, vm4;
	vm15 =	vgt.f32 v8, v13;
	v21 =	vsel vm2, $0x1, v0  }
0x4bf: {  	v12 =	vadd.s32 v12, v27;
	vm3 =	vmor vm12, vm3;
	vm12 =	vgt.f32 v8, v9  }
0x4c0: {  	vm5 =	vmor vm14, vm5;
	vm14 =	vgt.f32 v8, v11;
	vm1 =	vmor vm13, vm1  }
0x4c1: {  	vm0 =	vmor vm15, vm10;
	v30 =	vsel vm4, $0x1, v0;
	v8 =	vadd.s32 v14, v27  }
0x4c2: {  	vm6 =	vmor vm12, vm6;
	vm7 =	vmor vm14, vm7;
	v17 =	vsel vm3, $0x1, v0  }
0x4c3: {  	v23 =	vsel vm5, $0x1, v0;
	v40 =	vsel vm1, $0x1, v0;
	v42 =	vsel vm0, $0x1, v0  }
0x4c4: {  	s3 =	simm.s32 $0x12001;
	v39 =	vsel vm6, $0x1, v0;
	v41 =	vsel vm7, $0x1, v0;
	v14 =	vadd.s32 v17, v27  }
0x4c5: {  	s4 =	simm.s32 $0x1;
	s13 =	simm.s32 $0x2;
	v17 =	vadd.s32 v21, v27;
	v21 =	vadd.s32 v23, v27;
	v23 =	vadd.s32 v30, v27;
	v30 =	vld.msk [tilespmem:s3+$0x0 ss:$0x0], $0xffff  }
.LBB2_79:
0x4c6: {  	v27 =	vadd.s32 v39, v27;
	v32 =	vadd.s32 v40, v32  }
0x4c7: {  	v36 =	vadd.s32 v41, v36;
	v38 =	vadd.s32 v42, v38;
	v31 =	vmov s4  }
0x4c8: {  	v33 =	vimm.s32 $0x0;
	v59 =	vimm.s32 $0x0;
	vm2 =	vlt.u32 v31, v29  }
0x4c9: {  	vm8 =	vlt.u32 v31, v1;
	vm9 =	vlt.u32 v31, v16;
	vm11 =	vlt.u32 v31, v15  }
0x4ca: {  	vm12 =	vlt.u32 v31, v18;
	vm14 =	vlt.u32 v31, v22;
	vm15 =	vlt.u32 v31, v25  }
0x4cb: {  	vm0 =	veq.f32 v30, v20;
	vm1 =	veq.f32 v30, v28;
	vm13 =	veq.f32 v30, v6  }
0x4cc: {  	vm4 =	vgt.f32 v30, v28;
	vm5 =	veq.f32 v30, v5;
	vm6 =	veq.f32 v30, v9  }
0x4cd: {  	vm7 =	veq.f32 v30, v11;
	vm10 =	veq.f32 v30, v13;
	v33 =	vsel vm0, $0xFFFFFFFF, v33  }
0x4ce: {  	vm1 =	vmand vm2, vm1;
	vm2 =	veq.f32 v30, v4;
	[tilespmem:$0x1FFD0] =	vst v33;
	v33 =	vsel vm13, $0xFFFFFFFF, v59  }
0x4cf: {  	vm0 =	vlt.u32 v31, v24;
	vm5 =	vmand vm12, vm5;
	vm6 =	vmand vm14, vm6;
	[tilespmem:$0x1FFE0] =	vst v33;
	v61 =	vld [tilespmem:$0x1FFD0]  }
0x4d0: {  	vm12 =	vgt.f32 v30, v5;
	vm14 =	vgt.f32 v30, v9;
	vm1 =	vmor vm4, vm1;
	v62 =	vld [tilespmem:$0x1FFE0]  }
0x4d1: {  	vm4 =	veq.f32 v30, v7;
	vm13 =	vlt.u32 v31, v19;
	vm2 =	vmand vm11, vm2  }
0x4d2: {  	vm0 =	vmand vm0, vm7;
	vm7 =	vgt.f32 v30, v20;
	vm11 =	vgt.f32 v30, v6  }
0x4d3: {  	vm5 =	vmor vm12, vm5;
	vm6 =	vmor vm14, vm6;
	v60 =	vsel vm1, $0x1, v0  }
0x4d4: {  	vm1 =	veq.f32 v30, v10;
	vm4 =	vmand vm13, vm4;
	vm3 =	vnez.u8 v61  }
0x4d5: {  	vm13 =	vgt.f32 v30, v7;
	vm8 =	vmand vm8, vm3;
	vm3 =	vnez.u8 v62  }
0x4d6: {  	vm3 =	vmand vm9, vm3;
	vm9 =	vlt.u32 v31, v26;
	v31 =	vimm.s32 $0x0  }
0x4d7: {  	v34 =	vsel vm5, $0x1, v0;
	vm1 =	vmand vm15, vm1;
	v31 =	vsel vm0, $0xFFFFFFFF, v31  }
0x4d8: {  	vm15 =	vgt.f32 v30, v10;
	vm7 =	vmor vm7, vm8;
	vm8 =	vgt.f32 v30, v13;
	[tilespmem:$0x1FFF0] =	vst v31  }
0x4d9: {  	vm9 =	vmand vm9, vm10;
	vm10 =	vgt.f32 v30, v4;
	vm0 =	vgt.f32 v30, v11;
	v30 =	vld [tilespmem:$0x1FFF0]  }
0x4da: {  	v39 =	vsel vm6, $0x1, v0;
	v8 =	vadd.s32 v60, v8;
	vm4 =	vmor vm13, vm4  }
0x4db: {  	p0 =	sne.s32 s13, $0x13F;
	v21 =	vadd.s32 v34, v21;
	vm1 =	vmor vm15, vm1;
	v35 =	vsel vm4, $0x1, v0  }
.Ltmp42:
0x4dc: {  	v40 =	vsel vm1, $0x1, v0;
	v23 =	vadd.s32 v35, v23;
	vm3 =	vmor vm11, vm3;
	(pc) =	sbr.rel @p0 .LBB2_79-.Ltmp42, $4  }
0x4dd: {  	vm2 =	vmor vm10, vm2;
	v31 =	vsel vm3, $0x1, v0;
	vm15 =	vmor vm8, vm9  }
0x4de: {  	v63 =	vsel vm2, $0x1, v0;
	v14 =	vadd.s32 v31, v14;
	vm14 =	vnez.u8 v30  }
0x4df: {  	s3 =	sadd.s32 $0x1, s3;
	v42 =	vsel vm15, $0x1, v0;
	v30 =	vsel vm7, $0x1, v0;
	vm0 =	vmor vm0, vm14  }
0x4e0: {  	s4 =	smov.u32 s13;
	s13 =	sadd.s32 $0x1, s13;
	v17 =	vadd.s32 v63, v17;
	v12 =	vadd.s32 v30, v12;
	v30 =	vld.msk [tilespmem:s3+$0x0 ss:$0x0], $0xffff;
	v41 =	vsel vm0, $0x1, v0  }
0x4e1: {  	v31 =	vmov s4;
	v37 =	vor.u32 $0xA0, v1  }
0x4e2: {  	v33 =	vor.u32 $0xB0, v1;
	vm2 =	vlt.u32 v31, v29;
	vm8 =	vlt.u32 v31, v1  }
0x4e3: {  	vm9 =	vlt.u32 v31, v16;
	vm11 =	vlt.u32 v31, v15;
	vm12 =	vlt.u32 v31, v18  }
0x4e4: {  	vm13 =	vlt.u32 v31, v19;
	vm14 =	vlt.u32 v31, v22;
	vm15 =	vlt.u32 v31, v25  }
0x4e5: {  	v29 =	vor.u32 $0xC0, v1;
	v25 =	vor.u32 $0xD0, v1;
	v19 =	vor.u32 $0xE0, v1  }
0x4e6: {  	v15 =	vor.u32 $0xF0, v1;
	vm0 =	veq.f32 v30, v20;
	vm1 =	veq.f32 v30, v28  }
0x4e7: {  	vm3 =	veq.f32 v30, v6;
	vm4 =	vgt.f32 v30, v28;
	vm5 =	veq.f32 v30, v5  }
0x4e8: {  	vm6 =	veq.f32 v30, v9;
	vm7 =	veq.f32 v30, v11;
	vm10 =	veq.f32 v30, v13  }
0x4e9: {  	vm1 =	vmand vm2, vm1;
	vm2 =	veq.f32 v30, v4;
	vm0 =	vmand vm8, vm0  }
0x4ea: {  	vm8 =	vlt.u32 v31, v24;
	vm3 =	vmand vm9, vm3;
	vm9 =	vlt.u32 v31, v26  }
0x4eb: {  	vm7 =	vmand vm8, vm7;
	vm8 =	vgt.f32 v30, v6;
	vm9 =	vmand vm9, vm10  }
0x4ec: {  	vm10 =	vgt.f32 v30, v4;
	v4 =	vimm.s32 $0x0;
	vm3 =	vmor vm8, vm3  }
0x4ed: {  	vm5 =	vmand vm12, vm5;
	vm2 =	vmand vm11, vm2;
	v4 =	vsel vm3, $0xFFFFFFFF, v4  }
0x4ee: {  	vm6 =	vmand vm14, vm6;
	vm2 =	vmor vm10, vm2;
	[tilespmem:$0x1FF90] =	vst v4;
	v4 =	vimm.s32 $0x0  }
0x4ef: {  	vm12 =	vgt.f32 v30, v5;
	vm1 =	vmor vm4, vm1;
	v4 =	vsel vm2, $0xFFFFFFFF, v4  }
0x4f0: {  	vm4 =	veq.f32 v30, v7;
	vm12 =	vmor vm12, vm5;
	[tilespmem:$0x1FFA0] =	vst v4;
	v4 =	vimm.s32 $0x0  }
0x4f1: {  	v35 =	vld [tilespmem:$0x120A0];
	vm4 =	vmand vm13, vm4;
	vm13 =	vgt.f32 v30, v7;
	v4 =	vsel vm12, $0xFFFFFFFF, v4  }
0x4f2: {  	s30 =	simm.s32 $0x0;
	v28 =	vld [tilespmem:$0x120C0];
	vm14 =	vgt.f32 v30, v9;
	vm13 =	vmor vm13, vm4;
	[tilespmem:$0x1FFB0] =	vst v4;
	v4 =	vimm.s32 $0x0  }
0x4f3: {  	v31 =	vld [tilespmem:$0x120B0];
	v26 =	vmov s30;
	v5 =	vor.u32 $0x130, v1;
	v4 =	vsel vm13, $0xFFFFFFFF, v4  }
0x4f4: {  	s3 =	simm.s32 $0x12000;
	v43 =	vsel vm1, $0x1, v0;
	vm1 =	veq.f32 v30, v10;
	vm8 =	vgt.f32 v30, v13;
	[tilespmem:$0x1FFC0] =	vst v4;
	v4 =	vld [tilespmem:$0x12130]  }
0x4f5: {  	vm10 =	vmor vm14, vm6;
	vm14 =	vlt.u32 v26, v33;
	vm11 =	vmand vm15, vm1;
	v22 =	vld.msk [tilespmem:s3+$0x0 ss:$0x0], $0xffff  }
0x4f6: {  	v24 =	vld [tilespmem:$0x120D0];
	vm1 =	vgt.f32 v30, v20;
	vm15 =	vgt.f32 v30, v10;
	vm3 =	vlt.u32 v26, v5  }
0x4f7: {  	v18 =	vld [tilespmem:$0x120E0];
	v10 =	vor.u32 $0x110, v1;
	vm0 =	vmor vm1, vm0;
	vm1 =	vgt.f32 v30, v11  }
0x4f8: {  	v9 =	vld [tilespmem:$0x12110];
	vm5 =	vmor vm15, vm11;
	v11 =	vor.u32 $0x100, v1;
	vm6 =	vmor vm1, vm7  }
0x4f9: {  	v44 =	vsel vm0, $0x1, v0;
	vm7 =	vmor vm8, vm9;
	vm2 =	vlt.u32 v26, v15  }
0x4fa: {  	v13 =	vld [tilespmem:$0x12100];
	vm0 =	veq.f32 v22, v35;
	vm15 =	veq.f32 v22, v4;
	vm9 =	veq.f32 v22, v31  }
0x4fb: {  	v16 =	vld [tilespmem:$0x120F0];
	vm4 =	vgt.f32 v22, v4;
	vm12 =	veq.f32 v22, v28;
	vm13 =	veq.f32 v22, v24  }
0x4fc: {  	vm11 =	veq.f32 v22, v18;
	vm1 =	vmand vm3, vm15;
	vm9 =	vmand vm14, vm9  }
0x4fd: {  	vm14 =	vlt.u32 v26, v25;
	vm15 =	veq.f32 v22, v9;
	vm8 =	vmor vm4, vm1  }
0x4fe: {  	v6 =	vld [tilespmem:$0x12120];
	vm4 =	vlt.u32 v26, v37;
	vm1 =	vlt.u32 v26, v29;
	vm13 =	vmand vm14, vm13  }
0x4ff: {  	vm14 =	veq.f32 v22, v13;
	vm4 =	vmand vm4, vm0;
	vm0 =	vlt.u32 v26, v19  }
0x500: {  	vm3 =	vmand vm1, vm12;
	vm1 =	veq.f32 v22, v16;
	vm11 =	vmand vm0, vm11  }
0x501: {  	vm12 =	vmand vm2, vm1;
	vm0 =	vlt.u32 v26, v11;
	vm1 =	vlt.u32 v26, v10  }
0x502: {  	v7 =	vor.u32 $0x120, v1;
	vm2 =	vmand vm0, vm14;
	vm1 =	vmand vm1, vm15  }
0x503: {  	vm14 =	veq.f32 v22, v6;
	vm15 =	vlt.u32 v26, v7;
	vm0 =	vgt.f32 v22, v35  }
0x504: {  	v26 =	vld [tilespmem:$0x1FF90];
	vm14 =	vmand vm15, vm14;
	vm0 =	vmor vm0, vm4;
	vm15 =	vgt.f32 v22, v31  }
0x505: {  	vm4 =	vmor vm15, vm9;
	vm9 =	vgt.f32 v22, v28;
	vm15 =	vgt.f32 v22, v24  }
0x506: {  	vm3 =	vmor vm9, vm3;
	vm9 =	vmor vm15, vm13;
	vm13 =	vgt.f32 v22, v18  }
0x507: {  	vm11 =	vmor vm13, vm11;
	vm13 =	vgt.f32 v22, v16  }
0x508: {  	vm12 =	vmor vm13, vm12;
	vm13 =	vgt.f32 v22, v9  }
0x509: {  	vm1 =	vmor vm13, vm1;
	vm13 =	vnez.u8 v26  }
0x50a: {  	vm15 =	vgt.f32 v22, v13;
	v45 =	vsel vm13, $0x1, v0;
	vm13 =	vgt.f32 v22, v6;
	v22 =	vld [tilespmem:$0x1FFA0];
	_ =	sdelay $0x1  }
0x50b: {  	v27 =	vadd.s32 v39, v27  }
0x50c: {  	v32 =	vadd.s32 v40, v32;
	v36 =	vadd.s32 v41, v36;
	v38 =	vadd.s32 v42, v38  }
0x50d: {  	v52 =	vsel vm10, $0x1, v0;
	v41 =	vadd.s32 v43, v8;
	v53 =	vsel vm5, $0x1, v0  }
0x50e: {  	v54 =	vsel vm6, $0x1, v0;
	vm13 =	vmor vm13, vm14;
	vm14 =	vnez.u8 v22;
	v22 =	vld [tilespmem:$0x1FFB0]  }
0x50f: {  	v55 =	vsel vm7, $0x1, v0;
	v50 =	vadd.s32 v44, v12;
	v44 =	vadd.s32 v53, v32  }
0x510: {  	v43 =	vadd.s32 v54, v36;
	v42 =	vadd.s32 v55, v38;
	v56 =	vsel vm8, $0x1, v0  }
0x511: {  	v57 =	vsel vm0, $0x1, v0;
	v58 =	vsel vm4, $0x1, v0;
	vm2 =	vmor vm15, vm2  }
0x512: {  	v59 =	vsel vm3, $0x1, v0;
	v60 =	vsel vm9, $0x1, v0;
	v61 =	vsel vm11, $0x1, v0  }
0x513: {  	v30 =	vsel vm2, $0x1, v0;
	v46 =	vsel vm14, $0x1, v0;
	vm14 =	vnez.u8 v22;
	v22 =	vld [tilespmem:$0x1FFC0]  }
0x514: {  	v34 =	vsel vm12, $0x1, v0;
	v26 =	vsel vm1, $0x1, v0;
	v49 =	vadd.s32 v45, v14  }
0x515: {  	v45 =	vadd.s32 v52, v27;
	v27 =	vimm.s32 $0x0;
	v14 =	vimm.s32 $0x0  }
0x516: {  	v8 =	vadd.s32 v56, v27;
	v40 =	vadd.s32 v57, v27;
	v39 =	vadd.s32 v58, v27  }
0x517: {  	v38 =	vadd.s32 v59, v27;
	v36 =	vadd.s32 v60, v27;
	v32 =	vadd.s32 v61, v27  }
0x518: {  	v48 =	vadd.s32 v46, v17;
	v47 =	vsel vm14, $0x1, v0;
	vm14 =	vnez.u8 v22  }
0x519: {  	s4 =	simm.s32 $0x12001;
	v17 =	vimm.s32 $0x0;
	v47 =	vadd.s32 v47, v21;
	v51 =	vsel vm14, $0x1, v0  }
0x51a: {  	s13 =	simm.s32 $0x2;
	s15 =	smov.u32 s9;
	s3 =	simm.s32 $0x1;
	v12 =	vld.msk [tilespmem:s4+$0x0 ss:$0x0], $0xffff;
	v22 =	vsel vm13, $0x1, v0;
	v46 =	vadd.s32 v51, v23;
	v23 =	vimm.s32 $0x0  }
.LBB2_81:
0x51b: {  	_ =	sdelay $0x2  }
0x51c: {  	v14 =	vadd.s32 v22, v14;
	v21 =	vmov s3  }
0x51d: {  	v22 =	vimm.s32 $0x0;
	vm2 =	vlt.u32 v21, v5;
	vm0 =	veq.f32 v12, v35  }
0x51e: {  	vm1 =	veq.f32 v12, v4;
	vm13 =	veq.f32 v12, v31;
	v22 =	vsel vm0, $0xFFFFFFFF, v22  }
0x51f: {  	vm4 =	vgt.f32 v12, v4;
	vm1 =	vmand vm2, vm1;
	[tilespmem:$0x1FF60] =	vst v22;
	v22 =	vimm.s32 $0x0  }
0x520: {  	vm1 =	vmor vm4, vm1;
	v22 =	vsel vm13, $0xFFFFFFFF, v22  }
0x521: {  	[tilespmem:$0x1FF70] =	vst v22;
	v22 =	vsel vm1, $0x1, v0  }
0x522: {  	v27 =	vadd.s32 v34, v27;
	v23 =	vadd.s32 v30, v23;
	v8 =	vadd.s32 v22, v8;
	v22 =	vld [tilespmem:$0x1FF60]  }
0x523: {  	v17 =	vadd.s32 v26, v17;
	vm8 =	vlt.u32 v21, v37;
	vm9 =	vlt.u32 v21, v33  }
0x524: {  	vm11 =	vlt.u32 v21, v29;
	vm12 =	vlt.u32 v21, v25;
	vm14 =	vlt.u32 v21, v15  }
0x525: {  	vm15 =	vlt.u32 v21, v11;
	vm5 =	veq.f32 v12, v24;
	vm6 =	veq.f32 v12, v16  }
0x526: {  	vm7 =	veq.f32 v12, v9;
	vm10 =	veq.f32 v12, v6;
	vm2 =	veq.f32 v12, v28  }
0x527: {  	vm0 =	vlt.u32 v21, v10;
	vm5 =	vmand vm12, vm5;
	vm3 =	vnez.u8 v22;
	v22 =	vld [tilespmem:$0x1FF70]  }
0x528: {  	vm6 =	vmand vm14, vm6;
	vm12 =	vgt.f32 v12, v24;
	vm14 =	vgt.f32 v12, v16  }
0x529: {  	vm4 =	veq.f32 v12, v18;
	vm2 =	vmand vm11, vm2;
	vm0 =	vmand vm0, vm7  }
0x52a: {  	vm7 =	vgt.f32 v12, v35;
	vm11 =	vgt.f32 v12, v31;
	vm5 =	vmor vm12, vm5  }
0x52b: {  	vm6 =	vmor vm14, vm6;
	vm13 =	vlt.u32 v21, v19;
	vm1 =	veq.f32 v12, v13  }
0x52c: {  	vm4 =	vmand vm13, vm4;
	vm8 =	vmand vm8, vm3;
	vm3 =	vnez.u8 v22  }
0x52d: {  	vm3 =	vmand vm9, vm3;
	vm9 =	vlt.u32 v21, v7;
	v21 =	vimm.s32 $0x0  }
0x52e: {  	vm13 =	vgt.f32 v12, v18;
	vm1 =	vmand vm15, vm1;
	v21 =	vsel vm0, $0xFFFFFFFF, v21  }
0x52f: {  	vm15 =	vgt.f32 v12, v13;
	vm7 =	vmor vm7, vm8;
	vm8 =	vgt.f32 v12, v6;
	[tilespmem:$0x1FF80] =	vst v21  }
0x530: {  	vm9 =	vmand vm9, vm10;
	vm10 =	vgt.f32 v12, v28;
	vm0 =	vgt.f32 v12, v9;
	v12 =	vld [tilespmem:$0x1FF80]  }
0x531: {  	v52 =	vsel vm5, $0x1, v0;
	v34 =	vsel vm6, $0x1, v0;
	vm4 =	vmor vm13, vm4  }
0x532: {  	p0 =	sne.s32 s13, $0x13F;
	v36 =	vadd.s32 v52, v36;
	vm1 =	vmor vm15, vm1;
	v53 =	vsel vm4, $0x1, v0  }
.Ltmp43:
0x533: {  	v30 =	vsel vm1, $0x1, v0;
	v32 =	vadd.s32 v53, v32;
	vm3 =	vmor vm11, vm3;
	(pc) =	sbr.rel @p0 .LBB2_81-.Ltmp43, $4  }
0x534: {  	vm2 =	vmor vm10, vm2;
	v21 =	vsel vm3, $0x1, v0;
	vm15 =	vmor vm8, vm9  }
0x535: {  	v51 =	vsel vm2, $0x1, v0;
	v39 =	vadd.s32 v21, v39;
	vm14 =	vnez.u8 v12  }
0x536: {  	s4 =	sadd.s32 $0x1, s4;
	v22 =	vsel vm15, $0x1, v0;
	v12 =	vsel vm7, $0x1, v0;
	vm0 =	vmor vm0, vm14  }
0x537: {  	s3 =	smov.u32 s13;
	s13 =	sadd.s32 $0x1, s13;
	v38 =	vadd.s32 v51, v38;
	v40 =	vadd.s32 v12, v40;
	v12 =	vld.msk [tilespmem:s4+$0x0 ss:$0x0], $0xffff;
	v26 =	vsel vm0, $0x1, v0  }
0x538: {  	s4 =	simm.s32 $0x3  }
0x539: {  	_ =	swait.ge [sflag:s4], $0xE80  }
0x53a: {  	[sflag:s4] =	ssyncset.done $0x0  }
0x53b: {  	[sflag:s4] =	ssyncadd.s32 $0xFFFFF180  }
0x53c: {  	v21 =	vld [tilespmem:$0x12180];
	_ =	sdelay $0x4  }
0x53d: {  	v51 =	vshrl.u32 v21, $0x5  }
0x53e: {  	v52 =	vand.u32 $0x7FFFFFC, v51  }
0x53f: {  	v53 =	vor.u32 $0x2, v52  }
0x540: {  	v51 =	vor.u32 $0x3, v51;
	_ =	sdelay $0x1  }
0x541: {  	v54 =	vld [tilespmem:$0x13980];
	[tilespmem:v50+s31+$0x0] =	vst.idx.msk $0xffff, v20;
	v21 =	vand.u32 $0x7F, v21;
	v62 =	vor.u32 $0x1, v52  }
0x542: {  	[tilespmem:v50+s0+$0x0] =	vst.idx.msk $0xffff, v21  }
0x543: {  	v21 =	vld.idx.msk [tilespmem:v53+s17+$0x0], $0xffff  }
0x544: {  	v51 =	vld.idx.msk [tilespmem:v51+s17+$0x0], $0xffff  }
0x545: {  	v52 =	vld.idx.msk [tilespmem:v52+s17+$0x0], $0xffff  }
0x546: {  	v63 =	vld.idx.msk [tilespmem:v62+s17+$0x0], $0xffff;
	_ =	sdelay $0x1  }
0x547: {  	v55 =	vmul.f32 $5.000000000e-01, v21  }
0x548: {  	v60 =	vshll.u32 v50, $0x2;
	v51 =	vmul.f32 $5.000000000e-01, v51  }
0x549: {  	v57 =	vor.u32 $0x1, v60;
	v20 =	vbroadcast v54, $0x0;
	v56 =	vsub.f32 v52, v55  }
0x54a: {  	v58 =	vor.u32 $0x2, v60;
	v21 =	vbroadcast v54, $0x1;
	v61 =	vsub.f32 v63, v51  }
0x54b: {  	v62 =	vor.u32 $0x3, v60;
	v52 =	vadd.f32 v55, v52;
	v56 =	vmul.f32 v56, v20  }
0x54c: {  	v51 =	vadd.f32 v51, v63;
	v63 =	vmul.f32 v61, v21  }
0x54d: {  	[tilespmem:v60+s1+$0x0] =	vst.idx.msk $0xffff, v56;
	v56 =	vmul.f32 v52, v20  }
0x54e: {  	v51 =	vmul.f32 v51, v21;
	[tilespmem:v57+s1+$0x0] =	vst.idx.msk $0xffff, v63  }
0x54f: {  	[tilespmem:v58+s1+$0x0] =	vst.idx.msk $0xffff, v56  }
0x550: {  	[tilespmem:v62+s1+$0x0] =	vst.idx.msk $0xffff, v51  }
0x551: {  	v50 =	vld [tilespmem:$0x12190];
	_ =	sdelay $0x4  }
0x552: {  	v51 =	vld [tilespmem:$0x12010];
	v59 =	vshrl.u32 v50, $0x5  }
0x553: {  	v60 =	vand.u32 $0x7FFFFFC, v59  }
0x554: {  	v61 =	vor.u32 $0x2, v60  }
0x555: {  	v52 =	vor.u32 $0x3, v59;
	_ =	sdelay $0x1  }
0x556: {  	v50 =	vand.u32 $0x7F, v50;
	[tilespmem:v49+s31+$0x0] =	vst.idx.msk $0xffff, v51;
	v62 =	vor.u32 $0x1, v60  }
0x557: {  	[tilespmem:v49+s0+$0x0] =	vst.idx.msk $0xffff, v50  }
0x558: {  	v50 =	vld.idx.msk [tilespmem:v61+s17+$0x0], $0xffff  }
0x559: {  	v52 =	vld.idx.msk [tilespmem:v52+s17+$0x0], $0xffff  }
0x55a: {  	v53 =	vld.idx.msk [tilespmem:v60+s17+$0x0], $0xffff  }
0x55b: {  	v51 =	vld.idx.msk [tilespmem:v62+s17+$0x0], $0xffff;
	_ =	sdelay $0x1  }
0x55c: {  	v50 =	vmul.f32 $5.000000000e-01, v50  }
0x55d: {  	v49 =	vshll.u32 v49, $0x2;
	v52 =	vmul.f32 $5.000000000e-01, v52  }
0x55e: {  	v55 =	vor.u32 $0x1, v49;
	v63 =	vsub.f32 v53, v50  }
0x55f: {  	v61 =	vor.u32 $0x2, v49;
	v60 =	vsub.f32 v51, v52  }
0x560: {  	v62 =	vor.u32 $0x3, v49;
	v50 =	vadd.f32 v50, v53;
	v54 =	vmul.f32 v63, v20  }
0x561: {  	v51 =	vadd.f32 v52, v51;
	v63 =	vmul.f32 v60, v21  }
0x562: {  	v56 =	vmul.f32 v50, v20;
	[tilespmem:v49+s1+$0x0] =	vst.idx.msk $0xffff, v54  }
0x563: {  	v58 =	vmul.f32 v51, v21;
	[tilespmem:v55+s1+$0x0] =	vst.idx.msk $0xffff, v63  }
0x564: {  	[tilespmem:v61+s1+$0x0] =	vst.idx.msk $0xffff, v56  }
0x565: {  	[tilespmem:v62+s1+$0x0] =	vst.idx.msk $0xffff, v58  }
0x566: {  	v49 =	vld [tilespmem:$0x121A0];
	_ =	sdelay $0x4  }
0x567: {  	v50 =	vld [tilespmem:$0x12020];
	v59 =	vshrl.u32 v49, $0x5  }
0x568: {  	v60 =	vand.u32 $0x7FFFFFC, v59  }
0x569: {  	v61 =	vor.u32 $0x2, v60  }
0x56a: {  	v51 =	vor.u32 $0x3, v59;
	_ =	sdelay $0x1  }
0x56b: {  	v49 =	vand.u32 $0x7F, v49;
	[tilespmem:v48+s31+$0x0] =	vst.idx.msk $0xffff, v50;
	v62 =	vor.u32 $0x1, v60  }
0x56c: {  	[tilespmem:v48+s0+$0x0] =	vst.idx.msk $0xffff, v49  }
0x56d: {  	v49 =	vld.idx.msk [tilespmem:v61+s17+$0x0], $0xffff  }
0x56e: {  	v51 =	vld.idx.msk [tilespmem:v51+s17+$0x0], $0xffff  }
0x56f: {  	v52 =	vld.idx.msk [tilespmem:v60+s17+$0x0], $0xffff  }
0x570: {  	v50 =	vld.idx.msk [tilespmem:v62+s17+$0x0], $0xffff;
	_ =	sdelay $0x1  }
0x571: {  	v49 =	vmul.f32 $5.000000000e-01, v49  }
0x572: {  	v48 =	vshll.u32 v48, $0x2;
	v51 =	vmul.f32 $5.000000000e-01, v51  }
0x573: {  	v54 =	vor.u32 $0x1, v48;
	v63 =	vsub.f32 v52, v49  }
0x574: {  	v61 =	vor.u32 $0x2, v48;
	v60 =	vsub.f32 v50, v51  }
0x575: {  	v62 =	vor.u32 $0x3, v48;
	v49 =	vadd.f32 v49, v52;
	v53 =	vmul.f32 v63, v20  }
0x576: {  	v50 =	vadd.f32 v51, v50;
	v63 =	vmul.f32 v60, v21  }
0x577: {  	[tilespmem:v48+s1+$0x0] =	vst.idx.msk $0xffff, v53;
	v53 =	vmul.f32 v49, v20  }
0x578: {  	v55 =	vmul.f32 v50, v21;
	[tilespmem:v54+s1+$0x0] =	vst.idx.msk $0xffff, v63  }
0x579: {  	[tilespmem:v61+s1+$0x0] =	vst.idx.msk $0xffff, v53  }
0x57a: {  	[tilespmem:v62+s1+$0x0] =	vst.idx.msk $0xffff, v55  }
0x57b: {  	v48 =	vld [tilespmem:$0x121B0];
	_ =	sdelay $0x4  }
0x57c: {  	v49 =	vld [tilespmem:$0x12030];
	v57 =	vshrl.u32 v48, $0x5  }
0x57d: {  	v58 =	vand.u32 $0x7FFFFFC, v57  }
0x57e: {  	v59 =	vor.u32 $0x2, v58  }
0x57f: {  	v50 =	vor.u32 $0x3, v57;
	_ =	sdelay $0x1  }
0x580: {  	v48 =	vand.u32 $0x7F, v48;
	[tilespmem:v47+s31+$0x0] =	vst.idx.msk $0xffff, v49;
	v60 =	vor.u32 $0x1, v58  }
0x581: {  	[tilespmem:v47+s0+$0x0] =	vst.idx.msk $0xffff, v48  }
0x582: {  	v48 =	vld.idx.msk [tilespmem:v59+s17+$0x0], $0xffff  }
0x583: {  	v50 =	vld.idx.msk [tilespmem:v50+s17+$0x0], $0xffff  }
0x584: {  	v51 =	vld.idx.msk [tilespmem:v58+s17+$0x0], $0xffff  }
0x585: {  	v49 =	vld.idx.msk [tilespmem:v60+s17+$0x0], $0xffff;
	_ =	sdelay $0x1  }
0x586: {  	v48 =	vmul.f32 $5.000000000e-01, v48  }
0x587: {  	v61 =	vshll.u32 v47, $0x2;
	v50 =	vmul.f32 $5.000000000e-01, v50  }
0x588: {  	v63 =	vor.u32 $0x1, v61;
	v62 =	vsub.f32 v51, v48  }
0x589: {  	v58 =	vor.u32 $0x2, v61;
	v57 =	vsub.f32 v49, v50  }
0x58a: {  	v59 =	vor.u32 $0x3, v61;
	v48 =	vadd.f32 v48, v51;
	v52 =	vmul.f32 v62, v20  }
0x58b: {  	v49 =	vadd.f32 v50, v49;
	v60 =	vmul.f32 v57, v21  }
0x58c: {  	[tilespmem:v61+s1+$0x0] =	vst.idx.msk $0xffff, v52;
	v61 =	vmul.f32 v48, v20  }
0x58d: {  	v62 =	vmul.f32 v49, v21;
	[tilespmem:v63+s1+$0x0] =	vst.idx.msk $0xffff, v60  }
0x58e: {  	[tilespmem:v58+s1+$0x0] =	vst.idx.msk $0xffff, v61  }
0x58f: {  	[tilespmem:v59+s1+$0x0] =	vst.idx.msk $0xffff, v62  }
0x590: {  	v47 =	vld [tilespmem:$0x121C0];
	_ =	sdelay $0x4  }
0x591: {  	v48 =	vld [tilespmem:$0x12040];
	v63 =	vshrl.u32 v47, $0x5  }
0x592: {  	v54 =	vand.u32 $0x7FFFFFC, v63  }
0x593: {  	v55 =	vor.u32 $0x2, v54  }
0x594: {  	v49 =	vor.u32 $0x3, v63;
	_ =	sdelay $0x1  }
0x595: {  	v47 =	vand.u32 $0x7F, v47;
	[tilespmem:v46+s31+$0x0] =	vst.idx.msk $0xffff, v48;
	v56 =	vor.u32 $0x1, v54  }
0x596: {  	[tilespmem:v46+s0+$0x0] =	vst.idx.msk $0xffff, v47  }
0x597: {  	v47 =	vld.idx.msk [tilespmem:v55+s17+$0x0], $0xffff  }
0x598: {  	v49 =	vld.idx.msk [tilespmem:v49+s17+$0x0], $0xffff  }
0x599: {  	v50 =	vld.idx.msk [tilespmem:v54+s17+$0x0], $0xffff  }
0x59a: {  	v48 =	vld.idx.msk [tilespmem:v56+s17+$0x0], $0xffff;
	_ =	sdelay $0x1  }
0x59b: {  	v47 =	vmul.f32 $5.000000000e-01, v47  }
0x59c: {  	v57 =	vshll.u32 v46, $0x2;
	v49 =	vmul.f32 $5.000000000e-01, v49  }
0x59d: {  	v59 =	vor.u32 $0x1, v57;
	v58 =	vsub.f32 v50, v47  }
0x59e: {  	v61 =	vor.u32 $0x2, v57;
	v60 =	vsub.f32 v48, v49  }
0x59f: {  	v62 =	vor.u32 $0x3, v57;
	v47 =	vadd.f32 v47, v50;
	v51 =	vmul.f32 v58, v20  }
0x5a0: {  	v48 =	vadd.f32 v49, v48;
	v63 =	vmul.f32 v60, v21  }
0x5a1: {  	[tilespmem:v57+s1+$0x0] =	vst.idx.msk $0xffff, v51;
	v51 =	vmul.f32 v47, v20  }
0x5a2: {  	v52 =	vmul.f32 v48, v21;
	[tilespmem:v59+s1+$0x0] =	vst.idx.msk $0xffff, v63  }
0x5a3: {  	[tilespmem:v61+s1+$0x0] =	vst.idx.msk $0xffff, v51  }
0x5a4: {  	[tilespmem:v62+s1+$0x0] =	vst.idx.msk $0xffff, v52  }
0x5a5: {  	v46 =	vld [tilespmem:$0x121D0];
	_ =	sdelay $0x4  }
0x5a6: {  	v47 =	vld [tilespmem:$0x12050];
	v53 =	vshrl.u32 v46, $0x5  }
0x5a7: {  	v54 =	vand.u32 $0x7FFFFFC, v53  }
0x5a8: {  	v55 =	vor.u32 $0x2, v54  }
0x5a9: {  	v48 =	vor.u32 $0x3, v53;
	_ =	sdelay $0x1  }
0x5aa: {  	v46 =	vand.u32 $0x7F, v46;
	[tilespmem:v45+s31+$0x0] =	vst.idx.msk $0xffff, v47;
	v56 =	vor.u32 $0x1, v54  }
0x5ab: {  	[tilespmem:v45+s0+$0x0] =	vst.idx.msk $0xffff, v46  }
0x5ac: {  	v46 =	vld.idx.msk [tilespmem:v55+s17+$0x0], $0xffff  }
0x5ad: {  	v48 =	vld.idx.msk [tilespmem:v48+s17+$0x0], $0xffff  }
0x5ae: {  	v49 =	vld.idx.msk [tilespmem:v54+s17+$0x0], $0xffff  }
0x5af: {  	v47 =	vld.idx.msk [tilespmem:v56+s17+$0x0], $0xffff;
	_ =	sdelay $0x1  }
0x5b0: {  	v46 =	vmul.f32 $5.000000000e-01, v46  }
0x5b1: {  	v57 =	vshll.u32 v45, $0x2;
	v48 =	vmul.f32 $5.000000000e-01, v48  }
0x5b2: {  	v59 =	vor.u32 $0x1, v57;
	v58 =	vsub.f32 v49, v46  }
0x5b3: {  	v61 =	vor.u32 $0x2, v57;
	v60 =	vsub.f32 v47, v48  }
0x5b4: {  	v62 =	vor.u32 $0x3, v57;
	v46 =	vadd.f32 v46, v49;
	v50 =	vmul.f32 v58, v20  }
0x5b5: {  	v47 =	vadd.f32 v48, v47;
	v63 =	vmul.f32 v60, v21  }
0x5b6: {  	[tilespmem:v57+s1+$0x0] =	vst.idx.msk $0xffff, v50;
	v50 =	vmul.f32 v46, v20  }
0x5b7: {  	v52 =	vmul.f32 v47, v21;
	[tilespmem:v59+s1+$0x0] =	vst.idx.msk $0xffff, v63  }
0x5b8: {  	[tilespmem:v61+s1+$0x0] =	vst.idx.msk $0xffff, v50  }
0x5b9: {  	[tilespmem:v62+s1+$0x0] =	vst.idx.msk $0xffff, v52  }
0x5ba: {  	v45 =	vld [tilespmem:$0x121E0];
	_ =	sdelay $0x4  }
0x5bb: {  	v46 =	vld [tilespmem:$0x12060];
	v53 =	vshrl.u32 v45, $0x5  }
0x5bc: {  	v54 =	vand.u32 $0x7FFFFFC, v53  }
0x5bd: {  	v55 =	vor.u32 $0x2, v54  }
0x5be: {  	v47 =	vor.u32 $0x3, v53;
	_ =	sdelay $0x1  }
0x5bf: {  	v45 =	vand.u32 $0x7F, v45;
	[tilespmem:v44+s31+$0x0] =	vst.idx.msk $0xffff, v46;
	v56 =	vor.u32 $0x1, v54  }
0x5c0: {  	[tilespmem:v44+s0+$0x0] =	vst.idx.msk $0xffff, v45  }
0x5c1: {  	v45 =	vld.idx.msk [tilespmem:v55+s17+$0x0], $0xffff  }
0x5c2: {  	v47 =	vld.idx.msk [tilespmem:v47+s17+$0x0], $0xffff  }
0x5c3: {  	v48 =	vld.idx.msk [tilespmem:v54+s17+$0x0], $0xffff  }
0x5c4: {  	v46 =	vld.idx.msk [tilespmem:v56+s17+$0x0], $0xffff;
	_ =	sdelay $0x1  }
0x5c5: {  	v45 =	vmul.f32 $5.000000000e-01, v45  }
0x5c6: {  	v57 =	vshll.u32 v44, $0x2;
	v47 =	vmul.f32 $5.000000000e-01, v47  }
0x5c7: {  	v59 =	vor.u32 $0x1, v57;
	v58 =	vsub.f32 v48, v45  }
0x5c8: {  	v61 =	vor.u32 $0x2, v57;
	v60 =	vsub.f32 v46, v47  }
0x5c9: {  	v62 =	vor.u32 $0x3, v57;
	v45 =	vadd.f32 v45, v48;
	v49 =	vmul.f32 v58, v20  }
0x5ca: {  	v46 =	vadd.f32 v47, v46;
	v63 =	vmul.f32 v60, v21  }
0x5cb: {  	[tilespmem:v57+s1+$0x0] =	vst.idx.msk $0xffff, v49;
	v49 =	vmul.f32 v45, v20  }
0x5cc: {  	v51 =	vmul.f32 v46, v21;
	[tilespmem:v59+s1+$0x0] =	vst.idx.msk $0xffff, v63  }
0x5cd: {  	[tilespmem:v61+s1+$0x0] =	vst.idx.msk $0xffff, v49  }
0x5ce: {  	[tilespmem:v62+s1+$0x0] =	vst.idx.msk $0xffff, v51  }
0x5cf: {  	v44 =	vld [tilespmem:$0x121F0];
	_ =	sdelay $0x4  }
0x5d0: {  	v45 =	vld [tilespmem:$0x12070];
	v53 =	vshrl.u32 v44, $0x5  }
0x5d1: {  	v54 =	vand.u32 $0x7FFFFFC, v53  }
0x5d2: {  	v55 =	vor.u32 $0x2, v54  }
0x5d3: {  	v46 =	vor.u32 $0x3, v53;
	_ =	sdelay $0x1  }
0x5d4: {  	v44 =	vand.u32 $0x7F, v44;
	[tilespmem:v43+s31+$0x0] =	vst.idx.msk $0xffff, v45;
	v56 =	vor.u32 $0x1, v54  }
0x5d5: {  	[tilespmem:v43+s0+$0x0] =	vst.idx.msk $0xffff, v44  }
0x5d6: {  	v44 =	vld.idx.msk [tilespmem:v55+s17+$0x0], $0xffff  }
0x5d7: {  	v46 =	vld.idx.msk [tilespmem:v46+s17+$0x0], $0xffff  }
0x5d8: {  	v47 =	vld.idx.msk [tilespmem:v54+s17+$0x0], $0xffff  }
0x5d9: {  	v45 =	vld.idx.msk [tilespmem:v56+s17+$0x0], $0xffff;
	_ =	sdelay $0x1  }
0x5da: {  	v44 =	vmul.f32 $5.000000000e-01, v44  }
0x5db: {  	v57 =	vshll.u32 v43, $0x2;
	v46 =	vmul.f32 $5.000000000e-01, v46  }
0x5dc: {  	v59 =	vor.u32 $0x1, v57;
	v58 =	vsub.f32 v47, v44  }
0x5dd: {  	v61 =	vor.u32 $0x2, v57;
	v60 =	vsub.f32 v45, v46  }
0x5de: {  	v62 =	vor.u32 $0x3, v57;
	v44 =	vadd.f32 v44, v47;
	v48 =	vmul.f32 v58, v20  }
0x5df: {  	v45 =	vadd.f32 v46, v45;
	v63 =	vmul.f32 v60, v21  }
0x5e0: {  	v50 =	vmul.f32 v44, v20;
	[tilespmem:v57+s1+$0x0] =	vst.idx.msk $0xffff, v48  }
0x5e1: {  	v52 =	vmul.f32 v45, v21;
	[tilespmem:v59+s1+$0x0] =	vst.idx.msk $0xffff, v63  }
0x5e2: {  	[tilespmem:v61+s1+$0x0] =	vst.idx.msk $0xffff, v50  }
0x5e3: {  	[tilespmem:v62+s1+$0x0] =	vst.idx.msk $0xffff, v52  }
0x5e4: {  	v43 =	vld [tilespmem:$0x12200];
	_ =	sdelay $0x4  }
0x5e5: {  	v44 =	vld [tilespmem:$0x12080];
	v53 =	vshrl.u32 v43, $0x5  }
0x5e6: {  	v54 =	vand.u32 $0x7FFFFFC, v53  }
0x5e7: {  	v55 =	vor.u32 $0x2, v54  }
0x5e8: {  	v45 =	vor.u32 $0x3, v53;
	_ =	sdelay $0x1  }
0x5e9: {  	v43 =	vand.u32 $0x7F, v43;
	[tilespmem:v42+s31+$0x0] =	vst.idx.msk $0xffff, v44;
	v56 =	vor.u32 $0x1, v54  }
0x5ea: {  	[tilespmem:v42+s0+$0x0] =	vst.idx.msk $0xffff, v43  }
0x5eb: {  	v43 =	vld.idx.msk [tilespmem:v55+s17+$0x0], $0xffff  }
0x5ec: {  	v45 =	vld.idx.msk [tilespmem:v45+s17+$0x0], $0xffff  }
0x5ed: {  	v46 =	vld.idx.msk [tilespmem:v54+s17+$0x0], $0xffff  }
0x5ee: {  	v44 =	vld.idx.msk [tilespmem:v56+s17+$0x0], $0xffff;
	_ =	sdelay $0x1  }
0x5ef: {  	v43 =	vmul.f32 $5.000000000e-01, v43  }
0x5f0: {  	v57 =	vshll.u32 v42, $0x2;
	v45 =	vmul.f32 $5.000000000e-01, v45  }
0x5f1: {  	v59 =	vor.u32 $0x1, v57;
	v58 =	vsub.f32 v46, v43  }
0x5f2: {  	v61 =	vor.u32 $0x2, v57;
	v60 =	vsub.f32 v44, v45  }
0x5f3: {  	v62 =	vor.u32 $0x3, v57;
	v43 =	vadd.f32 v43, v46;
	v47 =	vmul.f32 v58, v20  }
0x5f4: {  	v44 =	vadd.f32 v45, v44;
	v63 =	vmul.f32 v60, v21  }
0x5f5: {  	[tilespmem:v57+s1+$0x0] =	vst.idx.msk $0xffff, v47;
	v47 =	vmul.f32 v43, v20  }
0x5f6: {  	v48 =	vmul.f32 v44, v21;
	[tilespmem:v59+s1+$0x0] =	vst.idx.msk $0xffff, v63  }
0x5f7: {  	[tilespmem:v61+s1+$0x0] =	vst.idx.msk $0xffff, v47  }
0x5f8: {  	[tilespmem:v62+s1+$0x0] =	vst.idx.msk $0xffff, v48  }
0x5f9: {  	v42 =	vld [tilespmem:$0x12210];
	_ =	sdelay $0x4  }
0x5fa: {  	v43 =	vld [tilespmem:$0x12090];
	v49 =	vshrl.u32 v42, $0x5  }
0x5fb: {  	v50 =	vand.u32 $0x7FFFFFC, v49  }
0x5fc: {  	v51 =	vor.u32 $0x2, v50  }
0x5fd: {  	v44 =	vor.u32 $0x3, v49;
	_ =	sdelay $0x1  }
0x5fe: {  	v42 =	vand.u32 $0x7F, v42;
	[tilespmem:v41+s31+$0x0] =	vst.idx.msk $0xffff, v43;
	v52 =	vor.u32 $0x1, v50  }
0x5ff: {  	[tilespmem:v41+s0+$0x0] =	vst.idx.msk $0xffff, v42  }
0x600: {  	v42 =	vld.idx.msk [tilespmem:v51+s17+$0x0], $0xffff  }
0x601: {  	v44 =	vld.idx.msk [tilespmem:v44+s17+$0x0], $0xffff  }
0x602: {  	v45 =	vld.idx.msk [tilespmem:v50+s17+$0x0], $0xffff  }
0x603: {  	v43 =	vld.idx.msk [tilespmem:v52+s17+$0x0], $0xffff;
	_ =	sdelay $0x1  }
0x604: {  	v42 =	vmul.f32 $5.000000000e-01, v42  }
0x605: {  	v53 =	vshll.u32 v41, $0x2;
	v44 =	vmul.f32 $5.000000000e-01, v44  }
0x606: {  	v55 =	vor.u32 $0x1, v53;
	v54 =	vsub.f32 v45, v42  }
0x607: {  	v57 =	vor.u32 $0x2, v53;
	v56 =	vsub.f32 v43, v44  }
0x608: {  	v58 =	vor.u32 $0x3, v53;
	v42 =	vadd.f32 v42, v45;
	v46 =	vmul.f32 v54, v20  }
0x609: {  	v43 =	vadd.f32 v44, v43;
	v48 =	vmul.f32 v56, v21  }
0x60a: {  	v59 =	vmul.f32 v42, v20;
	[tilespmem:v53+s1+$0x0] =	vst.idx.msk $0xffff, v46  }
0x60b: {  	v60 =	vmul.f32 v43, v21;
	[tilespmem:v55+s1+$0x0] =	vst.idx.msk $0xffff, v48  }
0x60c: {  	[tilespmem:v57+s1+$0x0] =	vst.idx.msk $0xffff, v59  }
0x60d: {  	[tilespmem:v58+s1+$0x0] =	vst.idx.msk $0xffff, v60  }
0x60e: {  	v41 =	vmov s3;
	v42 =	vld [tilespmem:$0x12220]  }
0x60f: {  	vm0 =	veq.f32 v12, v35;
	vm1 =	vlt.u32 v41, v37  }
0x610: {  	vm12 =	vgt.f32 v12, v35;
	vm0 =	vmand vm1, vm0  }
0x611: {  	vm0 =	vmor vm12, vm0  }
0x612: {  	v61 =	vsel vm0, $0x1, v0  }
0x613: {  	v35 =	vadd.s32 v61, v40;
	v62 =	vld [tilespmem:$0x120A0];
	v63 =	vshrl.u32 v42, $0x5  }
0x614: {  	v48 =	vand.u32 $0x7FFFFFC, v63  }
0x615: {  	v49 =	vor.u32 $0x2, v48  }
0x616: {  	v40 =	vor.u32 $0x3, v63;
	_ =	sdelay $0x1  }
0x617: {  	v42 =	vand.u32 $0x7F, v42;
	[tilespmem:v35+s31+$0x0] =	vst.idx.msk $0xffff, v62;
	v50 =	vor.u32 $0x1, v48  }
0x618: {  	[tilespmem:v35+s0+$0x0] =	vst.idx.msk $0xffff, v42  }
0x619: {  	v42 =	vld.idx.msk [tilespmem:v49+s17+$0x0], $0xffff  }
0x61a: {  	v40 =	vld.idx.msk [tilespmem:v40+s17+$0x0], $0xffff  }
0x61b: {  	v43 =	vld.idx.msk [tilespmem:v48+s17+$0x0], $0xffff  }
0x61c: {  	v37 =	vld.idx.msk [tilespmem:v50+s17+$0x0], $0xffff;
	_ =	sdelay $0x1  }
0x61d: {  	v42 =	vmul.f32 $5.000000000e-01, v42  }
0x61e: {  	v35 =	vshll.u32 v35, $0x2;
	v40 =	vmul.f32 $5.000000000e-01, v40  }
0x61f: {  	v52 =	vor.u32 $0x1, v35;
	v51 =	vsub.f32 v43, v42  }
0x620: {  	v54 =	vor.u32 $0x2, v35;
	v53 =	vsub.f32 v37, v40  }
0x621: {  	v55 =	vor.u32 $0x3, v35;
	v42 =	vadd.f32 v42, v43;
	v44 =	vmul.f32 v51, v20  }
0x622: {  	v37 =	vadd.f32 v40, v37;
	v46 =	vmul.f32 v53, v21  }
0x623: {  	v56 =	vmul.f32 v42, v20;
	[tilespmem:v35+s1+$0x0] =	vst.idx.msk $0xffff, v44  }
0x624: {  	v37 =	vmul.f32 v37, v21;
	[tilespmem:v52+s1+$0x0] =	vst.idx.msk $0xffff, v46  }
0x625: {  	[tilespmem:v54+s1+$0x0] =	vst.idx.msk $0xffff, v56  }
0x626: {  	[tilespmem:v55+s1+$0x0] =	vst.idx.msk $0xffff, v37  }
0x627: {  	v35 =	vld [tilespmem:$0x12230]  }
0x628: {  	vm13 =	veq.f32 v12, v31;
	vm14 =	vlt.u32 v41, v33  }
0x629: {  	vm15 =	vgt.f32 v12, v31;
	vm0 =	vmand vm14, vm13  }
0x62a: {  	vm0 =	vmor vm15, vm0  }
0x62b: {  	v57 =	vsel vm0, $0x1, v0  }
0x62c: {  	v31 =	vadd.s32 v57, v39;
	v58 =	vld [tilespmem:$0x120B0];
	v59 =	vshrl.u32 v35, $0x5  }
0x62d: {  	v60 =	vand.u32 $0x7FFFFFC, v59  }
0x62e: {  	v61 =	vor.u32 $0x2, v60  }
0x62f: {  	v37 =	vor.u32 $0x3, v59;
	_ =	sdelay $0x1  }
0x630: {  	v35 =	vand.u32 $0x7F, v35;
	[tilespmem:v31+s31+$0x0] =	vst.idx.msk $0xffff, v58;
	v62 =	vor.u32 $0x1, v60  }
0x631: {  	[tilespmem:v31+s0+$0x0] =	vst.idx.msk $0xffff, v35  }
0x632: {  	v35 =	vld.idx.msk [tilespmem:v61+s17+$0x0], $0xffff  }
0x633: {  	v37 =	vld.idx.msk [tilespmem:v37+s17+$0x0], $0xffff  }
0x634: {  	v39 =	vld.idx.msk [tilespmem:v60+s17+$0x0], $0xffff  }
0x635: {  	v33 =	vld.idx.msk [tilespmem:v62+s17+$0x0], $0xffff;
	_ =	sdelay $0x1  }
0x636: {  	v35 =	vmul.f32 $5.000000000e-01, v35  }
0x637: {  	v31 =	vshll.u32 v31, $0x2;
	v37 =	vmul.f32 $5.000000000e-01, v37  }
0x638: {  	v48 =	vor.u32 $0x1, v31;
	v63 =	vsub.f32 v39, v35  }
0x639: {  	v50 =	vor.u32 $0x2, v31;
	v49 =	vsub.f32 v33, v37  }
0x63a: {  	v51 =	vor.u32 $0x3, v31;
	v35 =	vadd.f32 v35, v39;
	v40 =	vmul.f32 v63, v20  }
0x63b: {  	v33 =	vadd.f32 v37, v33;
	v43 =	vmul.f32 v49, v21  }
0x63c: {  	v52 =	vmul.f32 v35, v20;
	[tilespmem:v31+s1+$0x0] =	vst.idx.msk $0xffff, v40  }
0x63d: {  	v33 =	vmul.f32 v33, v21;
	[tilespmem:v48+s1+$0x0] =	vst.idx.msk $0xffff, v43  }
0x63e: {  	[tilespmem:v50+s1+$0x0] =	vst.idx.msk $0xffff, v52  }
0x63f: {  	[tilespmem:v51+s1+$0x0] =	vst.idx.msk $0xffff, v33  }
0x640: {  	v31 =	vld [tilespmem:$0x12240]  }
0x641: {  	vm4 =	veq.f32 v12, v28;
	vm5 =	vlt.u32 v41, v29  }
0x642: {  	vm6 =	vgt.f32 v12, v28;
	vm0 =	vmand vm5, vm4  }
0x643: {  	vm0 =	vmor vm6, vm0  }
0x644: {  	v53 =	vsel vm0, $0x1, v0  }
0x645: {  	v28 =	vadd.s32 v53, v38;
	v54 =	vld [tilespmem:$0x120C0];
	v55 =	vshrl.u32 v31, $0x5  }
0x646: {  	v56 =	vand.u32 $0x7FFFFFC, v55  }
0x647: {  	v57 =	vor.u32 $0x2, v56  }
0x648: {  	v33 =	vor.u32 $0x3, v55;
	_ =	sdelay $0x1  }
0x649: {  	v31 =	vand.u32 $0x7F, v31;
	[tilespmem:v28+s31+$0x0] =	vst.idx.msk $0xffff, v54;
	v58 =	vor.u32 $0x1, v56  }
0x64a: {  	[tilespmem:v28+s0+$0x0] =	vst.idx.msk $0xffff, v31  }
0x64b: {  	v31 =	vld.idx.msk [tilespmem:v57+s17+$0x0], $0xffff  }
0x64c: {  	v33 =	vld.idx.msk [tilespmem:v33+s17+$0x0], $0xffff  }
0x64d: {  	v35 =	vld.idx.msk [tilespmem:v56+s17+$0x0], $0xffff  }
0x64e: {  	v29 =	vld.idx.msk [tilespmem:v58+s17+$0x0], $0xffff;
	_ =	sdelay $0x1  }
0x64f: {  	v31 =	vmul.f32 $5.000000000e-01, v31  }
0x650: {  	v28 =	vshll.u32 v28, $0x2;
	v33 =	vmul.f32 $5.000000000e-01, v33  }
0x651: {  	v60 =	vor.u32 $0x1, v28;
	v59 =	vsub.f32 v35, v31  }
0x652: {  	v62 =	vor.u32 $0x2, v28;
	v61 =	vsub.f32 v29, v33  }
0x653: {  	v63 =	vor.u32 $0x3, v28;
	v31 =	vadd.f32 v31, v35;
	v37 =	vmul.f32 v59, v20  }
0x654: {  	v29 =	vadd.f32 v33, v29;
	v39 =	vmul.f32 v61, v21  }
0x655: {  	[tilespmem:v28+s1+$0x0] =	vst.idx.msk $0xffff, v37;
	v37 =	vmul.f32 v31, v20  }
0x656: {  	v29 =	vmul.f32 v29, v21;
	[tilespmem:v60+s1+$0x0] =	vst.idx.msk $0xffff, v39  }
0x657: {  	[tilespmem:v62+s1+$0x0] =	vst.idx.msk $0xffff, v37  }
0x658: {  	[tilespmem:v63+s1+$0x0] =	vst.idx.msk $0xffff, v29  }
0x659: {  	v28 =	vld [tilespmem:$0x12250]  }
0x65a: {  	vm7 =	veq.f32 v12, v24;
	vm8 =	vlt.u32 v41, v25  }
0x65b: {  	vm9 =	vgt.f32 v12, v24;
	vm0 =	vmand vm8, vm7  }
0x65c: {  	vm0 =	vmor vm9, vm0  }
0x65d: {  	v42 =	vsel vm0, $0x1, v0  }
0x65e: {  	v24 =	vadd.s32 v42, v36;
	v43 =	vld [tilespmem:$0x120D0];
	v44 =	vshrl.u32 v28, $0x5  }
0x65f: {  	v45 =	vand.u32 $0x7FFFFFC, v44  }
0x660: {  	v46 =	vor.u32 $0x2, v45  }
0x661: {  	v29 =	vor.u32 $0x3, v44;
	_ =	sdelay $0x1  }
0x662: {  	v28 =	vand.u32 $0x7F, v28;
	[tilespmem:v24+s31+$0x0] =	vst.idx.msk $0xffff, v43;
	v47 =	vor.u32 $0x1, v45  }
0x663: {  	[tilespmem:v24+s0+$0x0] =	vst.idx.msk $0xffff, v28  }
0x664: {  	v28 =	vld.idx.msk [tilespmem:v46+s17+$0x0], $0xffff  }
0x665: {  	v29 =	vld.idx.msk [tilespmem:v29+s17+$0x0], $0xffff  }
0x666: {  	v31 =	vld.idx.msk [tilespmem:v45+s17+$0x0], $0xffff  }
0x667: {  	v25 =	vld.idx.msk [tilespmem:v47+s17+$0x0], $0xffff;
	_ =	sdelay $0x1  }
0x668: {  	v28 =	vmul.f32 $5.000000000e-01, v28  }
0x669: {  	v24 =	vshll.u32 v24, $0x2;
	v29 =	vmul.f32 $5.000000000e-01, v29  }
0x66a: {  	v49 =	vor.u32 $0x1, v24;
	v48 =	vsub.f32 v31, v28  }
0x66b: {  	v51 =	vor.u32 $0x2, v24;
	v50 =	vsub.f32 v25, v29  }
0x66c: {  	v52 =	vor.u32 $0x3, v24;
	v28 =	vadd.f32 v28, v31;
	v33 =	vmul.f32 v48, v20  }
0x66d: {  	v25 =	vadd.f32 v29, v25;
	v36 =	vmul.f32 v50, v21  }
0x66e: {  	v53 =	vmul.f32 v28, v20;
	[tilespmem:v24+s1+$0x0] =	vst.idx.msk $0xffff, v33  }
0x66f: {  	v25 =	vmul.f32 v25, v21;
	[tilespmem:v49+s1+$0x0] =	vst.idx.msk $0xffff, v36  }
0x670: {  	[tilespmem:v51+s1+$0x0] =	vst.idx.msk $0xffff, v53  }
0x671: {  	[tilespmem:v52+s1+$0x0] =	vst.idx.msk $0xffff, v25  }
0x672: {  	v24 =	vld [tilespmem:$0x12260]  }
0x673: {  	vm10 =	veq.f32 v12, v18;
	vm11 =	vlt.u32 v41, v19  }
0x674: {  	vm12 =	vgt.f32 v12, v18;
	vm0 =	vmand vm11, vm10  }
0x675: {  	vm0 =	vmor vm12, vm0  }
0x676: {  	v54 =	vsel vm0, $0x1, v0  }
0x677: {  	v18 =	vadd.s32 v54, v32;
	v55 =	vld [tilespmem:$0x120E0];
	v56 =	vshrl.u32 v24, $0x5  }
0x678: {  	v57 =	vand.u32 $0x7FFFFFC, v56  }
0x679: {  	v58 =	vor.u32 $0x2, v57  }
0x67a: {  	v25 =	vor.u32 $0x3, v56;
	_ =	sdelay $0x1  }
0x67b: {  	v24 =	vand.u32 $0x7F, v24;
	[tilespmem:v18+s31+$0x0] =	vst.idx.msk $0xffff, v55;
	v59 =	vor.u32 $0x1, v57  }
0x67c: {  	[tilespmem:v18+s0+$0x0] =	vst.idx.msk $0xffff, v24  }
0x67d: {  	v24 =	vld.idx.msk [tilespmem:v58+s17+$0x0], $0xffff  }
0x67e: {  	v25 =	vld.idx.msk [tilespmem:v25+s17+$0x0], $0xffff  }
0x67f: {  	v28 =	vld.idx.msk [tilespmem:v57+s17+$0x0], $0xffff  }
0x680: {  	v19 =	vld.idx.msk [tilespmem:v59+s17+$0x0], $0xffff;
	_ =	sdelay $0x1  }
0x681: {  	v24 =	vmul.f32 $5.000000000e-01, v24  }
0x682: {  	v18 =	vshll.u32 v18, $0x2;
	v25 =	vmul.f32 $5.000000000e-01, v25  }
0x683: {  	v61 =	vor.u32 $0x1, v18;
	v60 =	vsub.f32 v28, v24  }
0x684: {  	v63 =	vor.u32 $0x2, v18;
	v62 =	vsub.f32 v19, v25  }
0x685: {  	v36 =	vor.u32 $0x3, v18;
	v24 =	vadd.f32 v24, v28;
	v29 =	vmul.f32 v60, v20  }
0x686: {  	v19 =	vadd.f32 v25, v19;
	v32 =	vmul.f32 v62, v21  }
0x687: {  	v37 =	vmul.f32 v24, v20;
	[tilespmem:v18+s1+$0x0] =	vst.idx.msk $0xffff, v29  }
0x688: {  	v19 =	vmul.f32 v19, v21;
	[tilespmem:v61+s1+$0x0] =	vst.idx.msk $0xffff, v32  }
0x689: {  	[tilespmem:v63+s1+$0x0] =	vst.idx.msk $0xffff, v37  }
0x68a: {  	[tilespmem:v36+s1+$0x0] =	vst.idx.msk $0xffff, v19  }
0x68b: {  	v18 =	vld [tilespmem:$0x12270]  }
0x68c: {  	vm13 =	veq.f32 v12, v16;
	vm14 =	vlt.u32 v41, v15  }
0x68d: {  	vm15 =	vgt.f32 v12, v16;
	vm0 =	vmand vm14, vm13  }
0x68e: {  	vm0 =	vmor vm15, vm0  }
0x68f: {  	v38 =	vadd.s32 v34, v27;
	v39 =	vsel vm0, $0x1, v0  }
0x690: {  	v15 =	vadd.s32 v39, v38;
	v40 =	vld [tilespmem:$0x120F0];
	v42 =	vshrl.u32 v18, $0x5  }
0x691: {  	v43 =	vand.u32 $0x7FFFFFC, v42  }
0x692: {  	v44 =	vor.u32 $0x2, v43  }
0x693: {  	v19 =	vor.u32 $0x3, v42;
	_ =	sdelay $0x1  }
0x694: {  	v18 =	vand.u32 $0x7F, v18;
	[tilespmem:v15+s31+$0x0] =	vst.idx.msk $0xffff, v40;
	v45 =	vor.u32 $0x1, v43  }
0x695: {  	[tilespmem:v15+s0+$0x0] =	vst.idx.msk $0xffff, v18  }
0x696: {  	v18 =	vld.idx.msk [tilespmem:v44+s17+$0x0], $0xffff  }
0x697: {  	v19 =	vld.idx.msk [tilespmem:v19+s17+$0x0], $0xffff  }
0x698: {  	v24 =	vld.idx.msk [tilespmem:v43+s17+$0x0], $0xffff  }
0x699: {  	v16 =	vld.idx.msk [tilespmem:v45+s17+$0x0], $0xffff;
	_ =	sdelay $0x1  }
0x69a: {  	v18 =	vmul.f32 $5.000000000e-01, v18  }
0x69b: {  	v15 =	vshll.u32 v15, $0x2;
	v19 =	vmul.f32 $5.000000000e-01, v19  }
0x69c: {  	v47 =	vor.u32 $0x1, v15;
	v46 =	vsub.f32 v24, v18  }
0x69d: {  	v49 =	vor.u32 $0x2, v15;
	v48 =	vsub.f32 v16, v19  }
0x69e: {  	v50 =	vor.u32 $0x3, v15;
	v18 =	vadd.f32 v18, v24;
	v25 =	vmul.f32 v46, v20  }
0x69f: {  	v16 =	vadd.f32 v19, v16;
	v28 =	vmul.f32 v48, v21  }
0x6a0: {  	v51 =	vmul.f32 v18, v20;
	[tilespmem:v15+s1+$0x0] =	vst.idx.msk $0xffff, v25  }
0x6a1: {  	v16 =	vmul.f32 v16, v21;
	[tilespmem:v47+s1+$0x0] =	vst.idx.msk $0xffff, v28  }
0x6a2: {  	[tilespmem:v49+s1+$0x0] =	vst.idx.msk $0xffff, v51  }
0x6a3: {  	[tilespmem:v50+s1+$0x0] =	vst.idx.msk $0xffff, v16  }
0x6a4: {  	v15 =	vld [tilespmem:$0x12280]  }
0x6a5: {  	vm4 =	veq.f32 v12, v13;
	vm5 =	vlt.u32 v41, v11  }
0x6a6: {  	vm6 =	vgt.f32 v12, v13;
	vm0 =	vmand vm5, vm4  }
0x6a7: {  	vm0 =	vmor vm6, vm0  }
0x6a8: {  	v53 =	vsel vm0, $0x1, v0;
	v52 =	vadd.s32 v30, v23  }
0x6a9: {  	v11 =	vadd.s32 v53, v52;
	v54 =	vld [tilespmem:$0x12100];
	v55 =	vshrl.u32 v15, $0x5  }
0x6aa: {  	v56 =	vand.u32 $0x7FFFFFC, v55  }
0x6ab: {  	v57 =	vor.u32 $0x2, v56  }
0x6ac: {  	v16 =	vor.u32 $0x3, v55;
	_ =	sdelay $0x1  }
0x6ad: {  	v15 =	vand.u32 $0x7F, v15;
	[tilespmem:v11+s31+$0x0] =	vst.idx.msk $0xffff, v54;
	v58 =	vor.u32 $0x1, v56  }
0x6ae: {  	[tilespmem:v11+s0+$0x0] =	vst.idx.msk $0xffff, v15  }
0x6af: {  	v15 =	vld.idx.msk [tilespmem:v57+s17+$0x0], $0xffff  }
0x6b0: {  	v16 =	vld.idx.msk [tilespmem:v16+s17+$0x0], $0xffff  }
0x6b1: {  	v18 =	vld.idx.msk [tilespmem:v56+s17+$0x0], $0xffff  }
0x6b2: {  	v13 =	vld.idx.msk [tilespmem:v58+s17+$0x0], $0xffff;
	_ =	sdelay $0x1  }
0x6b3: {  	v15 =	vmul.f32 $5.000000000e-01, v15  }
0x6b4: {  	v11 =	vshll.u32 v11, $0x2;
	v16 =	vmul.f32 $5.000000000e-01, v16  }
0x6b5: {  	v60 =	vor.u32 $0x1, v11;
	v59 =	vsub.f32 v18, v15  }
0x6b6: {  	v62 =	vor.u32 $0x2, v11;
	v61 =	vsub.f32 v13, v16  }
0x6b7: {  	v63 =	vor.u32 $0x3, v11;
	v15 =	vadd.f32 v15, v18;
	v19 =	vmul.f32 v59, v20  }
0x6b8: {  	v13 =	vadd.f32 v16, v13;
	v24 =	vmul.f32 v61, v21  }
0x6b9: {  	v28 =	vmul.f32 v15, v20;
	[tilespmem:v11+s1+$0x0] =	vst.idx.msk $0xffff, v19  }
0x6ba: {  	v13 =	vmul.f32 v13, v21;
	[tilespmem:v60+s1+$0x0] =	vst.idx.msk $0xffff, v24  }
0x6bb: {  	[tilespmem:v62+s1+$0x0] =	vst.idx.msk $0xffff, v28  }
0x6bc: {  	[tilespmem:v63+s1+$0x0] =	vst.idx.msk $0xffff, v13  }
0x6bd: {  	v11 =	vld [tilespmem:$0x12290]  }
0x6be: {  	vm7 =	veq.f32 v12, v9;
	vm8 =	vlt.u32 v41, v10  }
0x6bf: {  	vm9 =	vgt.f32 v12, v9;
	vm0 =	vmand vm8, vm7  }
0x6c0: {  	vm0 =	vmor vm9, vm0  }
0x6c1: {  	v30 =	vsel vm0, $0x1, v0;
	v29 =	vadd.s32 v26, v17  }
0x6c2: {  	v9 =	vadd.s32 v30, v29;
	v31 =	vld [tilespmem:$0x12110];
	v32 =	vshrl.u32 v11, $0x5  }
0x6c3: {  	v33 =	vand.u32 $0x7FFFFFC, v32  }
0x6c4: {  	v34 =	vor.u32 $0x2, v33  }
0x6c5: {  	v13 =	vor.u32 $0x3, v32;
	_ =	sdelay $0x1  }
0x6c6: {  	v11 =	vand.u32 $0x7F, v11;
	[tilespmem:v9+s31+$0x0] =	vst.idx.msk $0xffff, v31;
	v35 =	vor.u32 $0x1, v33  }
0x6c7: {  	[tilespmem:v9+s0+$0x0] =	vst.idx.msk $0xffff, v11  }
0x6c8: {  	v11 =	vld.idx.msk [tilespmem:v34+s17+$0x0], $0xffff  }
0x6c9: {  	v13 =	vld.idx.msk [tilespmem:v13+s17+$0x0], $0xffff  }
0x6ca: {  	v15 =	vld.idx.msk [tilespmem:v33+s17+$0x0], $0xffff  }
0x6cb: {  	v10 =	vld.idx.msk [tilespmem:v35+s17+$0x0], $0xffff;
	_ =	sdelay $0x1  }
0x6cc: {  	v11 =	vmul.f32 $5.000000000e-01, v11  }
0x6cd: {  	v9 =	vshll.u32 v9, $0x2;
	v13 =	vmul.f32 $5.000000000e-01, v13  }
0x6ce: {  	v37 =	vor.u32 $0x1, v9;
	v36 =	vsub.f32 v15, v11  }
0x6cf: {  	v39 =	vor.u32 $0x2, v9;
	v38 =	vsub.f32 v10, v13  }
0x6d0: {  	v40 =	vor.u32 $0x3, v9;
	v11 =	vadd.f32 v11, v15;
	v16 =	vmul.f32 v36, v20  }
0x6d1: {  	v10 =	vadd.f32 v13, v10;
	v18 =	vmul.f32 v38, v21  }
0x6d2: {  	v42 =	vmul.f32 v11, v20;
	[tilespmem:v9+s1+$0x0] =	vst.idx.msk $0xffff, v16  }
0x6d3: {  	v10 =	vmul.f32 v10, v21;
	[tilespmem:v37+s1+$0x0] =	vst.idx.msk $0xffff, v18  }
0x6d4: {  	[tilespmem:v39+s1+$0x0] =	vst.idx.msk $0xffff, v42  }
0x6d5: {  	[tilespmem:v40+s1+$0x0] =	vst.idx.msk $0xffff, v10  }
0x6d6: {  	v9 =	vld [tilespmem:$0x122A0]  }
0x6d7: {  	vm10 =	veq.f32 v12, v6;
	vm11 =	vlt.u32 v41, v7  }
0x6d8: {  	vm12 =	vgt.f32 v12, v6;
	vm0 =	vmand vm11, vm10  }
0x6d9: {  	vm0 =	vmor vm12, vm0  }
0x6da: {  	v43 =	vadd.s32 v22, v14;
	v44 =	vsel vm0, $0x1, v0  }
0x6db: {  	v6 =	vadd.s32 v44, v43;
	v45 =	vld [tilespmem:$0x12120];
	v46 =	vshrl.u32 v9, $0x5  }
0x6dc: {  	v47 =	vand.u32 $0x7FFFFFC, v46  }
0x6dd: {  	v48 =	vor.u32 $0x2, v47  }
0x6de: {  	v10 =	vor.u32 $0x3, v46;
	_ =	sdelay $0x1  }
0x6df: {  	v9 =	vand.u32 $0x7F, v9;
	[tilespmem:v6+s31+$0x0] =	vst.idx.msk $0xffff, v45;
	v49 =	vor.u32 $0x1, v47  }
0x6e0: {  	[tilespmem:v6+s0+$0x0] =	vst.idx.msk $0xffff, v9  }
0x6e1: {  	v9 =	vld.idx.msk [tilespmem:v48+s17+$0x0], $0xffff  }
0x6e2: {  	v10 =	vld.idx.msk [tilespmem:v10+s17+$0x0], $0xffff  }
0x6e3: {  	v11 =	vld.idx.msk [tilespmem:v47+s17+$0x0], $0xffff  }
0x6e4: {  	v7 =	vld.idx.msk [tilespmem:v49+s17+$0x0], $0xffff;
	_ =	sdelay $0x1  }
0x6e5: {  	v9 =	vmul.f32 $5.000000000e-01, v9  }
0x6e6: {  	v6 =	vshll.u32 v6, $0x2;
	v10 =	vmul.f32 $5.000000000e-01, v10  }
0x6e7: {  	v51 =	vor.u32 $0x1, v6;
	v50 =	vsub.f32 v11, v9  }
0x6e8: {  	v53 =	vor.u32 $0x2, v6;
	v52 =	vsub.f32 v7, v10  }
0x6e9: {  	v54 =	vor.u32 $0x3, v6;
	v9 =	vadd.f32 v9, v11;
	v13 =	vmul.f32 v50, v20  }
0x6ea: {  	v7 =	vadd.f32 v10, v7;
	v15 =	vmul.f32 v52, v21  }
0x6eb: {  	v55 =	vmul.f32 v9, v20;
	[tilespmem:v6+s1+$0x0] =	vst.idx.msk $0xffff, v13  }
0x6ec: {  	v7 =	vmul.f32 v7, v21;
	[tilespmem:v51+s1+$0x0] =	vst.idx.msk $0xffff, v15  }
0x6ed: {  	[tilespmem:v53+s1+$0x0] =	vst.idx.msk $0xffff, v55  }
0x6ee: {  	[tilespmem:v54+s1+$0x0] =	vst.idx.msk $0xffff, v7  }
0x6ef: {  	v6 =	vld [tilespmem:$0x122B0]  }
0x6f0: {  	vm13 =	veq.f32 v12, v4;
	vm14 =	vlt.u32 v41, v5  }
0x6f1: {  	vm15 =	vgt.f32 v12, v4;
	vm0 =	vmand vm14, vm13  }
0x6f2: {  	vm0 =	vmor vm15, vm0  }
0x6f3: {  	v4 =	vsel vm0, $0x1, v0  }
0x6f4: {  	v4 =	vadd.s32 v4, v8;
	v5 =	vld [tilespmem:$0x12130];
	v56 =	vshrl.u32 v6, $0x5  }
0x6f5: {  	v57 =	vand.u32 $0x7FFFFFC, v56  }
0x6f6: {  	v58 =	vor.u32 $0x2, v57  }
0x6f7: {  	v7 =	vor.u32 $0x3, v56;
	_ =	sdelay $0x1  }
0x6f8: {  	v6 =	vand.u32 $0x7F, v6;
	[tilespmem:v4+s31+$0x0] =	vst.idx.msk $0xffff, v5;
	v5 =	vor.u32 $0x1, v57  }
0x6f9: {  	[tilespmem:v4+s0+$0x0] =	vst.idx.msk $0xffff, v6  }
0x6fa: {  	v6 =	vld.idx.msk [tilespmem:v58+s17+$0x0], $0xffff  }
0x6fb: {  	v7 =	vld.idx.msk [tilespmem:v7+s17+$0x0], $0xffff  }
0x6fc: {  	v8 =	vld.idx.msk [tilespmem:v57+s17+$0x0], $0xffff  }
0x6fd: {  	v5 =	vld.idx.msk [tilespmem:v5+s17+$0x0], $0xffff;
	_ =	sdelay $0x1  }
0x6fe: {  	v6 =	vmul.f32 $5.000000000e-01, v6  }
0x6ff: {  	v4 =	vshll.u32 v4, $0x2;
	v7 =	vmul.f32 $5.000000000e-01, v7  }
0x700: {  	v60 =	vor.u32 $0x1, v4;
	v59 =	vsub.f32 v8, v6  }
0x701: {  	v62 =	vor.u32 $0x2, v4;
	v61 =	vsub.f32 v5, v7  }
0x702: {  	v63 =	vor.u32 $0x3, v4;
	v6 =	vadd.f32 v6, v8;
	v9 =	vmul.f32 v59, v20  }
0x703: {  	v5 =	vadd.f32 v7, v5;
	v11 =	vmul.f32 v61, v21  }
0x704: {  	[tilespmem:v4+s1+$0x0] =	vst.idx.msk $0xffff, v9;
	v4 =	vmul.f32 v6, v20  }
0x705: {  	v5 =	vmul.f32 v5, v21;
	[tilespmem:v60+s1+$0x0] =	vst.idx.msk $0xffff, v11  }
0x706: {  	[tilespmem:v62+s1+$0x0] =	vst.idx.msk $0xffff, v4  }
0x707: {  	s13 =	rddreg [dreg:$0xa];
	[tilespmem:v63+s1+$0x0] =	vst.idx.msk $0xffff, v5  }
0x708: {  	[hbm4b:s13+s2] =	stream.linear.scatter [tilespmem:s31], [sflag:$0x4], $0x180, $0x38;
	[tilespmem:$0x13A80] =	vst v63  }
0x709: {  	_ =	swait.ge [sflag:s19], $0x180  }
0x70a: {  	[sflag:s19] =	ssyncset.done $0x0  }
0x70b: {  	s14 =	rddreg [dreg:$0xb];
	[sflag:s19] =	ssyncadd.s32 $0xFFFFFE80  }
0x70c: {  	[hbm4b:s14+s2] =	stream.linear.scatter [tilespmem:s0], [sflag:$0x4], $0x180, $0x38;
	[tilespmem:$0x13A80] =	vst v63  }
0x70d: {  	_ =	swait.ge [sflag:s19], $0x180  }
0x70e: {  	[sflag:s19] =	ssyncset.done $0x0  }
0x70f: {  	s16 =	rddreg [dreg:$0xc];
	[sflag:s19] =	ssyncadd.s32 $0xFFFFFE80  }
0x710: {  	[hbm4b:s16+s2] =	stream.linear.scatter [tilespmem:s1], [sflag:$0x4], $0x500, $0x38;
	[tilespmem:$0x13A80] =	vst v63  }
0x711: {  	_ =	swait.ge [sflag:s19], $0x500  }
0x712: {  	s18 =	sadd.s32 $0x1, s18;
	s30 =	rddreg [dreg:$0xd]  }
0x713: {  	p0 =	sne.s32 s18, s30  }
.Ltmp44:
0x714: {  	_ = 	snop;
	(pc) =	sbr.rel @p0 .LBB2_1-.Ltmp44, $4  }
.Ltmp45:
0x715: {  	_ = 	snop;
	(pc) =	sbr.rel @!p0 .LBB2_83-.Ltmp45, $4  }
0x716: {  	_ = 	snop  }
0x717: {  	[sflag:s19] =	ssyncset.done $0x0  }
0x718: {  	[sflag:s19] =	ssyncadd.s32 $0xFFFFFB00  }
0x719: {  	_ = 	snop  }
.LBB2_41:
.Ltmp46:
0x71a: {  	(pc) =	sbr.rel .LBB2_45-.Ltmp46, $2  }
0x71b: {  	_ =	sdelay $0x2  }
0x71c: {  	s15 =	simm.s32 $0x0  }
.LBB2_52:
.Ltmp47:
0x71d: {  	(pc) =	sbr.rel .LBB2_56-.Ltmp47, $2  }
0x71e: {  	_ =	sdelay $0x2  }
0x71f: {  	s16 =	simm.s32 $0x0  }
.LBB2_63:
.Ltmp48:
0x720: {  	(pc) =	sbr.rel .LBB2_67-.Ltmp48, $2  }
0x721: {  	_ =	sdelay $0x2  }
0x722: {  	s16 =	simm.s32 $0x0  }
.LBB2_72:
.Ltmp49:
0x723: {  	(pc) =	sbr.rel .LBB2_77-.Ltmp49, $2  }
0x724: {  	_ =	sdelay $0x2  }
0x725: {  	s14 =	simm.s32 $0x0;
	v8 =	vimm.s32 $0x0;
	s13 =	simm.s32 $0x11800  }
.LBB2_43:
.Ltmp50:
0x726: {  	(pc) =	sbr.rel .LBB2_45-.Ltmp50, $2  }
0x727: {  	_ =	sdelay $0x2  }
0x728: {  	s15 =	simm.s32 $0x0  }
.LBB2_54:
.Ltmp51:
0x729: {  	(pc) =	sbr.rel .LBB2_56-.Ltmp51, $2  }
0x72a: {  	_ =	sdelay $0x2  }
0x72b: {  	s16 =	simm.s32 $0x0  }
.LBB2_65:
.Ltmp52:
0x72c: {  	(pc) =	sbr.rel .LBB2_67-.Ltmp52, $2  }
0x72d: {  	_ =	sdelay $0x2  }
0x72e: {  	s16 =	simm.s32 $0x0  }
.LBB2_74:
.Ltmp53:
0x72f: {  	(pc) =	sbr.rel .LBB2_77-.Ltmp53, $2  }
0x730: {  	_ =	sdelay $0x2  }
0x731: {  	s14 =	simm.s32 $0x0;
	v10 =	vmov v9;
	s13 =	simm.s32 $0x11800  }
.LBB2_83:
0x732: {  	_ =	sfence.sel $0x180000  }
0x733: {  	[bflag:$0x0] =	sbarrier.arrive $0xFFFF  }
0x734: {  	_ =	strace $0x90000047  }
0x735: {  	s0 =	stileid.u32;
	[bflag:$0x2] =	sbarrier.arrive $0xFFFF  }
0x736: {  	p0 =	sne.s32 s0, $0x0;
	s0 =	rddreg [dreg:$0x4]  }
0x737: {  	s0 =	sadd.s32 @!p0 $0x100000, s0  }
0x738: {  	[sflag:s0] =	ssyncadd.tile.s32 @!p0 $0x1;
	_ =	shalt  }
.Lfunc_end2:
_tile_overlayer_lowered:
.L_overlay_start_2:
0x739: {  	(tag) =	ssettag $0x2  }
0x73a: {  	s0 =	rddreg [dreg:$0x0];
	s2 =	stileid.u32  }
0x73b: {  	s1 =	rddreg [dreg:$0x1];
	p0 =	sne.s32 s2, $0x0  }
0x73c: {  	s3 =	rddreg [dreg:$0x2];
	[bflag:$0x3] =	sbarrier.arrive $0xFFFF;
	s2 =	simm.s32 @!p0 $0x1C04  }
0x73d: {  	[timem:s3], [sflag:s2] =	dma.local @!p0 [hbm:s0], s1  }
0x73e: {  	s0 =	simm.s32 @!p0 $0x4  }
0x73f: {  	_ =	swait.ge @!p0 [sflag:s0], s1  }
0x740: {  	s1 =	ssub.s32 @!p0 $0x0, s1;
	[sflag:s0] =	ssyncset.done @!p0 $0x0  }
0x741: {  	[sflag:s0] =	ssyncadd.s32 @!p0 s1  }
0x742: {  	[bflag:$0x3] =	sbarrier.arrive $0xFFFF  }
0x743: {  	_ =	shalt  }

</sc_bundles>
